<compile_context>
chip_gen: v7x
topology: tpu7x:2x2x1
jax: 0.10.2.dev20260603
libtpu: 0.0.44.dev20260713+nightly
codegen_flags: <defaults>
</compile_context>

<pallas_src>
import functools

import jax
import jax.numpy as jnp
from jax import lax
from jax.experimental import pallas as pl
from jax.experimental.pallas import tpu as pltpu
from jax.experimental.pallas import tpu_sc as plsc

NC = 2
NS = 16
NW = NC * NS
K = 80
G = 16
NB = 4


def _sc_segment_sum(x, src3, dst3):
    npad, d = x.shape
    ch = src3.shape[1]
    rps = npad // NS
    assert rps % K == 0 and ch % G == 0

    def body(x_hbm, src_hbm, dst_hbm, sum_out, srcg, dstg, r0, r1, r2, r3,
             acc, sm0, sm1, sm2, sm3, ss0, ss1, ss2, ss3):
        c = lax.axis_index("c")
        s = lax.axis_index("s")
        wid = s * NC + c
        rows = [r0, r1, r2, r3]
        sems = [sm0, sm1, sm2, sm3]
        ssems = [ss0, ss1, ss2, ss3]

        def fz(i, carry):
            for j in range(d // 16):
                r0[i, pl.ds(j * 16, 16)] = jnp.zeros((16,), jnp.float32)
            return carry
        lax.fori_loop(0, K, fz, 0)
        for b in range(rps // K):
            pltpu.sync_copy(r0, acc.at[pl.ds(s * rps + b * K, K)])
        plsc.subcore_barrier()

        def group(g, carry):
            pltpu.sync_copy(src_hbm.at[wid, pl.ds(g * G, G)], srcg)
            pltpu.sync_copy(dst_hbm.at[wid, pl.ds(g * G, G)], dstg)
            gcps = [pltpu.async_copy(x_hbm.at[srcg.at[j]], rows[j], sems[j])
                    for j in range(NB)]
            for j in range(G):
                b = j % NB
                gcps[b].wait()
                pltpu.sync_copy(rows[b], acc.at[dstg.at[j]], add=True)
                if j + NB < G:
                    gcps[b] = pltpu.async_copy(
                        x_hbm.at[srcg.at[j + NB]], rows[b], sems[b])
            return carry
        lax.fori_loop(0, ch // G, group, 0)
        plsc.subcore_barrier()

        pltpu.sync_copy(acc.at[pl.ds(s * rps, rps)],
                        sum_out.at[c, pl.ds(s * rps, rps)])

    mesh = plsc.VectorSubcoreMesh(core_axis_name="c", subcore_axis_name="s")
    fn = pl.kernel(
        body,
        out_type=jax.ShapeDtypeStruct((NC, npad, d), jnp.float32),
        mesh=mesh,
        scratch_types=(
            pltpu.VMEM((G, K), jnp.int32),
            pltpu.VMEM((G, K), jnp.int32),
            pltpu.VMEM((K, d), jnp.float32),
            pltpu.VMEM((K, d), jnp.float32),
            pltpu.VMEM((K, d), jnp.float32),
            pltpu.VMEM((K, d), jnp.float32),
            pltpu.VMEM_SHARED((npad, d), jnp.float32),
            pltpu.SemaphoreType.DMA,
            pltpu.SemaphoreType.DMA,
            pltpu.SemaphoreType.DMA,
            pltpu.SemaphoreType.DMA,
            pltpu.SemaphoreType.DMA,
            pltpu.SemaphoreType.DMA,
            pltpu.SemaphoreType.DMA,
            pltpu.SemaphoreType.DMA,
        ),
    )
    return fn(x, src3, dst3)


def _sc_segment_cnt(dst3, npad):
    ch = dst3.shape[1]
    d = 128
    rps = npad // NS
    assert rps % K == 0

    def body(dst_hbm, cnt_out, dsta, ones_v, cacc, sem):
        c = lax.axis_index("c")
        s = lax.axis_index("s")
        wid = s * NC + c

        def fz(i, carry):
            for j in range(d // 16):
                ones_v[i, pl.ds(j * 16, 16)] = jnp.zeros((16,), jnp.float32)
            return carry
        lax.fori_loop(0, K, fz, 0)
        for b in range(rps // K):
            pltpu.sync_copy(ones_v, cacc.at[pl.ds(s * rps + b * K, K)])

        def fo(i, carry):
            for j in range(d // 16):
                ones_v[i, pl.ds(j * 16, 16)] = jnp.ones((16,), jnp.float32)
            return carry
        lax.fori_loop(0, K, fo, 0)
        plsc.subcore_barrier()

        pltpu.sync_copy(dst_hbm.at[wid], dsta)

        def grp(g, carry):
            cps = [pltpu.async_copy(ones_v, cacc.at[dsta.at[g * 8 + j]], sem,
                                    add=True) for j in range(8)]
            for cp in cps:
                cp.wait()
            return carry
        lax.fori_loop(0, ch // 8, grp, 0)
        plsc.subcore_barrier()

        pltpu.sync_copy(cacc.at[pl.ds(s * rps, rps)],
                        cnt_out.at[c, pl.ds(s * rps, rps)])

    mesh = plsc.VectorSubcoreMesh(core_axis_name="c", subcore_axis_name="s")
    fn = pl.kernel(
        body,
        out_type=jax.ShapeDtypeStruct((NC, npad, d), jnp.float32),
        mesh=mesh,
        scratch_types=(
            pltpu.VMEM((ch, K), jnp.int32),
            pltpu.VMEM((K, d), jnp.float32),
            pltpu.VMEM_SHARED((npad, d), jnp.float32),
            pltpu.SemaphoreType.DMA,
        ),
    )
    return fn(dst3)


def _tc_dense_body(sp_ref, cp_ref, x_ref, wl_ref, wr_ref, b_ref, o_ref, *,
                   relu):
    ssum = sp_ref[0] + sp_ref[1]
    cnt = cp_ref[0, :, 0:1] + cp_ref[1, :, 0:1]
    agg = ssum / jnp.maximum(cnt, 1.0)
    wl = jnp.sign(wl_ref[...])
    wr = jnp.sign(wr_ref[...])
    dn = (((1,), (1,)), ((), ()))
    out = (lax.dot_general(agg, wl, dn, preferred_element_type=jnp.float32,
                           precision=lax.Precision.HIGHEST)
           + lax.dot_general(x_ref[...], wr, dn,
                             preferred_element_type=jnp.float32,
                             precision=lax.Precision.HIGHEST)
           + b_ref[...])
    o_ref[...] = jnp.maximum(out, 0.0) if relu else out


def _tc_dense(sums, cnts, x, w_l, w_r, b_l, relu):
    n, d = x.shape
    o = w_l.shape[0]
    bn = 2048
    grid = (n // bn,)
    return pl.pallas_call(
        functools.partial(_tc_dense_body, relu=relu),
        grid=grid,
        in_specs=[
            pl.BlockSpec((NC, bn, d), lambda i: (0, i, 0)),
            pl.BlockSpec((NC, bn, d), lambda i: (0, i, 0)),
            pl.BlockSpec((bn, d), lambda i: (i, 0)),
            pl.BlockSpec((o, d), lambda i: (0, 0)),
            pl.BlockSpec((o, d), lambda i: (0, 0)),
            pl.BlockSpec((1, o), lambda i: (0, 0)),
        ],
        out_specs=pl.BlockSpec((bn, o), lambda i: (i, 0)),
        out_shape=jax.ShapeDtypeStruct((n, o), jnp.float32),
    )(sums, cnts, x, w_l, w_r, b_l)


def kernel(x, edge_index, W1_l, b1_l, W1_r, W2_l, b2_l, W2_r):
    n = x.shape[0]
    e = edge_index.shape[1]
    npad = ((n + 2047) // 2048) * 2048
    epw = e // NW
    epw_pad = ((epw + K * G - 1) // (K * G)) * (K * G)
    ch = epw_pad // K

    src = edge_index[0].reshape(NW, epw)
    dst = edge_index[1].reshape(NW, epw)
    pad = ((0, 0), (0, epw_pad - epw))
    src3 = jnp.pad(src, pad).reshape(NW, ch, K)
    dst3 = jnp.pad(dst, pad, constant_values=npad - 1).reshape(NW, ch, K)
    xp = jnp.pad(x, ((0, npad - n), (0, 0)))
    b1 = b1_l.reshape(1, -1)
    b2 = b2_l.reshape(1, -1)

    cnt = _sc_segment_cnt(dst3, npad)
    cnt, xp, src3, dst3 = lax.optimization_barrier((cnt, xp, src3, dst3))
    sum1 = _sc_segment_sum(xp, src3, dst3)
    h = _tc_dense(sum1, cnt, xp, W1_l, W1_r, b1, relu=True)
    sum2 = _sc_segment_sum(h, src3, dst3)
    out = _tc_dense(sum2, cnt, h, W2_l, W2_r, b2, relu=False)
    return out[:n]

# --- scband reference (transcript-rebuilt; emitter-appended) ---
"""Pipeline reference for scband-bin-sage-45921790329541 (READ-ONLY COPY).

The authoritative reference and input builder live on the scoring server;
editing this copy changes nothing except your own understanding.
"""

import jax, jax.numpy as jnp
import numpy as np

N = 10000
E = 320000
IN_DIM = 128
HID = 128
OUT_DIM = 128


def _binarize(w):
    # BinarySign: forward sign, backward straight-through identity
    return w + jax.lax.stop_gradient(jnp.sign(w) - w)


def _sage_conv(x, src, dst, W_l, b_l, W_r, n_nodes):
    # PyG SAGEConv (mean aggregation): out = lin_l(mean_{j in N(i)} x_j) + lin_r(x_i)
    msg = jnp.take(x, src, axis=0)
    agg = jax.ops.segment_sum(msg, dst, num_segments=n_nodes)
    cnt = jax.ops.segment_sum(jnp.ones((src.shape[0],), dtype=x.dtype), dst, num_segments=n_nodes)
    agg = agg / jnp.maximum(cnt, 1.0)[:, None]
    return agg @ W_l.T + b_l + x @ W_r.T


def setup_inputs(seed: int = 0) -> dict:
    key = jax.random.key(seed)
    ks = jax.random.split(key, 8)
    x = jax.random.normal(ks[0], (N, IN_DIM), dtype=jnp.float32)
    edge_index = jax.random.randint(ks[1], (2, E), 0, N, dtype=jnp.int32)
    s1 = 1.0 / np.sqrt(IN_DIM)
    s2 = 1.0 / np.sqrt(HID)
    W1_l = jax.random.uniform(ks[2], (HID, IN_DIM), dtype=jnp.float32, minval=-s1, maxval=s1)
    b1_l = jax.random.uniform(ks[3], (HID,), dtype=jnp.float32, minval=-s1, maxval=s1)
    W1_r = jax.random.uniform(ks[4], (HID, IN_DIM), dtype=jnp.float32, minval=-s1, maxval=s1)
    W2_l = jax.random.uniform(ks[5], (OUT_DIM, HID), dtype=jnp.float32, minval=-s2, maxval=s2)
    b2_l = jax.random.uniform(ks[6], (OUT_DIM,), dtype=jnp.float32, minval=-s2, maxval=s2)
    W2_r = jax.random.uniform(ks[7], (OUT_DIM, HID), dtype=jnp.float32, minval=-s2, maxval=s2)
    return {"x": x, "edge_index": edge_index, "W1_l": W1_l, "b1_l": b1_l, "W1_r": W1_r, "W2_l": W2_l, "b2_l": b2_l, "W2_r": W2_r}


def reference(x, edge_index, W1_l, b1_l, W1_r, W2_l, b2_l, W2_r):
    src, dst = edge_index[0], edge_index[1]
    bw1_l = _binarize(W1_l)
    bw1_r = _binarize(W1_r)
    bw2_l = _binarize(W2_l)
    bw2_r = _binarize(W2_r)
    h = jax.nn.relu(_sage_conv(x, src, dst, bw1_l, b1_l, bw1_r, N))
    out = _sage_conv(h, src, dst, bw2_l, b2_l, bw2_r, N)
    return jnp.squeeze(out, axis=-1) if out.shape[-1] == 1 else out

if __name__ == "__main__":
    import jax
    _d = setup_inputs()
    print(jax.jit(kernel)(*tuple(_d.values())))

</pallas_src>

<mosaic_0001>
#map = affine_map<(d0, d1) -> (0, 0)>
#map1 = affine_map<(d0, d1) -> (0, 0, 0)>
module attributes {stable_mosaic.version = 14 : i64} {
  func.func @body(%arg0: i32, %arg1: i32, %arg2: memref<10240x128xf32, #tpu.memory_space<hbm>>, %arg3: memref<32x128x80xi32, #tpu.memory_space<hbm>>, %arg4: memref<32x128x80xi32, #tpu.memory_space<hbm>>, %arg5: memref<2x10240x128xf32, #tpu.memory_space<hbm>>, %arg6: memref<16x80xi32, #tpu.memory_space<vmem>>, %arg7: memref<16x80xi32, #tpu.memory_space<vmem>>, %arg8: memref<80x128xf32, #tpu.memory_space<vmem>>, %arg9: memref<80x128xf32, #tpu.memory_space<vmem>>, %arg10: memref<80x128xf32, #tpu.memory_space<vmem>>, %arg11: memref<80x128xf32, #tpu.memory_space<vmem>>, %arg12: memref<10240x128xf32, #tpu.memory_space<vmem_shared>>, %arg13: memref<!tpu.dma_semaphore, #tpu.memory_space<semaphore_mem>>, %arg14: memref<!tpu.dma_semaphore, #tpu.memory_space<semaphore_mem>>, %arg15: memref<!tpu.dma_semaphore, #tpu.memory_space<semaphore_mem>>, %arg16: memref<!tpu.dma_semaphore, #tpu.memory_space<semaphore_mem>>, %arg17: memref<!tpu.dma_semaphore, #tpu.memory_space<semaphore_mem>>, %arg18: memref<!tpu.dma_semaphore, #tpu.memory_space<semaphore_mem>>, %arg19: memref<!tpu.dma_semaphore, #tpu.memory_space<semaphore_mem>>, %arg20: memref<!tpu.dma_semaphore, #tpu.memory_space<semaphore_mem>>) attributes {dimension_semantics = [#tpu.dimension_semantics<core_parallel>, #tpu.dimension_semantics<subcore_parallel>], iteration_bounds = array<i64: 2, 16>, scalar_prefetch = 0 : i64, scratch_operands = 15 : i64, tpu.core_type = #tpu.core_type<sc_vector_subcore>, window_params = [{transform_indices = #map}, {transform_indices = #map1}, {transform_indices = #map1}, {transform_indices = #map1}]} {
    %mul3A = arith.constant 2 : i32
    %mul3A_0 = arith.muli %arg1, %mul3A : i32
    %add3A = arith.addi %mul3A_0, %arg0 : i32
    %scan3A = arith.constant 0 : i32
    %scan3A_1 = arith.constant 0 : i32
    %scan3A_2 = arith.constant 80 : i32
    %scan3A_3 = arith.addi %scan3A_1, %scan3A_2 : i32
    %scan3A_4 = arith.constant 1 : i32
    scf.for %scan3A_49 = %scan3A_1 to %scan3A_3 step %scan3A_4  : i32 {
      %broadcast_in_dim3A = arith.constant 0.000000e+00 : f32
      %broadcast_in_dim3A_50 = vector.broadcast %broadcast_in_dim3A : f32 to vector<16xf32>
      %swap3A = arith.index_cast %scan3A_49 : i32 to index
      %swap3A_51 = arith.constant 0 : index
      %swap3A_52 = tpu.vector_load %arg8[%swap3A, %swap3A_51] {strides = array<i32>} : memref<80x128xf32, #tpu.memory_space<vmem>>, vector<1x16xf32>,
      %swap3A_53 = vector.shape_cast %swap3A_52 : vector<1x16xf32> to vector<16xf32>
      %swap3A_54 = vector.shape_cast %broadcast_in_dim3A_50 : vector<16xf32> to vector<1x16xf32>
      tpu.vector_store %arg8[%swap3A, %swap3A_51], %swap3A_54 {strides = array<i32>} : memref<80x128xf32, #tpu.memory_space<vmem>>, vector<1x16xf32>,
      %broadcast_in_dim3A_55 = arith.constant 0.000000e+00 : f32
      %broadcast_in_dim3A_56 = vector.broadcast %broadcast_in_dim3A_55 : f32 to vector<16xf32>
      %swap3A_57 = arith.index_cast %scan3A_49 : i32 to index
      %swap3A_58 = arith.constant 16 : index
      %swap3A_59 = tpu.vector_load %arg8[%swap3A_57, %swap3A_58] {strides = array<i32>} : memref<80x128xf32, #tpu.memory_space<vmem>>, vector<1x16xf32>,
      %swap3A_60 = vector.shape_cast %swap3A_59 : vector<1x16xf32> to vector<16xf32>
      %swap3A_61 = vector.shape_cast %broadcast_in_dim3A_56 : vector<16xf32> to vector<1x16xf32>
      tpu.vector_store %arg8[%swap3A_57, %swap3A_58], %swap3A_61 {strides = array<i32>} : memref<80x128xf32, #tpu.memory_space<vmem>>, vector<1x16xf32>,
      %broadcast_in_dim3A_62 = arith.constant 0.000000e+00 : f32
      %broadcast_in_dim3A_63 = vector.broadcast %broadcast_in_dim3A_62 : f32 to vector<16xf32>
      %swap3A_64 = arith.index_cast %scan3A_49 : i32 to index
      %swap3A_65 = arith.constant 32 : index
      %swap3A_66 = tpu.vector_load %arg8[%swap3A_64, %swap3A_65] {strides = array<i32>} : memref<80x128xf32, #tpu.memory_space<vmem>>, vector<1x16xf32>,
      %swap3A_67 = vector.shape_cast %swap3A_66 : vector<1x16xf32> to vector<16xf32>
      %swap3A_68 = vector.shape_cast %broadcast_in_dim3A_63 : vector<16xf32> to vector<1x16xf32>
      tpu.vector_store %arg8[%swap3A_64, %swap3A_65], %swap3A_68 {strides = array<i32>} : memref<80x128xf32, #tpu.memory_space<vmem>>, vector<1x16xf32>,
      %broadcast_in_dim3A_69 = arith.constant 0.000000e+00 : f32
      %broadcast_in_dim3A_70 = vector.broadcast %broadcast_in_dim3A_69 : f32 to vector<16xf32>
      %swap3A_71 = arith.index_cast %scan3A_49 : i32 to index
      %swap3A_72 = arith.constant 48 : index
      %swap3A_73 = tpu.vector_load %arg8[%swap3A_71, %swap3A_72] {strides = array<i32>} : memref<80x128xf32, #tpu.memory_space<vmem>>, vector<1x16xf32>,
      %swap3A_74 = vector.shape_cast %swap3A_73 : vector<1x16xf32> to vector<16xf32>
      %swap3A_75 = vector.shape_cast %broadcast_in_dim3A_70 : vector<16xf32> to vector<1x16xf32>
      tpu.vector_store %arg8[%swap3A_71, %swap3A_72], %swap3A_75 {strides = array<i32>} : memref<80x128xf32, #tpu.memory_space<vmem>>, vector<1x16xf32>,
      %broadcast_in_dim3A_76 = arith.constant 0.000000e+00 : f32
      %broadcast_in_dim3A_77 = vector.broadcast %broadcast_in_dim3A_76 : f32 to vector<16xf32>
      %swap3A_78 = arith.index_cast %scan3A_49 : i32 to index
      %swap3A_79 = arith.constant 64 : index
      %swap3A_80 = tpu.vector_load %arg8[%swap3A_78, %swap3A_79] {strides = array<i32>} : memref<80x128xf32, #tpu.memory_space<vmem>>, vector<1x16xf32>,
      %swap3A_81 = vector.shape_cast %swap3A_80 : vector<1x16xf32> to vector<16xf32>
      %swap3A_82 = vector.shape_cast %broadcast_in_dim3A_77 : vector<16xf32> to vector<1x16xf32>
      tpu.vector_store %arg8[%swap3A_78, %swap3A_79], %swap3A_82 {strides = array<i32>} : memref<80x128xf32, #tpu.memory_space<vmem>>, vector<1x16xf32>,
      %broadcast_in_dim3A_83 = arith.constant 0.000000e+00 : f32
      %broadcast_in_dim3A_84 = vector.broadcast %broadcast_in_dim3A_83 : f32 to vector<16xf32>
      %swap3A_85 = arith.index_cast %scan3A_49 : i32 to index
      %swap3A_86 = arith.constant 80 : index
      %swap3A_87 = tpu.vector_load %arg8[%swap3A_85, %swap3A_86] {strides = array<i32>} : memref<80x128xf32, #tpu.memory_space<vmem>>, vector<1x16xf32>,
      %swap3A_88 = vector.shape_cast %swap3A_87 : vector<1x16xf32> to vector<16xf32>
      %swap3A_89 = vector.shape_cast %broadcast_in_dim3A_84 : vector<16xf32> to vector<1x16xf32>
      tpu.vector_store %arg8[%swap3A_85, %swap3A_86], %swap3A_89 {strides = array<i32>} : memref<80x128xf32, #tpu.memory_space<vmem>>, vector<1x16xf32>,
      %broadcast_in_dim3A_90 = arith.constant 0.000000e+00 : f32
      %broadcast_in_dim3A_91 = vector.broadcast %broadcast_in_dim3A_90 : f32 to vector<16xf32>
      %swap3A_92 = arith.index_cast %scan3A_49 : i32 to index
      %swap3A_93 = arith.constant 96 : index
      %swap3A_94 = tpu.vector_load %arg8[%swap3A_92, %swap3A_93] {strides = array<i32>} : memref<80x128xf32, #tpu.memory_space<vmem>>, vector<1x16xf32>,
      %swap3A_95 = vector.shape_cast %swap3A_94 : vector<1x16xf32> to vector<16xf32>
      %swap3A_96 = vector.shape_cast %broadcast_in_dim3A_91 : vector<16xf32> to vector<1x16xf32>
      tpu.vector_store %arg8[%swap3A_92, %swap3A_93], %swap3A_96 {strides = array<i32>} : memref<80x128xf32, #tpu.memory_space<vmem>>, vector<1x16xf32>,
      %broadcast_in_dim3A_97 = arith.constant 0.000000e+00 : f32
      %broadcast_in_dim3A_98 = vector.broadcast %broadcast_in_dim3A_97 : f32 to vector<16xf32>
      %swap3A_99 = arith.index_cast %scan3A_49 : i32 to index
      %swap3A_100 = arith.constant 112 : index
      %swap3A_101 = tpu.vector_load %arg8[%swap3A_99, %swap3A_100] {strides = array<i32>} : memref<80x128xf32, #tpu.memory_space<vmem>>, vector<1x16xf32>,
      %swap3A_102 = vector.shape_cast %swap3A_101 : vector<1x16xf32> to vector<16xf32>
      %swap3A_103 = vector.shape_cast %broadcast_in_dim3A_98 : vector<16xf32> to vector<1x16xf32>
      tpu.vector_store %arg8[%swap3A_99, %swap3A_100], %swap3A_103 {strides = array<i32>} : memref<80x128xf32, #tpu.memory_space<vmem>>, vector<1x16xf32>,
    }
    %scan3A_5 = arith.constant 80 : i32
    %mul3A_6 = arith.constant 640 : i32
    %mul3A_7 = arith.muli %arg1, %mul3A_6 : i32
    %add3A_8 = arith.constant 0 : i32
    %add3A_9 = arith.addi %mul3A_7, %add3A_8 : i32
    "tpu.region"() ({
      %run_scoped3A = tpu.sem_alloc : memref<!tpu.dma_semaphore, #tpu.memory_space<semaphore_mem>>
      %dma_start3A = arith.constant 0 : i32
      %dma_start3A_49 = tpu.memref_slice %arg12[%add3A_9, %dma_start3A] : memref<10240x128xf32, #tpu.memory_space<vmem_shared>> -> memref<80x128xf32, #tpu.memory_space<vmem_shared>>
      %dma_start3A_50 = arith.constant 0 : i32
      %dma_start3A_51 = tpu.memref_slice %arg12[%add3A_9, %dma_start3A_50] : memref<10240x128xf32, #tpu.memory_space<vmem_shared>> -> memref<80x128xf32, #tpu.memory_space<vmem_shared>>
      tpu.enqueue_dma source(%arg8 : memref<80x128xf32, #tpu.memory_space<vmem>>) target(%dma_start3A_51 : memref<80x128xf32, #tpu.memory_space<vmem_shared>>) target_semaphore(%run_scoped3A : memref<!tpu.dma_semaphore, #tpu.memory_space<semaphore_mem>>)
      %dma_wait3A = arith.constant 0 : i32
      %dma_wait3A_52 = tpu.memref_slice %arg12[%add3A_9, %dma_wait3A] : memref<10240x128xf32, #tpu.memory_space<vmem_shared>> -> memref<80x128xf32, #tpu.memory_space<vmem_shared>>
      %dma_wait3A_53 = arith.constant 0 : i32
      %dma_wait3A_54 = tpu.memref_slice %arg12[%add3A_9, %dma_wait3A_53] : memref<10240x128xf32, #tpu.memory_space<vmem_shared>> -> memref<80x128xf32, #tpu.memory_space<vmem_shared>>
      tpu.wait_dma2 semaphore(%run_scoped3A : memref<!tpu.dma_semaphore, #tpu.memory_space<semaphore_mem>>) src(%arg8 : memref<80x128xf32, #tpu.memory_space<vmem>>) dst(%dma_wait3A_54 : memref<80x128xf32, #tpu.memory_space<vmem_shared>>)
      tpu.yield
    }) : () -> ()
    %mul3A_10 = arith.constant 640 : i32
    %mul3A_11 = arith.muli %arg1, %mul3A_10 : i32
    %add3A_12 = arith.constant 80 : i32
    %add3A_13 = arith.addi %mul3A_11, %add3A_12 : i32
    "tpu.region"() ({
      %run_scoped3A = tpu.sem_alloc : memref<!tpu.dma_semaphore, #tpu.memory_space<semaphore_mem>>
      %dma_start3A = arith.constant 0 : i32
      %dma_start3A_49 = tpu.memref_slice %arg12[%add3A_13, %dma_start3A] : memref<10240x128xf32, #tpu.memory_space<vmem_shared>> -> memref<80x128xf32, #tpu.memory_space<vmem_shared>>
      %dma_start3A_50 = arith.constant 0 : i32
      %dma_start3A_51 = tpu.memref_slice %arg12[%add3A_13, %dma_start3A_50] : memref<10240x128xf32, #tpu.memory_space<vmem_shared>> -> memref<80x128xf32, #tpu.memory_space<vmem_shared>>
      tpu.enqueue_dma source(%arg8 : memref<80x128xf32, #tpu.memory_space<vmem>>) target(%dma_start3A_51 : memref<80x128xf32, #tpu.memory_space<vmem_shared>>) target_semaphore(%run_scoped3A : memref<!tpu.dma_semaphore, #tpu.memory_space<semaphore_mem>>)
      %dma_wait3A = arith.constant 0 : i32
      %dma_wait3A_52 = tpu.memref_slice %arg12[%add3A_13, %dma_wait3A] : memref<10240x128xf32, #tpu.memory_space<vmem_shared>> -> memref<80x128xf32, #tpu.memory_space<vmem_shared>>
      %dma_wait3A_53 = arith.constant 0 : i32
      %dma_wait3A_54 = tpu.memref_slice %arg12[%add3A_13, %dma_wait3A_53] : memref<10240x128xf32, #tpu.memory_space<vmem_shared>> -> memref<80x128xf32, #tpu.memory_space<vmem_shared>>
      tpu.wait_dma2 semaphore(%run_scoped3A : memref<!tpu.dma_semaphore, #tpu.memory_space<semaphore_mem>>) src(%arg8 : memref<80x128xf32, #tpu.memory_space<vmem>>) dst(%dma_wait3A_54 : memref<80x128xf32, #tpu.memory_space<vmem_shared>>)
      tpu.yield
    }) : () -> ()
    %mul3A_14 = arith.constant 640 : i32
    %mul3A_15 = arith.muli %arg1, %mul3A_14 : i32
    %add3A_16 = arith.constant 160 : i32
    %add3A_17 = arith.addi %mul3A_15, %add3A_16 : i32
    "tpu.region"() ({
      %run_scoped3A = tpu.sem_alloc : memref<!tpu.dma_semaphore, #tpu.memory_space<semaphore_mem>>
      %dma_start3A = arith.constant 0 : i32
      %dma_start3A_49 = tpu.memref_slice %arg12[%add3A_17, %dma_start3A] : memref<10240x128xf32, #tpu.memory_space<vmem_shared>> -> memref<80x128xf32, #tpu.memory_space<vmem_shared>>
      %dma_start3A_50 = arith.constant 0 : i32
      %dma_start3A_51 = tpu.memref_slice %arg12[%add3A_17, %dma_start3A_50] : memref<10240x128xf32, #tpu.memory_space<vmem_shared>> -> memref<80x128xf32, #tpu.memory_space<vmem_shared>>
      tpu.enqueue_dma source(%arg8 : memref<80x128xf32, #tpu.memory_space<vmem>>) target(%dma_start3A_51 : memref<80x128xf32, #tpu.memory_space<vmem_shared>>) target_semaphore(%run_scoped3A : memref<!tpu.dma_semaphore, #tpu.memory_space<semaphore_mem>>)
      %dma_wait3A = arith.constant 0 : i32
      %dma_wait3A_52 = tpu.memref_slice %arg12[%add3A_17, %dma_wait3A] : memref<10240x128xf32, #tpu.memory_space<vmem_shared>> -> memref<80x128xf32, #tpu.memory_space<vmem_shared>>
      %dma_wait3A_53 = arith.constant 0 : i32
      %dma_wait3A_54 = tpu.memref_slice %arg12[%add3A_17, %dma_wait3A_53] : memref<10240x128xf32, #tpu.memory_space<vmem_shared>> -> memref<80x128xf32, #tpu.memory_space<vmem_shared>>
      tpu.wait_dma2 semaphore(%run_scoped3A : memref<!tpu.dma_semaphore, #tpu.memory_space<semaphore_mem>>) src(%arg8 : memref<80x128xf32, #tpu.memory_space<vmem>>) dst(%dma_wait3A_54 : memref<80x128xf32, #tpu.memory_space<vmem_shared>>)
      tpu.yield
    }) : () -> ()
    %mul3A_18 = arith.constant 640 : i32
    %mul3A_19 = arith.muli %arg1, %mul3A_18 : i32
    %add3A_20 = arith.constant 240 : i32
    %add3A_21 = arith.addi %mul3A_19, %add3A_20 : i32
    "tpu.region"() ({
      %run_scoped3A = tpu.sem_alloc : memref<!tpu.dma_semaphore, #tpu.memory_space<semaphore_mem>>
      %dma_start3A = arith.constant 0 : i32
      %dma_start3A_49 = tpu.memref_slice %arg12[%add3A_21, %dma_start3A] : memref<10240x128xf32, #tpu.memory_space<vmem_shared>> -> memref<80x128xf32, #tpu.memory_space<vmem_shared>>
      %dma_start3A_50 = arith.constant 0 : i32
      %dma_start3A_51 = tpu.memref_slice %arg12[%add3A_21, %dma_start3A_50] : memref<10240x128xf32, #tpu.memory_space<vmem_shared>> -> memref<80x128xf32, #tpu.memory_space<vmem_shared>>
      tpu.enqueue_dma source(%arg8 : memref<80x128xf32, #tpu.memory_space<vmem>>) target(%dma_start3A_51 : memref<80x128xf32, #tpu.memory_space<vmem_shared>>) target_semaphore(%run_scoped3A : memref<!tpu.dma_semaphore, #tpu.memory_space<semaphore_mem>>)
      %dma_wait3A = arith.constant 0 : i32
      %dma_wait3A_52 = tpu.memref_slice %arg12[%add3A_21, %dma_wait3A] : memref<10240x128xf32, #tpu.memory_space<vmem_shared>> -> memref<80x128xf32, #tpu.memory_space<vmem_shared>>
      %dma_wait3A_53 = arith.constant 0 : i32
      %dma_wait3A_54 = tpu.memref_slice %arg12[%add3A_21, %dma_wait3A_53] : memref<10240x128xf32, #tpu.memory_space<vmem_shared>> -> memref<80x128xf32, #tpu.memory_space<vmem_shared>>
      tpu.wait_dma2 semaphore(%run_scoped3A : memref<!tpu.dma_semaphore, #tpu.memory_space<semaphore_mem>>) src(%arg8 : memref<80x128xf32, #tpu.memory_space<vmem>>) dst(%dma_wait3A_54 : memref<80x128xf32, #tpu.memory_space<vmem_shared>>)
      tpu.yield
    }) : () -> ()
    %mul3A_22 = arith.constant 640 : i32
    %mul3A_23 = arith.muli %arg1, %mul3A_22 : i32
    %add3A_24 = arith.constant 320 : i32
    %add3A_25 = arith.addi %mul3A_23, %add3A_24 : i32
    "tpu.region"() ({
      %run_scoped3A = tpu.sem_alloc : memref<!tpu.dma_semaphore, #tpu.memory_space<semaphore_mem>>
      %dma_start3A = arith.constant 0 : i32
      %dma_start3A_49 = tpu.memref_slice %arg12[%add3A_25, %dma_start3A] : memref<10240x128xf32, #tpu.memory_space<vmem_shared>> -> memref<80x128xf32, #tpu.memory_space<vmem_shared>>
      %dma_start3A_50 = arith.constant 0 : i32
      %dma_start3A_51 = tpu.memref_slice %arg12[%add3A_25, %dma_start3A_50] : memref<10240x128xf32, #tpu.memory_space<vmem_shared>> -> memref<80x128xf32, #tpu.memory_space<vmem_shared>>
      tpu.enqueue_dma source(%arg8 : memref<80x128xf32, #tpu.memory_space<vmem>>) target(%dma_start3A_51 : memref<80x128xf32, #tpu.memory_space<vmem_shared>>) target_semaphore(%run_scoped3A : memref<!tpu.dma_semaphore, #tpu.memory_space<semaphore_mem>>)
      %dma_wait3A = arith.constant 0 : i32
      %dma_wait3A_52 = tpu.memref_slice %arg12[%add3A_25, %dma_wait3A] : memref<10240x128xf32, #tpu.memory_space<vmem_shared>> -> memref<80x128xf32, #tpu.memory_space<vmem_shared>>
      %dma_wait3A_53 = arith.constant 0 : i32
      %dma_wait3A_54 = tpu.memref_slice %arg12[%add3A_25, %dma_wait3A_53] : memref<10240x128xf32, #tpu.memory_space<vmem_shared>> -> memref<80x128xf32, #tpu.memory_space<vmem_shared>>
      tpu.wait_dma2 semaphore(%run_scoped3A : memref<!tpu.dma_semaphore, #tpu.memory_space<semaphore_mem>>) src(%arg8 : memref<80x128xf32, #tpu.memory_space<vmem>>) dst(%dma_wait3A_54 : memref<80x128xf32, #tpu.memory_space<vmem_shared>>)
      tpu.yield
    }) : () -> ()
    %mul3A_26 = arith.constant 640 : i32
    %mul3A_27 = arith.muli %arg1, %mul3A_26 : i32
    %add3A_28 = arith.constant 400 : i32
    %add3A_29 = arith.addi %mul3A_27, %add3A_28 : i32
    "tpu.region"() ({
      %run_scoped3A = tpu.sem_alloc : memref<!tpu.dma_semaphore, #tpu.memory_space<semaphore_mem>>
      %dma_start3A = arith.constant 0 : i32
      %dma_start3A_49 = tpu.memref_slice %arg12[%add3A_29, %dma_start3A] : memref<10240x128xf32, #tpu.memory_space<vmem_shared>> -> memref<80x128xf32, #tpu.memory_space<vmem_shared>>
      %dma_start3A_50 = arith.constant 0 : i32
      %dma_start3A_51 = tpu.memref_slice %arg12[%add3A_29, %dma_start3A_50] : memref<10240x128xf32, #tpu.memory_space<vmem_shared>> -> memref<80x128xf32, #tpu.memory_space<vmem_shared>>
      tpu.enqueue_dma source(%arg8 : memref<80x128xf32, #tpu.memory_space<vmem>>) target(%dma_start3A_51 : memref<80x128xf32, #tpu.memory_space<vmem_shared>>) target_semaphore(%run_scoped3A : memref<!tpu.dma_semaphore, #tpu.memory_space<semaphore_mem>>)
      %dma_wait3A = arith.constant 0 : i32
      %dma_wait3A_52 = tpu.memref_slice %arg12[%add3A_29, %dma_wait3A] : memref<10240x128xf32, #tpu.memory_space<vmem_shared>> -> memref<80x128xf32, #tpu.memory_space<vmem_shared>>
      %dma_wait3A_53 = arith.constant 0 : i32
      %dma_wait3A_54 = tpu.memref_slice %arg12[%add3A_29, %dma_wait3A_53] : memref<10240x128xf32, #tpu.memory_space<vmem_shared>> -> memref<80x128xf32, #tpu.memory_space<vmem_shared>>
      tpu.wait_dma2 semaphore(%run_scoped3A : memref<!tpu.dma_semaphore, #tpu.memory_space<semaphore_mem>>) src(%arg8 : memref<80x128xf32, #tpu.memory_space<vmem>>) dst(%dma_wait3A_54 : memref<80x128xf32, #tpu.memory_space<vmem_shared>>)
      tpu.yield
    }) : () -> ()
    %mul3A_30 = arith.constant 640 : i32
    %mul3A_31 = arith.muli %arg1, %mul3A_30 : i32
    %add3A_32 = arith.constant 480 : i32
    %add3A_33 = arith.addi %mul3A_31, %add3A_32 : i32
    "tpu.region"() ({
      %run_scoped3A = tpu.sem_alloc : memref<!tpu.dma_semaphore, #tpu.memory_space<semaphore_mem>>
      %dma_start3A = arith.constant 0 : i32
      %dma_start3A_49 = tpu.memref_slice %arg12[%add3A_33, %dma_start3A] : memref<10240x128xf32, #tpu.memory_space<vmem_shared>> -> memref<80x128xf32, #tpu.memory_space<vmem_shared>>
      %dma_start3A_50 = arith.constant 0 : i32
      %dma_start3A_51 = tpu.memref_slice %arg12[%add3A_33, %dma_start3A_50] : memref<10240x128xf32, #tpu.memory_space<vmem_shared>> -> memref<80x128xf32, #tpu.memory_space<vmem_shared>>
      tpu.enqueue_dma source(%arg8 : memref<80x128xf32, #tpu.memory_space<vmem>>) target(%dma_start3A_51 : memref<80x128xf32, #tpu.memory_space<vmem_shared>>) target_semaphore(%run_scoped3A : memref<!tpu.dma_semaphore, #tpu.memory_space<semaphore_mem>>)
      %dma_wait3A = arith.constant 0 : i32
      %dma_wait3A_52 = tpu.memref_slice %arg12[%add3A_33, %dma_wait3A] : memref<10240x128xf32, #tpu.memory_space<vmem_shared>> -> memref<80x128xf32, #tpu.memory_space<vmem_shared>>
      %dma_wait3A_53 = arith.constant 0 : i32
      %dma_wait3A_54 = tpu.memref_slice %arg12[%add3A_33, %dma_wait3A_53] : memref<10240x128xf32, #tpu.memory_space<vmem_shared>> -> memref<80x128xf32, #tpu.memory_space<vmem_shared>>
      tpu.wait_dma2 semaphore(%run_scoped3A : memref<!tpu.dma_semaphore, #tpu.memory_space<semaphore_mem>>) src(%arg8 : memref<80x128xf32, #tpu.memory_space<vmem>>) dst(%dma_wait3A_54 : memref<80x128xf32, #tpu.memory_space<vmem_shared>>)
      tpu.yield
    }) : () -> ()
    %mul3A_34 = arith.constant 640 : i32
    %mul3A_35 = arith.muli %arg1, %mul3A_34 : i32
    %add3A_36 = arith.constant 560 : i32
    %add3A_37 = arith.addi %mul3A_35, %add3A_36 : i32
    "tpu.region"() ({
      %run_scoped3A = tpu.sem_alloc : memref<!tpu.dma_semaphore, #tpu.memory_space<semaphore_mem>>
      %dma_start3A = arith.constant 0 : i32
      %dma_start3A_49 = tpu.memref_slice %arg12[%add3A_37, %dma_start3A] : memref<10240x128xf32, #tpu.memory_space<vmem_shared>> -> memref<80x128xf32, #tpu.memory_space<vmem_shared>>
      %dma_start3A_50 = arith.constant 0 : i32
      %dma_start3A_51 = tpu.memref_slice %arg12[%add3A_37, %dma_start3A_50] : memref<10240x128xf32, #tpu.memory_space<vmem_shared>> -> memref<80x128xf32, #tpu.memory_space<vmem_shared>>
      tpu.enqueue_dma source(%arg8 : memref<80x128xf32, #tpu.memory_space<vmem>>) target(%dma_start3A_51 : memref<80x128xf32, #tpu.memory_space<vmem_shared>>) target_semaphore(%run_scoped3A : memref<!tpu.dma_semaphore, #tpu.memory_space<semaphore_mem>>)
      %dma_wait3A = arith.constant 0 : i32
      %dma_wait3A_52 = tpu.memref_slice %arg12[%add3A_37, %dma_wait3A] : memref<10240x128xf32, #tpu.memory_space<vmem_shared>> -> memref<80x128xf32, #tpu.memory_space<vmem_shared>>
      %dma_wait3A_53 = arith.constant 0 : i32
      %dma_wait3A_54 = tpu.memref_slice %arg12[%add3A_37, %dma_wait3A_53] : memref<10240x128xf32, #tpu.memory_space<vmem_shared>> -> memref<80x128xf32, #tpu.memory_space<vmem_shared>>
      tpu.wait_dma2 semaphore(%run_scoped3A : memref<!tpu.dma_semaphore, #tpu.memory_space<semaphore_mem>>) src(%arg8 : memref<80x128xf32, #tpu.memory_space<vmem>>) dst(%dma_wait3A_54 : memref<80x128xf32, #tpu.memory_space<vmem_shared>>)
      tpu.yield
    }) : () -> ()
    %barrier3A = arith.constant 0 : index
    tpu.barrier barrier_id(%barrier3A)
    %scan3A_38 = arith.constant 0 : i32
    %scan3A_39 = arith.constant 0 : i32
    %scan3A_40 = arith.constant 8 : i32
    %scan3A_41 = arith.addi %scan3A_39, %scan3A_40 : i32
    %scan3A_42 = arith.constant 1 : i32
    scf.for %scan3A_49 = %scan3A_39 to %scan3A_41 step %scan3A_42  : i32 {
      %mul3A_50 = arith.constant 16 : i32
      %mul3A_51 = arith.muli %scan3A_49, %mul3A_50 : i32
      "tpu.region"() ({
        %run_scoped3A_291 = tpu.sem_alloc : memref<!tpu.dma_semaphore, #tpu.memory_space<semaphore_mem>>
        %dma_start3A_292 = arith.constant 0 : i32
        %dma_start3A_293 = tpu.memref_slice %arg3[%add3A, %mul3A_51, %dma_start3A_292] : memref<32x128x80xi32, #tpu.memory_space<hbm>> -> memref<1x16x80xi32, #tpu.memory_space<hbm>>
        %dma_start3A_294 = tpu.memref_squeeze %dma_start3A_293 : memref<1x16x80xi32, #tpu.memory_space<hbm>> -> memref<16x80xi32, #tpu.memory_space<hbm>>
        %dma_start3A_295 = arith.constant 0 : i32
        %dma_start3A_296 = tpu.memref_slice %arg3[%add3A, %mul3A_51, %dma_start3A_295] : memref<32x128x80xi32, #tpu.memory_space<hbm>> -> memref<1x16x80xi32, #tpu.memory_space<hbm>>
        %dma_start3A_297 = tpu.memref_squeeze %dma_start3A_296 : memref<1x16x80xi32, #tpu.memory_space<hbm>> -> memref<16x80xi32, #tpu.memory_space<hbm>>
        tpu.enqueue_dma source(%dma_start3A_297 : memref<16x80xi32, #tpu.memory_space<hbm>>) target(%arg6 : memref<16x80xi32, #tpu.memory_space<vmem>>) target_semaphore(%run_scoped3A_291 : memref<!tpu.dma_semaphore, #tpu.memory_space<semaphore_mem>>)
        %dma_wait3A_298 = arith.constant 0 : i32
        %dma_wait3A_299 = tpu.memref_slice %arg3[%add3A, %mul3A_51, %dma_wait3A_298] : memref<32x128x80xi32, #tpu.memory_space<hbm>> -> memref<1x16x80xi32, #tpu.memory_space<hbm>>
        %dma_wait3A_300 = tpu.memref_squeeze %dma_wait3A_299 : memref<1x16x80xi32, #tpu.memory_space<hbm>> -> memref<16x80xi32, #tpu.memory_space<hbm>>
        %dma_wait3A_301 = arith.constant 0 : i32
        %dma_wait3A_302 = tpu.memref_slice %arg3[%add3A, %mul3A_51, %dma_wait3A_301] : memref<32x128x80xi32, #tpu.memory_space<hbm>> -> memref<1x16x80xi32, #tpu.memory_space<hbm>>
        %dma_wait3A_303 = tpu.memref_squeeze %dma_wait3A_302 : memref<1x16x80xi32, #tpu.memory_space<hbm>> -> memref<16x80xi32, #tpu.memory_space<hbm>>
        tpu.wait_dma2 semaphore(%run_scoped3A_291 : memref<!tpu.dma_semaphore, #tpu.memory_space<semaphore_mem>>) src(%dma_wait3A_303 : memref<16x80xi32, #tpu.memory_space<hbm>>) dst(%arg6 : memref<16x80xi32, #tpu.memory_space<vmem>>)
        tpu.yield
      }) : () -> ()
      %mul3A_52 = arith.constant 16 : i32
      %mul3A_53 = arith.muli %scan3A_49, %mul3A_52 : i32
      "tpu.region"() ({
        %run_scoped3A_291 = tpu.sem_alloc : memref<!tpu.dma_semaphore, #tpu.memory_space<semaphore_mem>>
        %dma_start3A_292 = arith.constant 0 : i32
        %dma_start3A_293 = tpu.memref_slice %arg4[%add3A, %mul3A_53, %dma_start3A_292] : memref<32x128x80xi32, #tpu.memory_space<hbm>> -> memref<1x16x80xi32, #tpu.memory_space<hbm>>
        %dma_start3A_294 = tpu.memref_squeeze %dma_start3A_293 : memref<1x16x80xi32, #tpu.memory_space<hbm>> -> memref<16x80xi32, #tpu.memory_space<hbm>>
        %dma_start3A_295 = arith.constant 0 : i32
        %dma_start3A_296 = tpu.memref_slice %arg4[%add3A, %mul3A_53, %dma_start3A_295] : memref<32x128x80xi32, #tpu.memory_space<hbm>> -> memref<1x16x80xi32, #tpu.memory_space<hbm>>
        %dma_start3A_297 = tpu.memref_squeeze %dma_start3A_296 : memref<1x16x80xi32, #tpu.memory_space<hbm>> -> memref<16x80xi32, #tpu.memory_space<hbm>>
        tpu.enqueue_dma source(%dma_start3A_297 : memref<16x80xi32, #tpu.memory_space<hbm>>) target(%arg7 : memref<16x80xi32, #tpu.memory_space<vmem>>) target_semaphore(%run_scoped3A_291 : memref<!tpu.dma_semaphore, #tpu.memory_space<semaphore_mem>>)
        %dma_wait3A_298 = arith.constant 0 : i32
        %dma_wait3A_299 = tpu.memref_slice %arg4[%add3A, %mul3A_53, %dma_wait3A_298] : memref<32x128x80xi32, #tpu.memory_space<hbm>> -> memref<1x16x80xi32, #tpu.memory_space<hbm>>
        %dma_wait3A_300 = tpu.memref_squeeze %dma_wait3A_299 : memref<1x16x80xi32, #tpu.memory_space<hbm>> -> memref<16x80xi32, #tpu.memory_space<hbm>>
        %dma_wait3A_301 = arith.constant 0 : i32
        %dma_wait3A_302 = tpu.memref_slice %arg4[%add3A, %mul3A_53, %dma_wait3A_301] : memref<32x128x80xi32, #tpu.memory_space<hbm>> -> memref<1x16x80xi32, #tpu.memory_space<hbm>>
        %dma_wait3A_303 = tpu.memref_squeeze %dma_wait3A_302 : memref<1x16x80xi32, #tpu.memory_space<hbm>> -> memref<16x80xi32, #tpu.memory_space<hbm>>
        tpu.wait_dma2 semaphore(%run_scoped3A_291 : memref<!tpu.dma_semaphore, #tpu.memory_space<semaphore_mem>>) src(%dma_wait3A_303 : memref<16x80xi32, #tpu.memory_space<hbm>>) dst(%arg7 : memref<16x80xi32, #tpu.memory_space<vmem>>)
        tpu.yield
      }) : () -> ()
      %dma_start3A = arith.constant 0 : i32
      %dma_start3A_54 = arith.constant 0 : i32
      %dma_start3A_55 = tpu.memref_slice %arg6[%dma_start3A, %dma_start3A_54] : memref<16x80xi32, #tpu.memory_space<vmem>> -> memref<1x80xi32, #tpu.memory_space<vmem>>
      %dma_start3A_56 = tpu.memref_squeeze %dma_start3A_55 : memref<1x80xi32, #tpu.memory_space<vmem>> -> memref<80xi32, #tpu.memory_space<vmem>>
      %dma_start3A_57 = arith.constant 0 : i32
      %dma_start3A_58 = arith.constant 0 : i32
      %dma_start3A_59 = tpu.memref_slice %arg2[%dma_start3A_57, %dma_start3A_58] : memref<10240x128xf32, #tpu.memory_space<hbm>> -> memref<10240x128xf32, #tpu.memory_space<hbm>>
      tpu.enqueue_indirect_dma source(%dma_start3A_59 : memref<10240x128xf32, #tpu.memory_space<hbm>>) target(%arg8 : memref<80x128xf32, #tpu.memory_space<vmem>>) offsets(%dma_start3A_56 : memref<80xi32, #tpu.memory_space<vmem>>) semaphore(%arg13 : memref<!tpu.dma_semaphore, #tpu.memory_space<semaphore_mem>>)
      %dma_start3A_60 = arith.constant 1 : i32
      %dma_start3A_61 = arith.constant 0 : i32
      %dma_start3A_62 = tpu.memref_slice %arg6[%dma_start3A_60, %dma_start3A_61] : memref<16x80xi32, #tpu.memory_space<vmem>> -> memref<1x80xi32, #tpu.memory_space<vmem>>
      %dma_start3A_63 = tpu.memref_squeeze %dma_start3A_62 : memref<1x80xi32, #tpu.memory_space<vmem>> -> memref<80xi32, #tpu.memory_space<vmem>>
      %dma_start3A_64 = arith.constant 0 : i32
      %dma_start3A_65 = arith.constant 0 : i32
      %dma_start3A_66 = tpu.memref_slice %arg2[%dma_start3A_64, %dma_start3A_65] : memref<10240x128xf32, #tpu.memory_space<hbm>> -> memref<10240x128xf32, #tpu.memory_space<hbm>>
      tpu.enqueue_indirect_dma source(%dma_start3A_66 : memref<10240x128xf32, #tpu.memory_space<hbm>>) target(%arg9 : memref<80x128xf32, #tpu.memory_space<vmem>>) offsets(%dma_start3A_63 : memref<80xi32, #tpu.memory_space<vmem>>) semaphore(%arg14 : memref<!tpu.dma_semaphore, #tpu.memory_space<semaphore_mem>>)
      %dma_start3A_67 = arith.constant 2 : i32
      %dma_start3A_68 = arith.constant 0 : i32
      %dma_start3A_69 = tpu.memref_slice %arg6[%dma_start3A_67, %dma_start3A_68] : memref<16x80xi32, #tpu.memory_space<vmem>> -> memref<1x80xi32, #tpu.memory_space<vmem>>
      %dma_start3A_70 = tpu.memref_squeeze %dma_start3A_69 : memref<1x80xi32, #tpu.memory_space<vmem>> -> memref<80xi32, #tpu.memory_space<vmem>>
      %dma_start3A_71 = arith.constant 0 : i32
      %dma_start3A_72 = arith.constant 0 : i32
      %dma_start3A_73 = tpu.memref_slice %arg2[%dma_start3A_71, %dma_start3A_72] : memref<10240x128xf32, #tpu.memory_space<hbm>> -> memref<10240x128xf32, #tpu.memory_space<hbm>>
      tpu.enqueue_indirect_dma source(%dma_start3A_73 : memref<10240x128xf32, #tpu.memory_space<hbm>>) target(%arg10 : memref<80x128xf32, #tpu.memory_space<vmem>>) offsets(%dma_start3A_70 : memref<80xi32, #tpu.memory_space<vmem>>) semaphore(%arg15 : memref<!tpu.dma_semaphore, #tpu.memory_space<semaphore_mem>>)
      %dma_start3A_74 = arith.constant 3 : i32
      %dma_start3A_75 = arith.constant 0 : i32
      %dma_start3A_76 = tpu.memref_slice %arg6[%dma_start3A_74, %dma_start3A_75] : memref<16x80xi32, #tpu.memory_space<vmem>> -> memref<1x80xi32, #tpu.memory_space<vmem>>
      %dma_start3A_77 = tpu.memref_squeeze %dma_start3A_76 : memref<1x80xi32, #tpu.memory_space<vmem>> -> memref<80xi32, #tpu.memory_space<vmem>>
      %dma_start3A_78 = arith.constant 0 : i32
      %dma_start3A_79 = arith.constant 0 : i32
      %dma_start3A_80 = tpu.memref_slice %arg2[%dma_start3A_78, %dma_start3A_79] : memref<10240x128xf32, #tpu.memory_space<hbm>> -> memref<10240x128xf32, #tpu.memory_space<hbm>>
      tpu.enqueue_indirect_dma source(%dma_start3A_80 : memref<10240x128xf32, #tpu.memory_space<hbm>>) target(%arg11 : memref<80x128xf32, #tpu.memory_space<vmem>>) offsets(%dma_start3A_77 : memref<80xi32, #tpu.memory_space<vmem>>) semaphore(%arg16 : memref<!tpu.dma_semaphore, #tpu.memory_space<semaphore_mem>>)
      %dma_wait3A = arith.constant 0 : i32
      %dma_wait3A_81 = arith.constant 0 : i32
      %dma_wait3A_82 = tpu.memref_slice %arg6[%dma_wait3A, %dma_wait3A_81] : memref<16x80xi32, #tpu.memory_space<vmem>> -> memref<1x80xi32, #tpu.memory_space<vmem>>
      %dma_wait3A_83 = tpu.memref_squeeze %dma_wait3A_82 : memref<1x80xi32, #tpu.memory_space<vmem>> -> memref<80xi32, #tpu.memory_space<vmem>>
      %dma_wait3A_84 = arith.constant 0 : i32
      %dma_wait3A_85 = arith.constant 0 : i32
      %dma_wait3A_86 = tpu.memref_slice %arg2[%dma_wait3A_84, %dma_wait3A_85] : memref<10240x128xf32, #tpu.memory_space<hbm>> -> memref<10240x128xf32, #tpu.memory_space<hbm>>
      tpu.wait_indirect_dma semaphore(%arg13 : memref<!tpu.dma_semaphore, #tpu.memory_space<semaphore_mem>>) src(%dma_wait3A_86 : memref<10240x128xf32, #tpu.memory_space<hbm>>) dst(%arg8 : memref<80x128xf32, #tpu.memory_space<vmem>>)
      %run_scoped3A = arith.constant 0 : i32
      "tpu.region"() ({
        %run_scoped3A_291 = tpu.sem_alloc : memref<!tpu.dma_semaphore, #tpu.memory_space<semaphore_mem>>
        %dma_start3A_292 = arith.constant 0 : i32
        %dma_start3A_293 = tpu.memref_slice %arg7[%run_scoped3A, %dma_start3A_292] : memref<16x80xi32, #tpu.memory_space<vmem>> -> memref<1x80xi32, #tpu.memory_space<vmem>>
        %dma_start3A_294 = tpu.memref_squeeze %dma_start3A_293 : memref<1x80xi32, #tpu.memory_space<vmem>> -> memref<80xi32, #tpu.memory_space<vmem>>
        %dma_start3A_295 = arith.constant 0 : i32
        %dma_start3A_296 = arith.constant 0 : i32
        %dma_start3A_297 = tpu.memref_slice %arg12[%dma_start3A_295, %dma_start3A_296] : memref<10240x128xf32, #tpu.memory_space<vmem_shared>> -> memref<10240x128xf32, #tpu.memory_space<vmem_shared>>
        tpu.enqueue_indirect_dma source(%arg8 : memref<80x128xf32, #tpu.memory_space<vmem>>) target(%dma_start3A_297 : memref<10240x128xf32, #tpu.memory_space<vmem_shared>>) offsets(%dma_start3A_294 : memref<80xi32, #tpu.memory_space<vmem>>) semaphore(%run_scoped3A_291 : memref<!tpu.dma_semaphore, #tpu.memory_space<semaphore_mem>>) {add = true}
        %dma_wait3A_298 = arith.constant 0 : i32
        %dma_wait3A_299 = tpu.memref_slice %arg7[%run_scoped3A, %dma_wait3A_298] : memref<16x80xi32, #tpu.memory_space<vmem>> -> memref<1x80xi32, #tpu.memory_space<vmem>>
        %dma_wait3A_300 = tpu.memref_squeeze %dma_wait3A_299 : memref<1x80xi32, #tpu.memory_space<vmem>> -> memref<80xi32, #tpu.memory_space<vmem>>
        %dma_wait3A_301 = arith.constant 0 : i32
        %dma_wait3A_302 = arith.constant 0 : i32
        %dma_wait3A_303 = tpu.memref_slice %arg12[%dma_wait3A_301, %dma_wait3A_302] : memref<10240x128xf32, #tpu.memory_space<vmem_shared>> -> memref<10240x128xf32, #tpu.memory_space<vmem_shared>>
        tpu.wait_indirect_dma semaphore(%run_scoped3A_291 : memref<!tpu.dma_semaphore, #tpu.memory_space<semaphore_mem>>) src(%arg8 : memref<80x128xf32, #tpu.memory_space<vmem>>) dst(%dma_wait3A_303 : memref<10240x128xf32, #tpu.memory_space<vmem_shared>>)
        tpu.yield
      }) : () -> ()
      %dma_start3A_87 = arith.constant 4 : i32
      %dma_start3A_88 = arith.constant 0 : i32
      %dma_start3A_89 = tpu.memref_slice %arg6[%dma_start3A_87, %dma_start3A_88] : memref<16x80xi32, #tpu.memory_space<vmem>> -> memref<1x80xi32, #tpu.memory_space<vmem>>
      %dma_start3A_90 = tpu.memref_squeeze %dma_start3A_89 : memref<1x80xi32, #tpu.memory_space<vmem>> -> memref<80xi32, #tpu.memory_space<vmem>>
      %dma_start3A_91 = arith.constant 0 : i32
      %dma_start3A_92 = arith.constant 0 : i32
      %dma_start3A_93 = tpu.memref_slice %arg2[%dma_start3A_91, %dma_start3A_92] : memref<10240x128xf32, #tpu.memory_space<hbm>> -> memref<10240x128xf32, #tpu.memory_space<hbm>>
      tpu.enqueue_indirect_dma source(%dma_start3A_93 : memref<10240x128xf32, #tpu.memory_space<hbm>>) target(%arg8 : memref<80x128xf32, #tpu.memory_space<vmem>>) offsets(%dma_start3A_90 : memref<80xi32, #tpu.memory_space<vmem>>) semaphore(%arg13 : memref<!tpu.dma_semaphore, #tpu.memory_space<semaphore_mem>>)
      %dma_wait3A_94 = arith.constant 1 : i32
      %dma_wait3A_95 = arith.constant 0 : i32
      %dma_wait3A_96 = tpu.memref_slice %arg6[%dma_wait3A_94, %dma_wait3A_95] : memref<16x80xi32, #tpu.memory_space<vmem>> -> memref<1x80xi32, #tpu.memory_space<vmem>>
      %dma_wait3A_97 = tpu.memref_squeeze %dma_wait3A_96 : memref<1x80xi32, #tpu.memory_space<vmem>> -> memref<80xi32, #tpu.memory_space<vmem>>
      %dma_wait3A_98 = arith.constant 0 : i32
      %dma_wait3A_99 = arith.constant 0 : i32
      %dma_wait3A_100 = tpu.memref_slice %arg2[%dma_wait3A_98, %dma_wait3A_99] : memref<10240x128xf32, #tpu.memory_space<hbm>> -> memref<10240x128xf32, #tpu.memory_space<hbm>>
      tpu.wait_indirect_dma semaphore(%arg14 : memref<!tpu.dma_semaphore, #tpu.memory_space<semaphore_mem>>) src(%dma_wait3A_100 : memref<10240x128xf32, #tpu.memory_space<hbm>>) dst(%arg9 : memref<80x128xf32, #tpu.memory_space<vmem>>)
      %run_scoped3A_101 = arith.constant 1 : i32
      "tpu.region"() ({
        %run_scoped3A_291 = tpu.sem_alloc : memref<!tpu.dma_semaphore, #tpu.memory_space<semaphore_mem>>
        %dma_start3A_292 = arith.constant 0 : i32
        %dma_start3A_293 = tpu.memref_slice %arg7[%run_scoped3A_101, %dma_start3A_292] : memref<16x80xi32, #tpu.memory_space<vmem>> -> memref<1x80xi32, #tpu.memory_space<vmem>>
        %dma_start3A_294 = tpu.memref_squeeze %dma_start3A_293 : memref<1x80xi32, #tpu.memory_space<vmem>> -> memref<80xi32, #tpu.memory_space<vmem>>
        %dma_start3A_295 = arith.constant 0 : i32
        %dma_start3A_296 = arith.constant 0 : i32
        %dma_start3A_297 = tpu.memref_slice %arg12[%dma_start3A_295, %dma_start3A_296] : memref<10240x128xf32, #tpu.memory_space<vmem_shared>> -> memref<10240x128xf32, #tpu.memory_space<vmem_shared>>
        tpu.enqueue_indirect_dma source(%arg9 : memref<80x128xf32, #tpu.memory_space<vmem>>) target(%dma_start3A_297 : memref<10240x128xf32, #tpu.memory_space<vmem_shared>>) offsets(%dma_start3A_294 : memref<80xi32, #tpu.memory_space<vmem>>) semaphore(%run_scoped3A_291 : memref<!tpu.dma_semaphore, #tpu.memory_space<semaphore_mem>>) {add = true}
        %dma_wait3A_298 = arith.constant 0 : i32
        %dma_wait3A_299 = tpu.memref_slice %arg7[%run_scoped3A_101, %dma_wait3A_298] : memref<16x80xi32, #tpu.memory_space<vmem>> -> memref<1x80xi32, #tpu.memory_space<vmem>>
        %dma_wait3A_300 = tpu.memref_squeeze %dma_wait3A_299 : memref<1x80xi32, #tpu.memory_space<vmem>> -> memref<80xi32, #tpu.memory_space<vmem>>
        %dma_wait3A_301 = arith.constant 0 : i32
        %dma_wait3A_302 = arith.constant 0 : i32
        %dma_wait3A_303 = tpu.memref_slice %arg12[%dma_wait3A_301, %dma_wait3A_302] : memref<10240x128xf32, #tpu.memory_space<vmem_shared>> -> memref<10240x128xf32, #tpu.memory_space<vmem_shared>>
        tpu.wait_indirect_dma semaphore(%run_scoped3A_291 : memref<!tpu.dma_semaphore, #tpu.memory_space<semaphore_mem>>) src(%arg9 : memref<80x128xf32, #tpu.memory_space<vmem>>) dst(%dma_wait3A_303 : memref<10240x128xf32, #tpu.memory_space<vmem_shared>>)
        tpu.yield
      }) : () -> ()
      %dma_start3A_102 = arith.constant 5 : i32
      %dma_start3A_103 = arith.constant 0 : i32
      %dma_start3A_104 = tpu.memref_slice %arg6[%dma_start3A_102, %dma_start3A_103] : memref<16x80xi32, #tpu.memory_space<vmem>> -> memref<1x80xi32, #tpu.memory_space<vmem>>
      %dma_start3A_105 = tpu.memref_squeeze %dma_start3A_104 : memref<1x80xi32, #tpu.memory_space<vmem>> -> memref<80xi32, #tpu.memory_space<vmem>>
      %dma_start3A_106 = arith.constant 0 : i32
      %dma_start3A_107 = arith.constant 0 : i32
      %dma_start3A_108 = tpu.memref_slice %arg2[%dma_start3A_106, %dma_start3A_107] : memref<10240x128xf32, #tpu.memory_space<hbm>> -> memref<10240x128xf32, #tpu.memory_space<hbm>>
      tpu.enqueue_indirect_dma source(%dma_start3A_108 : memref<10240x128xf32, #tpu.memory_space<hbm>>) target(%arg9 : memref<80x128xf32, #tpu.memory_space<vmem>>) offsets(%dma_start3A_105 : memref<80xi32, #tpu.memory_space<vmem>>) semaphore(%arg14 : memref<!tpu.dma_semaphore, #tpu.memory_space<semaphore_mem>>)
      %dma_wait3A_109 = arith.constant 2 : i32
      %dma_wait3A_110 = arith.constant 0 : i32
      %dma_wait3A_111 = tpu.memref_slice %arg6[%dma_wait3A_109, %dma_wait3A_110] : memref<16x80xi32, #tpu.memory_space<vmem>> -> memref<1x80xi32, #tpu.memory_space<vmem>>
      %dma_wait3A_112 = tpu.memref_squeeze %dma_wait3A_111 : memref<1x80xi32, #tpu.memory_space<vmem>> -> memref<80xi32, #tpu.memory_space<vmem>>
      %dma_wait3A_113 = arith.constant 0 : i32
      %dma_wait3A_114 = arith.constant 0 : i32
      %dma_wait3A_115 = tpu.memref_slice %arg2[%dma_wait3A_113, %dma_wait3A_114] : memref<10240x128xf32, #tpu.memory_space<hbm>> -> memref<10240x128xf32, #tpu.memory_space<hbm>>
      tpu.wait_indirect_dma semaphore(%arg15 : memref<!tpu.dma_semaphore, #tpu.memory_space<semaphore_mem>>) src(%dma_wait3A_115 : memref<10240x128xf32, #tpu.memory_space<hbm>>) dst(%arg10 : memref<80x128xf32, #tpu.memory_space<vmem>>)
      %run_scoped3A_116 = arith.constant 2 : i32
      "tpu.region"() ({
        %run_scoped3A_291 = tpu.sem_alloc : memref<!tpu.dma_semaphore, #tpu.memory_space<semaphore_mem>>
        %dma_start3A_292 = arith.constant 0 : i32
        %dma_start3A_293 = tpu.memref_slice %arg7[%run_scoped3A_116, %dma_start3A_292] : memref<16x80xi32, #tpu.memory_space<vmem>> -> memref<1x80xi32, #tpu.memory_space<vmem>>
        %dma_start3A_294 = tpu.memref_squeeze %dma_start3A_293 : memref<1x80xi32, #tpu.memory_space<vmem>> -> memref<80xi32, #tpu.memory_space<vmem>>
        %dma_start3A_295 = arith.constant 0 : i32
        %dma_start3A_296 = arith.constant 0 : i32
        %dma_start3A_297 = tpu.memref_slice %arg12[%dma_start3A_295, %dma_start3A_296] : memref<10240x128xf32, #tpu.memory_space<vmem_shared>> -> memref<10240x128xf32, #tpu.memory_space<vmem_shared>>
        tpu.enqueue_indirect_dma source(%arg10 : memref<80x128xf32, #tpu.memory_space<vmem>>) target(%dma_start3A_297 : memref<10240x128xf32, #tpu.memory_space<vmem_shared>>) offsets(%dma_start3A_294 : memref<80xi32, #tpu.memory_space<vmem>>) semaphore(%run_scoped3A_291 : memref<!tpu.dma_semaphore, #tpu.memory_space<semaphore_mem>>) {add = true}
        %dma_wait3A_298 = arith.constant 0 : i32
        %dma_wait3A_299 = tpu.memref_slice %arg7[%run_scoped3A_116, %dma_wait3A_298] : memref<16x80xi32, #tpu.memory_space<vmem>> -> memref<1x80xi32, #tpu.memory_space<vmem>>
        %dma_wait3A_300 = tpu.memref_squeeze %dma_wait3A_299 : memref<1x80xi32, #tpu.memory_space<vmem>> -> memref<80xi32, #tpu.memory_space<vmem>>
        %dma_wait3A_301 = arith.constant 0 : i32
        %dma_wait3A_302 = arith.constant 0 : i32
        %dma_wait3A_303 = tpu.memref_slice %arg12[%dma_wait3A_301, %dma_wait3A_302] : memref<10240x128xf32, #tpu.memory_space<vmem_shared>> -> memref<10240x128xf32, #tpu.memory_space<vmem_shared>>
        tpu.wait_indirect_dma semaphore(%run_scoped3A_291 : memref<!tpu.dma_semaphore, #tpu.memory_space<semaphore_mem>>) src(%arg10 : memref<80x128xf32, #tpu.memory_space<vmem>>) dst(%dma_wait3A_303 : memref<10240x128xf32, #tpu.memory_space<vmem_shared>>)
        tpu.yield
      }) : () -> ()
      %dma_start3A_117 = arith.constant 6 : i32
      %dma_start3A_118 = arith.constant 0 : i32
      %dma_start3A_119 = tpu.memref_slice %arg6[%dma_start3A_117, %dma_start3A_118] : memref<16x80xi32, #tpu.memory_space<vmem>> -> memref<1x80xi32, #tpu.memory_space<vmem>>
      %dma_start3A_120 = tpu.memref_squeeze %dma_start3A_119 : memref<1x80xi32, #tpu.memory_space<vmem>> -> memref<80xi32, #tpu.memory_space<vmem>>
      %dma_start3A_121 = arith.constant 0 : i32
      %dma_start3A_122 = arith.constant 0 : i32
      %dma_start3A_123 = tpu.memref_slice %arg2[%dma_start3A_121, %dma_start3A_122] : memref<10240x128xf32, #tpu.memory_space<hbm>> -> memref<10240x128xf32, #tpu.memory_space<hbm>>
      tpu.enqueue_indirect_dma source(%dma_start3A_123 : memref<10240x128xf32, #tpu.memory_space<hbm>>) target(%arg10 : memref<80x128xf32, #tpu.memory_space<vmem>>) offsets(%dma_start3A_120 : memref<80xi32, #tpu.memory_space<vmem>>) semaphore(%arg15 : memref<!tpu.dma_semaphore, #tpu.memory_space<semaphore_mem>>)
      %dma_wait3A_124 = arith.constant 3 : i32
      %dma_wait3A_125 = arith.constant 0 : i32
      %dma_wait3A_126 = tpu.memref_slice %arg6[%dma_wait3A_124, %dma_wait3A_125] : memref<16x80xi32, #tpu.memory_space<vmem>> -> memref<1x80xi32, #tpu.memory_space<vmem>>
      %dma_wait3A_127 = tpu.memref_squeeze %dma_wait3A_126 : memref<1x80xi32, #tpu.memory_space<vmem>> -> memref<80xi32, #tpu.memory_space<vmem>>
      %dma_wait3A_128 = arith.constant 0 : i32
      %dma_wait3A_129 = arith.constant 0 : i32
      %dma_wait3A_130 = tpu.memref_slice %arg2[%dma_wait3A_128, %dma_wait3A_129] : memref<10240x128xf32, #tpu.memory_space<hbm>> -> memref<10240x128xf32, #tpu.memory_space<hbm>>
      tpu.wait_indirect_dma semaphore(%arg16 : memref<!tpu.dma_semaphore, #tpu.memory_space<semaphore_mem>>) src(%dma_wait3A_130 : memref<10240x128xf32, #tpu.memory_space<hbm>>) dst(%arg11 : memref<80x128xf32, #tpu.memory_space<vmem>>)
      %run_scoped3A_131 = arith.constant 3 : i32
      "tpu.region"() ({
        %run_scoped3A_291 = tpu.sem_alloc : memref<!tpu.dma_semaphore, #tpu.memory_space<semaphore_mem>>
        %dma_start3A_292 = arith.constant 0 : i32
        %dma_start3A_293 = tpu.memref_slice %arg7[%run_scoped3A_131, %dma_start3A_292] : memref<16x80xi32, #tpu.memory_space<vmem>> -> memref<1x80xi32, #tpu.memory_space<vmem>>
        %dma_start3A_294 = tpu.memref_squeeze %dma_start3A_293 : memref<1x80xi32, #tpu.memory_space<vmem>> -> memref<80xi32, #tpu.memory_space<vmem>>
        %dma_start3A_295 = arith.constant 0 : i32
        %dma_start3A_296 = arith.constant 0 : i32
        %dma_start3A_297 = tpu.memref_slice %arg12[%dma_start3A_295, %dma_start3A_296] : memref<10240x128xf32, #tpu.memory_space<vmem_shared>> -> memref<10240x128xf32, #tpu.memory_space<vmem_shared>>
        tpu.enqueue_indirect_dma source(%arg11 : memref<80x128xf32, #tpu.memory_space<vmem>>) target(%dma_start3A_297 : memref<10240x128xf32, #tpu.memory_space<vmem_shared>>) offsets(%dma_start3A_294 : memref<80xi32, #tpu.memory_space<vmem>>) semaphore(%run_scoped3A_291 : memref<!tpu.dma_semaphore, #tpu.memory_space<semaphore_mem>>) {add = true}
        %dma_wait3A_298 = arith.constant 0 : i32
        %dma_wait3A_299 = tpu.memref_slice %arg7[%run_scoped3A_131, %dma_wait3A_298] : memref<16x80xi32, #tpu.memory_space<vmem>> -> memref<1x80xi32, #tpu.memory_space<vmem>>
        %dma_wait3A_300 = tpu.memref_squeeze %dma_wait3A_299 : memref<1x80xi32, #tpu.memory_space<vmem>> -> memref<80xi32, #tpu.memory_space<vmem>>
        %dma_wait3A_301 = arith.constant 0 : i32
        %dma_wait3A_302 = arith.constant 0 : i32
        %dma_wait3A_303 = tpu.memref_slice %arg12[%dma_wait3A_301, %dma_wait3A_302] : memref<10240x128xf32, #tpu.memory_space<vmem_shared>> -> memref<10240x128xf32, #tpu.memory_space<vmem_shared>>
        tpu.wait_indirect_dma semaphore(%run_scoped3A_291 : memref<!tpu.dma_semaphore, #tpu.memory_space<semaphore_mem>>) src(%arg11 : memref<80x128xf32, #tpu.memory_space<vmem>>) dst(%dma_wait3A_303 : memref<10240x128xf32, #tpu.memory_space<vmem_shared>>)
        tpu.yield
      }) : () -> ()
      %dma_start3A_132 = arith.constant 7 : i32
      %dma_start3A_133 = arith.constant 0 : i32
      %dma_start3A_134 = tpu.memref_slice %arg6[%dma_start3A_132, %dma_start3A_133] : memref<16x80xi32, #tpu.memory_space<vmem>> -> memref<1x80xi32, #tpu.memory_space<vmem>>
      %dma_start3A_135 = tpu.memref_squeeze %dma_start3A_134 : memref<1x80xi32, #tpu.memory_space<vmem>> -> memref<80xi32, #tpu.memory_space<vmem>>
      %dma_start3A_136 = arith.constant 0 : i32
      %dma_start3A_137 = arith.constant 0 : i32
      %dma_start3A_138 = tpu.memref_slice %arg2[%dma_start3A_136, %dma_start3A_137] : memref<10240x128xf32, #tpu.memory_space<hbm>> -> memref<10240x128xf32, #tpu.memory_space<hbm>>
      tpu.enqueue_indirect_dma source(%dma_start3A_138 : memref<10240x128xf32, #tpu.memory_space<hbm>>) target(%arg11 : memref<80x128xf32, #tpu.memory_space<vmem>>) offsets(%dma_start3A_135 : memref<80xi32, #tpu.memory_space<vmem>>) semaphore(%arg16 : memref<!tpu.dma_semaphore, #tpu.memory_space<semaphore_mem>>)
      %dma_wait3A_139 = arith.constant 4 : i32
      %dma_wait3A_140 = arith.constant 0 : i32
      %dma_wait3A_141 = tpu.memref_slice %arg6[%dma_wait3A_139, %dma_wait3A_140] : memref<16x80xi32, #tpu.memory_space<vmem>> -> memref<1x80xi32, #tpu.memory_space<vmem>>
      %dma_wait3A_142 = tpu.memref_squeeze %dma_wait3A_141 : memref<1x80xi32, #tpu.memory_space<vmem>> -> memref<80xi32, #tpu.memory_space<vmem>>
      %dma_wait3A_143 = arith.constant 0 : i32
      %dma_wait3A_144 = arith.constant 0 : i32
      %dma_wait3A_145 = tpu.memref_slice %arg2[%dma_wait3A_143, %dma_wait3A_144] : memref<10240x128xf32, #tpu.memory_space<hbm>> -> memref<10240x128xf32, #tpu.memory_space<hbm>>
      tpu.wait_indirect_dma semaphore(%arg13 : memref<!tpu.dma_semaphore, #tpu.memory_space<semaphore_mem>>) src(%dma_wait3A_145 : memref<10240x128xf32, #tpu.memory_space<hbm>>) dst(%arg8 : memref<80x128xf32, #tpu.memory_space<vmem>>)
      %run_scoped3A_146 = arith.constant 4 : i32
      "tpu.region"() ({
        %run_scoped3A_291 = tpu.sem_alloc : memref<!tpu.dma_semaphore, #tpu.memory_space<semaphore_mem>>
        %dma_start3A_292 = arith.constant 0 : i32
        %dma_start3A_293 = tpu.memref_slice %arg7[%run_scoped3A_146, %dma_start3A_292] : memref<16x80xi32, #tpu.memory_space<vmem>> -> memref<1x80xi32, #tpu.memory_space<vmem>>
        %dma_start3A_294 = tpu.memref_squeeze %dma_start3A_293 : memref<1x80xi32, #tpu.memory_space<vmem>> -> memref<80xi32, #tpu.memory_space<vmem>>
        %dma_start3A_295 = arith.constant 0 : i32
        %dma_start3A_296 = arith.constant 0 : i32
        %dma_start3A_297 = tpu.memref_slice %arg12[%dma_start3A_295, %dma_start3A_296] : memref<10240x128xf32, #tpu.memory_space<vmem_shared>> -> memref<10240x128xf32, #tpu.memory_space<vmem_shared>>
        tpu.enqueue_indirect_dma source(%arg8 : memref<80x128xf32, #tpu.memory_space<vmem>>) target(%dma_start3A_297 : memref<10240x128xf32, #tpu.memory_space<vmem_shared>>) offsets(%dma_start3A_294 : memref<80xi32, #tpu.memory_space<vmem>>) semaphore(%run_scoped3A_291 : memref<!tpu.dma_semaphore, #tpu.memory_space<semaphore_mem>>) {add = true}
        %dma_wait3A_298 = arith.constant 0 : i32
        %dma_wait3A_299 = tpu.memref_slice %arg7[%run_scoped3A_146, %dma_wait3A_298] : memref<16x80xi32, #tpu.memory_space<vmem>> -> memref<1x80xi32, #tpu.memory_space<vmem>>
        %dma_wait3A_300 = tpu.memref_squeeze %dma_wait3A_299 : memref<1x80xi32, #tpu.memory_space<vmem>> -> memref<80xi32, #tpu.memory_space<vmem>>
        %dma_wait3A_301 = arith.constant 0 : i32
        %dma_wait3A_302 = arith.constant 0 : i32
        %dma_wait3A_303 = tpu.memref_slice %arg12[%dma_wait3A_301, %dma_wait3A_302] : memref<10240x128xf32, #tpu.memory_space<vmem_shared>> -> memref<10240x128xf32, #tpu.memory_space<vmem_shared>>
        tpu.wait_indirect_dma semaphore(%run_scoped3A_291 : memref<!tpu.dma_semaphore, #tpu.memory_space<semaphore_mem>>) src(%arg8 : memref<80x128xf32, #tpu.memory_space<vmem>>) dst(%dma_wait3A_303 : memref<10240x128xf32, #tpu.memory_space<vmem_shared>>)
        tpu.yield
      }) : () -> ()
      %dma_start3A_147 = arith.constant 8 : i32
      %dma_start3A_148 = arith.constant 0 : i32
      %dma_start3A_149 = tpu.memref_slice %arg6[%dma_start3A_147, %dma_start3A_148] : memref<16x80xi32, #tpu.memory_space<vmem>> -> memref<1x80xi32, #tpu.memory_space<vmem>>
      %dma_start3A_150 = tpu.memref_squeeze %dma_start3A_149 : memref<1x80xi32, #tpu.memory_space<vmem>> -> memref<80xi32, #tpu.memory_space<vmem>>
      %dma_start3A_151 = arith.constant 0 : i32
      %dma_start3A_152 = arith.constant 0 : i32
      %dma_start3A_153 = tpu.memref_slice %arg2[%dma_start3A_151, %dma_start3A_152] : memref<10240x128xf32, #tpu.memory_space<hbm>> -> memref<10240x128xf32, #tpu.memory_space<hbm>>
      tpu.enqueue_indirect_dma source(%dma_start3A_153 : memref<10240x128xf32, #tpu.memory_space<hbm>>) target(%arg8 : memref<80x128xf32, #tpu.memory_space<vmem>>) offsets(%dma_start3A_150 : memref<80xi32, #tpu.memory_space<vmem>>) semaphore(%arg13 : memref<!tpu.dma_semaphore, #tpu.memory_space<semaphore_mem>>)
      %dma_wait3A_154 = arith.constant 5 : i32
      %dma_wait3A_155 = arith.constant 0 : i32
      %dma_wait3A_156 = tpu.memref_slice %arg6[%dma_wait3A_154, %dma_wait3A_155] : memref<16x80xi32, #tpu.memory_space<vmem>> -> memref<1x80xi32, #tpu.memory_space<vmem>>
      %dma_wait3A_157 = tpu.memref_squeeze %dma_wait3A_156 : memref<1x80xi32, #tpu.memory_space<vmem>> -> memref<80xi32, #tpu.memory_space<vmem>>
      %dma_wait3A_158 = arith.constant 0 : i32
      %dma_wait3A_159 = arith.constant 0 : i32
      %dma_wait3A_160 = tpu.memref_slice %arg2[%dma_wait3A_158, %dma_wait3A_159] : memref<10240x128xf32, #tpu.memory_space<hbm>> -> memref<10240x128xf32, #tpu.memory_space<hbm>>
      tpu.wait_indirect_dma semaphore(%arg14 : memref<!tpu.dma_semaphore, #tpu.memory_space<semaphore_mem>>) src(%dma_wait3A_160 : memref<10240x128xf32, #tpu.memory_space<hbm>>) dst(%arg9 : memref<80x128xf32, #tpu.memory_space<vmem>>)
      %run_scoped3A_161 = arith.constant 5 : i32
      "tpu.region"() ({
        %run_scoped3A_291 = tpu.sem_alloc : memref<!tpu.dma_semaphore, #tpu.memory_space<semaphore_mem>>
        %dma_start3A_292 = arith.constant 0 : i32
        %dma_start3A_293 = tpu.memref_slice %arg7[%run_scoped3A_161, %dma_start3A_292] : memref<16x80xi32, #tpu.memory_space<vmem>> -> memref<1x80xi32, #tpu.memory_space<vmem>>
        %dma_start3A_294 = tpu.memref_squeeze %dma_start3A_293 : memref<1x80xi32, #tpu.memory_space<vmem>> -> memref<80xi32, #tpu.memory_space<vmem>>
        %dma_start3A_295 = arith.constant 0 : i32
        %dma_start3A_296 = arith.constant 0 : i32
        %dma_start3A_297 = tpu.memref_slice %arg12[%dma_start3A_295, %dma_start3A_296] : memref<10240x128xf32, #tpu.memory_space<vmem_shared>> -> memref<10240x128xf32, #tpu.memory_space<vmem_shared>>
        tpu.enqueue_indirect_dma source(%arg9 : memref<80x128xf32, #tpu.memory_space<vmem>>) target(%dma_start3A_297 : memref<10240x128xf32, #tpu.memory_space<vmem_shared>>) offsets(%dma_start3A_294 : memref<80xi32, #tpu.memory_space<vmem>>) semaphore(%run_scoped3A_291 : memref<!tpu.dma_semaphore, #tpu.memory_space<semaphore_mem>>) {add = true}
        %dma_wait3A_298 = arith.constant 0 : i32
        %dma_wait3A_299 = tpu.memref_slice %arg7[%run_scoped3A_161, %dma_wait3A_298] : memref<16x80xi32, #tpu.memory_space<vmem>> -> memref<1x80xi32, #tpu.memory_space<vmem>>
        %dma_wait3A_300 = tpu.memref_squeeze %dma_wait3A_299 : memref<1x80xi32, #tpu.memory_space<vmem>> -> memref<80xi32, #tpu.memory_space<vmem>>
        %dma_wait3A_301 = arith.constant 0 : i32
        %dma_wait3A_302 = arith.constant 0 : i32
        %dma_wait3A_303 = tpu.memref_slice %arg12[%dma_wait3A_301, %dma_wait3A_302] : memref<10240x128xf32, #tpu.memory_space<vmem_shared>> -> memref<10240x128xf32, #tpu.memory_space<vmem_shared>>
        tpu.wait_indirect_dma semaphore(%run_scoped3A_291 : memref<!tpu.dma_semaphore, #tpu.memory_space<semaphore_mem>>) src(%arg9 : memref<80x128xf32, #tpu.memory_space<vmem>>) dst(%dma_wait3A_303 : memref<10240x128xf32, #tpu.memory_space<vmem_shared>>)
        tpu.yield
      }) : () -> ()
      %dma_start3A_162 = arith.constant 9 : i32
      %dma_start3A_163 = arith.constant 0 : i32
      %dma_start3A_164 = tpu.memref_slice %arg6[%dma_start3A_162, %dma_start3A_163] : memref<16x80xi32, #tpu.memory_space<vmem>> -> memref<1x80xi32, #tpu.memory_space<vmem>>
      %dma_start3A_165 = tpu.memref_squeeze %dma_start3A_164 : memref<1x80xi32, #tpu.memory_space<vmem>> -> memref<80xi32, #tpu.memory_space<vmem>>
      %dma_start3A_166 = arith.constant 0 : i32
      %dma_start3A_167 = arith.constant 0 : i32
      %dma_start3A_168 = tpu.memref_slice %arg2[%dma_start3A_166, %dma_start3A_167] : memref<10240x128xf32, #tpu.memory_space<hbm>> -> memref<10240x128xf32, #tpu.memory_space<hbm>>
      tpu.enqueue_indirect_dma source(%dma_start3A_168 : memref<10240x128xf32, #tpu.memory_space<hbm>>) target(%arg9 : memref<80x128xf32, #tpu.memory_space<vmem>>) offsets(%dma_start3A_165 : memref<80xi32, #tpu.memory_space<vmem>>) semaphore(%arg14 : memref<!tpu.dma_semaphore, #tpu.memory_space<semaphore_mem>>)
      %dma_wait3A_169 = arith.constant 6 : i32
      %dma_wait3A_170 = arith.constant 0 : i32
      %dma_wait3A_171 = tpu.memref_slice %arg6[%dma_wait3A_169, %dma_wait3A_170] : memref<16x80xi32, #tpu.memory_space<vmem>> -> memref<1x80xi32, #tpu.memory_space<vmem>>
      %dma_wait3A_172 = tpu.memref_squeeze %dma_wait3A_171 : memref<1x80xi32, #tpu.memory_space<vmem>> -> memref<80xi32, #tpu.memory_space<vmem>>
      %dma_wait3A_173 = arith.constant 0 : i32
      %dma_wait3A_174 = arith.constant 0 : i32
      %dma_wait3A_175 = tpu.memref_slice %arg2[%dma_wait3A_173, %dma_wait3A_174] : memref<10240x128xf32, #tpu.memory_space<hbm>> -> memref<10240x128xf32, #tpu.memory_space<hbm>>
      tpu.wait_indirect_dma semaphore(%arg15 : memref<!tpu.dma_semaphore, #tpu.memory_space<semaphore_mem>>) src(%dma_wait3A_175 : memref<10240x128xf32, #tpu.memory_space<hbm>>) dst(%arg10 : memref<80x128xf32, #tpu.memory_space<vmem>>)
      %run_scoped3A_176 = arith.constant 6 : i32
      "tpu.region"() ({
        %run_scoped3A_291 = tpu.sem_alloc : memref<!tpu.dma_semaphore, #tpu.memory_space<semaphore_mem>>
        %dma_start3A_292 = arith.constant 0 : i32
        %dma_start3A_293 = tpu.memref_slice %arg7[%run_scoped3A_176, %dma_start3A_292] : memref<16x80xi32, #tpu.memory_space<vmem>> -> memref<1x80xi32, #tpu.memory_space<vmem>>
        %dma_start3A_294 = tpu.memref_squeeze %dma_start3A_293 : memref<1x80xi32, #tpu.memory_space<vmem>> -> memref<80xi32, #tpu.memory_space<vmem>>
        %dma_start3A_295 = arith.constant 0 : i32
        %dma_start3A_296 = arith.constant 0 : i32
        %dma_start3A_297 = tpu.memref_slice %arg12[%dma_start3A_295, %dma_start3A_296] : memref<10240x128xf32, #tpu.memory_space<vmem_shared>> -> memref<10240x128xf32, #tpu.memory_space<vmem_shared>>
        tpu.enqueue_indirect_dma source(%arg10 : memref<80x128xf32, #tpu.memory_space<vmem>>) target(%dma_start3A_297 : memref<10240x128xf32, #tpu.memory_space<vmem_shared>>) offsets(%dma_start3A_294 : memref<80xi32, #tpu.memory_space<vmem>>) semaphore(%run_scoped3A_291 : memref<!tpu.dma_semaphore, #tpu.memory_space<semaphore_mem>>) {add = true}
        %dma_wait3A_298 = arith.constant 0 : i32
        %dma_wait3A_299 = tpu.memref_slice %arg7[%run_scoped3A_176, %dma_wait3A_298] : memref<16x80xi32, #tpu.memory_space<vmem>> -> memref<1x80xi32, #tpu.memory_space<vmem>>
        %dma_wait3A_300 = tpu.memref_squeeze %dma_wait3A_299 : memref<1x80xi32, #tpu.memory_space<vmem>> -> memref<80xi32, #tpu.memory_space<vmem>>
        %dma_wait3A_301 = arith.constant 0 : i32
        %dma_wait3A_302 = arith.constant 0 : i32
        %dma_wait3A_303 = tpu.memref_slice %arg12[%dma_wait3A_301, %dma_wait3A_302] : memref<10240x128xf32, #tpu.memory_space<vmem_shared>> -> memref<10240x128xf32, #tpu.memory_space<vmem_shared>>
        tpu.wait_indirect_dma semaphore(%run_scoped3A_291 : memref<!tpu.dma_semaphore, #tpu.memory_space<semaphore_mem>>) src(%arg10 : memref<80x128xf32, #tpu.memory_space<vmem>>) dst(%dma_wait3A_303 : memref<10240x128xf32, #tpu.memory_space<vmem_shared>>)
        tpu.yield
      }) : () -> ()
      %dma_start3A_177 = arith.constant 10 : i32
      %dma_start3A_178 = arith.constant 0 : i32
      %dma_start3A_179 = tpu.memref_slice %arg6[%dma_start3A_177, %dma_start3A_178] : memref<16x80xi32, #tpu.memory_space<vmem>> -> memref<1x80xi32, #tpu.memory_space<vmem>>
      %dma_start3A_180 = tpu.memref_squeeze %dma_start3A_179 : memref<1x80xi32, #tpu.memory_space<vmem>> -> memref<80xi32, #tpu.memory_space<vmem>>
      %dma_start3A_181 = arith.constant 0 : i32
      %dma_start3A_182 = arith.constant 0 : i32
      %dma_start3A_183 = tpu.memref_slice %arg2[%dma_start3A_181, %dma_start3A_182] : memref<10240x128xf32, #tpu.memory_space<hbm>> -> memref<10240x128xf32, #tpu.memory_space<hbm>>
      tpu.enqueue_indirect_dma source(%dma_start3A_183 : memref<10240x128xf32, #tpu.memory_space<hbm>>) target(%arg10 : memref<80x128xf32, #tpu.memory_space<vmem>>) offsets(%dma_start3A_180 : memref<80xi32, #tpu.memory_space<vmem>>) semaphore(%arg15 : memref<!tpu.dma_semaphore, #tpu.memory_space<semaphore_mem>>)
      %dma_wait3A_184 = arith.constant 7 : i32
      %dma_wait3A_185 = arith.constant 0 : i32
      %dma_wait3A_186 = tpu.memref_slice %arg6[%dma_wait3A_184, %dma_wait3A_185] : memref<16x80xi32, #tpu.memory_space<vmem>> -> memref<1x80xi32, #tpu.memory_space<vmem>>
      %dma_wait3A_187 = tpu.memref_squeeze %dma_wait3A_186 : memref<1x80xi32, #tpu.memory_space<vmem>> -> memref<80xi32, #tpu.memory_space<vmem>>
      %dma_wait3A_188 = arith.constant 0 : i32
      %dma_wait3A_189 = arith.constant 0 : i32
      %dma_wait3A_190 = tpu.memref_slice %arg2[%dma_wait3A_188, %dma_wait3A_189] : memref<10240x128xf32, #tpu.memory_space<hbm>> -> memref<10240x128xf32, #tpu.memory_space<hbm>>
      tpu.wait_indirect_dma semaphore(%arg16 : memref<!tpu.dma_semaphore, #tpu.memory_space<semaphore_mem>>) src(%dma_wait3A_190 : memref<10240x128xf32, #tpu.memory_space<hbm>>) dst(%arg11 : memref<80x128xf32, #tpu.memory_space<vmem>>)
      %run_scoped3A_191 = arith.constant 7 : i32
      "tpu.region"() ({
        %run_scoped3A_291 = tpu.sem_alloc : memref<!tpu.dma_semaphore, #tpu.memory_space<semaphore_mem>>
        %dma_start3A_292 = arith.constant 0 : i32
        %dma_start3A_293 = tpu.memref_slice %arg7[%run_scoped3A_191, %dma_start3A_292] : memref<16x80xi32, #tpu.memory_space<vmem>> -> memref<1x80xi32, #tpu.memory_space<vmem>>
        %dma_start3A_294 = tpu.memref_squeeze %dma_start3A_293 : memref<1x80xi32, #tpu.memory_space<vmem>> -> memref<80xi32, #tpu.memory_space<vmem>>
        %dma_start3A_295 = arith.constant 0 : i32
        %dma_start3A_296 = arith.constant 0 : i32
        %dma_start3A_297 = tpu.memref_slice %arg12[%dma_start3A_295, %dma_start3A_296] : memref<10240x128xf32, #tpu.memory_space<vmem_shared>> -> memref<10240x128xf32, #tpu.memory_space<vmem_shared>>
        tpu.enqueue_indirect_dma source(%arg11 : memref<80x128xf32, #tpu.memory_space<vmem>>) target(%dma_start3A_297 : memref<10240x128xf32, #tpu.memory_space<vmem_shared>>) offsets(%dma_start3A_294 : memref<80xi32, #tpu.memory_space<vmem>>) semaphore(%run_scoped3A_291 : memref<!tpu.dma_semaphore, #tpu.memory_space<semaphore_mem>>) {add = true}
        %dma_wait3A_298 = arith.constant 0 : i32
        %dma_wait3A_299 = tpu.memref_slice %arg7[%run_scoped3A_191, %dma_wait3A_298] : memref<16x80xi32, #tpu.memory_space<vmem>> -> memref<1x80xi32, #tpu.memory_space<vmem>>
        %dma_wait3A_300 = tpu.memref_squeeze %dma_wait3A_299 : memref<1x80xi32, #tpu.memory_space<vmem>> -> memref<80xi32, #tpu.memory_space<vmem>>
        %dma_wait3A_301 = arith.constant 0 : i32
        %dma_wait3A_302 = arith.constant 0 : i32
        %dma_wait3A_303 = tpu.memref_slice %arg12[%dma_wait3A_301, %dma_wait3A_302] : memref<10240x128xf32, #tpu.memory_space<vmem_shared>> -> memref<10240x128xf32, #tpu.memory_space<vmem_shared>>
        tpu.wait_indirect_dma semaphore(%run_scoped3A_291 : memref<!tpu.dma_semaphore, #tpu.memory_space<semaphore_mem>>) src(%arg11 : memref<80x128xf32, #tpu.memory_space<vmem>>) dst(%dma_wait3A_303 : memref<10240x128xf32, #tpu.memory_space<vmem_shared>>)
        tpu.yield
      }) : () -> ()
      %dma_start3A_192 = arith.constant 11 : i32
      %dma_start3A_193 = arith.constant 0 : i32
      %dma_start3A_194 = tpu.memref_slice %arg6[%dma_start3A_192, %dma_start3A_193] : memref<16x80xi32, #tpu.memory_space<vmem>> -> memref<1x80xi32, #tpu.memory_space<vmem>>
      %dma_start3A_195 = tpu.memref_squeeze %dma_start3A_194 : memref<1x80xi32, #tpu.memory_space<vmem>> -> memref<80xi32, #tpu.memory_space<vmem>>
      %dma_start3A_196 = arith.constant 0 : i32
      %dma_start3A_197 = arith.constant 0 : i32
      %dma_start3A_198 = tpu.memref_slice %arg2[%dma_start3A_196, %dma_start3A_197] : memref<10240x128xf32, #tpu.memory_space<hbm>> -> memref<10240x128xf32, #tpu.memory_space<hbm>>
      tpu.enqueue_indirect_dma source(%dma_start3A_198 : memref<10240x128xf32, #tpu.memory_space<hbm>>) target(%arg11 : memref<80x128xf32, #tpu.memory_space<vmem>>) offsets(%dma_start3A_195 : memref<80xi32, #tpu.memory_space<vmem>>) semaphore(%arg16 : memref<!tpu.dma_semaphore, #tpu.memory_space<semaphore_mem>>)
      %dma_wait3A_199 = arith.constant 8 : i32
      %dma_wait3A_200 = arith.constant 0 : i32
      %dma_wait3A_201 = tpu.memref_slice %arg6[%dma_wait3A_199, %dma_wait3A_200] : memref<16x80xi32, #tpu.memory_space<vmem>> -> memref<1x80xi32, #tpu.memory_space<vmem>>
      %dma_wait3A_202 = tpu.memref_squeeze %dma_wait3A_201 : memref<1x80xi32, #tpu.memory_space<vmem>> -> memref<80xi32, #tpu.memory_space<vmem>>
      %dma_wait3A_203 = arith.constant 0 : i32
      %dma_wait3A_204 = arith.constant 0 : i32
      %dma_wait3A_205 = tpu.memref_slice %arg2[%dma_wait3A_203, %dma_wait3A_204] : memref<10240x128xf32, #tpu.memory_space<hbm>> -> memref<10240x128xf32, #tpu.memory_space<hbm>>
      tpu.wait_indirect_dma semaphore(%arg13 : memref<!tpu.dma_semaphore, #tpu.memory_space<semaphore_mem>>) src(%dma_wait3A_205 : memref<10240x128xf32, #tpu.memory_space<hbm>>) dst(%arg8 : memref<80x128xf32, #tpu.memory_space<vmem>>)
      %run_scoped3A_206 = arith.constant 8 : i32
      "tpu.region"() ({
        %run_scoped3A_291 = tpu.sem_alloc : memref<!tpu.dma_semaphore, #tpu.memory_space<semaphore_mem>>
        %dma_start3A_292 = arith.constant 0 : i32
        %dma_start3A_293 = tpu.memref_slice %arg7[%run_scoped3A_206, %dma_start3A_292] : memref<16x80xi32, #tpu.memory_space<vmem>> -> memref<1x80xi32, #tpu.memory_space<vmem>>
        %dma_start3A_294 = tpu.memref_squeeze %dma_start3A_293 : memref<1x80xi32, #tpu.memory_space<vmem>> -> memref<80xi32, #tpu.memory_space<vmem>>
        %dma_start3A_295 = arith.constant 0 : i32
        %dma_start3A_296 = arith.constant 0 : i32
        %dma_start3A_297 = tpu.memref_slice %arg12[%dma_start3A_295, %dma_start3A_296] : memref<10240x128xf32, #tpu.memory_space<vmem_shared>> -> memref<10240x128xf32, #tpu.memory_space<vmem_shared>>
        tpu.enqueue_indirect_dma source(%arg8 : memref<80x128xf32, #tpu.memory_space<vmem>>) target(%dma_start3A_297 : memref<10240x128xf32, #tpu.memory_space<vmem_shared>>) offsets(%dma_start3A_294 : memref<80xi32, #tpu.memory_space<vmem>>) semaphore(%run_scoped3A_291 : memref<!tpu.dma_semaphore, #tpu.memory_space<semaphore_mem>>) {add = true}
        %dma_wait3A_298 = arith.constant 0 : i32
        %dma_wait3A_299 = tpu.memref_slice %arg7[%run_scoped3A_206, %dma_wait3A_298] : memref<16x80xi32, #tpu.memory_space<vmem>> -> memref<1x80xi32, #tpu.memory_space<vmem>>
        %dma_wait3A_300 = tpu.memref_squeeze %dma_wait3A_299 : memref<1x80xi32, #tpu.memory_space<vmem>> -> memref<80xi32, #tpu.memory_space<vmem>>
        %dma_wait3A_301 = arith.constant 0 : i32
        %dma_wait3A_302 = arith.constant 0 : i32
        %dma_wait3A_303 = tpu.memref_slice %arg12[%dma_wait3A_301, %dma_wait3A_302] : memref<10240x128xf32, #tpu.memory_space<vmem_shared>> -> memref<10240x128xf32, #tpu.memory_space<vmem_shared>>
        tpu.wait_indirect_dma semaphore(%run_scoped3A_291 : memref<!tpu.dma_semaphore, #tpu.memory_space<semaphore_mem>>) src(%arg8 : memref<80x128xf32, #tpu.memory_space<vmem>>) dst(%dma_wait3A_303 : memref<10240x128xf32, #tpu.memory_space<vmem_shared>>)
        tpu.yield
      }) : () -> ()
      %dma_start3A_207 = arith.constant 12 : i32
      %dma_start3A_208 = arith.constant 0 : i32
      %dma_start3A_209 = tpu.memref_slice %arg6[%dma_start3A_207, %dma_start3A_208] : memref<16x80xi32, #tpu.memory_space<vmem>> -> memref<1x80xi32, #tpu.memory_space<vmem>>
      %dma_start3A_210 = tpu.memref_squeeze %dma_start3A_209 : memref<1x80xi32, #tpu.memory_space<vmem>> -> memref<80xi32, #tpu.memory_space<vmem>>
      %dma_start3A_211 = arith.constant 0 : i32
      %dma_start3A_212 = arith.constant 0 : i32
      %dma_start3A_213 = tpu.memref_slice %arg2[%dma_start3A_211, %dma_start3A_212] : memref<10240x128xf32, #tpu.memory_space<hbm>> -> memref<10240x128xf32, #tpu.memory_space<hbm>>
      tpu.enqueue_indirect_dma source(%dma_start3A_213 : memref<10240x128xf32, #tpu.memory_space<hbm>>) target(%arg8 : memref<80x128xf32, #tpu.memory_space<vmem>>) offsets(%dma_start3A_210 : memref<80xi32, #tpu.memory_space<vmem>>) semaphore(%arg13 : memref<!tpu.dma_semaphore, #tpu.memory_space<semaphore_mem>>)
      %dma_wait3A_214 = arith.constant 9 : i32
      %dma_wait3A_215 = arith.constant 0 : i32
      %dma_wait3A_216 = tpu.memref_slice %arg6[%dma_wait3A_214, %dma_wait3A_215] : memref<16x80xi32, #tpu.memory_space<vmem>> -> memref<1x80xi32, #tpu.memory_space<vmem>>
      %dma_wait3A_217 = tpu.memref_squeeze %dma_wait3A_216 : memref<1x80xi32, #tpu.memory_space<vmem>> -> memref<80xi32, #tpu.memory_space<vmem>>
      %dma_wait3A_218 = arith.constant 0 : i32
      %dma_wait3A_219 = arith.constant 0 : i32
      %dma_wait3A_220 = tpu.memref_slice %arg2[%dma_wait3A_218, %dma_wait3A_219] : memref<10240x128xf32, #tpu.memory_space<hbm>> -> memref<10240x128xf32, #tpu.memory_space<hbm>>
      tpu.wait_indirect_dma semaphore(%arg14 : memref<!tpu.dma_semaphore, #tpu.memory_space<semaphore_mem>>) src(%dma_wait3A_220 : memref<10240x128xf32, #tpu.memory_space<hbm>>) dst(%arg9 : memref<80x128xf32, #tpu.memory_space<vmem>>)
      %run_scoped3A_221 = arith.constant 9 : i32
      "tpu.region"() ({
        %run_scoped3A_291 = tpu.sem_alloc : memref<!tpu.dma_semaphore, #tpu.memory_space<semaphore_mem>>
        %dma_start3A_292 = arith.constant 0 : i32
        %dma_start3A_293 = tpu.memref_slice %arg7[%run_scoped3A_221, %dma_start3A_292] : memref<16x80xi32, #tpu.memory_space<vmem>> -> memref<1x80xi32, #tpu.memory_space<vmem>>
        %dma_start3A_294 = tpu.memref_squeeze %dma_start3A_293 : memref<1x80xi32, #tpu.memory_space<vmem>> -> memref<80xi32, #tpu.memory_space<vmem>>
        %dma_start3A_295 = arith.constant 0 : i32
        %dma_start3A_296 = arith.constant 0 : i32
        %dma_start3A_297 = tpu.memref_slice %arg12[%dma_start3A_295, %dma_start3A_296] : memref<10240x128xf32, #tpu.memory_space<vmem_shared>> -> memref<10240x128xf32, #tpu.memory_space<vmem_shared>>
        tpu.enqueue_indirect_dma source(%arg9 : memref<80x128xf32, #tpu.memory_space<vmem>>) target(%dma_start3A_297 : memref<10240x128xf32, #tpu.memory_space<vmem_shared>>) offsets(%dma_start3A_294 : memref<80xi32, #tpu.memory_space<vmem>>) semaphore(%run_scoped3A_291 : memref<!tpu.dma_semaphore, #tpu.memory_space<semaphore_mem>>) {add = true}
        %dma_wait3A_298 = arith.constant 0 : i32
        %dma_wait3A_299 = tpu.memref_slice %arg7[%run_scoped3A_221, %dma_wait3A_298] : memref<16x80xi32, #tpu.memory_space<vmem>> -> memref<1x80xi32, #tpu.memory_space<vmem>>
        %dma_wait3A_300 = tpu.memref_squeeze %dma_wait3A_299 : memref<1x80xi32, #tpu.memory_space<vmem>> -> memref<80xi32, #tpu.memory_space<vmem>>
        %dma_wait3A_301 = arith.constant 0 : i32
        %dma_wait3A_302 = arith.constant 0 : i32
        %dma_wait3A_303 = tpu.memref_slice %arg12[%dma_wait3A_301, %dma_wait3A_302] : memref<10240x128xf32, #tpu.memory_space<vmem_shared>> -> memref<10240x128xf32, #tpu.memory_space<vmem_shared>>
        tpu.wait_indirect_dma semaphore(%run_scoped3A_291 : memref<!tpu.dma_semaphore, #tpu.memory_space<semaphore_mem>>) src(%arg9 : memref<80x128xf32, #tpu.memory_space<vmem>>) dst(%dma_wait3A_303 : memref<10240x128xf32, #tpu.memory_space<vmem_shared>>)
        tpu.yield
      }) : () -> ()
      %dma_start3A_222 = arith.constant 13 : i32
      %dma_start3A_223 = arith.constant 0 : i32
      %dma_start3A_224 = tpu.memref_slice %arg6[%dma_start3A_222, %dma_start3A_223] : memref<16x80xi32, #tpu.memory_space<vmem>> -> memref<1x80xi32, #tpu.memory_space<vmem>>
      %dma_start3A_225 = tpu.memref_squeeze %dma_start3A_224 : memref<1x80xi32, #tpu.memory_space<vmem>> -> memref<80xi32, #tpu.memory_space<vmem>>
      %dma_start3A_226 = arith.constant 0 : i32
      %dma_start3A_227 = arith.constant 0 : i32
      %dma_start3A_228 = tpu.memref_slice %arg2[%dma_start3A_226, %dma_start3A_227] : memref<10240x128xf32, #tpu.memory_space<hbm>> -> memref<10240x128xf32, #tpu.memory_space<hbm>>
      tpu.enqueue_indirect_dma source(%dma_start3A_228 : memref<10240x128xf32, #tpu.memory_space<hbm>>) target(%arg9 : memref<80x128xf32, #tpu.memory_space<vmem>>) offsets(%dma_start3A_225 : memref<80xi32, #tpu.memory_space<vmem>>) semaphore(%arg14 : memref<!tpu.dma_semaphore, #tpu.memory_space<semaphore_mem>>)
      %dma_wait3A_229 = arith.constant 10 : i32
      %dma_wait3A_230 = arith.constant 0 : i32
      %dma_wait3A_231 = tpu.memref_slice %arg6[%dma_wait3A_229, %dma_wait3A_230] : memref<16x80xi32, #tpu.memory_space<vmem>> -> memref<1x80xi32, #tpu.memory_space<vmem>>
      %dma_wait3A_232 = tpu.memref_squeeze %dma_wait3A_231 : memref<1x80xi32, #tpu.memory_space<vmem>> -> memref<80xi32, #tpu.memory_space<vmem>>
      %dma_wait3A_233 = arith.constant 0 : i32
      %dma_wait3A_234 = arith.constant 0 : i32
      %dma_wait3A_235 = tpu.memref_slice %arg2[%dma_wait3A_233, %dma_wait3A_234] : memref<10240x128xf32, #tpu.memory_space<hbm>> -> memref<10240x128xf32, #tpu.memory_space<hbm>>
      tpu.wait_indirect_dma semaphore(%arg15 : memref<!tpu.dma_semaphore, #tpu.memory_space<semaphore_mem>>) src(%dma_wait3A_235 : memref<10240x128xf32, #tpu.memory_space<hbm>>) dst(%arg10 : memref<80x128xf32, #tpu.memory_space<vmem>>)
      %run_scoped3A_236 = arith.constant 10 : i32
      "tpu.region"() ({
        %run_scoped3A_291 = tpu.sem_alloc : memref<!tpu.dma_semaphore, #tpu.memory_space<semaphore_mem>>
        %dma_start3A_292 = arith.constant 0 : i32
        %dma_start3A_293 = tpu.memref_slice %arg7[%run_scoped3A_236, %dma_start3A_292] : memref<16x80xi32, #tpu.memory_space<vmem>> -> memref<1x80xi32, #tpu.memory_space<vmem>>
        %dma_start3A_294 = tpu.memref_squeeze %dma_start3A_293 : memref<1x80xi32, #tpu.memory_space<vmem>> -> memref<80xi32, #tpu.memory_space<vmem>>
        %dma_start3A_295 = arith.constant 0 : i32
        %dma_start3A_296 = arith.constant 0 : i32
        %dma_start3A_297 = tpu.memref_slice %arg12[%dma_start3A_295, %dma_start3A_296] : memref<10240x128xf32, #tpu.memory_space<vmem_shared>> -> memref<10240x128xf32, #tpu.memory_space<vmem_shared>>
        tpu.enqueue_indirect_dma source(%arg10 : memref<80x128xf32, #tpu.memory_space<vmem>>) target(%dma_start3A_297 : memref<10240x128xf32, #tpu.memory_space<vmem_shared>>) offsets(%dma_start3A_294 : memref<80xi32, #tpu.memory_space<vmem>>) semaphore(%run_scoped3A_291 : memref<!tpu.dma_semaphore, #tpu.memory_space<semaphore_mem>>) {add = true}
        %dma_wait3A_298 = arith.constant 0 : i32
        %dma_wait3A_299 = tpu.memref_slice %arg7[%run_scoped3A_236, %dma_wait3A_298] : memref<16x80xi32, #tpu.memory_space<vmem>> -> memref<1x80xi32, #tpu.memory_space<vmem>>
        %dma_wait3A_300 = tpu.memref_squeeze %dma_wait3A_299 : memref<1x80xi32, #tpu.memory_space<vmem>> -> memref<80xi32, #tpu.memory_space<vmem>>
        %dma_wait3A_301 = arith.constant 0 : i32
        %dma_wait3A_302 = arith.constant 0 : i32
        %dma_wait3A_303 = tpu.memref_slice %arg12[%dma_wait3A_301, %dma_wait3A_302] : memref<10240x128xf32, #tpu.memory_space<vmem_shared>> -> memref<10240x128xf32, #tpu.memory_space<vmem_shared>>
        tpu.wait_indirect_dma semaphore(%run_scoped3A_291 : memref<!tpu.dma_semaphore, #tpu.memory_space<semaphore_mem>>) src(%arg10 : memref<80x128xf32, #tpu.memory_space<vmem>>) dst(%dma_wait3A_303 : memref<10240x128xf32, #tpu.memory_space<vmem_shared>>)
        tpu.yield
      }) : () -> ()
      %dma_start3A_237 = arith.constant 14 : i32
      %dma_start3A_238 = arith.constant 0 : i32
      %dma_start3A_239 = tpu.memref_slice %arg6[%dma_start3A_237, %dma_start3A_238] : memref<16x80xi32, #tpu.memory_space<vmem>> -> memref<1x80xi32, #tpu.memory_space<vmem>>
      %dma_start3A_240 = tpu.memref_squeeze %dma_start3A_239 : memref<1x80xi32, #tpu.memory_space<vmem>> -> memref<80xi32, #tpu.memory_space<vmem>>
      %dma_start3A_241 = arith.constant 0 : i32
      %dma_start3A_242 = arith.constant 0 : i32
      %dma_start3A_243 = tpu.memref_slice %arg2[%dma_start3A_241, %dma_start3A_242] : memref<10240x128xf32, #tpu.memory_space<hbm>> -> memref<10240x128xf32, #tpu.memory_space<hbm>>
      tpu.enqueue_indirect_dma source(%dma_start3A_243 : memref<10240x128xf32, #tpu.memory_space<hbm>>) target(%arg10 : memref<80x128xf32, #tpu.memory_space<vmem>>) offsets(%dma_start3A_240 : memref<80xi32, #tpu.memory_space<vmem>>) semaphore(%arg15 : memref<!tpu.dma_semaphore, #tpu.memory_space<semaphore_mem>>)
      %dma_wait3A_244 = arith.constant 11 : i32
      %dma_wait3A_245 = arith.constant 0 : i32
      %dma_wait3A_246 = tpu.memref_slice %arg6[%dma_wait3A_244, %dma_wait3A_245] : memref<16x80xi32, #tpu.memory_space<vmem>> -> memref<1x80xi32, #tpu.memory_space<vmem>>
      %dma_wait3A_247 = tpu.memref_squeeze %dma_wait3A_246 : memref<1x80xi32, #tpu.memory_space<vmem>> -> memref<80xi32, #tpu.memory_space<vmem>>
      %dma_wait3A_248 = arith.constant 0 : i32
      %dma_wait3A_249 = arith.constant 0 : i32
      %dma_wait3A_250 = tpu.memref_slice %arg2[%dma_wait3A_248, %dma_wait3A_249] : memref<10240x128xf32, #tpu.memory_space<hbm>> -> memref<10240x128xf32, #tpu.memory_space<hbm>>
      tpu.wait_indirect_dma semaphore(%arg16 : memref<!tpu.dma_semaphore, #tpu.memory_space<semaphore_mem>>) src(%dma_wait3A_250 : memref<10240x128xf32, #tpu.memory_space<hbm>>) dst(%arg11 : memref<80x128xf32, #tpu.memory_space<vmem>>)
      %run_scoped3A_251 = arith.constant 11 : i32
      "tpu.region"() ({
        %run_scoped3A_291 = tpu.sem_alloc : memref<!tpu.dma_semaphore, #tpu.memory_space<semaphore_mem>>
        %dma_start3A_292 = arith.constant 0 : i32
        %dma_start3A_293 = tpu.memref_slice %arg7[%run_scoped3A_251, %dma_start3A_292] : memref<16x80xi32, #tpu.memory_space<vmem>> -> memref<1x80xi32, #tpu.memory_space<vmem>>
        %dma_start3A_294 = tpu.memref_squeeze %dma_start3A_293 : memref<1x80xi32, #tpu.memory_space<vmem>> -> memref<80xi32, #tpu.memory_space<vmem>>
        %dma_start3A_295 = arith.constant 0 : i32
        %dma_start3A_296 = arith.constant 0 : i32
        %dma_start3A_297 = tpu.memref_slice %arg12[%dma_start3A_295, %dma_start3A_296] : memref<10240x128xf32, #tpu.memory_space<vmem_shared>> -> memref<10240x128xf32, #tpu.memory_space<vmem_shared>>
        tpu.enqueue_indirect_dma source(%arg11 : memref<80x128xf32, #tpu.memory_space<vmem>>) target(%dma_start3A_297 : memref<10240x128xf32, #tpu.memory_space<vmem_shared>>) offsets(%dma_start3A_294 : memref<80xi32, #tpu.memory_space<vmem>>) semaphore(%run_scoped3A_291 : memref<!tpu.dma_semaphore, #tpu.memory_space<semaphore_mem>>) {add = true}
        %dma_wait3A_298 = arith.constant 0 : i32
        %dma_wait3A_299 = tpu.memref_slice %arg7[%run_scoped3A_251, %dma_wait3A_298] : memref<16x80xi32, #tpu.memory_space<vmem>> -> memref<1x80xi32, #tpu.memory_space<vmem>>
        %dma_wait3A_300 = tpu.memref_squeeze %dma_wait3A_299 : memref<1x80xi32, #tpu.memory_space<vmem>> -> memref<80xi32, #tpu.memory_space<vmem>>
        %dma_wait3A_301 = arith.constant 0 : i32
        %dma_wait3A_302 = arith.constant 0 : i32
        %dma_wait3A_303 = tpu.memref_slice %arg12[%dma_wait3A_301, %dma_wait3A_302] : memref<10240x128xf32, #tpu.memory_space<vmem_shared>> -> memref<10240x128xf32, #tpu.memory_space<vmem_shared>>
        tpu.wait_indirect_dma semaphore(%run_scoped3A_291 : memref<!tpu.dma_semaphore, #tpu.memory_space<semaphore_mem>>) src(%arg11 : memref<80x128xf32, #tpu.memory_space<vmem>>) dst(%dma_wait3A_303 : memref<10240x128xf32, #tpu.memory_space<vmem_shared>>)
        tpu.yield
      }) : () -> ()
      %dma_start3A_252 = arith.constant 15 : i32
      %dma_start3A_253 = arith.constant 0 : i32
      %dma_start3A_254 = tpu.memref_slice %arg6[%dma_start3A_252, %dma_start3A_253] : memref<16x80xi32, #tpu.memory_space<vmem>> -> memref<1x80xi32, #tpu.memory_space<vmem>>
      %dma_start3A_255 = tpu.memref_squeeze %dma_start3A_254 : memref<1x80xi32, #tpu.memory_space<vmem>> -> memref<80xi32, #tpu.memory_space<vmem>>
      %dma_start3A_256 = arith.constant 0 : i32
      %dma_start3A_257 = arith.constant 0 : i32
      %dma_start3A_258 = tpu.memref_slice %arg2[%dma_start3A_256, %dma_start3A_257] : memref<10240x128xf32, #tpu.memory_space<hbm>> -> memref<10240x128xf32, #tpu.memory_space<hbm>>
      tpu.enqueue_indirect_dma source(%dma_start3A_258 : memref<10240x128xf32, #tpu.memory_space<hbm>>) target(%arg11 : memref<80x128xf32, #tpu.memory_space<vmem>>) offsets(%dma_start3A_255 : memref<80xi32, #tpu.memory_space<vmem>>) semaphore(%arg16 : memref<!tpu.dma_semaphore, #tpu.memory_space<semaphore_mem>>)
      %dma_wait3A_259 = arith.constant 12 : i32
      %dma_wait3A_260 = arith.constant 0 : i32
      %dma_wait3A_261 = tpu.memref_slice %arg6[%dma_wait3A_259, %dma_wait3A_260] : memref<16x80xi32, #tpu.memory_space<vmem>> -> memref<1x80xi32, #tpu.memory_space<vmem>>
      %dma_wait3A_262 = tpu.memref_squeeze %dma_wait3A_261 : memref<1x80xi32, #tpu.memory_space<vmem>> -> memref<80xi32, #tpu.memory_space<vmem>>
      %dma_wait3A_263 = arith.constant 0 : i32
      %dma_wait3A_264 = arith.constant 0 : i32
      %dma_wait3A_265 = tpu.memref_slice %arg2[%dma_wait3A_263, %dma_wait3A_264] : memref<10240x128xf32, #tpu.memory_space<hbm>> -> memref<10240x128xf32, #tpu.memory_space<hbm>>
      tpu.wait_indirect_dma semaphore(%arg13 : memref<!tpu.dma_semaphore, #tpu.memory_space<semaphore_mem>>) src(%dma_wait3A_265 : memref<10240x128xf32, #tpu.memory_space<hbm>>) dst(%arg8 : memref<80x128xf32, #tpu.memory_space<vmem>>)
      %run_scoped3A_266 = arith.constant 12 : i32
      "tpu.region"() ({
        %run_scoped3A_291 = tpu.sem_alloc : memref<!tpu.dma_semaphore, #tpu.memory_space<semaphore_mem>>
        %dma_start3A_292 = arith.constant 0 : i32
        %dma_start3A_293 = tpu.memref_slice %arg7[%run_scoped3A_266, %dma_start3A_292] : memref<16x80xi32, #tpu.memory_space<vmem>> -> memref<1x80xi32, #tpu.memory_space<vmem>>
        %dma_start3A_294 = tpu.memref_squeeze %dma_start3A_293 : memref<1x80xi32, #tpu.memory_space<vmem>> -> memref<80xi32, #tpu.memory_space<vmem>>
        %dma_start3A_295 = arith.constant 0 : i32
        %dma_start3A_296 = arith.constant 0 : i32
        %dma_start3A_297 = tpu.memref_slice %arg12[%dma_start3A_295, %dma_start3A_296] : memref<10240x128xf32, #tpu.memory_space<vmem_shared>> -> memref<10240x128xf32, #tpu.memory_space<vmem_shared>>
        tpu.enqueue_indirect_dma source(%arg8 : memref<80x128xf32, #tpu.memory_space<vmem>>) target(%dma_start3A_297 : memref<10240x128xf32, #tpu.memory_space<vmem_shared>>) offsets(%dma_start3A_294 : memref<80xi32, #tpu.memory_space<vmem>>) semaphore(%run_scoped3A_291 : memref<!tpu.dma_semaphore, #tpu.memory_space<semaphore_mem>>) {add = true}
        %dma_wait3A_298 = arith.constant 0 : i32
        %dma_wait3A_299 = tpu.memref_slice %arg7[%run_scoped3A_266, %dma_wait3A_298] : memref<16x80xi32, #tpu.memory_space<vmem>> -> memref<1x80xi32, #tpu.memory_space<vmem>>
        %dma_wait3A_300 = tpu.memref_squeeze %dma_wait3A_299 : memref<1x80xi32, #tpu.memory_space<vmem>> -> memref<80xi32, #tpu.memory_space<vmem>>
        %dma_wait3A_301 = arith.constant 0 : i32
        %dma_wait3A_302 = arith.constant 0 : i32
        %dma_wait3A_303 = tpu.memref_slice %arg12[%dma_wait3A_301, %dma_wait3A_302] : memref<10240x128xf32, #tpu.memory_space<vmem_shared>> -> memref<10240x128xf32, #tpu.memory_space<vmem_shared>>
        tpu.wait_indirect_dma semaphore(%run_scoped3A_291 : memref<!tpu.dma_semaphore, #tpu.memory_space<semaphore_mem>>) src(%arg8 : memref<80x128xf32, #tpu.memory_space<vmem>>) dst(%dma_wait3A_303 : memref<10240x128xf32, #tpu.memory_space<vmem_shared>>)
        tpu.yield
      }) : () -> ()
      %dma_wait3A_267 = arith.constant 13 : i32
      %dma_wait3A_268 = arith.constant 0 : i32
      %dma_wait3A_269 = tpu.memref_slice %arg6[%dma_wait3A_267, %dma_wait3A_268] : memref<16x80xi32, #tpu.memory_space<vmem>> -> memref<1x80xi32, #tpu.memory_space<vmem>>
      %dma_wait3A_270 = tpu.memref_squeeze %dma_wait3A_269 : memref<1x80xi32, #tpu.memory_space<vmem>> -> memref<80xi32, #tpu.memory_space<vmem>>
      %dma_wait3A_271 = arith.constant 0 : i32
      %dma_wait3A_272 = arith.constant 0 : i32
      %dma_wait3A_273 = tpu.memref_slice %arg2[%dma_wait3A_271, %dma_wait3A_272] : memref<10240x128xf32, #tpu.memory_space<hbm>> -> memref<10240x128xf32, #tpu.memory_space<hbm>>
      tpu.wait_indirect_dma semaphore(%arg14 : memref<!tpu.dma_semaphore, #tpu.memory_space<semaphore_mem>>) src(%dma_wait3A_273 : memref<10240x128xf32, #tpu.memory_space<hbm>>) dst(%arg9 : memref<80x128xf32, #tpu.memory_space<vmem>>)
      %run_scoped3A_274 = arith.constant 13 : i32
      "tpu.region"() ({
        %run_scoped3A_291 = tpu.sem_alloc : memref<!tpu.dma_semaphore, #tpu.memory_space<semaphore_mem>>
        %dma_start3A_292 = arith.constant 0 : i32
        %dma_start3A_293 = tpu.memref_slice %arg7[%run_scoped3A_274, %dma_start3A_292] : memref<16x80xi32, #tpu.memory_space<vmem>> -> memref<1x80xi32, #tpu.memory_space<vmem>>
        %dma_start3A_294 = tpu.memref_squeeze %dma_start3A_293 : memref<1x80xi32, #tpu.memory_space<vmem>> -> memref<80xi32, #tpu.memory_space<vmem>>
        %dma_start3A_295 = arith.constant 0 : i32
        %dma_start3A_296 = arith.constant 0 : i32
        %dma_start3A_297 = tpu.memref_slice %arg12[%dma_start3A_295, %dma_start3A_296] : memref<10240x128xf32, #tpu.memory_space<vmem_shared>> -> memref<10240x128xf32, #tpu.memory_space<vmem_shared>>
        tpu.enqueue_indirect_dma source(%arg9 : memref<80x128xf32, #tpu.memory_space<vmem>>) target(%dma_start3A_297 : memref<10240x128xf32, #tpu.memory_space<vmem_shared>>) offsets(%dma_start3A_294 : memref<80xi32, #tpu.memory_space<vmem>>) semaphore(%run_scoped3A_291 : memref<!tpu.dma_semaphore, #tpu.memory_space<semaphore_mem>>) {add = true}
        %dma_wait3A_298 = arith.constant 0 : i32
        %dma_wait3A_299 = tpu.memref_slice %arg7[%run_scoped3A_274, %dma_wait3A_298] : memref<16x80xi32, #tpu.memory_space<vmem>> -> memref<1x80xi32, #tpu.memory_space<vmem>>
        %dma_wait3A_300 = tpu.memref_squeeze %dma_wait3A_299 : memref<1x80xi32, #tpu.memory_space<vmem>> -> memref<80xi32, #tpu.memory_space<vmem>>
        %dma_wait3A_301 = arith.constant 0 : i32
        %dma_wait3A_302 = arith.constant 0 : i32
        %dma_wait3A_303 = tpu.memref_slice %arg12[%dma_wait3A_301, %dma_wait3A_302] : memref<10240x128xf32, #tpu.memory_space<vmem_shared>> -> memref<10240x128xf32, #tpu.memory_space<vmem_shared>>
        tpu.wait_indirect_dma semaphore(%run_scoped3A_291 : memref<!tpu.dma_semaphore, #tpu.memory_space<semaphore_mem>>) src(%arg9 : memref<80x128xf32, #tpu.memory_space<vmem>>) dst(%dma_wait3A_303 : memref<10240x128xf32, #tpu.memory_space<vmem_shared>>)
        tpu.yield
      }) : () -> ()
      %dma_wait3A_275 = arith.constant 14 : i32
      %dma_wait3A_276 = arith.constant 0 : i32
      %dma_wait3A_277 = tpu.memref_slice %arg6[%dma_wait3A_275, %dma_wait3A_276] : memref<16x80xi32, #tpu.memory_space<vmem>> -> memref<1x80xi32, #tpu.memory_space<vmem>>
      %dma_wait3A_278 = tpu.memref_squeeze %dma_wait3A_277 : memref<1x80xi32, #tpu.memory_space<vmem>> -> memref<80xi32, #tpu.memory_space<vmem>>
      %dma_wait3A_279 = arith.constant 0 : i32
      %dma_wait3A_280 = arith.constant 0 : i32
      %dma_wait3A_281 = tpu.memref_slice %arg2[%dma_wait3A_279, %dma_wait3A_280] : memref<10240x128xf32, #tpu.memory_space<hbm>> -> memref<10240x128xf32, #tpu.memory_space<hbm>>
      tpu.wait_indirect_dma semaphore(%arg15 : memref<!tpu.dma_semaphore, #tpu.memory_space<semaphore_mem>>) src(%dma_wait3A_281 : memref<10240x128xf32, #tpu.memory_space<hbm>>) dst(%arg10 : memref<80x128xf32, #tpu.memory_space<vmem>>)
      %run_scoped3A_282 = arith.constant 14 : i32
      "tpu.region"() ({
        %run_scoped3A_291 = tpu.sem_alloc : memref<!tpu.dma_semaphore, #tpu.memory_space<semaphore_mem>>
        %dma_start3A_292 = arith.constant 0 : i32
        %dma_start3A_293 = tpu.memref_slice %arg7[%run_scoped3A_282, %dma_start3A_292] : memref<16x80xi32, #tpu.memory_space<vmem>> -> memref<1x80xi32, #tpu.memory_space<vmem>>
        %dma_start3A_294 = tpu.memref_squeeze %dma_start3A_293 : memref<1x80xi32, #tpu.memory_space<vmem>> -> memref<80xi32, #tpu.memory_space<vmem>>
        %dma_start3A_295 = arith.constant 0 : i32
        %dma_start3A_296 = arith.constant 0 : i32
        %dma_start3A_297 = tpu.memref_slice %arg12[%dma_start3A_295, %dma_start3A_296] : memref<10240x128xf32, #tpu.memory_space<vmem_shared>> -> memref<10240x128xf32, #tpu.memory_space<vmem_shared>>
        tpu.enqueue_indirect_dma source(%arg10 : memref<80x128xf32, #tpu.memory_space<vmem>>) target(%dma_start3A_297 : memref<10240x128xf32, #tpu.memory_space<vmem_shared>>) offsets(%dma_start3A_294 : memref<80xi32, #tpu.memory_space<vmem>>) semaphore(%run_scoped3A_291 : memref<!tpu.dma_semaphore, #tpu.memory_space<semaphore_mem>>) {add = true}
        %dma_wait3A_298 = arith.constant 0 : i32
        %dma_wait3A_299 = tpu.memref_slice %arg7[%run_scoped3A_282, %dma_wait3A_298] : memref<16x80xi32, #tpu.memory_space<vmem>> -> memref<1x80xi32, #tpu.memory_space<vmem>>
        %dma_wait3A_300 = tpu.memref_squeeze %dma_wait3A_299 : memref<1x80xi32, #tpu.memory_space<vmem>> -> memref<80xi32, #tpu.memory_space<vmem>>
        %dma_wait3A_301 = arith.constant 0 : i32
        %dma_wait3A_302 = arith.constant 0 : i32
        %dma_wait3A_303 = tpu.memref_slice %arg12[%dma_wait3A_301, %dma_wait3A_302] : memref<10240x128xf32, #tpu.memory_space<vmem_shared>> -> memref<10240x128xf32, #tpu.memory_space<vmem_shared>>
        tpu.wait_indirect_dma semaphore(%run_scoped3A_291 : memref<!tpu.dma_semaphore, #tpu.memory_space<semaphore_mem>>) src(%arg10 : memref<80x128xf32, #tpu.memory_space<vmem>>) dst(%dma_wait3A_303 : memref<10240x128xf32, #tpu.memory_space<vmem_shared>>)
        tpu.yield
      }) : () -> ()
      %dma_wait3A_283 = arith.constant 15 : i32
      %dma_wait3A_284 = arith.constant 0 : i32
      %dma_wait3A_285 = tpu.memref_slice %arg6[%dma_wait3A_283, %dma_wait3A_284] : memref<16x80xi32, #tpu.memory_space<vmem>> -> memref<1x80xi32, #tpu.memory_space<vmem>>
      %dma_wait3A_286 = tpu.memref_squeeze %dma_wait3A_285 : memref<1x80xi32, #tpu.memory_space<vmem>> -> memref<80xi32, #tpu.memory_space<vmem>>
      %dma_wait3A_287 = arith.constant 0 : i32
      %dma_wait3A_288 = arith.constant 0 : i32
      %dma_wait3A_289 = tpu.memref_slice %arg2[%dma_wait3A_287, %dma_wait3A_288] : memref<10240x128xf32, #tpu.memory_space<hbm>> -> memref<10240x128xf32, #tpu.memory_space<hbm>>
      tpu.wait_indirect_dma semaphore(%arg16 : memref<!tpu.dma_semaphore, #tpu.memory_space<semaphore_mem>>) src(%dma_wait3A_289 : memref<10240x128xf32, #tpu.memory_space<hbm>>) dst(%arg11 : memref<80x128xf32, #tpu.memory_space<vmem>>)
      %run_scoped3A_290 = arith.constant 15 : i32
      "tpu.region"() ({
        %run_scoped3A_291 = tpu.sem_alloc : memref<!tpu.dma_semaphore, #tpu.memory_space<semaphore_mem>>
        %dma_start3A_292 = arith.constant 0 : i32
        %dma_start3A_293 = tpu.memref_slice %arg7[%run_scoped3A_290, %dma_start3A_292] : memref<16x80xi32, #tpu.memory_space<vmem>> -> memref<1x80xi32, #tpu.memory_space<vmem>>
        %dma_start3A_294 = tpu.memref_squeeze %dma_start3A_293 : memref<1x80xi32, #tpu.memory_space<vmem>> -> memref<80xi32, #tpu.memory_space<vmem>>
        %dma_start3A_295 = arith.constant 0 : i32
        %dma_start3A_296 = arith.constant 0 : i32
        %dma_start3A_297 = tpu.memref_slice %arg12[%dma_start3A_295, %dma_start3A_296] : memref<10240x128xf32, #tpu.memory_space<vmem_shared>> -> memref<10240x128xf32, #tpu.memory_space<vmem_shared>>
        tpu.enqueue_indirect_dma source(%arg11 : memref<80x128xf32, #tpu.memory_space<vmem>>) target(%dma_start3A_297 : memref<10240x128xf32, #tpu.memory_space<vmem_shared>>) offsets(%dma_start3A_294 : memref<80xi32, #tpu.memory_space<vmem>>) semaphore(%run_scoped3A_291 : memref<!tpu.dma_semaphore, #tpu.memory_space<semaphore_mem>>) {add = true}
        %dma_wait3A_298 = arith.constant 0 : i32
        %dma_wait3A_299 = tpu.memref_slice %arg7[%run_scoped3A_290, %dma_wait3A_298] : memref<16x80xi32, #tpu.memory_space<vmem>> -> memref<1x80xi32, #tpu.memory_space<vmem>>
        %dma_wait3A_300 = tpu.memref_squeeze %dma_wait3A_299 : memref<1x80xi32, #tpu.memory_space<vmem>> -> memref<80xi32, #tpu.memory_space<vmem>>
        %dma_wait3A_301 = arith.constant 0 : i32
        %dma_wait3A_302 = arith.constant 0 : i32
        %dma_wait3A_303 = tpu.memref_slice %arg12[%dma_wait3A_301, %dma_wait3A_302] : memref<10240x128xf32, #tpu.memory_space<vmem_shared>> -> memref<10240x128xf32, #tpu.memory_space<vmem_shared>>
        tpu.wait_indirect_dma semaphore(%run_scoped3A_291 : memref<!tpu.dma_semaphore, #tpu.memory_space<semaphore_mem>>) src(%arg11 : memref<80x128xf32, #tpu.memory_space<vmem>>) dst(%dma_wait3A_303 : memref<10240x128xf32, #tpu.memory_space<vmem_shared>>)
        tpu.yield
      }) : () -> ()
    }
    %scan3A_43 = arith.constant 8 : i32
    %barrier3A_44 = arith.constant 0 : index
    tpu.barrier barrier_id(%barrier3A_44)
    %mul3A_45 = arith.constant 640 : i32
    %mul3A_46 = arith.muli %arg1, %mul3A_45 : i32
    %mul3A_47 = arith.constant 640 : i32
    %mul3A_48 = arith.muli %arg1, %mul3A_47 : i32
    "tpu.region"() ({
      %run_scoped3A = tpu.sem_alloc : memref<!tpu.dma_semaphore, #tpu.memory_space<semaphore_mem>>
      %dma_start3A = arith.constant 0 : i32
      %dma_start3A_49 = tpu.memref_slice %arg5[%arg0, %mul3A_48, %dma_start3A] : memref<2x10240x128xf32, #tpu.memory_space<hbm>> -> memref<1x640x128xf32, #tpu.memory_space<hbm>>
      %dma_start3A_50 = tpu.memref_squeeze %dma_start3A_49 : memref<1x640x128xf32, #tpu.memory_space<hbm>> -> memref<640x128xf32, #tpu.memory_space<hbm>>
      %dma_start3A_51 = arith.constant 0 : i32
      %dma_start3A_52 = tpu.memref_slice %arg12[%mul3A_46, %dma_start3A_51] : memref<10240x128xf32, #tpu.memory_space<vmem_shared>> -> memref<640x128xf32, #tpu.memory_space<vmem_shared>>
      tpu.enqueue_dma source(%dma_start3A_52 : memref<640x128xf32, #tpu.memory_space<vmem_shared>>) target(%dma_start3A_50 : memref<640x128xf32, #tpu.memory_space<hbm>>) target_semaphore(%run_scoped3A : memref<!tpu.dma_semaphore, #tpu.memory_space<semaphore_mem>>)
      %dma_wait3A = arith.constant 0 : i32
      %dma_wait3A_53 = tpu.memref_slice %arg5[%arg0, %mul3A_48, %dma_wait3A] : memref<2x10240x128xf32, #tpu.memory_space<hbm>> -> memref<1x640x128xf32, #tpu.memory_space<hbm>>
      %dma_wait3A_54 = tpu.memref_squeeze %dma_wait3A_53 : memref<1x640x128xf32, #tpu.memory_space<hbm>> -> memref<640x128xf32, #tpu.memory_space<hbm>>
      %dma_wait3A_55 = arith.constant 0 : i32
      %dma_wait3A_56 = tpu.memref_slice %arg12[%mul3A_46, %dma_wait3A_55] : memref<10240x128xf32, #tpu.memory_space<vmem_shared>> -> memref<640x128xf32, #tpu.memory_space<vmem_shared>>
      tpu.wait_dma2 semaphore(%run_scoped3A : memref<!tpu.dma_semaphore, #tpu.memory_space<semaphore_mem>>) src(%dma_wait3A_56 : memref<640x128xf32, #tpu.memory_space<vmem_shared>>) dst(%dma_wait3A_54 : memref<640x128xf32, #tpu.memory_space<hbm>>)
      tpu.yield
    }) : () -> ()
    return
  }
}

#map = affine_map<(d0, d1) -> (0, 0)>
#map1 = affine_map<(d0, d1) -> (0, 0, 0)>
module attributes {stable_mosaic.version = 14 : i64} {
  func.func @body(%arg0: i32, %arg1: i32, %arg2: memref<10240x128xf32, #tpu.memory_space<hbm>>, %arg3: memref<32x128x80xi32, #tpu.memory_space<hbm>>, %arg4: memref<32x128x80xi32, #tpu.memory_space<hbm>>, %arg5: memref<2x10240x128xf32, #tpu.memory_space<hbm>>, %arg6: memref<16x80xi32, #tpu.memory_space<vmem>>, %arg7: memref<16x80xi32, #tpu.memory_space<vmem>>, %arg8: memref<80x128xf32, #tpu.memory_space<vmem>>, %arg9: memref<80x128xf32, #tpu.memory_space<vmem>>, %arg10: memref<80x128xf32, #tpu.memory_space<vmem>>, %arg11: memref<80x128xf32, #tpu.memory_space<vmem>>, %arg12: memref<10240x128xf32, #tpu.memory_space<vmem_shared>>, %arg13: memref<!tpu.dma_semaphore, #tpu.memory_space<semaphore_mem>>, %arg14: memref<!tpu.dma_semaphore, #tpu.memory_space<semaphore_mem>>, %arg15: memref<!tpu.dma_semaphore, #tpu.memory_space<semaphore_mem>>, %arg16: memref<!tpu.dma_semaphore, #tpu.memory_space<semaphore_mem>>, %arg17: memref<!tpu.dma_semaphore, #tpu.memory_space<semaphore_mem>>, %arg18: memref<!tpu.dma_semaphore, #tpu.memory_space<semaphore_mem>>, %arg19: memref<!tpu.dma_semaphore, #tpu.memory_space<semaphore_mem>>, %arg20: memref<!tpu.dma_semaphore, #tpu.memory_space<semaphore_mem>>) attributes {dimension_semantics = [#tpu.dimension_semantics<core_parallel>, #tpu.dimension_semantics<subcore_parallel>], iteration_bounds = array<i64: 2, 16>, scalar_prefetch = 0 : i64, scratch_operands = 15 : i64, tpu.core_type = #tpu.core_type<sc_vector_subcore>, window_params = [{transform_indices = #map}, {transform_indices = #map1}, {transform_indices = #map1}, {transform_indices = #map1}]} {
    %mul3A = arith.constant 2 : i32
    %mul3A_0 = arith.muli %arg1, %mul3A : i32
    %add3A = arith.addi %mul3A_0, %arg0 : i32
    %scan3A = arith.constant 0 : i32
    %scan3A_1 = arith.constant 0 : i32
    %scan3A_2 = arith.constant 80 : i32
    %scan3A_3 = arith.addi %scan3A_1, %scan3A_2 : i32
    %scan3A_4 = arith.constant 1 : i32
    scf.for %scan3A_49 = %scan3A_1 to %scan3A_3 step %scan3A_4  : i32 {
      %broadcast_in_dim3A = arith.constant 0.000000e+00 : f32
      %broadcast_in_dim3A_50 = vector.broadcast %broadcast_in_dim3A : f32 to vector<16xf32>
      %swap3A = arith.index_cast %scan3A_49 : i32 to index
      %swap3A_51 = arith.constant 0 : index
      %swap3A_52 = tpu.vector_load %arg8[%swap3A, %swap3A_51] {strides = array<i32>} : memref<80x128xf32, #tpu.memory_space<vmem>>, vector<1x16xf32>,
      %swap3A_53 = vector.shape_cast %swap3A_52 : vector<1x16xf32> to vector<16xf32>
      %swap3A_54 = vector.shape_cast %broadcast_in_dim3A_50 : vector<16xf32> to vector<1x16xf32>
      tpu.vector_store %arg8[%swap3A, %swap3A_51], %swap3A_54 {strides = array<i32>} : memref<80x128xf32, #tpu.memory_space<vmem>>, vector<1x16xf32>,
      %broadcast_in_dim3A_55 = arith.constant 0.000000e+00 : f32
      %broadcast_in_dim3A_56 = vector.broadcast %broadcast_in_dim3A_55 : f32 to vector<16xf32>
      %swap3A_57 = arith.index_cast %scan3A_49 : i32 to index
      %swap3A_58 = arith.constant 16 : index
      %swap3A_59 = tpu.vector_load %arg8[%swap3A_57, %swap3A_58] {strides = array<i32>} : memref<80x128xf32, #tpu.memory_space<vmem>>, vector<1x16xf32>,
      %swap3A_60 = vector.shape_cast %swap3A_59 : vector<1x16xf32> to vector<16xf32>
      %swap3A_61 = vector.shape_cast %broadcast_in_dim3A_56 : vector<16xf32> to vector<1x16xf32>
      tpu.vector_store %arg8[%swap3A_57, %swap3A_58], %swap3A_61 {strides = array<i32>} : memref<80x128xf32, #tpu.memory_space<vmem>>, vector<1x16xf32>,
      %broadcast_in_dim3A_62 = arith.constant 0.000000e+00 : f32
      %broadcast_in_dim3A_63 = vector.broadcast %broadcast_in_dim3A_62 : f32 to vector<16xf32>
      %swap3A_64 = arith.index_cast %scan3A_49 : i32 to index
      %swap3A_65 = arith.constant 32 : index
      %swap3A_66 = tpu.vector_load %arg8[%swap3A_64, %swap3A_65] {strides = array<i32>} : memref<80x128xf32, #tpu.memory_space<vmem>>, vector<1x16xf32>,
      %swap3A_67 = vector.shape_cast %swap3A_66 : vector<1x16xf32> to vector<16xf32>
      %swap3A_68 = vector.shape_cast %broadcast_in_dim3A_63 : vector<16xf32> to vector<1x16xf32>
      tpu.vector_store %arg8[%swap3A_64, %swap3A_65], %swap3A_68 {strides = array<i32>} : memref<80x128xf32, #tpu.memory_space<vmem>>, vector<1x16xf32>,
      %broadcast_in_dim3A_69 = arith.constant 0.000000e+00 : f32
      %broadcast_in_dim3A_70 = vector.broadcast %broadcast_in_dim3A_69 : f32 to vector<16xf32>
      %swap3A_71 = arith.index_cast %scan3A_49 : i32 to index
      %swap3A_72 = arith.constant 48 : index
      %swap3A_73 = tpu.vector_load %arg8[%swap3A_71, %swap3A_72] {strides = array<i32>} : memref<80x128xf32, #tpu.memory_space<vmem>>, vector<1x16xf32>,
      %swap3A_74 = vector.shape_cast %swap3A_73 : vector<1x16xf32> to vector<16xf32>
      %swap3A_75 = vector.shape_cast %broadcast_in_dim3A_70 : vector<16xf32> to vector<1x16xf32>
      tpu.vector_store %arg8[%swap3A_71, %swap3A_72], %swap3A_75 {strides = array<i32>} : memref<80x128xf32, #tpu.memory_space<vmem>>, vector<1x16xf32>,
      %broadcast_in_dim3A_76 = arith.constant 0.000000e+00 : f32
      %broadcast_in_dim3A_77 = vector.broadcast %broadcast_in_dim3A_76 : f32 to vector<16xf32>
      %swap3A_78 = arith.index_cast %scan3A_49 : i32 to index
      %swap3A_79 = arith.constant 64 : index
      %swap3A_80 = tpu.vector_load %arg8[%swap3A_78, %swap3A_79] {strides = array<i32>} : memref<80x128xf32, #tpu.memory_space<vmem>>, vector<1x16xf32>,
      %swap3A_81 = vector.shape_cast %swap3A_80 : vector<1x16xf32> to vector<16xf32>
      %swap3A_82 = vector.shape_cast %broadcast_in_dim3A_77 : vector<16xf32> to vector<1x16xf32>
      tpu.vector_store %arg8[%swap3A_78, %swap3A_79], %swap3A_82 {strides = array<i32>} : memref<80x128xf32, #tpu.memory_space<vmem>>, vector<1x16xf32>,
      %broadcast_in_dim3A_83 = arith.constant 0.000000e+00 : f32
      %broadcast_in_dim3A_84 = vector.broadcast %broadcast_in_dim3A_83 : f32 to vector<16xf32>
      %swap3A_85 = arith.index_cast %scan3A_49 : i32 to index
      %swap3A_86 = arith.constant 80 : index
      %swap3A_87 = tpu.vector_load %arg8[%swap3A_85, %swap3A_86] {strides = array<i32>} : memref<80x128xf32, #tpu.memory_space<vmem>>, vector<1x16xf32>,
      %swap3A_88 = vector.shape_cast %swap3A_87 : vector<1x16xf32> to vector<16xf32>
      %swap3A_89 = vector.shape_cast %broadcast_in_dim3A_84 : vector<16xf32> to vector<1x16xf32>
      tpu.vector_store %arg8[%swap3A_85, %swap3A_86], %swap3A_89 {strides = array<i32>} : memref<80x128xf32, #tpu.memory_space<vmem>>, vector<1x16xf32>,
      %broadcast_in_dim3A_90 = arith.constant 0.000000e+00 : f32
      %broadcast_in_dim3A_91 = vector.broadcast %broadcast_in_dim3A_90 : f32 to vector<16xf32>
      %swap3A_92 = arith.index_cast %scan3A_49 : i32 to index
      %swap3A_93 = arith.constant 96 : index
      %swap3A_94 = tpu.vector_load %arg8[%swap3A_92, %swap3A_93] {strides = array<i32>} : memref<80x128xf32, #tpu.memory_space<vmem>>, vector<1x16xf32>,
      %swap3A_95 = vector.shape_cast %swap3A_94 : vector<1x16xf32> to vector<16xf32>
      %swap3A_96 = vector.shape_cast %broadcast_in_dim3A_91 : vector<16xf32> to vector<1x16xf32>
      tpu.vector_store %arg8[%swap3A_92, %swap3A_93], %swap3A_96 {strides = array<i32>} : memref<80x128xf32, #tpu.memory_space<vmem>>, vector<1x16xf32>,
      %broadcast_in_dim3A_97 = arith.constant 0.000000e+00 : f32
      %broadcast_in_dim3A_98 = vector.broadcast %broadcast_in_dim3A_97 : f32 to vector<16xf32>
      %swap3A_99 = arith.index_cast %scan3A_49 : i32 to index
      %swap3A_100 = arith.constant 112 : index
      %swap3A_101 = tpu.vector_load %arg8[%swap3A_99, %swap3A_100] {strides = array<i32>} : memref<80x128xf32, #tpu.memory_space<vmem>>, vector<1x16xf32>,
      %swap3A_102 = vector.shape_cast %swap3A_101 : vector<1x16xf32> to vector<16xf32>
      %swap3A_103 = vector.shape_cast %broadcast_in_dim3A_98 : vector<16xf32> to vector<1x16xf32>
      tpu.vector_store %arg8[%swap3A_99, %swap3A_100], %swap3A_103 {strides = array<i32>} : memref<80x128xf32, #tpu.memory_space<vmem>>, vector<1x16xf32>,
    }
    %scan3A_5 = arith.constant 80 : i32
    %mul3A_6 = arith.constant 640 : i32
    %mul3A_7 = arith.muli %arg1, %mul3A_6 : i32
    %add3A_8 = arith.constant 0 : i32
    %add3A_9 = arith.addi %mul3A_7, %add3A_8 : i32
    "tpu.region"() ({
      %run_scoped3A = tpu.sem_alloc : memref<!tpu.dma_semaphore, #tpu.memory_space<semaphore_mem>>
      %dma_start3A = arith.constant 0 : i32
      %dma_start3A_49 = tpu.memref_slice %arg12[%add3A_9, %dma_start3A] : memref<10240x128xf32, #tpu.memory_space<vmem_shared>> -> memref<80x128xf32, #tpu.memory_space<vmem_shared>>
      %dma_start3A_50 = arith.constant 0 : i32
      %dma_start3A_51 = tpu.memref_slice %arg12[%add3A_9, %dma_start3A_50] : memref<10240x128xf32, #tpu.memory_space<vmem_shared>> -> memref<80x128xf32, #tpu.memory_space<vmem_shared>>
      tpu.enqueue_dma source(%arg8 : memref<80x128xf32, #tpu.memory_space<vmem>>) target(%dma_start3A_51 : memref<80x128xf32, #tpu.memory_space<vmem_shared>>) target_semaphore(%run_scoped3A : memref<!tpu.dma_semaphore, #tpu.memory_space<semaphore_mem>>)
      %dma_wait3A = arith.constant 0 : i32
      %dma_wait3A_52 = tpu.memref_slice %arg12[%add3A_9, %dma_wait3A] : memref<10240x128xf32, #tpu.memory_space<vmem_shared>> -> memref<80x128xf32, #tpu.memory_space<vmem_shared>>
      %dma_wait3A_53 = arith.constant 0 : i32
      %dma_wait3A_54 = tpu.memref_slice %arg12[%add3A_9, %dma_wait3A_53] : memref<10240x128xf32, #tpu.memory_space<vmem_shared>> -> memref<80x128xf32, #tpu.memory_space<vmem_shared>>
      tpu.wait_dma2 semaphore(%run_scoped3A : memref<!tpu.dma_semaphore, #tpu.memory_space<semaphore_mem>>) src(%arg8 : memref<80x128xf32, #tpu.memory_space<vmem>>) dst(%dma_wait3A_54 : memref<80x128xf32, #tpu.memory_space<vmem_shared>>)
      tpu.yield
    }) : () -> ()
    %mul3A_10 = arith.constant 640 : i32
    %mul3A_11 = arith.muli %arg1, %mul3A_10 : i32
    %add3A_12 = arith.constant 80 : i32
    %add3A_13 = arith.addi %mul3A_11, %add3A_12 : i32
    "tpu.region"() ({
      %run_scoped3A = tpu.sem_alloc : memref<!tpu.dma_semaphore, #tpu.memory_space<semaphore_mem>>
      %dma_start3A = arith.constant 0 : i32
      %dma_start3A_49 = tpu.memref_slice %arg12[%add3A_13, %dma_start3A] : memref<10240x128xf32, #tpu.memory_space<vmem_shared>> -> memref<80x128xf32, #tpu.memory_space<vmem_shared>>
      %dma_start3A_50 = arith.constant 0 : i32
      %dma_start3A_51 = tpu.memref_slice %arg12[%add3A_13, %dma_start3A_50] : memref<10240x128xf32, #tpu.memory_space<vmem_shared>> -> memref<80x128xf32, #tpu.memory_space<vmem_shared>>
      tpu.enqueue_dma source(%arg8 : memref<80x128xf32, #tpu.memory_space<vmem>>) target(%dma_start3A_51 : memref<80x128xf32, #tpu.memory_space<vmem_shared>>) target_semaphore(%run_scoped3A : memref<!tpu.dma_semaphore, #tpu.memory_space<semaphore_mem>>)
      %dma_wait3A = arith.constant 0 : i32
      %dma_wait3A_52 = tpu.memref_slice %arg12[%add3A_13, %dma_wait3A] : memref<10240x128xf32, #tpu.memory_space<vmem_shared>> -> memref<80x128xf32, #tpu.memory_space<vmem_shared>>
      %dma_wait3A_53 = arith.constant 0 : i32
      %dma_wait3A_54 = tpu.memref_slice %arg12[%add3A_13, %dma_wait3A_53] : memref<10240x128xf32, #tpu.memory_space<vmem_shared>> -> memref<80x128xf32, #tpu.memory_space<vmem_shared>>
      tpu.wait_dma2 semaphore(%run_scoped3A : memref<!tpu.dma_semaphore, #tpu.memory_space<semaphore_mem>>) src(%arg8 : memref<80x128xf32, #tpu.memory_space<vmem>>) dst(%dma_wait3A_54 : memref<80x128xf32, #tpu.memory_space<vmem_shared>>)
      tpu.yield
    }) : () -> ()
    %mul3A_14 = arith.constant 640 : i32
    %mul3A_15 = arith.muli %arg1, %mul3A_14 : i32
    %add3A_16 = arith.constant 160 : i32
    %add3A_17 = arith.addi %mul3A_15, %add3A_16 : i32
    "tpu.region"() ({
      %run_scoped3A = tpu.sem_alloc : memref<!tpu.dma_semaphore, #tpu.memory_space<semaphore_mem>>
      %dma_start3A = arith.constant 0 : i32
      %dma_start3A_49 = tpu.memref_slice %arg12[%add3A_17, %dma_start3A] : memref<10240x128xf32, #tpu.memory_space<vmem_shared>> -> memref<80x128xf32, #tpu.memory_space<vmem_shared>>
      %dma_start3A_50 = arith.constant 0 : i32
      %dma_start3A_51 = tpu.memref_slice %arg12[%add3A_17, %dma_start3A_50] : memref<10240x128xf32, #tpu.memory_space<vmem_shared>> -> memref<80x128xf32, #tpu.memory_space<vmem_shared>>
      tpu.enqueue_dma source(%arg8 : memref<80x128xf32, #tpu.memory_space<vmem>>) target(%dma_start3A_51 : memref<80x128xf32, #tpu.memory_space<vmem_shared>>) target_semaphore(%run_scoped3A : memref<!tpu.dma_semaphore, #tpu.memory_space<semaphore_mem>>)
      %dma_wait3A = arith.constant 0 : i32
      %dma_wait3A_52 = tpu.memref_slice %arg12[%add3A_17, %dma_wait3A] : memref<10240x128xf32, #tpu.memory_space<vmem_shared>> -> memref<80x128xf32, #tpu.memory_space<vmem_shared>>
      %dma_wait3A_53 = arith.constant 0 : i32
      %dma_wait3A_54 = tpu.memref_slice %arg12[%add3A_17, %dma_wait3A_53] : memref<10240x128xf32, #tpu.memory_space<vmem_shared>> -> memref<80x128xf32, #tpu.memory_space<vmem_shared>>
      tpu.wait_dma2 semaphore(%run_scoped3A : memref<!tpu.dma_semaphore, #tpu.memory_space<semaphore_mem>>) src(%arg8 : memref<80x128xf32, #tpu.memory_space<vmem>>) dst(%dma_wait3A_54 : memref<80x128xf32, #tpu.memory_space<vmem_shared>>)
      tpu.yield
    }) : () -> ()
    %mul3A_18 = arith.constant 640 : i32
    %mul3A_19 = arith.muli %arg1, %mul3A_18 : i32
    %add3A_20 = arith.constant 240 : i32
    %add3A_21 = arith.addi %mul3A_19, %add3A_20 : i32
    "tpu.region"() ({
      %run_scoped3A = tpu.sem_alloc : memref<!tpu.dma_semaphore, #tpu.memory_space<semaphore_mem>>
      %dma_start3A = arith.constant 0 : i32
      %dma_start3A_49 = tpu.memref_slice %arg12[%add3A_21, %dma_start3A] : memref<10240x128xf32, #tpu.memory_space<vmem_shared>> -> memref<80x128xf32, #tpu.memory_space<vmem_shared>>
      %dma_start3A_50 = arith.constant 0 : i32
      %dma_start3A_51 = tpu.memref_slice %arg12[%add3A_21, %dma_start3A_50] : memref<10240x128xf32, #tpu.memory_space<vmem_shared>> -> memref<80x128xf32, #tpu.memory_space<vmem_shared>>
      tpu.enqueue_dma source(%arg8 : memref<80x128xf32, #tpu.memory_space<vmem>>) target(%dma_start3A_51 : memref<80x128xf32, #tpu.memory_space<vmem_shared>>) target_semaphore(%run_scoped3A : memref<!tpu.dma_semaphore, #tpu.memory_space<semaphore_mem>>)
      %dma_wait3A = arith.constant 0 : i32
      %dma_wait3A_52 = tpu.memref_slice %arg12[%add3A_21, %dma_wait3A] : memref<10240x128xf32, #tpu.memory_space<vmem_shared>> -> memref<80x128xf32, #tpu.memory_space<vmem_shared>>
      %dma_wait3A_53 = arith.constant 0 : i32
      %dma_wait3A_54 = tpu.memref_slice %arg12[%add3A_21, %dma_wait3A_53] : memref<10240x128xf32, #tpu.memory_space<vmem_shared>> -> memref<80x128xf32, #tpu.memory_space<vmem_shared>>
      tpu.wait_dma2 semaphore(%run_scoped3A : memref<!tpu.dma_semaphore, #tpu.memory_space<semaphore_mem>>) src(%arg8 : memref<80x128xf32, #tpu.memory_space<vmem>>) dst(%dma_wait3A_54 : memref<80x128xf32, #tpu.memory_space<vmem_shared>>)
      tpu.yield
    }) : () -> ()
    %mul3A_22 = arith.constant 640 : i32
    %mul3A_23 = arith.muli %arg1, %mul3A_22 : i32
    %add3A_24 = arith.constant 320 : i32
    %add3A_25 = arith.addi %mul3A_23, %add3A_24 : i32
    "tpu.region"() ({
      %run_scoped3A = tpu.sem_alloc : memref<!tpu.dma_semaphore, #tpu.memory_space<semaphore_mem>>
      %dma_start3A = arith.constant 0 : i32
      %dma_start3A_49 = tpu.memref_slice %arg12[%add3A_25, %dma_start3A] : memref<10240x128xf32, #tpu.memory_space<vmem_shared>> -> memref<80x128xf32, #tpu.memory_space<vmem_shared>>
      %dma_start3A_50 = arith.constant 0 : i32
      %dma_start3A_51 = tpu.memref_slice %arg12[%add3A_25, %dma_start3A_50] : memref<10240x128xf32, #tpu.memory_space<vmem_shared>> -> memref<80x128xf32, #tpu.memory_space<vmem_shared>>
      tpu.enqueue_dma source(%arg8 : memref<80x128xf32, #tpu.memory_space<vmem>>) target(%dma_start3A_51 : memref<80x128xf32, #tpu.memory_space<vmem_shared>>) target_semaphore(%run_scoped3A : memref<!tpu.dma_semaphore, #tpu.memory_space<semaphore_mem>>)
      %dma_wait3A = arith.constant 0 : i32
      %dma_wait3A_52 = tpu.memref_slice %arg12[%add3A_25, %dma_wait3A] : memref<10240x128xf32, #tpu.memory_space<vmem_shared>> -> memref<80x128xf32, #tpu.memory_space<vmem_shared>>
      %dma_wait3A_53 = arith.constant 0 : i32
      %dma_wait3A_54 = tpu.memref_slice %arg12[%add3A_25, %dma_wait3A_53] : memref<10240x128xf32, #tpu.memory_space<vmem_shared>> -> memref<80x128xf32, #tpu.memory_space<vmem_shared>>
      tpu.wait_dma2 semaphore(%run_scoped3A : memref<!tpu.dma_semaphore, #tpu.memory_space<semaphore_mem>>) src(%arg8 : memref<80x128xf32, #tpu.memory_space<vmem>>) dst(%dma_wait3A_54 : memref<80x128xf32, #tpu.memory_space<vmem_shared>>)
      tpu.yield
    }) : () -> ()
    %mul3A_26 = arith.constant 640 : i32
    %mul3A_27 = arith.muli %arg1, %mul3A_26 : i32
    %add3A_28 = arith.constant 400 : i32
    %add3A_29 = arith.addi %mul3A_27, %add3A_28 : i32
    "tpu.region"() ({
      %run_scoped3A = tpu.sem_alloc : memref<!tpu.dma_semaphore, #tpu.memory_space<semaphore_mem>>
      %dma_start3A = arith.constant 0 : i32
      %dma_start3A_49 = tpu.memref_slice %arg12[%add3A_29, %dma_start3A] : memref<10240x128xf32, #tpu.memory_space<vmem_shared>> -> memref<80x128xf32, #tpu.memory_space<vmem_shared>>
      %dma_start3A_50 = arith.constant 0 : i32
      %dma_start3A_51 = tpu.memref_slice %arg12[%add3A_29, %dma_start3A_50] : memref<10240x128xf32, #tpu.memory_space<vmem_shared>> -> memref<80x128xf32, #tpu.memory_space<vmem_shared>>
      tpu.enqueue_dma source(%arg8 : memref<80x128xf32, #tpu.memory_space<vmem>>) target(%dma_start3A_51 : memref<80x128xf32, #tpu.memory_space<vmem_shared>>) target_semaphore(%run_scoped3A : memref<!tpu.dma_semaphore, #tpu.memory_space<semaphore_mem>>)
      %dma_wait3A = arith.constant 0 : i32
      %dma_wait3A_52 = tpu.memref_slice %arg12[%add3A_29, %dma_wait3A] : memref<10240x128xf32, #tpu.memory_space<vmem_shared>> -> memref<80x128xf32, #tpu.memory_space<vmem_shared>>
      %dma_wait3A_53 = arith.constant 0 : i32
      %dma_wait3A_54 = tpu.memref_slice %arg12[%add3A_29, %dma_wait3A_53] : memref<10240x128xf32, #tpu.memory_space<vmem_shared>> -> memref<80x128xf32, #tpu.memory_space<vmem_shared>>
      tpu.wait_dma2 semaphore(%run_scoped3A : memref<!tpu.dma_semaphore, #tpu.memory_space<semaphore_mem>>) src(%arg8 : memref<80x128xf32, #tpu.memory_space<vmem>>) dst(%dma_wait3A_54 : memref<80x128xf32, #tpu.memory_space<vmem_shared>>)
      tpu.yield
    }) : () -> ()
    %mul3A_30 = arith.constant 640 : i32
    %mul3A_31 = arith.muli %arg1, %mul3A_30 : i32
    %add3A_32 = arith.constant 480 : i32
    %add3A_33 = arith.addi %mul3A_31, %add3A_32 : i32
    "tpu.region"() ({
      %run_scoped3A = tpu.sem_alloc : memref<!tpu.dma_semaphore, #tpu.memory_space<semaphore_mem>>
      %dma_start3A = arith.constant 0 : i32
      %dma_start3A_49 = tpu.memref_slice %arg12[%add3A_33, %dma_start3A] : memref<10240x128xf32, #tpu.memory_space<vmem_shared>> -> memref<80x128xf32, #tpu.memory_space<vmem_shared>>
      %dma_start3A_50 = arith.constant 0 : i32
      %dma_start3A_51 = tpu.memref_slice %arg12[%add3A_33, %dma_start3A_50] : memref<10240x128xf32, #tpu.memory_space<vmem_shared>> -> memref<80x128xf32, #tpu.memory_space<vmem_shared>>
      tpu.enqueue_dma source(%arg8 : memref<80x128xf32, #tpu.memory_space<vmem>>) target(%dma_start3A_51 : memref<80x128xf32, #tpu.memory_space<vmem_shared>>) target_semaphore(%run_scoped3A : memref<!tpu.dma_semaphore, #tpu.memory_space<semaphore_mem>>)
      %dma_wait3A = arith.constant 0 : i32
      %dma_wait3A_52 = tpu.memref_slice %arg12[%add3A_33, %dma_wait3A] : memref<10240x128xf32, #tpu.memory_space<vmem_shared>> -> memref<80x128xf32, #tpu.memory_space<vmem_shared>>
      %dma_wait3A_53 = arith.constant 0 : i32
      %dma_wait3A_54 = tpu.memref_slice %arg12[%add3A_33, %dma_wait3A_53] : memref<10240x128xf32, #tpu.memory_space<vmem_shared>> -> memref<80x128xf32, #tpu.memory_space<vmem_shared>>
      tpu.wait_dma2 semaphore(%run_scoped3A : memref<!tpu.dma_semaphore, #tpu.memory_space<semaphore_mem>>) src(%arg8 : memref<80x128xf32, #tpu.memory_space<vmem>>) dst(%dma_wait3A_54 : memref<80x128xf32, #tpu.memory_space<vmem_shared>>)
      tpu.yield
    }) : () -> ()
    %mul3A_34 = arith.constant 640 : i32
    %mul3A_35 = arith.muli %arg1, %mul3A_34 : i32
    %add3A_36 = arith.constant 560 : i32
    %add3A_37 = arith.addi %mul3A_35, %add3A_36 : i32
    "tpu.region"() ({
      %run_scoped3A = tpu.sem_alloc : memref<!tpu.dma_semaphore, #tpu.memory_space<semaphore_mem>>
      %dma_start3A = arith.constant 0 : i32
      %dma_start3A_49 = tpu.memref_slice %arg12[%add3A_37, %dma_start3A] : memref<10240x128xf32, #tpu.memory_space<vmem_shared>> -> memref<80x128xf32, #tpu.memory_space<vmem_shared>>
      %dma_start3A_50 = arith.constant 0 : i32
      %dma_start3A_51 = tpu.memref_slice %arg12[%add3A_37, %dma_start3A_50] : memref<10240x128xf32, #tpu.memory_space<vmem_shared>> -> memref<80x128xf32, #tpu.memory_space<vmem_shared>>
      tpu.enqueue_dma source(%arg8 : memref<80x128xf32, #tpu.memory_space<vmem>>) target(%dma_start3A_51 : memref<80x128xf32, #tpu.memory_space<vmem_shared>>) target_semaphore(%run_scoped3A : memref<!tpu.dma_semaphore, #tpu.memory_space<semaphore_mem>>)
      %dma_wait3A = arith.constant 0 : i32
      %dma_wait3A_52 = tpu.memref_slice %arg12[%add3A_37, %dma_wait3A] : memref<10240x128xf32, #tpu.memory_space<vmem_shared>> -> memref<80x128xf32, #tpu.memory_space<vmem_shared>>
      %dma_wait3A_53 = arith.constant 0 : i32
      %dma_wait3A_54 = tpu.memref_slice %arg12[%add3A_37, %dma_wait3A_53] : memref<10240x128xf32, #tpu.memory_space<vmem_shared>> -> memref<80x128xf32, #tpu.memory_space<vmem_shared>>
      tpu.wait_dma2 semaphore(%run_scoped3A : memref<!tpu.dma_semaphore, #tpu.memory_space<semaphore_mem>>) src(%arg8 : memref<80x128xf32, #tpu.memory_space<vmem>>) dst(%dma_wait3A_54 : memref<80x128xf32, #tpu.memory_space<vmem_shared>>)
      tpu.yield
    }) : () -> ()
    %barrier3A = arith.constant 0 : index
    tpu.barrier barrier_id(%barrier3A)
    %scan3A_38 = arith.constant 0 : i32
    %scan3A_39 = arith.constant 0 : i32
    %scan3A_40 = arith.constant 8 : i32
    %scan3A_41 = arith.addi %scan3A_39, %scan3A_40 : i32
    %scan3A_42 = arith.constant 1 : i32
    scf.for %scan3A_49 = %scan3A_39 to %scan3A_41 step %scan3A_42  : i32 {
      %mul3A_50 = arith.constant 16 : i32
      %mul3A_51 = arith.muli %scan3A_49, %mul3A_50 : i32
      "tpu.region"() ({
        %run_scoped3A_291 = tpu.sem_alloc : memref<!tpu.dma_semaphore, #tpu.memory_space<semaphore_mem>>
        %dma_start3A_292 = arith.constant 0 : i32
        %dma_start3A_293 = tpu.memref_slice %arg3[%add3A, %mul3A_51, %dma_start3A_292] : memref<32x128x80xi32, #tpu.memory_space<hbm>> -> memref<1x16x80xi32, #tpu.memory_space<hbm>>
        %dma_start3A_294 = tpu.memref_squeeze %dma_start3A_293 : memref<1x16x80xi32, #tpu.memory_space<hbm>> -> memref<16x80xi32, #tpu.memory_space<hbm>>
        %dma_start3A_295 = arith.constant 0 : i32
        %dma_start3A_296 = tpu.memref_slice %arg3[%add3A, %mul3A_51, %dma_start3A_295] : memref<32x128x80xi32, #tpu.memory_space<hbm>> -> memref<1x16x80xi32, #tpu.memory_space<hbm>>
        %dma_start3A_297 = tpu.memref_squeeze %dma_start3A_296 : memref<1x16x80xi32, #tpu.memory_space<hbm>> -> memref<16x80xi32, #tpu.memory_space<hbm>>
        tpu.enqueue_dma source(%dma_start3A_297 : memref<16x80xi32, #tpu.memory_space<hbm>>) target(%arg6 : memref<16x80xi32, #tpu.memory_space<vmem>>) target_semaphore(%run_scoped3A_291 : memref<!tpu.dma_semaphore, #tpu.memory_space<semaphore_mem>>)
        %dma_wait3A_298 = arith.constant 0 : i32
        %dma_wait3A_299 = tpu.memref_slice %arg3[%add3A, %mul3A_51, %dma_wait3A_298] : memref<32x128x80xi32, #tpu.memory_space<hbm>> -> memref<1x16x80xi32, #tpu.memory_space<hbm>>
        %dma_wait3A_300 = tpu.memref_squeeze %dma_wait3A_299 : memref<1x16x80xi32, #tpu.memory_space<hbm>> -> memref<16x80xi32, #tpu.memory_space<hbm>>
        %dma_wait3A_301 = arith.constant 0 : i32
        %dma_wait3A_302 = tpu.memref_slice %arg3[%add3A, %mul3A_51, %dma_wait3A_301] : memref<32x128x80xi32, #tpu.memory_space<hbm>> -> memref<1x16x80xi32, #tpu.memory_space<hbm>>
        %dma_wait3A_303 = tpu.memref_squeeze %dma_wait3A_302 : memref<1x16x80xi32, #tpu.memory_space<hbm>> -> memref<16x80xi32, #tpu.memory_space<hbm>>
        tpu.wait_dma2 semaphore(%run_scoped3A_291 : memref<!tpu.dma_semaphore, #tpu.memory_space<semaphore_mem>>) src(%dma_wait3A_303 : memref<16x80xi32, #tpu.memory_space<hbm>>) dst(%arg6 : memref<16x80xi32, #tpu.memory_space<vmem>>)
        tpu.yield
      }) : () -> ()
      %mul3A_52 = arith.constant 16 : i32
      %mul3A_53 = arith.muli %scan3A_49, %mul3A_52 : i32
      "tpu.region"() ({
        %run_scoped3A_291 = tpu.sem_alloc : memref<!tpu.dma_semaphore, #tpu.memory_space<semaphore_mem>>
        %dma_start3A_292 = arith.constant 0 : i32
        %dma_start3A_293 = tpu.memref_slice %arg4[%add3A, %mul3A_53, %dma_start3A_292] : memref<32x128x80xi32, #tpu.memory_space<hbm>> -> memref<1x16x80xi32, #tpu.memory_space<hbm>>
        %dma_start3A_294 = tpu.memref_squeeze %dma_start3A_293 : memref<1x16x80xi32, #tpu.memory_space<hbm>> -> memref<16x80xi32, #tpu.memory_space<hbm>>
        %dma_start3A_295 = arith.constant 0 : i32
        %dma_start3A_296 = tpu.memref_slice %arg4[%add3A, %mul3A_53, %dma_start3A_295] : memref<32x128x80xi32, #tpu.memory_space<hbm>> -> memref<1x16x80xi32, #tpu.memory_space<hbm>>
        %dma_start3A_297 = tpu.memref_squeeze %dma_start3A_296 : memref<1x16x80xi32, #tpu.memory_space<hbm>> -> memref<16x80xi32, #tpu.memory_space<hbm>>
        tpu.enqueue_dma source(%dma_start3A_297 : memref<16x80xi32, #tpu.memory_space<hbm>>) target(%arg7 : memref<16x80xi32, #tpu.memory_space<vmem>>) target_semaphore(%run_scoped3A_291 : memref<!tpu.dma_semaphore, #tpu.memory_space<semaphore_mem>>)
        %dma_wait3A_298 = arith.constant 0 : i32
        %dma_wait3A_299 = tpu.memref_slice %arg4[%add3A, %mul3A_53, %dma_wait3A_298] : memref<32x128x80xi32, #tpu.memory_space<hbm>> -> memref<1x16x80xi32, #tpu.memory_space<hbm>>
        %dma_wait3A_300 = tpu.memref_squeeze %dma_wait3A_299 : memref<1x16x80xi32, #tpu.memory_space<hbm>> -> memref<16x80xi32, #tpu.memory_space<hbm>>
        %dma_wait3A_301 = arith.constant 0 : i32
        %dma_wait3A_302 = tpu.memref_slice %arg4[%add3A, %mul3A_53, %dma_wait3A_301] : memref<32x128x80xi32, #tpu.memory_space<hbm>> -> memref<1x16x80xi32, #tpu.memory_space<hbm>>
        %dma_wait3A_303 = tpu.memref_squeeze %dma_wait3A_302 : memref<1x16x80xi32, #tpu.memory_space<hbm>> -> memref<16x80xi32, #tpu.memory_space<hbm>>
        tpu.wait_dma2 semaphore(%run_scoped3A_291 : memref<!tpu.dma_semaphore, #tpu.memory_space<semaphore_mem>>) src(%dma_wait3A_303 : memref<16x80xi32, #tpu.memory_space<hbm>>) dst(%arg7 : memref<16x80xi32, #tpu.memory_space<vmem>>)
        tpu.yield
      }) : () -> ()
      %dma_start3A = arith.constant 0 : i32
      %dma_start3A_54 = arith.constant 0 : i32
      %dma_start3A_55 = tpu.memref_slice %arg6[%dma_start3A, %dma_start3A_54] : memref<16x80xi32, #tpu.memory_space<vmem>> -> memref<1x80xi32, #tpu.memory_space<vmem>>
      %dma_start3A_56 = tpu.memref_squeeze %dma_start3A_55 : memref<1x80xi32, #tpu.memory_space<vmem>> -> memref<80xi32, #tpu.memory_space<vmem>>
      %dma_start3A_57 = arith.constant 0 : i32
      %dma_start3A_58 = arith.constant 0 : i32
      %dma_start3A_59 = tpu.memref_slice %arg2[%dma_start3A_57, %dma_start3A_58] : memref<10240x128xf32, #tpu.memory_space<hbm>> -> memref<10240x128xf32, #tpu.memory_space<hbm>>
      tpu.enqueue_indirect_dma source(%dma_start3A_59 : memref<10240x128xf32, #tpu.memory_space<hbm>>) target(%arg8 : memref<80x128xf32, #tpu.memory_space<vmem>>) offsets(%dma_start3A_56 : memref<80xi32, #tpu.memory_space<vmem>>) semaphore(%arg13 : memref<!tpu.dma_semaphore, #tpu.memory_space<semaphore_mem>>)
      %dma_start3A_60 = arith.constant 1 : i32
      %dma_start3A_61 = arith.constant 0 : i32
      %dma_start3A_62 = tpu.memref_slice %arg6[%dma_start3A_60, %dma_start3A_61] : memref<16x80xi32, #tpu.memory_space<vmem>> -> memref<1x80xi32, #tpu.memory_space<vmem>>
      %dma_start3A_63 = tpu.memref_squeeze %dma_start3A_62 : memref<1x80xi32, #tpu.memory_space<vmem>> -> memref<80xi32, #tpu.memory_space<vmem>>
      %dma_start3A_64 = arith.constant 0 : i32
      %dma_start3A_65 = arith.constant 0 : i32
      %dma_start3A_66 = tpu.memref_slice %arg2[%dma_start3A_64, %dma_start3A_65] : memref<10240x128xf32, #tpu.memory_space<hbm>> -> memref<10240x128xf32, #tpu.memory_space<hbm>>
      tpu.enqueue_indirect_dma source(%dma_start3A_66 : memref<10240x128xf32, #tpu.memory_space<hbm>>) target(%arg9 : memref<80x128xf32, #tpu.memory_space<vmem>>) offsets(%dma_start3A_63 : memref<80xi32, #tpu.memory_space<vmem>>) semaphore(%arg14 : memref<!tpu.dma_semaphore, #tpu.memory_space<semaphore_mem>>)
      %dma_start3A_67 = arith.constant 2 : i32
      %dma_start3A_68 = arith.constant 0 : i32
      %dma_start3A_69 = tpu.memref_slice %arg6[%dma_start3A_67, %dma_start3A_68] : memref<16x80xi32, #tpu.memory_space<vmem>> -> memref<1x80xi32, #tpu.memory_space<vmem>>
      %dma_start3A_70 = tpu.memref_squeeze %dma_start3A_69 : memref<1x80xi32, #tpu.memory_space<vmem>> -> memref<80xi32, #tpu.memory_space<vmem>>
      %dma_start3A_71 = arith.constant 0 : i32
      %dma_start3A_72 = arith.constant 0 : i32
      %dma_start3A_73 = tpu.memref_slice %arg2[%dma_start3A_71, %dma_start3A_72] : memref<10240x128xf32, #tpu.memory_space<hbm>> -> memref<10240x128xf32, #tpu.memory_space<hbm>>
      tpu.enqueue_indirect_dma source(%dma_start3A_73 : memref<10240x128xf32, #tpu.memory_space<hbm>>) target(%arg10 : memref<80x128xf32, #tpu.memory_space<vmem>>) offsets(%dma_start3A_70 : memref<80xi32, #tpu.memory_space<vmem>>) semaphore(%arg15 : memref<!tpu.dma_semaphore, #tpu.memory_space<semaphore_mem>>)
      %dma_start3A_74 = arith.constant 3 : i32
      %dma_start3A_75 = arith.constant 0 : i32
      %dma_start3A_76 = tpu.memref_slice %arg6[%dma_start3A_74, %dma_start3A_75] : memref<16x80xi32, #tpu.memory_space<vmem>> -> memref<1x80xi32, #tpu.memory_space<vmem>>
      %dma_start3A_77 = tpu.memref_squeeze %dma_start3A_76 : memref<1x80xi32, #tpu.memory_space<vmem>> -> memref<80xi32, #tpu.memory_space<vmem>>
      %dma_start3A_78 = arith.constant 0 : i32
      %dma_start3A_79 = arith.constant 0 : i32
      %dma_start3A_80 = tpu.memref_slice %arg2[%dma_start3A_78, %dma_start3A_79] : memref<10240x128xf32, #tpu.memory_space<hbm>> -> memref<10240x128xf32, #tpu.memory_space<hbm>>
      tpu.enqueue_indirect_dma source(%dma_start3A_80 : memref<10240x128xf32, #tpu.memory_space<hbm>>) target(%arg11 : memref<80x128xf32, #tpu.memory_space<vmem>>) offsets(%dma_start3A_77 : memref<80xi32, #tpu.memory_space<vmem>>) semaphore(%arg16 : memref<!tpu.dma_semaphore, #tpu.memory_space<semaphore_mem>>)
      %dma_wait3A = arith.constant 0 : i32
      %dma_wait3A_81 = arith.constant 0 : i32
      %dma_wait3A_82 = tpu.memref_slice %arg6[%dma_wait3A, %dma_wait3A_81] : memref<16x80xi32, #tpu.memory_space<vmem>> -> memref<1x80xi32, #tpu.memory_space<vmem>>
      %dma_wait3A_83 = tpu.memref_squeeze %dma_wait3A_82 : memref<1x80xi32, #tpu.memory_space<vmem>> -> memref<80xi32, #tpu.memory_space<vmem>>
      %dma_wait3A_84 = arith.constant 0 : i32
      %dma_wait3A_85 = arith.constant 0 : i32
      %dma_wait3A_86 = tpu.memref_slice %arg2[%dma_wait3A_84, %dma_wait3A_85] : memref<10240x128xf32, #tpu.memory_space<hbm>> -> memref<10240x128xf32, #tpu.memory_space<hbm>>
      tpu.wait_indirect_dma semaphore(%arg13 : memref<!tpu.dma_semaphore, #tpu.memory_space<semaphore_mem>>) src(%dma_wait3A_86 : memref<10240x128xf32, #tpu.memory_space<hbm>>) dst(%arg8 : memref<80x128xf32, #tpu.memory_space<vmem>>)
      %run_scoped3A = arith.constant 0 : i32
      "tpu.region"() ({
        %run_scoped3A_291 = tpu.sem_alloc : memref<!tpu.dma_semaphore, #tpu.memory_space<semaphore_mem>>
        %dma_start3A_292 = arith.constant 0 : i32
        %dma_start3A_293 = tpu.memref_slice %arg7[%run_scoped3A, %dma_start3A_292] : memref<16x80xi32, #tpu.memory_space<vmem>> -> memref<1x80xi32, #tpu.memory_space<vmem>>
        %dma_start3A_294 = tpu.memref_squeeze %dma_start3A_293 : memref<1x80xi32, #tpu.memory_space<vmem>> -> memref<80xi32, #tpu.memory_space<vmem>>
        %dma_start3A_295 = arith.constant 0 : i32
        %dma_start3A_296 = arith.constant 0 : i32
        %dma_start3A_297 = tpu.memref_slice %arg12[%dma_start3A_295, %dma_start3A_296] : memref<10240x128xf32, #tpu.memory_space<vmem_shared>> -> memref<10240x128xf32, #tpu.memory_space<vmem_shared>>
        tpu.enqueue_indirect_dma source(%arg8 : memref<80x128xf32, #tpu.memory_space<vmem>>) target(%dma_start3A_297 : memref<10240x128xf32, #tpu.memory_space<vmem_shared>>) offsets(%dma_start3A_294 : memref<80xi32, #tpu.memory_space<vmem>>) semaphore(%run_scoped3A_291 : memref<!tpu.dma_semaphore, #tpu.memory_space<semaphore_mem>>) {add = true}
        %dma_wait3A_298 = arith.constant 0 : i32
        %dma_wait3A_299 = tpu.memref_slice %arg7[%run_scoped3A, %dma_wait3A_298] : memref<16x80xi32, #tpu.memory_space<vmem>> -> memref<1x80xi32, #tpu.memory_space<vmem>>
        %dma_wait3A_300 = tpu.memref_squeeze %dma_wait3A_299 : memref<1x80xi32, #tpu.memory_space<vmem>> -> memref<80xi32, #tpu.memory_space<vmem>>
        %dma_wait3A_301 = arith.constant 0 : i32
        %dma_wait3A_302 = arith.constant 0 : i32
        %dma_wait3A_303 = tpu.memref_slice %arg12[%dma_wait3A_301, %dma_wait3A_302] : memref<10240x128xf32, #tpu.memory_space<vmem_shared>> -> memref<10240x128xf32, #tpu.memory_space<vmem_shared>>
        tpu.wait_indirect_dma semaphore(%run_scoped3A_291 : memref<!tpu.dma_semaphore, #tpu.memory_space<semaphore_mem>>) src(%arg8 : memref<80x128xf32, #tpu.memory_space<vmem>>) dst(%dma_wait3A_303 : memref<10240x128xf32, #tpu.memory_space<vmem_shared>>)
        tpu.yield
      }) : () -> ()
      %dma_start3A_87 = arith.constant 4 : i32
      %dma_start3A_88 = arith.constant 0 : i32
      %dma_start3A_89 = tpu.memref_slice %arg6[%dma_start3A_87, %dma_start3A_88] : memref<16x80xi32, #tpu.memory_space<vmem>> -> memref<1x80xi32, #tpu.memory_space<vmem>>
      %dma_start3A_90 = tpu.memref_squeeze %dma_start3A_89 : memref<1x80xi32, #tpu.memory_space<vmem>> -> memref<80xi32, #tpu.memory_space<vmem>>
      %dma_start3A_91 = arith.constant 0 : i32
      %dma_start3A_92 = arith.constant 0 : i32
      %dma_start3A_93 = tpu.memref_slice %arg2[%dma_start3A_91, %dma_start3A_92] : memref<10240x128xf32, #tpu.memory_space<hbm>> -> memref<10240x128xf32, #tpu.memory_space<hbm>>
      tpu.enqueue_indirect_dma source(%dma_start3A_93 : memref<10240x128xf32, #tpu.memory_space<hbm>>) target(%arg8 : memref<80x128xf32, #tpu.memory_space<vmem>>) offsets(%dma_start3A_90 : memref<80xi32, #tpu.memory_space<vmem>>) semaphore(%arg13 : memref<!tpu.dma_semaphore, #tpu.memory_space<semaphore_mem>>)
      %dma_wait3A_94 = arith.constant 1 : i32
      %dma_wait3A_95 = arith.constant 0 : i32
      %dma_wait3A_96 = tpu.memref_slice %arg6[%dma_wait3A_94, %dma_wait3A_95] : memref<16x80xi32, #tpu.memory_space<vmem>> -> memref<1x80xi32, #tpu.memory_space<vmem>>
      %dma_wait3A_97 = tpu.memref_squeeze %dma_wait3A_96 : memref<1x80xi32, #tpu.memory_space<vmem>> -> memref<80xi32, #tpu.memory_space<vmem>>
      %dma_wait3A_98 = arith.constant 0 : i32
      %dma_wait3A_99 = arith.constant 0 : i32
      %dma_wait3A_100 = tpu.memref_slice %arg2[%dma_wait3A_98, %dma_wait3A_99] : memref<10240x128xf32, #tpu.memory_space<hbm>> -> memref<10240x128xf32, #tpu.memory_space<hbm>>
      tpu.wait_indirect_dma semaphore(%arg14 : memref<!tpu.dma_semaphore, #tpu.memory_space<semaphore_mem>>) src(%dma_wait3A_100 : memref<10240x128xf32, #tpu.memory_space<hbm>>) dst(%arg9 : memref<80x128xf32, #tpu.memory_space<vmem>>)
      %run_scoped3A_101 = arith.constant 1 : i32
      "tpu.region"() ({
        %run_scoped3A_291 = tpu.sem_alloc : memref<!tpu.dma_semaphore, #tpu.memory_space<semaphore_mem>>
        %dma_start3A_292 = arith.constant 0 : i32
        %dma_start3A_293 = tpu.memref_slice %arg7[%run_scoped3A_101, %dma_start3A_292] : memref<16x80xi32, #tpu.memory_space<vmem>> -> memref<1x80xi32, #tpu.memory_space<vmem>>
        %dma_start3A_294 = tpu.memref_squeeze %dma_start3A_293 : memref<1x80xi32, #tpu.memory_space<vmem>> -> memref<80xi32, #tpu.memory_space<vmem>>
        %dma_start3A_295 = arith.constant 0 : i32
        %dma_start3A_296 = arith.constant 0 : i32
        %dma_start3A_297 = tpu.memref_slice %arg12[%dma_start3A_295, %dma_start3A_296] : memref<10240x128xf32, #tpu.memory_space<vmem_shared>> -> memref<10240x128xf32, #tpu.memory_space<vmem_shared>>
        tpu.enqueue_indirect_dma source(%arg9 : memref<80x128xf32, #tpu.memory_space<vmem>>) target(%dma_start3A_297 : memref<10240x128xf32, #tpu.memory_space<vmem_shared>>) offsets(%dma_start3A_294 : memref<80xi32, #tpu.memory_space<vmem>>) semaphore(%run_scoped3A_291 : memref<!tpu.dma_semaphore, #tpu.memory_space<semaphore_mem>>) {add = true}
        %dma_wait3A_298 = arith.constant 0 : i32
        %dma_wait3A_299 = tpu.memref_slice %arg7[%run_scoped3A_101, %dma_wait3A_298] : memref<16x80xi32, #tpu.memory_space<vmem>> -> memref<1x80xi32, #tpu.memory_space<vmem>>
        %dma_wait3A_300 = tpu.memref_squeeze %dma_wait3A_299 : memref<1x80xi32, #tpu.memory_space<vmem>> -> memref<80xi32, #tpu.memory_space<vmem>>
        %dma_wait3A_301 = arith.constant 0 : i32
        %dma_wait3A_302 = arith.constant 0 : i32
        %dma_wait3A_303 = tpu.memref_slice %arg12[%dma_wait3A_301, %dma_wait3A_302] : memref<10240x128xf32, #tpu.memory_space<vmem_shared>> -> memref<10240x128xf32, #tpu.memory_space<vmem_shared>>
        tpu.wait_indirect_dma semaphore(%run_scoped3A_291 : memref<!tpu.dma_semaphore, #tpu.memory_space<semaphore_mem>>) src(%arg9 : memref<80x128xf32, #tpu.memory_space<vmem>>) dst(%dma_wait3A_303 : memref<10240x128xf32, #tpu.memory_space<vmem_shared>>)
        tpu.yield
      }) : () -> ()
      %dma_start3A_102 = arith.constant 5 : i32
      %dma_start3A_103 = arith.constant 0 : i32
      %dma_start3A_104 = tpu.memref_slice %arg6[%dma_start3A_102, %dma_start3A_103] : memref<16x80xi32, #tpu.memory_space<vmem>> -> memref<1x80xi32, #tpu.memory_space<vmem>>
      %dma_start3A_105 = tpu.memref_squeeze %dma_start3A_104 : memref<1x80xi32, #tpu.memory_space<vmem>> -> memref<80xi32, #tpu.memory_space<vmem>>
      %dma_start3A_106 = arith.constant 0 : i32
      %dma_start3A_107 = arith.constant 0 : i32
      %dma_start3A_108 = tpu.memref_slice %arg2[%dma_start3A_106, %dma_start3A_107] : memref<10240x128xf32, #tpu.memory_space<hbm>> -> memref<10240x128xf32, #tpu.memory_space<hbm>>
      tpu.enqueue_indirect_dma source(%dma_start3A_108 : memref<10240x128xf32, #tpu.memory_space<hbm>>) target(%arg9 : memref<80x128xf32, #tpu.memory_space<vmem>>) offsets(%dma_start3A_105 : memref<80xi32, #tpu.memory_space<vmem>>) semaphore(%arg14 : memref<!tpu.dma_semaphore, #tpu.memory_space<semaphore_mem>>)
      %dma_wait3A_109 = arith.constant 2 : i32
      %dma_wait3A_110 = arith.constant 0 : i32
      %dma_wait3A_111 = tpu.memref_slice %arg6[%dma_wait3A_109, %dma_wait3A_110] : memref<16x80xi32, #tpu.memory_space<vmem>> -> memref<1x80xi32, #tpu.memory_space<vmem>>
      %dma_wait3A_112 = tpu.memref_squeeze %dma_wait3A_111 : memref<1x80xi32, #tpu.memory_space<vmem>> -> memref<80xi32, #tpu.memory_space<vmem>>
      %dma_wait3A_113 = arith.constant 0 : i32
      %dma_wait3A_114 = arith.constant 0 : i32
      %dma_wait3A_115 = tpu.memref_slice %arg2[%dma_wait3A_113, %dma_wait3A_114] : memref<10240x128xf32, #tpu.memory_space<hbm>> -> memref<10240x128xf32, #tpu.memory_space<hbm>>
      tpu.wait_indirect_dma semaphore(%arg15 : memref<!tpu.dma_semaphore, #tpu.memory_space<semaphore_mem>>) src(%dma_wait3A_115 : memref<10240x128xf32, #tpu.memory_space<hbm>>) dst(%arg10 : memref<80x128xf32, #tpu.memory_space<vmem>>)
      %run_scoped3A_116 = arith.constant 2 : i32
      "tpu.region"() ({
        %run_scoped3A_291 = tpu.sem_alloc : memref<!tpu.dma_semaphore, #tpu.memory_space<semaphore_mem>>
        %dma_start3A_292 = arith.constant 0 : i32
        %dma_start3A_293 = tpu.memref_slice %arg7[%run_scoped3A_116, %dma_start3A_292] : memref<16x80xi32, #tpu.memory_space<vmem>> -> memref<1x80xi32, #tpu.memory_space<vmem>>
        %dma_start3A_294 = tpu.memref_squeeze %dma_start3A_293 : memref<1x80xi32, #tpu.memory_space<vmem>> -> memref<80xi32, #tpu.memory_space<vmem>>
        %dma_start3A_295 = arith.constant 0 : i32
        %dma_start3A_296 = arith.constant 0 : i32
        %dma_start3A_297 = tpu.memref_slice %arg12[%dma_start3A_295, %dma_start3A_296] : memref<10240x128xf32, #tpu.memory_space<vmem_shared>> -> memref<10240x128xf32, #tpu.memory_space<vmem_shared>>
        tpu.enqueue_indirect_dma source(%arg10 : memref<80x128xf32, #tpu.memory_space<vmem>>) target(%dma_start3A_297 : memref<10240x128xf32, #tpu.memory_space<vmem_shared>>) offsets(%dma_start3A_294 : memref<80xi32, #tpu.memory_space<vmem>>) semaphore(%run_scoped3A_291 : memref<!tpu.dma_semaphore, #tpu.memory_space<semaphore_mem>>) {add = true}
        %dma_wait3A_298 = arith.constant 0 : i32
        %dma_wait3A_299 = tpu.memref_slice %arg7[%run_scoped3A_116, %dma_wait3A_298] : memref<16x80xi32, #tpu.memory_space<vmem>> -> memref<1x80xi32, #tpu.memory_space<vmem>>
        %dma_wait3A_300 = tpu.memref_squeeze %dma_wait3A_299 : memref<1x80xi32, #tpu.memory_space<vmem>> -> memref<80xi32, #tpu.memory_space<vmem>>
        %dma_wait3A_301 = arith.constant 0 : i32
        %dma_wait3A_302 = arith.constant 0 : i32
        %dma_wait3A_303 = tpu.memref_slice %arg12[%dma_wait3A_301, %dma_wait3A_302] : memref<10240x128xf32, #tpu.memory_space<vmem_shared>> -> memref<10240x128xf32, #tpu.memory_space<vmem_shared>>
        tpu.wait_indirect_dma semaphore(%run_scoped3A_291 : memref<!tpu.dma_semaphore, #tpu.memory_space<semaphore_mem>>) src(%arg10 : memref<80x128xf32, #tpu.memory_space<vmem>>) dst(%dma_wait3A_303 : memref<10240x128xf32, #tpu.memory_space<vmem_shared>>)
        tpu.yield
      }) : () -> ()
      %dma_start3A_117 = arith.constant 6 : i32
      %dma_start3A_118 = arith.constant 0 : i32
      %dma_start3A_119 = tpu.memref_slice %arg6[%dma_start3A_117, %dma_start3A_118] : memref<16x80xi32, #tpu.memory_space<vmem>> -> memref<1x80xi32, #tpu.memory_space<vmem>>
      %dma_start3A_120 = tpu.memref_squeeze %dma_start3A_119 : memref<1x80xi32, #tpu.memory_space<vmem>> -> memref<80xi32, #tpu.memory_space<vmem>>
      %dma_start3A_121 = arith.constant 0 : i32
      %dma_start3A_122 = arith.constant 0 : i32
      %dma_start3A_123 = tpu.memref_slice %arg2[%dma_start3A_121, %dma_start3A_122] : memref<10240x128xf32, #tpu.memory_space<hbm>> -> memref<10240x128xf32, #tpu.memory_space<hbm>>
      tpu.enqueue_indirect_dma source(%dma_start3A_123 : memref<10240x128xf32, #tpu.memory_space<hbm>>) target(%arg10 : memref<80x128xf32, #tpu.memory_space<vmem>>) offsets(%dma_start3A_120 : memref<80xi32, #tpu.memory_space<vmem>>) semaphore(%arg15 : memref<!tpu.dma_semaphore, #tpu.memory_space<semaphore_mem>>)
      %dma_wait3A_124 = arith.constant 3 : i32
      %dma_wait3A_125 = arith.constant 0 : i32
      %dma_wait3A_126 = tpu.memref_slice %arg6[%dma_wait3A_124, %dma_wait3A_125] : memref<16x80xi32, #tpu.memory_space<vmem>> -> memref<1x80xi32, #tpu.memory_space<vmem>>
      %dma_wait3A_127 = tpu.memref_squeeze %dma_wait3A_126 : memref<1x80xi32, #tpu.memory_space<vmem>> -> memref<80xi32, #tpu.memory_space<vmem>>
      %dma_wait3A_128 = arith.constant 0 : i32
      %dma_wait3A_129 = arith.constant 0 : i32
      %dma_wait3A_130 = tpu.memref_slice %arg2[%dma_wait3A_128, %dma_wait3A_129] : memref<10240x128xf32, #tpu.memory_space<hbm>> -> memref<10240x128xf32, #tpu.memory_space<hbm>>
      tpu.wait_indirect_dma semaphore(%arg16 : memref<!tpu.dma_semaphore, #tpu.memory_space<semaphore_mem>>) src(%dma_wait3A_130 : memref<10240x128xf32, #tpu.memory_space<hbm>>) dst(%arg11 : memref<80x128xf32, #tpu.memory_space<vmem>>)
      %run_scoped3A_131 = arith.constant 3 : i32
      "tpu.region"() ({
        %run_scoped3A_291 = tpu.sem_alloc : memref<!tpu.dma_semaphore, #tpu.memory_space<semaphore_mem>>
        %dma_start3A_292 = arith.constant 0 : i32
        %dma_start3A_293 = tpu.memref_slice %arg7[%run_scoped3A_131, %dma_start3A_292] : memref<16x80xi32, #tpu.memory_space<vmem>> -> memref<1x80xi32, #tpu.memory_space<vmem>>
        %dma_start3A_294 = tpu.memref_squeeze %dma_start3A_293 : memref<1x80xi32, #tpu.memory_space<vmem>> -> memref<80xi32, #tpu.memory_space<vmem>>
        %dma_start3A_295 = arith.constant 0 : i32
        %dma_start3A_296 = arith.constant 0 : i32
        %dma_start3A_297 = tpu.memref_slice %arg12[%dma_start3A_295, %dma_start3A_296] : memref<10240x128xf32, #tpu.memory_space<vmem_shared>> -> memref<10240x128xf32, #tpu.memory_space<vmem_shared>>
        tpu.enqueue_indirect_dma source(%arg11 : memref<80x128xf32, #tpu.memory_space<vmem>>) target(%dma_start3A_297 : memref<10240x128xf32, #tpu.memory_space<vmem_shared>>) offsets(%dma_start3A_294 : memref<80xi32, #tpu.memory_space<vmem>>) semaphore(%run_scoped3A_291 : memref<!tpu.dma_semaphore, #tpu.memory_space<semaphore_mem>>) {add = true}
        %dma_wait3A_298 = arith.constant 0 : i32
        %dma_wait3A_299 = tpu.memref_slice %arg7[%run_scoped3A_131, %dma_wait3A_298] : memref<16x80xi32, #tpu.memory_space<vmem>> -> memref<1x80xi32, #tpu.memory_space<vmem>>
        %dma_wait3A_300 = tpu.memref_squeeze %dma_wait3A_299 : memref<1x80xi32, #tpu.memory_space<vmem>> -> memref<80xi32, #tpu.memory_space<vmem>>
        %dma_wait3A_301 = arith.constant 0 : i32
        %dma_wait3A_302 = arith.constant 0 : i32
        %dma_wait3A_303 = tpu.memref_slice %arg12[%dma_wait3A_301, %dma_wait3A_302] : memref<10240x128xf32, #tpu.memory_space<vmem_shared>> -> memref<10240x128xf32, #tpu.memory_space<vmem_shared>>
        tpu.wait_indirect_dma semaphore(%run_scoped3A_291 : memref<!tpu.dma_semaphore, #tpu.memory_space<semaphore_mem>>) src(%arg11 : memref<80x128xf32, #tpu.memory_space<vmem>>) dst(%dma_wait3A_303 : memref<10240x128xf32, #tpu.memory_space<vmem_shared>>)
        tpu.yield
      }) : () -> ()
      %dma_start3A_132 = arith.constant 7 : i32
      %dma_start3A_133 = arith.constant 0 : i32
      %dma_start3A_134 = tpu.memref_slice %arg6[%dma_start3A_132, %dma_start3A_133] : memref<16x80xi32, #tpu.memory_space<vmem>> -> memref<1x80xi32, #tpu.memory_space<vmem>>
      %dma_start3A_135 = tpu.memref_squeeze %dma_start3A_134 : memref<1x80xi32, #tpu.memory_space<vmem>> -> memref<80xi32, #tpu.memory_space<vmem>>
      %dma_start3A_136 = arith.constant 0 : i32
      %dma_start3A_137 = arith.constant 0 : i32
      %dma_start3A_138 = tpu.memref_slice %arg2[%dma_start3A_136, %dma_start3A_137] : memref<10240x128xf32, #tpu.memory_space<hbm>> -> memref<10240x128xf32, #tpu.memory_space<hbm>>
      tpu.enqueue_indirect_dma source(%dma_start3A_138 : memref<10240x128xf32, #tpu.memory_space<hbm>>) target(%arg11 : memref<80x128xf32, #tpu.memory_space<vmem>>) offsets(%dma_start3A_135 : memref<80xi32, #tpu.memory_space<vmem>>) semaphore(%arg16 : memref<!tpu.dma_semaphore, #tpu.memory_space<semaphore_mem>>)
      %dma_wait3A_139 = arith.constant 4 : i32
      %dma_wait3A_140 = arith.constant 0 : i32
      %dma_wait3A_141 = tpu.memref_slice %arg6[%dma_wait3A_139, %dma_wait3A_140] : memref<16x80xi32, #tpu.memory_space<vmem>> -> memref<1x80xi32, #tpu.memory_space<vmem>>
      %dma_wait3A_142 = tpu.memref_squeeze %dma_wait3A_141 : memref<1x80xi32, #tpu.memory_space<vmem>> -> memref<80xi32, #tpu.memory_space<vmem>>
      %dma_wait3A_143 = arith.constant 0 : i32
      %dma_wait3A_144 = arith.constant 0 : i32
      %dma_wait3A_145 = tpu.memref_slice %arg2[%dma_wait3A_143, %dma_wait3A_144] : memref<10240x128xf32, #tpu.memory_space<hbm>> -> memref<10240x128xf32, #tpu.memory_space<hbm>>
      tpu.wait_indirect_dma semaphore(%arg13 : memref<!tpu.dma_semaphore, #tpu.memory_space<semaphore_mem>>) src(%dma_wait3A_145 : memref<10240x128xf32, #tpu.memory_space<hbm>>) dst(%arg8 : memref<80x128xf32, #tpu.memory_space<vmem>>)
      %run_scoped3A_146 = arith.constant 4 : i32
      "tpu.region"() ({
        %run_scoped3A_291 = tpu.sem_alloc : memref<!tpu.dma_semaphore, #tpu.memory_space<semaphore_mem>>
        %dma_start3A_292 = arith.constant 0 : i32
        %dma_start3A_293 = tpu.memref_slice %arg7[%run_scoped3A_146, %dma_start3A_292] : memref<16x80xi32, #tpu.memory_space<vmem>> -> memref<1x80xi32, #tpu.memory_space<vmem>>
        %dma_start3A_294 = tpu.memref_squeeze %dma_start3A_293 : memref<1x80xi32, #tpu.memory_space<vmem>> -> memref<80xi32, #tpu.memory_space<vmem>>
        %dma_start3A_295 = arith.constant 0 : i32
        %dma_start3A_296 = arith.constant 0 : i32
        %dma_start3A_297 = tpu.memref_slice %arg12[%dma_start3A_295, %dma_start3A_296] : memref<10240x128xf32, #tpu.memory_space<vmem_shared>> -> memref<10240x128xf32, #tpu.memory_space<vmem_shared>>
        tpu.enqueue_indirect_dma source(%arg8 : memref<80x128xf32, #tpu.memory_space<vmem>>) target(%dma_start3A_297 : memref<10240x128xf32, #tpu.memory_space<vmem_shared>>) offsets(%dma_start3A_294 : memref<80xi32, #tpu.memory_space<vmem>>) semaphore(%run_scoped3A_291 : memref<!tpu.dma_semaphore, #tpu.memory_space<semaphore_mem>>) {add = true}
        %dma_wait3A_298 = arith.constant 0 : i32
        %dma_wait3A_299 = tpu.memref_slice %arg7[%run_scoped3A_146, %dma_wait3A_298] : memref<16x80xi32, #tpu.memory_space<vmem>> -> memref<1x80xi32, #tpu.memory_space<vmem>>
        %dma_wait3A_300 = tpu.memref_squeeze %dma_wait3A_299 : memref<1x80xi32, #tpu.memory_space<vmem>> -> memref<80xi32, #tpu.memory_space<vmem>>
        %dma_wait3A_301 = arith.constant 0 : i32
        %dma_wait3A_302 = arith.constant 0 : i32
        %dma_wait3A_303 = tpu.memref_slice %arg12[%dma_wait3A_301, %dma_wait3A_302] : memref<10240x128xf32, #tpu.memory_space<vmem_shared>> -> memref<10240x128xf32, #tpu.memory_space<vmem_shared>>
        tpu.wait_indirect_dma semaphore(%run_scoped3A_291 : memref<!tpu.dma_semaphore, #tpu.memory_space<semaphore_mem>>) src(%arg8 : memref<80x128xf32, #tpu.memory_space<vmem>>) dst(%dma_wait3A_303 : memref<10240x128xf32, #tpu.memory_space<vmem_shared>>)
        tpu.yield
      }) : () -> ()
      %dma_start3A_147 = arith.constant 8 : i32
      %dma_start3A_148 = arith.constant 0 : i32
      %dma_start3A_149 = tpu.memref_slice %arg6[%dma_start3A_147, %dma_start3A_148] : memref<16x80xi32, #tpu.memory_space<vmem>> -> memref<1x80xi32, #tpu.memory_space<vmem>>
      %dma_start3A_150 = tpu.memref_squeeze %dma_start3A_149 : memref<1x80xi32, #tpu.memory_space<vmem>> -> memref<80xi32, #tpu.memory_space<vmem>>
      %dma_start3A_151 = arith.constant 0 : i32
      %dma_start3A_152 = arith.constant 0 : i32
      %dma_start3A_153 = tpu.memref_slice %arg2[%dma_start3A_151, %dma_start3A_152] : memref<10240x128xf32, #tpu.memory_space<hbm>> -> memref<10240x128xf32, #tpu.memory_space<hbm>>
      tpu.enqueue_indirect_dma source(%dma_start3A_153 : memref<10240x128xf32, #tpu.memory_space<hbm>>) target(%arg8 : memref<80x128xf32, #tpu.memory_space<vmem>>) offsets(%dma_start3A_150 : memref<80xi32, #tpu.memory_space<vmem>>) semaphore(%arg13 : memref<!tpu.dma_semaphore, #tpu.memory_space<semaphore_mem>>)
      %dma_wait3A_154 = arith.constant 5 : i32
      %dma_wait3A_155 = arith.constant 0 : i32
      %dma_wait3A_156 = tpu.memref_slice %arg6[%dma_wait3A_154, %dma_wait3A_155] : memref<16x80xi32, #tpu.memory_space<vmem>> -> memref<1x80xi32, #tpu.memory_space<vmem>>
      %dma_wait3A_157 = tpu.memref_squeeze %dma_wait3A_156 : memref<1x80xi32, #tpu.memory_space<vmem>> -> memref<80xi32, #tpu.memory_space<vmem>>
      %dma_wait3A_158 = arith.constant 0 : i32
      %dma_wait3A_159 = arith.constant 0 : i32
      %dma_wait3A_160 = tpu.memref_slice %arg2[%dma_wait3A_158, %dma_wait3A_159] : memref<10240x128xf32, #tpu.memory_space<hbm>> -> memref<10240x128xf32, #tpu.memory_space<hbm>>
      tpu.wait_indirect_dma semaphore(%arg14 : memref<!tpu.dma_semaphore, #tpu.memory_space<semaphore_mem>>) src(%dma_wait3A_160 : memref<10240x128xf32, #tpu.memory_space<hbm>>) dst(%arg9 : memref<80x128xf32, #tpu.memory_space<vmem>>)
      %run_scoped3A_161 = arith.constant 5 : i32
      "tpu.region"() ({
        %run_scoped3A_291 = tpu.sem_alloc : memref<!tpu.dma_semaphore, #tpu.memory_space<semaphore_mem>>
        %dma_start3A_292 = arith.constant 0 : i32
        %dma_start3A_293 = tpu.memref_slice %arg7[%run_scoped3A_161, %dma_start3A_292] : memref<16x80xi32, #tpu.memory_space<vmem>> -> memref<1x80xi32, #tpu.memory_space<vmem>>
        %dma_start3A_294 = tpu.memref_squeeze %dma_start3A_293 : memref<1x80xi32, #tpu.memory_space<vmem>> -> memref<80xi32, #tpu.memory_space<vmem>>
        %dma_start3A_295 = arith.constant 0 : i32
        %dma_start3A_296 = arith.constant 0 : i32
        %dma_start3A_297 = tpu.memref_slice %arg12[%dma_start3A_295, %dma_start3A_296] : memref<10240x128xf32, #tpu.memory_space<vmem_shared>> -> memref<10240x128xf32, #tpu.memory_space<vmem_shared>>
        tpu.enqueue_indirect_dma source(%arg9 : memref<80x128xf32, #tpu.memory_space<vmem>>) target(%dma_start3A_297 : memref<10240x128xf32, #tpu.memory_space<vmem_shared>>) offsets(%dma_start3A_294 : memref<80xi32, #tpu.memory_space<vmem>>) semaphore(%run_scoped3A_291 : memref<!tpu.dma_semaphore, #tpu.memory_space<semaphore_mem>>) {add = true}
        %dma_wait3A_298 = arith.constant 0 : i32
        %dma_wait3A_299 = tpu.memref_slice %arg7[%run_scoped3A_161, %dma_wait3A_298] : memref<16x80xi32, #tpu.memory_space<vmem>> -> memref<1x80xi32, #tpu.memory_space<vmem>>
        %dma_wait3A_300 = tpu.memref_squeeze %dma_wait3A_299 : memref<1x80xi32, #tpu.memory_space<vmem>> -> memref<80xi32, #tpu.memory_space<vmem>>
        %dma_wait3A_301 = arith.constant 0 : i32
        %dma_wait3A_302 = arith.constant 0 : i32
        %dma_wait3A_303 = tpu.memref_slice %arg12[%dma_wait3A_301, %dma_wait3A_302] : memref<10240x128xf32, #tpu.memory_space<vmem_shared>> -> memref<10240x128xf32, #tpu.memory_space<vmem_shared>>
        tpu.wait_indirect_dma semaphore(%run_scoped3A_291 : memref<!tpu.dma_semaphore, #tpu.memory_space<semaphore_mem>>) src(%arg9 : memref<80x128xf32, #tpu.memory_space<vmem>>) dst(%dma_wait3A_303 : memref<10240x128xf32, #tpu.memory_space<vmem_shared>>)
        tpu.yield
      }) : () -> ()
      %dma_start3A_162 = arith.constant 9 : i32
      %dma_start3A_163 = arith.constant 0 : i32
      %dma_start3A_164 = tpu.memref_slice %arg6[%dma_start3A_162, %dma_start3A_163] : memref<16x80xi32, #tpu.memory_space<vmem>> -> memref<1x80xi32, #tpu.memory_space<vmem>>
      %dma_start3A_165 = tpu.memref_squeeze %dma_start3A_164 : memref<1x80xi32, #tpu.memory_space<vmem>> -> memref<80xi32, #tpu.memory_space<vmem>>
      %dma_start3A_166 = arith.constant 0 : i32
      %dma_start3A_167 = arith.constant 0 : i32
      %dma_start3A_168 = tpu.memref_slice %arg2[%dma_start3A_166, %dma_start3A_167] : memref<10240x128xf32, #tpu.memory_space<hbm>> -> memref<10240x128xf32, #tpu.memory_space<hbm>>
      tpu.enqueue_indirect_dma source(%dma_start3A_168 : memref<10240x128xf32, #tpu.memory_space<hbm>>) target(%arg9 : memref<80x128xf32, #tpu.memory_space<vmem>>) offsets(%dma_start3A_165 : memref<80xi32, #tpu.memory_space<vmem>>) semaphore(%arg14 : memref<!tpu.dma_semaphore, #tpu.memory_space<semaphore_mem>>)
      %dma_wait3A_169 = arith.constant 6 : i32
      %dma_wait3A_170 = arith.constant 0 : i32
      %dma_wait3A_171 = tpu.memref_slice %arg6[%dma_wait3A_169, %dma_wait3A_170] : memref<16x80xi32, #tpu.memory_space<vmem>> -> memref<1x80xi32, #tpu.memory_space<vmem>>
      %dma_wait3A_172 = tpu.memref_squeeze %dma_wait3A_171 : memref<1x80xi32, #tpu.memory_space<vmem>> -> memref<80xi32, #tpu.memory_space<vmem>>
      %dma_wait3A_173 = arith.constant 0 : i32
      %dma_wait3A_174 = arith.constant 0 : i32
      %dma_wait3A_175 = tpu.memref_slice %arg2[%dma_wait3A_173, %dma_wait3A_174] : memref<10240x128xf32, #tpu.memory_space<hbm>> -> memref<10240x128xf32, #tpu.memory_space<hbm>>
      tpu.wait_indirect_dma semaphore(%arg15 : memref<!tpu.dma_semaphore, #tpu.memory_space<semaphore_mem>>) src(%dma_wait3A_175 : memref<10240x128xf32, #tpu.memory_space<hbm>>) dst(%arg10 : memref<80x128xf32, #tpu.memory_space<vmem>>)
      %run_scoped3A_176 = arith.constant 6 : i32
      "tpu.region"() ({
        %run_scoped3A_291 = tpu.sem_alloc : memref<!tpu.dma_semaphore, #tpu.memory_space<semaphore_mem>>
        %dma_start3A_292 = arith.constant 0 : i32
        %dma_start3A_293 = tpu.memref_slice %arg7[%run_scoped3A_176, %dma_start3A_292] : memref<16x80xi32, #tpu.memory_space<vmem>> -> memref<1x80xi32, #tpu.memory_space<vmem>>
        %dma_start3A_294 = tpu.memref_squeeze %dma_start3A_293 : memref<1x80xi32, #tpu.memory_space<vmem>> -> memref<80xi32, #tpu.memory_space<vmem>>
        %dma_start3A_295 = arith.constant 0 : i32
        %dma_start3A_296 = arith.constant 0 : i32
        %dma_start3A_297 = tpu.memref_slice %arg12[%dma_start3A_295, %dma_start3A_296] : memref<10240x128xf32, #tpu.memory_space<vmem_shared>> -> memref<10240x128xf32, #tpu.memory_space<vmem_shared>>
        tpu.enqueue_indirect_dma source(%arg10 : memref<80x128xf32, #tpu.memory_space<vmem>>) target(%dma_start3A_297 : memref<10240x128xf32, #tpu.memory_space<vmem_shared>>) offsets(%dma_start3A_294 : memref<80xi32, #tpu.memory_space<vmem>>) semaphore(%run_scoped3A_291 : memref<!tpu.dma_semaphore, #tpu.memory_space<semaphore_mem>>) {add = true}
        %dma_wait3A_298 = arith.constant 0 : i32
        %dma_wait3A_299 = tpu.memref_slice %arg7[%run_scoped3A_176, %dma_wait3A_298] : memref<16x80xi32, #tpu.memory_space<vmem>> -> memref<1x80xi32, #tpu.memory_space<vmem>>
        %dma_wait3A_300 = tpu.memref_squeeze %dma_wait3A_299 : memref<1x80xi32, #tpu.memory_space<vmem>> -> memref<80xi32, #tpu.memory_space<vmem>>
        %dma_wait3A_301 = arith.constant 0 : i32
        %dma_wait3A_302 = arith.constant 0 : i32
        %dma_wait3A_303 = tpu.memref_slice %arg12[%dma_wait3A_301, %dma_wait3A_302] : memref<10240x128xf32, #tpu.memory_space<vmem_shared>> -> memref<10240x128xf32, #tpu.memory_space<vmem_shared>>
        tpu.wait_indirect_dma semaphore(%run_scoped3A_291 : memref<!tpu.dma_semaphore, #tpu.memory_space<semaphore_mem>>) src(%arg10 : memref<80x128xf32, #tpu.memory_space<vmem>>) dst(%dma_wait3A_303 : memref<10240x128xf32, #tpu.memory_space<vmem_shared>>)
        tpu.yield
      }) : () -> ()
      %dma_start3A_177 = arith.constant 10 : i32
      %dma_start3A_178 = arith.constant 0 : i32
      %dma_start3A_179 = tpu.memref_slice %arg6[%dma_start3A_177, %dma_start3A_178] : memref<16x80xi32, #tpu.memory_space<vmem>> -> memref<1x80xi32, #tpu.memory_space<vmem>>
      %dma_start3A_180 = tpu.memref_squeeze %dma_start3A_179 : memref<1x80xi32, #tpu.memory_space<vmem>> -> memref<80xi32, #tpu.memory_space<vmem>>
      %dma_start3A_181 = arith.constant 0 : i32
      %dma_start3A_182 = arith.constant 0 : i32
      %dma_start3A_183 = tpu.memref_slice %arg2[%dma_start3A_181, %dma_start3A_182] : memref<10240x128xf32, #tpu.memory_space<hbm>> -> memref<10240x128xf32, #tpu.memory_space<hbm>>
      tpu.enqueue_indirect_dma source(%dma_start3A_183 : memref<10240x128xf32, #tpu.memory_space<hbm>>) target(%arg10 : memref<80x128xf32, #tpu.memory_space<vmem>>) offsets(%dma_start3A_180 : memref<80xi32, #tpu.memory_space<vmem>>) semaphore(%arg15 : memref<!tpu.dma_semaphore, #tpu.memory_space<semaphore_mem>>)
      %dma_wait3A_184 = arith.constant 7 : i32
      %dma_wait3A_185 = arith.constant 0 : i32
      %dma_wait3A_186 = tpu.memref_slice %arg6[%dma_wait3A_184, %dma_wait3A_185] : memref<16x80xi32, #tpu.memory_space<vmem>> -> memref<1x80xi32, #tpu.memory_space<vmem>>
      %dma_wait3A_187 = tpu.memref_squeeze %dma_wait3A_186 : memref<1x80xi32, #tpu.memory_space<vmem>> -> memref<80xi32, #tpu.memory_space<vmem>>
      %dma_wait3A_188 = arith.constant 0 : i32
      %dma_wait3A_189 = arith.constant 0 : i32
      %dma_wait3A_190 = tpu.memref_slice %arg2[%dma_wait3A_188, %dma_wait3A_189] : memref<10240x128xf32, #tpu.memory_space<hbm>> -> memref<10240x128xf32, #tpu.memory_space<hbm>>
      tpu.wait_indirect_dma semaphore(%arg16 : memref<!tpu.dma_semaphore, #tpu.memory_space<semaphore_mem>>) src(%dma_wait3A_190 : memref<10240x128xf32, #tpu.memory_space<hbm>>) dst(%arg11 : memref<80x128xf32, #tpu.memory_space<vmem>>)
      %run_scoped3A_191 = arith.constant 7 : i32
      "tpu.region"() ({
        %run_scoped3A_291 = tpu.sem_alloc : memref<!tpu.dma_semaphore, #tpu.memory_space<semaphore_mem>>
        %dma_start3A_292 = arith.constant 0 : i32
        %dma_start3A_293 = tpu.memref_slice %arg7[%run_scoped3A_191, %dma_start3A_292] : memref<16x80xi32, #tpu.memory_space<vmem>> -> memref<1x80xi32, #tpu.memory_space<vmem>>
        %dma_start3A_294 = tpu.memref_squeeze %dma_start3A_293 : memref<1x80xi32, #tpu.memory_space<vmem>> -> memref<80xi32, #tpu.memory_space<vmem>>
        %dma_start3A_295 = arith.constant 0 : i32
        %dma_start3A_296 = arith.constant 0 : i32
        %dma_start3A_297 = tpu.memref_slice %arg12[%dma_start3A_295, %dma_start3A_296] : memref<10240x128xf32, #tpu.memory_space<vmem_shared>> -> memref<10240x128xf32, #tpu.memory_space<vmem_shared>>
        tpu.enqueue_indirect_dma source(%arg11 : memref<80x128xf32, #tpu.memory_space<vmem>>) target(%dma_start3A_297 : memref<10240x128xf32, #tpu.memory_space<vmem_shared>>) offsets(%dma_start3A_294 : memref<80xi32, #tpu.memory_space<vmem>>) semaphore(%run_scoped3A_291 : memref<!tpu.dma_semaphore, #tpu.memory_space<semaphore_mem>>) {add = true}
        %dma_wait3A_298 = arith.constant 0 : i32
        %dma_wait3A_299 = tpu.memref_slice %arg7[%run_scoped3A_191, %dma_wait3A_298] : memref<16x80xi32, #tpu.memory_space<vmem>> -> memref<1x80xi32, #tpu.memory_space<vmem>>
        %dma_wait3A_300 = tpu.memref_squeeze %dma_wait3A_299 : memref<1x80xi32, #tpu.memory_space<vmem>> -> memref<80xi32, #tpu.memory_space<vmem>>
        %dma_wait3A_301 = arith.constant 0 : i32
        %dma_wait3A_302 = arith.constant 0 : i32
        %dma_wait3A_303 = tpu.memref_slice %arg12[%dma_wait3A_301, %dma_wait3A_302] : memref<10240x128xf32, #tpu.memory_space<vmem_shared>> -> memref<10240x128xf32, #tpu.memory_space<vmem_shared>>
        tpu.wait_indirect_dma semaphore(%run_scoped3A_291 : memref<!tpu.dma_semaphore, #tpu.memory_space<semaphore_mem>>) src(%arg11 : memref<80x128xf32, #tpu.memory_space<vmem>>) dst(%dma_wait3A_303 : memref<10240x128xf32, #tpu.memory_space<vmem_shared>>)
        tpu.yield
      }) : () -> ()
      %dma_start3A_192 = arith.constant 11 : i32
      %dma_start3A_193 = arith.constant 0 : i32
      %dma_start3A_194 = tpu.memref_slice %arg6[%dma_start3A_192, %dma_start3A_193] : memref<16x80xi32, #tpu.memory_space<vmem>> -> memref<1x80xi32, #tpu.memory_space<vmem>>
      %dma_start3A_195 = tpu.memref_squeeze %dma_start3A_194 : memref<1x80xi32, #tpu.memory_space<vmem>> -> memref<80xi32, #tpu.memory_space<vmem>>
      %dma_start3A_196 = arith.constant 0 : i32
      %dma_start3A_197 = arith.constant 0 : i32
      %dma_start3A_198 = tpu.memref_slice %arg2[%dma_start3A_196, %dma_start3A_197] : memref<10240x128xf32, #tpu.memory_space<hbm>> -> memref<10240x128xf32, #tpu.memory_space<hbm>>
      tpu.enqueue_indirect_dma source(%dma_start3A_198 : memref<10240x128xf32, #tpu.memory_space<hbm>>) target(%arg11 : memref<80x128xf32, #tpu.memory_space<vmem>>) offsets(%dma_start3A_195 : memref<80xi32, #tpu.memory_space<vmem>>) semaphore(%arg16 : memref<!tpu.dma_semaphore, #tpu.memory_space<semaphore_mem>>)
      %dma_wait3A_199 = arith.constant 8 : i32
      %dma_wait3A_200 = arith.constant 0 : i32
      %dma_wait3A_201 = tpu.memref_slice %arg6[%dma_wait3A_199, %dma_wait3A_200] : memref<16x80xi32, #tpu.memory_space<vmem>> -> memref<1x80xi32, #tpu.memory_space<vmem>>
      %dma_wait3A_202 = tpu.memref_squeeze %dma_wait3A_201 : memref<1x80xi32, #tpu.memory_space<vmem>> -> memref<80xi32, #tpu.memory_space<vmem>>
      %dma_wait3A_203 = arith.constant 0 : i32
      %dma_wait3A_204 = arith.constant 0 : i32
      %dma_wait3A_205 = tpu.memref_slice %arg2[%dma_wait3A_203, %dma_wait3A_204] : memref<10240x128xf32, #tpu.memory_space<hbm>> -> memref<10240x128xf32, #tpu.memory_space<hbm>>
      tpu.wait_indirect_dma semaphore(%arg13 : memref<!tpu.dma_semaphore, #tpu.memory_space<semaphore_mem>>) src(%dma_wait3A_205 : memref<10240x128xf32, #tpu.memory_space<hbm>>) dst(%arg8 : memref<80x128xf32, #tpu.memory_space<vmem>>)
      %run_scoped3A_206 = arith.constant 8 : i32
      "tpu.region"() ({
        %run_scoped3A_291 = tpu.sem_alloc : memref<!tpu.dma_semaphore, #tpu.memory_space<semaphore_mem>>
        %dma_start3A_292 = arith.constant 0 : i32
        %dma_start3A_293 = tpu.memref_slice %arg7[%run_scoped3A_206, %dma_start3A_292] : memref<16x80xi32, #tpu.memory_space<vmem>> -> memref<1x80xi32, #tpu.memory_space<vmem>>
        %dma_start3A_294 = tpu.memref_squeeze %dma_start3A_293 : memref<1x80xi32, #tpu.memory_space<vmem>> -> memref<80xi32, #tpu.memory_space<vmem>>
        %dma_start3A_295 = arith.constant 0 : i32
        %dma_start3A_296 = arith.constant 0 : i32
        %dma_start3A_297 = tpu.memref_slice %arg12[%dma_start3A_295, %dma_start3A_296] : memref<10240x128xf32, #tpu.memory_space<vmem_shared>> -> memref<10240x128xf32, #tpu.memory_space<vmem_shared>>
        tpu.enqueue_indirect_dma source(%arg8 : memref<80x128xf32, #tpu.memory_space<vmem>>) target(%dma_start3A_297 : memref<10240x128xf32, #tpu.memory_space<vmem_shared>>) offsets(%dma_start3A_294 : memref<80xi32, #tpu.memory_space<vmem>>) semaphore(%run_scoped3A_291 : memref<!tpu.dma_semaphore, #tpu.memory_space<semaphore_mem>>) {add = true}
        %dma_wait3A_298 = arith.constant 0 : i32
        %dma_wait3A_299 = tpu.memref_slice %arg7[%run_scoped3A_206, %dma_wait3A_298] : memref<16x80xi32, #tpu.memory_space<vmem>> -> memref<1x80xi32, #tpu.memory_space<vmem>>
        %dma_wait3A_300 = tpu.memref_squeeze %dma_wait3A_299 : memref<1x80xi32, #tpu.memory_space<vmem>> -> memref<80xi32, #tpu.memory_space<vmem>>
        %dma_wait3A_301 = arith.constant 0 : i32
        %dma_wait3A_302 = arith.constant 0 : i32
        %dma_wait3A_303 = tpu.memref_slice %arg12[%dma_wait3A_301, %dma_wait3A_302] : memref<10240x128xf32, #tpu.memory_space<vmem_shared>> -> memref<10240x128xf32, #tpu.memory_space<vmem_shared>>
        tpu.wait_indirect_dma semaphore(%run_scoped3A_291 : memref<!tpu.dma_semaphore, #tpu.memory_space<semaphore_mem>>) src(%arg8 : memref<80x128xf32, #tpu.memory_space<vmem>>) dst(%dma_wait3A_303 : memref<10240x128xf32, #tpu.memory_space<vmem_shared>>)
        tpu.yield
      }) : () -> ()
      %dma_start3A_207 = arith.constant 12 : i32
      %dma_start3A_208 = arith.constant 0 : i32
      %dma_start3A_209 = tpu.memref_slice %arg6[%dma_start3A_207, %dma_start3A_208] : memref<16x80xi32, #tpu.memory_space<vmem>> -> memref<1x80xi32, #tpu.memory_space<vmem>>
      %dma_start3A_210 = tpu.memref_squeeze %dma_start3A_209 : memref<1x80xi32, #tpu.memory_space<vmem>> -> memref<80xi32, #tpu.memory_space<vmem>>
      %dma_start3A_211 = arith.constant 0 : i32
      %dma_start3A_212 = arith.constant 0 : i32
      %dma_start3A_213 = tpu.memref_slice %arg2[%dma_start3A_211, %dma_start3A_212] : memref<10240x128xf32, #tpu.memory_space<hbm>> -> memref<10240x128xf32, #tpu.memory_space<hbm>>
      tpu.enqueue_indirect_dma source(%dma_start3A_213 : memref<10240x128xf32, #tpu.memory_space<hbm>>) target(%arg8 : memref<80x128xf32, #tpu.memory_space<vmem>>) offsets(%dma_start3A_210 : memref<80xi32, #tpu.memory_space<vmem>>) semaphore(%arg13 : memref<!tpu.dma_semaphore, #tpu.memory_space<semaphore_mem>>)
      %dma_wait3A_214 = arith.constant 9 : i32
      %dma_wait3A_215 = arith.constant 0 : i32
      %dma_wait3A_216 = tpu.memref_slice %arg6[%dma_wait3A_214, %dma_wait3A_215] : memref<16x80xi32, #tpu.memory_space<vmem>> -> memref<1x80xi32, #tpu.memory_space<vmem>>
      %dma_wait3A_217 = tpu.memref_squeeze %dma_wait3A_216 : memref<1x80xi32, #tpu.memory_space<vmem>> -> memref<80xi32, #tpu.memory_space<vmem>>
      %dma_wait3A_218 = arith.constant 0 : i32
      %dma_wait3A_219 = arith.constant 0 : i32
      %dma_wait3A_220 = tpu.memref_slice %arg2[%dma_wait3A_218, %dma_wait3A_219] : memref<10240x128xf32, #tpu.memory_space<hbm>> -> memref<10240x128xf32, #tpu.memory_space<hbm>>
      tpu.wait_indirect_dma semaphore(%arg14 : memref<!tpu.dma_semaphore, #tpu.memory_space<semaphore_mem>>) src(%dma_wait3A_220 : memref<10240x128xf32, #tpu.memory_space<hbm>>) dst(%arg9 : memref<80x128xf32, #tpu.memory_space<vmem>>)
      %run_scoped3A_221 = arith.constant 9 : i32
      "tpu.region"() ({
        %run_scoped3A_291 = tpu.sem_alloc : memref<!tpu.dma_semaphore, #tpu.memory_space<semaphore_mem>>
        %dma_start3A_292 = arith.constant 0 : i32
        %dma_start3A_293 = tpu.memref_slice %arg7[%run_scoped3A_221, %dma_start3A_292] : memref<16x80xi32, #tpu.memory_space<vmem>> -> memref<1x80xi32, #tpu.memory_space<vmem>>
        %dma_start3A_294 = tpu.memref_squeeze %dma_start3A_293 : memref<1x80xi32, #tpu.memory_space<vmem>> -> memref<80xi32, #tpu.memory_space<vmem>>
        %dma_start3A_295 = arith.constant 0 : i32
        %dma_start3A_296 = arith.constant 0 : i32
        %dma_start3A_297 = tpu.memref_slice %arg12[%dma_start3A_295, %dma_start3A_296] : memref<10240x128xf32, #tpu.memory_space<vmem_shared>> -> memref<10240x128xf32, #tpu.memory_space<vmem_shared>>
        tpu.enqueue_indirect_dma source(%arg9 : memref<80x128xf32, #tpu.memory_space<vmem>>) target(%dma_start3A_297 : memref<10240x128xf32, #tpu.memory_space<vmem_shared>>) offsets(%dma_start3A_294 : memref<80xi32, #tpu.memory_space<vmem>>) semaphore(%run_scoped3A_291 : memref<!tpu.dma_semaphore, #tpu.memory_space<semaphore_mem>>) {add = true}
        %dma_wait3A_298 = arith.constant 0 : i32
        %dma_wait3A_299 = tpu.memref_slice %arg7[%run_scoped3A_221, %dma_wait3A_298] : memref<16x80xi32, #tpu.memory_space<vmem>> -> memref<1x80xi32, #tpu.memory_space<vmem>>
        %dma_wait3A_300 = tpu.memref_squeeze %dma_wait3A_299 : memref<1x80xi32, #tpu.memory_space<vmem>> -> memref<80xi32, #tpu.memory_space<vmem>>
        %dma_wait3A_301 = arith.constant 0 : i32
        %dma_wait3A_302 = arith.constant 0 : i32
        %dma_wait3A_303 = tpu.memref_slice %arg12[%dma_wait3A_301, %dma_wait3A_302] : memref<10240x128xf32, #tpu.memory_space<vmem_shared>> -> memref<10240x128xf32, #tpu.memory_space<vmem_shared>>
        tpu.wait_indirect_dma semaphore(%run_scoped3A_291 : memref<!tpu.dma_semaphore, #tpu.memory_space<semaphore_mem>>) src(%arg9 : memref<80x128xf32, #tpu.memory_space<vmem>>) dst(%dma_wait3A_303 : memref<10240x128xf32, #tpu.memory_space<vmem_shared>>)
        tpu.yield
      }) : () -> ()
      %dma_start3A_222 = arith.constant 13 : i32
      %dma_start3A_223 = arith.constant 0 : i32
      %dma_start3A_224 = tpu.memref_slice %arg6[%dma_start3A_222, %dma_start3A_223] : memref<16x80xi32, #tpu.memory_space<vmem>> -> memref<1x80xi32, #tpu.memory_space<vmem>>
      %dma_start3A_225 = tpu.memref_squeeze %dma_start3A_224 : memref<1x80xi32, #tpu.memory_space<vmem>> -> memref<80xi32, #tpu.memory_space<vmem>>
      %dma_start3A_226 = arith.constant 0 : i32
      %dma_start3A_227 = arith.constant 0 : i32
      %dma_start3A_228 = tpu.memref_slice %arg2[%dma_start3A_226, %dma_start3A_227] : memref<10240x128xf32, #tpu.memory_space<hbm>> -> memref<10240x128xf32, #tpu.memory_space<hbm>>
      tpu.enqueue_indirect_dma source(%dma_start3A_228 : memref<10240x128xf32, #tpu.memory_space<hbm>>) target(%arg9 : memref<80x128xf32, #tpu.memory_space<vmem>>) offsets(%dma_start3A_225 : memref<80xi32, #tpu.memory_space<vmem>>) semaphore(%arg14 : memref<!tpu.dma_semaphore, #tpu.memory_space<semaphore_mem>>)
      %dma_wait3A_229 = arith.constant 10 : i32
      %dma_wait3A_230 = arith.constant 0 : i32
      %dma_wait3A_231 = tpu.memref_slice %arg6[%dma_wait3A_229, %dma_wait3A_230] : memref<16x80xi32, #tpu.memory_space<vmem>> -> memref<1x80xi32, #tpu.memory_space<vmem>>
      %dma_wait3A_232 = tpu.memref_squeeze %dma_wait3A_231 : memref<1x80xi32, #tpu.memory_space<vmem>> -> memref<80xi32, #tpu.memory_space<vmem>>
      %dma_wait3A_233 = arith.constant 0 : i32
      %dma_wait3A_234 = arith.constant 0 : i32
      %dma_wait3A_235 = tpu.memref_slice %arg2[%dma_wait3A_233, %dma_wait3A_234] : memref<10240x128xf32, #tpu.memory_space<hbm>> -> memref<10240x128xf32, #tpu.memory_space<hbm>>
      tpu.wait_indirect_dma semaphore(%arg15 : memref<!tpu.dma_semaphore, #tpu.memory_space<semaphore_mem>>) src(%dma_wait3A_235 : memref<10240x128xf32, #tpu.memory_space<hbm>>) dst(%arg10 : memref<80x128xf32, #tpu.memory_space<vmem>>)
      %run_scoped3A_236 = arith.constant 10 : i32
      "tpu.region"() ({
        %run_scoped3A_291 = tpu.sem_alloc : memref<!tpu.dma_semaphore, #tpu.memory_space<semaphore_mem>>
        %dma_start3A_292 = arith.constant 0 : i32
        %dma_start3A_293 = tpu.memref_slice %arg7[%run_scoped3A_236, %dma_start3A_292] : memref<16x80xi32, #tpu.memory_space<vmem>> -> memref<1x80xi32, #tpu.memory_space<vmem>>
        %dma_start3A_294 = tpu.memref_squeeze %dma_start3A_293 : memref<1x80xi32, #tpu.memory_space<vmem>> -> memref<80xi32, #tpu.memory_space<vmem>>
        %dma_start3A_295 = arith.constant 0 : i32
        %dma_start3A_296 = arith.constant 0 : i32
        %dma_start3A_297 = tpu.memref_slice %arg12[%dma_start3A_295, %dma_start3A_296] : memref<10240x128xf32, #tpu.memory_space<vmem_shared>> -> memref<10240x128xf32, #tpu.memory_space<vmem_shared>>
        tpu.enqueue_indirect_dma source(%arg10 : memref<80x128xf32, #tpu.memory_space<vmem>>) target(%dma_start3A_297 : memref<10240x128xf32, #tpu.memory_space<vmem_shared>>) offsets(%dma_start3A_294 : memref<80xi32, #tpu.memory_space<vmem>>) semaphore(%run_scoped3A_291 : memref<!tpu.dma_semaphore, #tpu.memory_space<semaphore_mem>>) {add = true}
        %dma_wait3A_298 = arith.constant 0 : i32
        %dma_wait3A_299 = tpu.memref_slice %arg7[%run_scoped3A_236, %dma_wait3A_298] : memref<16x80xi32, #tpu.memory_space<vmem>> -> memref<1x80xi32, #tpu.memory_space<vmem>>
        %dma_wait3A_300 = tpu.memref_squeeze %dma_wait3A_299 : memref<1x80xi32, #tpu.memory_space<vmem>> -> memref<80xi32, #tpu.memory_space<vmem>>
        %dma_wait3A_301 = arith.constant 0 : i32
        %dma_wait3A_302 = arith.constant 0 : i32
        %dma_wait3A_303 = tpu.memref_slice %arg12[%dma_wait3A_301, %dma_wait3A_302] : memref<10240x128xf32, #tpu.memory_space<vmem_shared>> -> memref<10240x128xf32, #tpu.memory_space<vmem_shared>>
        tpu.wait_indirect_dma semaphore(%run_scoped3A_291 : memref<!tpu.dma_semaphore, #tpu.memory_space<semaphore_mem>>) src(%arg10 : memref<80x128xf32, #tpu.memory_space<vmem>>) dst(%dma_wait3A_303 : memref<10240x128xf32, #tpu.memory_space<vmem_shared>>)
        tpu.yield
      }) : () -> ()
      %dma_start3A_237 = arith.constant 14 : i32
      %dma_start3A_238 = arith.constant 0 : i32
      %dma_start3A_239 = tpu.memref_slice %arg6[%dma_start3A_237, %dma_start3A_238] : memref<16x80xi32, #tpu.memory_space<vmem>> -> memref<1x80xi32, #tpu.memory_space<vmem>>
      %dma_start3A_240 = tpu.memref_squeeze %dma_start3A_239 : memref<1x80xi32, #tpu.memory_space<vmem>> -> memref<80xi32, #tpu.memory_space<vmem>>
      %dma_start3A_241 = arith.constant 0 : i32
      %dma_start3A_242 = arith.constant 0 : i32
      %dma_start3A_243 = tpu.memref_slice %arg2[%dma_start3A_241, %dma_start3A_242] : memref<10240x128xf32, #tpu.memory_space<hbm>> -> memref<10240x128xf32, #tpu.memory_space<hbm>>
      tpu.enqueue_indirect_dma source(%dma_start3A_243 : memref<10240x128xf32, #tpu.memory_space<hbm>>) target(%arg10 : memref<80x128xf32, #tpu.memory_space<vmem>>) offsets(%dma_start3A_240 : memref<80xi32, #tpu.memory_space<vmem>>) semaphore(%arg15 : memref<!tpu.dma_semaphore, #tpu.memory_space<semaphore_mem>>)
      %dma_wait3A_244 = arith.constant 11 : i32
      %dma_wait3A_245 = arith.constant 0 : i32
      %dma_wait3A_246 = tpu.memref_slice %arg6[%dma_wait3A_244, %dma_wait3A_245] : memref<16x80xi32, #tpu.memory_space<vmem>> -> memref<1x80xi32, #tpu.memory_space<vmem>>
      %dma_wait3A_247 = tpu.memref_squeeze %dma_wait3A_246 : memref<1x80xi32, #tpu.memory_space<vmem>> -> memref<80xi32, #tpu.memory_space<vmem>>
      %dma_wait3A_248 = arith.constant 0 : i32
      %dma_wait3A_249 = arith.constant 0 : i32
      %dma_wait3A_250 = tpu.memref_slice %arg2[%dma_wait3A_248, %dma_wait3A_249] : memref<10240x128xf32, #tpu.memory_space<hbm>> -> memref<10240x128xf32, #tpu.memory_space<hbm>>
      tpu.wait_indirect_dma semaphore(%arg16 : memref<!tpu.dma_semaphore, #tpu.memory_space<semaphore_mem>>) src(%dma_wait3A_250 : memref<10240x128xf32, #tpu.memory_space<hbm>>) dst(%arg11 : memref<80x128xf32, #tpu.memory_space<vmem>>)
      %run_scoped3A_251 = arith.constant 11 : i32
      "tpu.region"() ({
        %run_scoped3A_291 = tpu.sem_alloc : memref<!tpu.dma_semaphore, #tpu.memory_space<semaphore_mem>>
        %dma_start3A_292 = arith.constant 0 : i32
        %dma_start3A_293 = tpu.memref_slice %arg7[%run_scoped3A_251, %dma_start3A_292] : memref<16x80xi32, #tpu.memory_space<vmem>> -> memref<1x80xi32, #tpu.memory_space<vmem>>
        %dma_start3A_294 = tpu.memref_squeeze %dma_start3A_293 : memref<1x80xi32, #tpu.memory_space<vmem>> -> memref<80xi32, #tpu.memory_space<vmem>>
        %dma_start3A_295 = arith.constant 0 : i32
        %dma_start3A_296 = arith.constant 0 : i32
        %dma_start3A_297 = tpu.memref_slice %arg12[%dma_start3A_295, %dma_start3A_296] : memref<10240x128xf32, #tpu.memory_space<vmem_shared>> -> memref<10240x128xf32, #tpu.memory_space<vmem_shared>>
        tpu.enqueue_indirect_dma source(%arg11 : memref<80x128xf32, #tpu.memory_space<vmem>>) target(%dma_start3A_297 : memref<10240x128xf32, #tpu.memory_space<vmem_shared>>) offsets(%dma_start3A_294 : memref<80xi32, #tpu.memory_space<vmem>>) semaphore(%run_scoped3A_291 : memref<!tpu.dma_semaphore, #tpu.memory_space<semaphore_mem>>) {add = true}
        %dma_wait3A_298 = arith.constant 0 : i32
        %dma_wait3A_299 = tpu.memref_slice %arg7[%run_scoped3A_251, %dma_wait3A_298] : memref<16x80xi32, #tpu.memory_space<vmem>> -> memref<1x80xi32, #tpu.memory_space<vmem>>
        %dma_wait3A_300 = tpu.memref_squeeze %dma_wait3A_299 : memref<1x80xi32, #tpu.memory_space<vmem>> -> memref<80xi32, #tpu.memory_space<vmem>>
        %dma_wait3A_301 = arith.constant 0 : i32
        %dma_wait3A_302 = arith.constant 0 : i32
        %dma_wait3A_303 = tpu.memref_slice %arg12[%dma_wait3A_301, %dma_wait3A_302] : memref<10240x128xf32, #tpu.memory_space<vmem_shared>> -> memref<10240x128xf32, #tpu.memory_space<vmem_shared>>
        tpu.wait_indirect_dma semaphore(%run_scoped3A_291 : memref<!tpu.dma_semaphore, #tpu.memory_space<semaphore_mem>>) src(%arg11 : memref<80x128xf32, #tpu.memory_space<vmem>>) dst(%dma_wait3A_303 : memref<10240x128xf32, #tpu.memory_space<vmem_shared>>)
        tpu.yield
      }) : () -> ()
      %dma_start3A_252 = arith.constant 15 : i32
      %dma_start3A_253 = arith.constant 0 : i32
      %dma_start3A_254 = tpu.memref_slice %arg6[%dma_start3A_252, %dma_start3A_253] : memref<16x80xi32, #tpu.memory_space<vmem>> -> memref<1x80xi32, #tpu.memory_space<vmem>>
      %dma_start3A_255 = tpu.memref_squeeze %dma_start3A_254 : memref<1x80xi32, #tpu.memory_space<vmem>> -> memref<80xi32, #tpu.memory_space<vmem>>
      %dma_start3A_256 = arith.constant 0 : i32
      %dma_start3A_257 = arith.constant 0 : i32
      %dma_start3A_258 = tpu.memref_slice %arg2[%dma_start3A_256, %dma_start3A_257] : memref<10240x128xf32, #tpu.memory_space<hbm>> -> memref<10240x128xf32, #tpu.memory_space<hbm>>
      tpu.enqueue_indirect_dma source(%dma_start3A_258 : memref<10240x128xf32, #tpu.memory_space<hbm>>) target(%arg11 : memref<80x128xf32, #tpu.memory_space<vmem>>) offsets(%dma_start3A_255 : memref<80xi32, #tpu.memory_space<vmem>>) semaphore(%arg16 : memref<!tpu.dma_semaphore, #tpu.memory_space<semaphore_mem>>)
      %dma_wait3A_259 = arith.constant 12 : i32
      %dma_wait3A_260 = arith.constant 0 : i32
      %dma_wait3A_261 = tpu.memref_slice %arg6[%dma_wait3A_259, %dma_wait3A_260] : memref<16x80xi32, #tpu.memory_space<vmem>> -> memref<1x80xi32, #tpu.memory_space<vmem>>
      %dma_wait3A_262 = tpu.memref_squeeze %dma_wait3A_261 : memref<1x80xi32, #tpu.memory_space<vmem>> -> memref<80xi32, #tpu.memory_space<vmem>>
      %dma_wait3A_263 = arith.constant 0 : i32
      %dma_wait3A_264 = arith.constant 0 : i32
      %dma_wait3A_265 = tpu.memref_slice %arg2[%dma_wait3A_263, %dma_wait3A_264] : memref<10240x128xf32, #tpu.memory_space<hbm>> -> memref<10240x128xf32, #tpu.memory_space<hbm>>
      tpu.wait_indirect_dma semaphore(%arg13 : memref<!tpu.dma_semaphore, #tpu.memory_space<semaphore_mem>>) src(%dma_wait3A_265 : memref<10240x128xf32, #tpu.memory_space<hbm>>) dst(%arg8 : memref<80x128xf32, #tpu.memory_space<vmem>>)
      %run_scoped3A_266 = arith.constant 12 : i32
      "tpu.region"() ({
        %run_scoped3A_291 = tpu.sem_alloc : memref<!tpu.dma_semaphore, #tpu.memory_space<semaphore_mem>>
        %dma_start3A_292 = arith.constant 0 : i32
        %dma_start3A_293 = tpu.memref_slice %arg7[%run_scoped3A_266, %dma_start3A_292] : memref<16x80xi32, #tpu.memory_space<vmem>> -> memref<1x80xi32, #tpu.memory_space<vmem>>
        %dma_start3A_294 = tpu.memref_squeeze %dma_start3A_293 : memref<1x80xi32, #tpu.memory_space<vmem>> -> memref<80xi32, #tpu.memory_space<vmem>>
        %dma_start3A_295 = arith.constant 0 : i32
        %dma_start3A_296 = arith.constant 0 : i32
        %dma_start3A_297 = tpu.memref_slice %arg12[%dma_start3A_295, %dma_start3A_296] : memref<10240x128xf32, #tpu.memory_space<vmem_shared>> -> memref<10240x128xf32, #tpu.memory_space<vmem_shared>>
        tpu.enqueue_indirect_dma source(%arg8 : memref<80x128xf32, #tpu.memory_space<vmem>>) target(%dma_start3A_297 : memref<10240x128xf32, #tpu.memory_space<vmem_shared>>) offsets(%dma_start3A_294 : memref<80xi32, #tpu.memory_space<vmem>>) semaphore(%run_scoped3A_291 : memref<!tpu.dma_semaphore, #tpu.memory_space<semaphore_mem>>) {add = true}
        %dma_wait3A_298 = arith.constant 0 : i32
        %dma_wait3A_299 = tpu.memref_slice %arg7[%run_scoped3A_266, %dma_wait3A_298] : memref<16x80xi32, #tpu.memory_space<vmem>> -> memref<1x80xi32, #tpu.memory_space<vmem>>
        %dma_wait3A_300 = tpu.memref_squeeze %dma_wait3A_299 : memref<1x80xi32, #tpu.memory_space<vmem>> -> memref<80xi32, #tpu.memory_space<vmem>>
        %dma_wait3A_301 = arith.constant 0 : i32
        %dma_wait3A_302 = arith.constant 0 : i32
        %dma_wait3A_303 = tpu.memref_slice %arg12[%dma_wait3A_301, %dma_wait3A_302] : memref<10240x128xf32, #tpu.memory_space<vmem_shared>> -> memref<10240x128xf32, #tpu.memory_space<vmem_shared>>
        tpu.wait_indirect_dma semaphore(%run_scoped3A_291 : memref<!tpu.dma_semaphore, #tpu.memory_space<semaphore_mem>>) src(%arg8 : memref<80x128xf32, #tpu.memory_space<vmem>>) dst(%dma_wait3A_303 : memref<10240x128xf32, #tpu.memory_space<vmem_shared>>)
        tpu.yield
      }) : () -> ()
      %dma_wait3A_267 = arith.constant 13 : i32
      %dma_wait3A_268 = arith.constant 0 : i32
      %dma_wait3A_269 = tpu.memref_slice %arg6[%dma_wait3A_267, %dma_wait3A_268] : memref<16x80xi32, #tpu.memory_space<vmem>> -> memref<1x80xi32, #tpu.memory_space<vmem>>
      %dma_wait3A_270 = tpu.memref_squeeze %dma_wait3A_269 : memref<1x80xi32, #tpu.memory_space<vmem>> -> memref<80xi32, #tpu.memory_space<vmem>>
      %dma_wait3A_271 = arith.constant 0 : i32
      %dma_wait3A_272 = arith.constant 0 : i32
      %dma_wait3A_273 = tpu.memref_slice %arg2[%dma_wait3A_271, %dma_wait3A_272] : memref<10240x128xf32, #tpu.memory_space<hbm>> -> memref<10240x128xf32, #tpu.memory_space<hbm>>
      tpu.wait_indirect_dma semaphore(%arg14 : memref<!tpu.dma_semaphore, #tpu.memory_space<semaphore_mem>>) src(%dma_wait3A_273 : memref<10240x128xf32, #tpu.memory_space<hbm>>) dst(%arg9 : memref<80x128xf32, #tpu.memory_space<vmem>>)
      %run_scoped3A_274 = arith.constant 13 : i32
      "tpu.region"() ({
        %run_scoped3A_291 = tpu.sem_alloc : memref<!tpu.dma_semaphore, #tpu.memory_space<semaphore_mem>>
        %dma_start3A_292 = arith.constant 0 : i32
        %dma_start3A_293 = tpu.memref_slice %arg7[%run_scoped3A_274, %dma_start3A_292] : memref<16x80xi32, #tpu.memory_space<vmem>> -> memref<1x80xi32, #tpu.memory_space<vmem>>
        %dma_start3A_294 = tpu.memref_squeeze %dma_start3A_293 : memref<1x80xi32, #tpu.memory_space<vmem>> -> memref<80xi32, #tpu.memory_space<vmem>>
        %dma_start3A_295 = arith.constant 0 : i32
        %dma_start3A_296 = arith.constant 0 : i32
        %dma_start3A_297 = tpu.memref_slice %arg12[%dma_start3A_295, %dma_start3A_296] : memref<10240x128xf32, #tpu.memory_space<vmem_shared>> -> memref<10240x128xf32, #tpu.memory_space<vmem_shared>>
        tpu.enqueue_indirect_dma source(%arg9 : memref<80x128xf32, #tpu.memory_space<vmem>>) target(%dma_start3A_297 : memref<10240x128xf32, #tpu.memory_space<vmem_shared>>) offsets(%dma_start3A_294 : memref<80xi32, #tpu.memory_space<vmem>>) semaphore(%run_scoped3A_291 : memref<!tpu.dma_semaphore, #tpu.memory_space<semaphore_mem>>) {add = true}
        %dma_wait3A_298 = arith.constant 0 : i32
        %dma_wait3A_299 = tpu.memref_slice %arg7[%run_scoped3A_274, %dma_wait3A_298] : memref<16x80xi32, #tpu.memory_space<vmem>> -> memref<1x80xi32, #tpu.memory_space<vmem>>
        %dma_wait3A_300 = tpu.memref_squeeze %dma_wait3A_299 : memref<1x80xi32, #tpu.memory_space<vmem>> -> memref<80xi32, #tpu.memory_space<vmem>>
        %dma_wait3A_301 = arith.constant 0 : i32
        %dma_wait3A_302 = arith.constant 0 : i32
        %dma_wait3A_303 = tpu.memref_slice %arg12[%dma_wait3A_301, %dma_wait3A_302] : memref<10240x128xf32, #tpu.memory_space<vmem_shared>> -> memref<10240x128xf32, #tpu.memory_space<vmem_shared>>
        tpu.wait_indirect_dma semaphore(%run_scoped3A_291 : memref<!tpu.dma_semaphore, #tpu.memory_space<semaphore_mem>>) src(%arg9 : memref<80x128xf32, #tpu.memory_space<vmem>>) dst(%dma_wait3A_303 : memref<10240x128xf32, #tpu.memory_space<vmem_shared>>)
        tpu.yield
      }) : () -> ()
      %dma_wait3A_275 = arith.constant 14 : i32
      %dma_wait3A_276 = arith.constant 0 : i32
      %dma_wait3A_277 = tpu.memref_slice %arg6[%dma_wait3A_275, %dma_wait3A_276] : memref<16x80xi32, #tpu.memory_space<vmem>> -> memref<1x80xi32, #tpu.memory_space<vmem>>
      %dma_wait3A_278 = tpu.memref_squeeze %dma_wait3A_277 : memref<1x80xi32, #tpu.memory_space<vmem>> -> memref<80xi32, #tpu.memory_space<vmem>>
      %dma_wait3A_279 = arith.constant 0 : i32
      %dma_wait3A_280 = arith.constant 0 : i32
      %dma_wait3A_281 = tpu.memref_slice %arg2[%dma_wait3A_279, %dma_wait3A_280] : memref<10240x128xf32, #tpu.memory_space<hbm>> -> memref<10240x128xf32, #tpu.memory_space<hbm>>
      tpu.wait_indirect_dma semaphore(%arg15 : memref<!tpu.dma_semaphore, #tpu.memory_space<semaphore_mem>>) src(%dma_wait3A_281 : memref<10240x128xf32, #tpu.memory_space<hbm>>) dst(%arg10 : memref<80x128xf32, #tpu.memory_space<vmem>>)
      %run_scoped3A_282 = arith.constant 14 : i32
      "tpu.region"() ({
        %run_scoped3A_291 = tpu.sem_alloc : memref<!tpu.dma_semaphore, #tpu.memory_space<semaphore_mem>>
        %dma_start3A_292 = arith.constant 0 : i32
        %dma_start3A_293 = tpu.memref_slice %arg7[%run_scoped3A_282, %dma_start3A_292] : memref<16x80xi32, #tpu.memory_space<vmem>> -> memref<1x80xi32, #tpu.memory_space<vmem>>
        %dma_start3A_294 = tpu.memref_squeeze %dma_start3A_293 : memref<1x80xi32, #tpu.memory_space<vmem>> -> memref<80xi32, #tpu.memory_space<vmem>>
        %dma_start3A_295 = arith.constant 0 : i32
        %dma_start3A_296 = arith.constant 0 : i32
        %dma_start3A_297 = tpu.memref_slice %arg12[%dma_start3A_295, %dma_start3A_296] : memref<10240x128xf32, #tpu.memory_space<vmem_shared>> -> memref<10240x128xf32, #tpu.memory_space<vmem_shared>>
        tpu.enqueue_indirect_dma source(%arg10 : memref<80x128xf32, #tpu.memory_space<vmem>>) target(%dma_start3A_297 : memref<10240x128xf32, #tpu.memory_space<vmem_shared>>) offsets(%dma_start3A_294 : memref<80xi32, #tpu.memory_space<vmem>>) semaphore(%run_scoped3A_291 : memref<!tpu.dma_semaphore, #tpu.memory_space<semaphore_mem>>) {add = true}
        %dma_wait3A_298 = arith.constant 0 : i32
        %dma_wait3A_299 = tpu.memref_slice %arg7[%run_scoped3A_282, %dma_wait3A_298] : memref<16x80xi32, #tpu.memory_space<vmem>> -> memref<1x80xi32, #tpu.memory_space<vmem>>
        %dma_wait3A_300 = tpu.memref_squeeze %dma_wait3A_299 : memref<1x80xi32, #tpu.memory_space<vmem>> -> memref<80xi32, #tpu.memory_space<vmem>>
        %dma_wait3A_301 = arith.constant 0 : i32
        %dma_wait3A_302 = arith.constant 0 : i32
        %dma_wait3A_303 = tpu.memref_slice %arg12[%dma_wait3A_301, %dma_wait3A_302] : memref<10240x128xf32, #tpu.memory_space<vmem_shared>> -> memref<10240x128xf32, #tpu.memory_space<vmem_shared>>
        tpu.wait_indirect_dma semaphore(%run_scoped3A_291 : memref<!tpu.dma_semaphore, #tpu.memory_space<semaphore_mem>>) src(%arg10 : memref<80x128xf32, #tpu.memory_space<vmem>>) dst(%dma_wait3A_303 : memref<10240x128xf32, #tpu.memory_space<vmem_shared>>)
        tpu.yield
      }) : () -> ()
      %dma_wait3A_283 = arith.constant 15 : i32
      %dma_wait3A_284 = arith.constant 0 : i32
      %dma_wait3A_285 = tpu.memref_slice %arg6[%dma_wait3A_283, %dma_wait3A_284] : memref<16x80xi32, #tpu.memory_space<vmem>> -> memref<1x80xi32, #tpu.memory_space<vmem>>
      %dma_wait3A_286 = tpu.memref_squeeze %dma_wait3A_285 : memref<1x80xi32, #tpu.memory_space<vmem>> -> memref<80xi32, #tpu.memory_space<vmem>>
      %dma_wait3A_287 = arith.constant 0 : i32
      %dma_wait3A_288 = arith.constant 0 : i32
      %dma_wait3A_289 = tpu.memref_slice %arg2[%dma_wait3A_287, %dma_wait3A_288] : memref<10240x128xf32, #tpu.memory_space<hbm>> -> memref<10240x128xf32, #tpu.memory_space<hbm>>
      tpu.wait_indirect_dma semaphore(%arg16 : memref<!tpu.dma_semaphore, #tpu.memory_space<semaphore_mem>>) src(%dma_wait3A_289 : memref<10240x128xf32, #tpu.memory_space<hbm>>) dst(%arg11 : memref<80x128xf32, #tpu.memory_space<vmem>>)
      %run_scoped3A_290 = arith.constant 15 : i32
      "tpu.region"() ({
        %run_scoped3A_291 = tpu.sem_alloc : memref<!tpu.dma_semaphore, #tpu.memory_space<semaphore_mem>>
        %dma_start3A_292 = arith.constant 0 : i32
        %dma_start3A_293 = tpu.memref_slice %arg7[%run_scoped3A_290, %dma_start3A_292] : memref<16x80xi32, #tpu.memory_space<vmem>> -> memref<1x80xi32, #tpu.memory_space<vmem>>
        %dma_start3A_294 = tpu.memref_squeeze %dma_start3A_293 : memref<1x80xi32, #tpu.memory_space<vmem>> -> memref<80xi32, #tpu.memory_space<vmem>>
        %dma_start3A_295 = arith.constant 0 : i32
        %dma_start3A_296 = arith.constant 0 : i32
        %dma_start3A_297 = tpu.memref_slice %arg12[%dma_start3A_295, %dma_start3A_296] : memref<10240x128xf32, #tpu.memory_space<vmem_shared>> -> memref<10240x128xf32, #tpu.memory_space<vmem_shared>>
        tpu.enqueue_indirect_dma source(%arg11 : memref<80x128xf32, #tpu.memory_space<vmem>>) target(%dma_start3A_297 : memref<10240x128xf32, #tpu.memory_space<vmem_shared>>) offsets(%dma_start3A_294 : memref<80xi32, #tpu.memory_space<vmem>>) semaphore(%run_scoped3A_291 : memref<!tpu.dma_semaphore, #tpu.memory_space<semaphore_mem>>) {add = true}
        %dma_wait3A_298 = arith.constant 0 : i32
        %dma_wait3A_299 = tpu.memref_slice %arg7[%run_scoped3A_290, %dma_wait3A_298] : memref<16x80xi32, #tpu.memory_space<vmem>> -> memref<1x80xi32, #tpu.memory_space<vmem>>
        %dma_wait3A_300 = tpu.memref_squeeze %dma_wait3A_299 : memref<1x80xi32, #tpu.memory_space<vmem>> -> memref<80xi32, #tpu.memory_space<vmem>>
        %dma_wait3A_301 = arith.constant 0 : i32
        %dma_wait3A_302 = arith.constant 0 : i32
        %dma_wait3A_303 = tpu.memref_slice %arg12[%dma_wait3A_301, %dma_wait3A_302] : memref<10240x128xf32, #tpu.memory_space<vmem_shared>> -> memref<10240x128xf32, #tpu.memory_space<vmem_shared>>
        tpu.wait_indirect_dma semaphore(%run_scoped3A_291 : memref<!tpu.dma_semaphore, #tpu.memory_space<semaphore_mem>>) src(%arg11 : memref<80x128xf32, #tpu.memory_space<vmem>>) dst(%dma_wait3A_303 : memref<10240x128xf32, #tpu.memory_space<vmem_shared>>)
        tpu.yield
      }) : () -> ()
    }
    %scan3A_43 = arith.constant 8 : i32
    %barrier3A_44 = arith.constant 0 : index
    tpu.barrier barrier_id(%barrier3A_44)
    %mul3A_45 = arith.constant 640 : i32
    %mul3A_46 = arith.muli %arg1, %mul3A_45 : i32
    %mul3A_47 = arith.constant 640 : i32
    %mul3A_48 = arith.muli %arg1, %mul3A_47 : i32
    "tpu.region"() ({
      %run_scoped3A = tpu.sem_alloc : memref<!tpu.dma_semaphore, #tpu.memory_space<semaphore_mem>>
      %dma_start3A = arith.constant 0 : i32
      %dma_start3A_49 = tpu.memref_slice %arg5[%arg0, %mul3A_48, %dma_start3A] : memref<2x10240x128xf32, #tpu.memory_space<hbm>> -> memref<1x640x128xf32, #tpu.memory_space<hbm>>
      %dma_start3A_50 = tpu.memref_squeeze %dma_start3A_49 : memref<1x640x128xf32, #tpu.memory_space<hbm>> -> memref<640x128xf32, #tpu.memory_space<hbm>>
      %dma_start3A_51 = arith.constant 0 : i32
      %dma_start3A_52 = tpu.memref_slice %arg12[%mul3A_46, %dma_start3A_51] : memref<10240x128xf32, #tpu.memory_space<vmem_shared>> -> memref<640x128xf32, #tpu.memory_space<vmem_shared>>
      tpu.enqueue_dma source(%dma_start3A_52 : memref<640x128xf32, #tpu.memory_space<vmem_shared>>) target(%dma_start3A_50 : memref<640x128xf32, #tpu.memory_space<hbm>>) target_semaphore(%run_scoped3A : memref<!tpu.dma_semaphore, #tpu.memory_space<semaphore_mem>>)
      %dma_wait3A = arith.constant 0 : i32
      %dma_wait3A_53 = tpu.memref_slice %arg5[%arg0, %mul3A_48, %dma_wait3A] : memref<2x10240x128xf32, #tpu.memory_space<hbm>> -> memref<1x640x128xf32, #tpu.memory_space<hbm>>
      %dma_wait3A_54 = tpu.memref_squeeze %dma_wait3A_53 : memref<1x640x128xf32, #tpu.memory_space<hbm>> -> memref<640x128xf32, #tpu.memory_space<hbm>>
      %dma_wait3A_55 = arith.constant 0 : i32
      %dma_wait3A_56 = tpu.memref_slice %arg12[%mul3A_46, %dma_wait3A_55] : memref<10240x128xf32, #tpu.memory_space<vmem_shared>> -> memref<640x128xf32, #tpu.memory_space<vmem_shared>>
      tpu.wait_dma2 semaphore(%run_scoped3A : memref<!tpu.dma_semaphore, #tpu.memory_space<semaphore_mem>>) src(%dma_wait3A_56 : memref<640x128xf32, #tpu.memory_space<vmem_shared>>) dst(%dma_wait3A_54 : memref<640x128xf32, #tpu.memory_space<hbm>>)
      tpu.yield
    }) : () -> ()
    return
  }
}

#map = affine_map<(d0, d1) -> (0, 0, 0)>
module attributes {stable_mosaic.version = 14 : i64} {
  func.func @body(%arg0: i32, %arg1: i32, %arg2: memref<32x128x80xi32, #tpu.memory_space<hbm>>, %arg3: memref<2x10240x128xf32, #tpu.memory_space<hbm>>, %arg4: memref<128x80xi32, #tpu.memory_space<vmem>>, %arg5: memref<80x128xf32, #tpu.memory_space<vmem>>, %arg6: memref<10240x128xf32, #tpu.memory_space<vmem_shared>>, %arg7: memref<!tpu.dma_semaphore, #tpu.memory_space<semaphore_mem>>) attributes {dimension_semantics = [#tpu.dimension_semantics<core_parallel>, #tpu.dimension_semantics<subcore_parallel>], iteration_bounds = array<i64: 2, 16>, scalar_prefetch = 0 : i64, scratch_operands = 4 : i64, tpu.core_type = #tpu.core_type<sc_vector_subcore>, window_params = [{transform_indices = #map}, {transform_indices = #map}]} {
    %mul3A = arith.constant 2 : i32
    %mul3A_0 = arith.muli %arg1, %mul3A : i32
    %add3A = arith.addi %mul3A_0, %arg0 : i32
    %scan3A = arith.constant 0 : i32
    %scan3A_1 = arith.constant 0 : i32
    %scan3A_2 = arith.constant 80 : i32
    %scan3A_3 = arith.addi %scan3A_1, %scan3A_2 : i32
    %scan3A_4 = arith.constant 1 : i32
    scf.for %scan3A_55 = %scan3A_1 to %scan3A_3 step %scan3A_4  : i32 {
      %broadcast_in_dim3A = arith.constant 0.000000e+00 : f32
      %broadcast_in_dim3A_56 = vector.broadcast %broadcast_in_dim3A : f32 to vector<16xf32>
      %swap3A = arith.index_cast %scan3A_55 : i32 to index
      %swap3A_57 = arith.constant 0 : index
      %swap3A_58 = tpu.vector_load %arg5[%swap3A, %swap3A_57] {strides = array<i32>} : memref<80x128xf32, #tpu.memory_space<vmem>>, vector<1x16xf32>,
      %swap3A_59 = vector.shape_cast %swap3A_58 : vector<1x16xf32> to vector<16xf32>
      %swap3A_60 = vector.shape_cast %broadcast_in_dim3A_56 : vector<16xf32> to vector<1x16xf32>
      tpu.vector_store %arg5[%swap3A, %swap3A_57], %swap3A_60 {strides = array<i32>} : memref<80x128xf32, #tpu.memory_space<vmem>>, vector<1x16xf32>,
      %broadcast_in_dim3A_61 = arith.constant 0.000000e+00 : f32
      %broadcast_in_dim3A_62 = vector.broadcast %broadcast_in_dim3A_61 : f32 to vector<16xf32>
      %swap3A_63 = arith.index_cast %scan3A_55 : i32 to index
      %swap3A_64 = arith.constant 16 : index
      %swap3A_65 = tpu.vector_load %arg5[%swap3A_63, %swap3A_64] {strides = array<i32>} : memref<80x128xf32, #tpu.memory_space<vmem>>, vector<1x16xf32>,
      %swap3A_66 = vector.shape_cast %swap3A_65 : vector<1x16xf32> to vector<16xf32>
      %swap3A_67 = vector.shape_cast %broadcast_in_dim3A_62 : vector<16xf32> to vector<1x16xf32>
      tpu.vector_store %arg5[%swap3A_63, %swap3A_64], %swap3A_67 {strides = array<i32>} : memref<80x128xf32, #tpu.memory_space<vmem>>, vector<1x16xf32>,
      %broadcast_in_dim3A_68 = arith.constant 0.000000e+00 : f32
      %broadcast_in_dim3A_69 = vector.broadcast %broadcast_in_dim3A_68 : f32 to vector<16xf32>
      %swap3A_70 = arith.index_cast %scan3A_55 : i32 to index
      %swap3A_71 = arith.constant 32 : index
      %swap3A_72 = tpu.vector_load %arg5[%swap3A_70, %swap3A_71] {strides = array<i32>} : memref<80x128xf32, #tpu.memory_space<vmem>>, vector<1x16xf32>,
      %swap3A_73 = vector.shape_cast %swap3A_72 : vector<1x16xf32> to vector<16xf32>
      %swap3A_74 = vector.shape_cast %broadcast_in_dim3A_69 : vector<16xf32> to vector<1x16xf32>
      tpu.vector_store %arg5[%swap3A_70, %swap3A_71], %swap3A_74 {strides = array<i32>} : memref<80x128xf32, #tpu.memory_space<vmem>>, vector<1x16xf32>,
      %broadcast_in_dim3A_75 = arith.constant 0.000000e+00 : f32
      %broadcast_in_dim3A_76 = vector.broadcast %broadcast_in_dim3A_75 : f32 to vector<16xf32>
      %swap3A_77 = arith.index_cast %scan3A_55 : i32 to index
      %swap3A_78 = arith.constant 48 : index
      %swap3A_79 = tpu.vector_load %arg5[%swap3A_77, %swap3A_78] {strides = array<i32>} : memref<80x128xf32, #tpu.memory_space<vmem>>, vector<1x16xf32>,
      %swap3A_80 = vector.shape_cast %swap3A_79 : vector<1x16xf32> to vector<16xf32>
      %swap3A_81 = vector.shape_cast %broadcast_in_dim3A_76 : vector<16xf32> to vector<1x16xf32>
      tpu.vector_store %arg5[%swap3A_77, %swap3A_78], %swap3A_81 {strides = array<i32>} : memref<80x128xf32, #tpu.memory_space<vmem>>, vector<1x16xf32>,
      %broadcast_in_dim3A_82 = arith.constant 0.000000e+00 : f32
      %broadcast_in_dim3A_83 = vector.broadcast %broadcast_in_dim3A_82 : f32 to vector<16xf32>
      %swap3A_84 = arith.index_cast %scan3A_55 : i32 to index
      %swap3A_85 = arith.constant 64 : index
      %swap3A_86 = tpu.vector_load %arg5[%swap3A_84, %swap3A_85] {strides = array<i32>} : memref<80x128xf32, #tpu.memory_space<vmem>>, vector<1x16xf32>,
      %swap3A_87 = vector.shape_cast %swap3A_86 : vector<1x16xf32> to vector<16xf32>
      %swap3A_88 = vector.shape_cast %broadcast_in_dim3A_83 : vector<16xf32> to vector<1x16xf32>
      tpu.vector_store %arg5[%swap3A_84, %swap3A_85], %swap3A_88 {strides = array<i32>} : memref<80x128xf32, #tpu.memory_space<vmem>>, vector<1x16xf32>,
      %broadcast_in_dim3A_89 = arith.constant 0.000000e+00 : f32
      %broadcast_in_dim3A_90 = vector.broadcast %broadcast_in_dim3A_89 : f32 to vector<16xf32>
      %swap3A_91 = arith.index_cast %scan3A_55 : i32 to index
      %swap3A_92 = arith.constant 80 : index
      %swap3A_93 = tpu.vector_load %arg5[%swap3A_91, %swap3A_92] {strides = array<i32>} : memref<80x128xf32, #tpu.memory_space<vmem>>, vector<1x16xf32>,
      %swap3A_94 = vector.shape_cast %swap3A_93 : vector<1x16xf32> to vector<16xf32>
      %swap3A_95 = vector.shape_cast %broadcast_in_dim3A_90 : vector<16xf32> to vector<1x16xf32>
      tpu.vector_store %arg5[%swap3A_91, %swap3A_92], %swap3A_95 {strides = array<i32>} : memref<80x128xf32, #tpu.memory_space<vmem>>, vector<1x16xf32>,
      %broadcast_in_dim3A_96 = arith.constant 0.000000e+00 : f32
      %broadcast_in_dim3A_97 = vector.broadcast %broadcast_in_dim3A_96 : f32 to vector<16xf32>
      %swap3A_98 = arith.index_cast %scan3A_55 : i32 to index
      %swap3A_99 = arith.constant 96 : index
      %swap3A_100 = tpu.vector_load %arg5[%swap3A_98, %swap3A_99] {strides = array<i32>} : memref<80x128xf32, #tpu.memory_space<vmem>>, vector<1x16xf32>,
      %swap3A_101 = vector.shape_cast %swap3A_100 : vector<1x16xf32> to vector<16xf32>
      %swap3A_102 = vector.shape_cast %broadcast_in_dim3A_97 : vector<16xf32> to vector<1x16xf32>
      tpu.vector_store %arg5[%swap3A_98, %swap3A_99], %swap3A_102 {strides = array<i32>} : memref<80x128xf32, #tpu.memory_space<vmem>>, vector<1x16xf32>,
      %broadcast_in_dim3A_103 = arith.constant 0.000000e+00 : f32
      %broadcast_in_dim3A_104 = vector.broadcast %broadcast_in_dim3A_103 : f32 to vector<16xf32>
      %swap3A_105 = arith.index_cast %scan3A_55 : i32 to index
      %swap3A_106 = arith.constant 112 : index
      %swap3A_107 = tpu.vector_load %arg5[%swap3A_105, %swap3A_106] {strides = array<i32>} : memref<80x128xf32, #tpu.memory_space<vmem>>, vector<1x16xf32>,
      %swap3A_108 = vector.shape_cast %swap3A_107 : vector<1x16xf32> to vector<16xf32>
      %swap3A_109 = vector.shape_cast %broadcast_in_dim3A_104 : vector<16xf32> to vector<1x16xf32>
      tpu.vector_store %arg5[%swap3A_105, %swap3A_106], %swap3A_109 {strides = array<i32>} : memref<80x128xf32, #tpu.memory_space<vmem>>, vector<1x16xf32>,
    }
    %scan3A_5 = arith.constant 80 : i32
    %mul3A_6 = arith.constant 640 : i32
    %mul3A_7 = arith.muli %arg1, %mul3A_6 : i32
    %add3A_8 = arith.constant 0 : i32
    %add3A_9 = arith.addi %mul3A_7, %add3A_8 : i32
    "tpu.region"() ({
      %run_scoped3A = tpu.sem_alloc : memref<!tpu.dma_semaphore, #tpu.memory_space<semaphore_mem>>
      %dma_start3A = arith.constant 0 : i32
      %dma_start3A_55 = tpu.memref_slice %arg6[%add3A_9, %dma_start3A] : memref<10240x128xf32, #tpu.memory_space<vmem_shared>> -> memref<80x128xf32, #tpu.memory_space<vmem_shared>>
      %dma_start3A_56 = arith.constant 0 : i32
      %dma_start3A_57 = tpu.memref_slice %arg6[%add3A_9, %dma_start3A_56] : memref<10240x128xf32, #tpu.memory_space<vmem_shared>> -> memref<80x128xf32, #tpu.memory_space<vmem_shared>>
      tpu.enqueue_dma source(%arg5 : memref<80x128xf32, #tpu.memory_space<vmem>>) target(%dma_start3A_57 : memref<80x128xf32, #tpu.memory_space<vmem_shared>>) target_semaphore(%run_scoped3A : memref<!tpu.dma_semaphore, #tpu.memory_space<semaphore_mem>>)
      %dma_wait3A = arith.constant 0 : i32
      %dma_wait3A_58 = tpu.memref_slice %arg6[%add3A_9, %dma_wait3A] : memref<10240x128xf32, #tpu.memory_space<vmem_shared>> -> memref<80x128xf32, #tpu.memory_space<vmem_shared>>
      %dma_wait3A_59 = arith.constant 0 : i32
      %dma_wait3A_60 = tpu.memref_slice %arg6[%add3A_9, %dma_wait3A_59] : memref<10240x128xf32, #tpu.memory_space<vmem_shared>> -> memref<80x128xf32, #tpu.memory_space<vmem_shared>>
      tpu.wait_dma2 semaphore(%run_scoped3A : memref<!tpu.dma_semaphore, #tpu.memory_space<semaphore_mem>>) src(%arg5 : memref<80x128xf32, #tpu.memory_space<vmem>>) dst(%dma_wait3A_60 : memref<80x128xf32, #tpu.memory_space<vmem_shared>>)
      tpu.yield
    }) : () -> ()
    %mul3A_10 = arith.constant 640 : i32
    %mul3A_11 = arith.muli %arg1, %mul3A_10 : i32
    %add3A_12 = arith.constant 80 : i32
    %add3A_13 = arith.addi %mul3A_11, %add3A_12 : i32
    "tpu.region"() ({
      %run_scoped3A = tpu.sem_alloc : memref<!tpu.dma_semaphore, #tpu.memory_space<semaphore_mem>>
      %dma_start3A = arith.constant 0 : i32
      %dma_start3A_55 = tpu.memref_slice %arg6[%add3A_13, %dma_start3A] : memref<10240x128xf32, #tpu.memory_space<vmem_shared>> -> memref<80x128xf32, #tpu.memory_space<vmem_shared>>
      %dma_start3A_56 = arith.constant 0 : i32
      %dma_start3A_57 = tpu.memref_slice %arg6[%add3A_13, %dma_start3A_56] : memref<10240x128xf32, #tpu.memory_space<vmem_shared>> -> memref<80x128xf32, #tpu.memory_space<vmem_shared>>
      tpu.enqueue_dma source(%arg5 : memref<80x128xf32, #tpu.memory_space<vmem>>) target(%dma_start3A_57 : memref<80x128xf32, #tpu.memory_space<vmem_shared>>) target_semaphore(%run_scoped3A : memref<!tpu.dma_semaphore, #tpu.memory_space<semaphore_mem>>)
      %dma_wait3A = arith.constant 0 : i32
      %dma_wait3A_58 = tpu.memref_slice %arg6[%add3A_13, %dma_wait3A] : memref<10240x128xf32, #tpu.memory_space<vmem_shared>> -> memref<80x128xf32, #tpu.memory_space<vmem_shared>>
      %dma_wait3A_59 = arith.constant 0 : i32
      %dma_wait3A_60 = tpu.memref_slice %arg6[%add3A_13, %dma_wait3A_59] : memref<10240x128xf32, #tpu.memory_space<vmem_shared>> -> memref<80x128xf32, #tpu.memory_space<vmem_shared>>
      tpu.wait_dma2 semaphore(%run_scoped3A : memref<!tpu.dma_semaphore, #tpu.memory_space<semaphore_mem>>) src(%arg5 : memref<80x128xf32, #tpu.memory_space<vmem>>) dst(%dma_wait3A_60 : memref<80x128xf32, #tpu.memory_space<vmem_shared>>)
      tpu.yield
    }) : () -> ()
    %mul3A_14 = arith.constant 640 : i32
    %mul3A_15 = arith.muli %arg1, %mul3A_14 : i32
    %add3A_16 = arith.constant 160 : i32
    %add3A_17 = arith.addi %mul3A_15, %add3A_16 : i32
    "tpu.region"() ({
      %run_scoped3A = tpu.sem_alloc : memref<!tpu.dma_semaphore, #tpu.memory_space<semaphore_mem>>
      %dma_start3A = arith.constant 0 : i32
      %dma_start3A_55 = tpu.memref_slice %arg6[%add3A_17, %dma_start3A] : memref<10240x128xf32, #tpu.memory_space<vmem_shared>> -> memref<80x128xf32, #tpu.memory_space<vmem_shared>>
      %dma_start3A_56 = arith.constant 0 : i32
      %dma_start3A_57 = tpu.memref_slice %arg6[%add3A_17, %dma_start3A_56] : memref<10240x128xf32, #tpu.memory_space<vmem_shared>> -> memref<80x128xf32, #tpu.memory_space<vmem_shared>>
      tpu.enqueue_dma source(%arg5 : memref<80x128xf32, #tpu.memory_space<vmem>>) target(%dma_start3A_57 : memref<80x128xf32, #tpu.memory_space<vmem_shared>>) target_semaphore(%run_scoped3A : memref<!tpu.dma_semaphore, #tpu.memory_space<semaphore_mem>>)
      %dma_wait3A = arith.constant 0 : i32
      %dma_wait3A_58 = tpu.memref_slice %arg6[%add3A_17, %dma_wait3A] : memref<10240x128xf32, #tpu.memory_space<vmem_shared>> -> memref<80x128xf32, #tpu.memory_space<vmem_shared>>
      %dma_wait3A_59 = arith.constant 0 : i32
      %dma_wait3A_60 = tpu.memref_slice %arg6[%add3A_17, %dma_wait3A_59] : memref<10240x128xf32, #tpu.memory_space<vmem_shared>> -> memref<80x128xf32, #tpu.memory_space<vmem_shared>>
      tpu.wait_dma2 semaphore(%run_scoped3A : memref<!tpu.dma_semaphore, #tpu.memory_space<semaphore_mem>>) src(%arg5 : memref<80x128xf32, #tpu.memory_space<vmem>>) dst(%dma_wait3A_60 : memref<80x128xf32, #tpu.memory_space<vmem_shared>>)
      tpu.yield
    }) : () -> ()
    %mul3A_18 = arith.constant 640 : i32
    %mul3A_19 = arith.muli %arg1, %mul3A_18 : i32
    %add3A_20 = arith.constant 240 : i32
    %add3A_21 = arith.addi %mul3A_19, %add3A_20 : i32
    "tpu.region"() ({
      %run_scoped3A = tpu.sem_alloc : memref<!tpu.dma_semaphore, #tpu.memory_space<semaphore_mem>>
      %dma_start3A = arith.constant 0 : i32
      %dma_start3A_55 = tpu.memref_slice %arg6[%add3A_21, %dma_start3A] : memref<10240x128xf32, #tpu.memory_space<vmem_shared>> -> memref<80x128xf32, #tpu.memory_space<vmem_shared>>
      %dma_start3A_56 = arith.constant 0 : i32
      %dma_start3A_57 = tpu.memref_slice %arg6[%add3A_21, %dma_start3A_56] : memref<10240x128xf32, #tpu.memory_space<vmem_shared>> -> memref<80x128xf32, #tpu.memory_space<vmem_shared>>
      tpu.enqueue_dma source(%arg5 : memref<80x128xf32, #tpu.memory_space<vmem>>) target(%dma_start3A_57 : memref<80x128xf32, #tpu.memory_space<vmem_shared>>) target_semaphore(%run_scoped3A : memref<!tpu.dma_semaphore, #tpu.memory_space<semaphore_mem>>)
      %dma_wait3A = arith.constant 0 : i32
      %dma_wait3A_58 = tpu.memref_slice %arg6[%add3A_21, %dma_wait3A] : memref<10240x128xf32, #tpu.memory_space<vmem_shared>> -> memref<80x128xf32, #tpu.memory_space<vmem_shared>>
      %dma_wait3A_59 = arith.constant 0 : i32
      %dma_wait3A_60 = tpu.memref_slice %arg6[%add3A_21, %dma_wait3A_59] : memref<10240x128xf32, #tpu.memory_space<vmem_shared>> -> memref<80x128xf32, #tpu.memory_space<vmem_shared>>
      tpu.wait_dma2 semaphore(%run_scoped3A : memref<!tpu.dma_semaphore, #tpu.memory_space<semaphore_mem>>) src(%arg5 : memref<80x128xf32, #tpu.memory_space<vmem>>) dst(%dma_wait3A_60 : memref<80x128xf32, #tpu.memory_space<vmem_shared>>)
      tpu.yield
    }) : () -> ()
    %mul3A_22 = arith.constant 640 : i32
    %mul3A_23 = arith.muli %arg1, %mul3A_22 : i32
    %add3A_24 = arith.constant 320 : i32
    %add3A_25 = arith.addi %mul3A_23, %add3A_24 : i32
    "tpu.region"() ({
      %run_scoped3A = tpu.sem_alloc : memref<!tpu.dma_semaphore, #tpu.memory_space<semaphore_mem>>
      %dma_start3A = arith.constant 0 : i32
      %dma_start3A_55 = tpu.memref_slice %arg6[%add3A_25, %dma_start3A] : memref<10240x128xf32, #tpu.memory_space<vmem_shared>> -> memref<80x128xf32, #tpu.memory_space<vmem_shared>>
      %dma_start3A_56 = arith.constant 0 : i32
      %dma_start3A_57 = tpu.memref_slice %arg6[%add3A_25, %dma_start3A_56] : memref<10240x128xf32, #tpu.memory_space<vmem_shared>> -> memref<80x128xf32, #tpu.memory_space<vmem_shared>>
      tpu.enqueue_dma source(%arg5 : memref<80x128xf32, #tpu.memory_space<vmem>>) target(%dma_start3A_57 : memref<80x128xf32, #tpu.memory_space<vmem_shared>>) target_semaphore(%run_scoped3A : memref<!tpu.dma_semaphore, #tpu.memory_space<semaphore_mem>>)
      %dma_wait3A = arith.constant 0 : i32
      %dma_wait3A_58 = tpu.memref_slice %arg6[%add3A_25, %dma_wait3A] : memref<10240x128xf32, #tpu.memory_space<vmem_shared>> -> memref<80x128xf32, #tpu.memory_space<vmem_shared>>
      %dma_wait3A_59 = arith.constant 0 : i32
      %dma_wait3A_60 = tpu.memref_slice %arg6[%add3A_25, %dma_wait3A_59] : memref<10240x128xf32, #tpu.memory_space<vmem_shared>> -> memref<80x128xf32, #tpu.memory_space<vmem_shared>>
      tpu.wait_dma2 semaphore(%run_scoped3A : memref<!tpu.dma_semaphore, #tpu.memory_space<semaphore_mem>>) src(%arg5 : memref<80x128xf32, #tpu.memory_space<vmem>>) dst(%dma_wait3A_60 : memref<80x128xf32, #tpu.memory_space<vmem_shared>>)
      tpu.yield
    }) : () -> ()
    %mul3A_26 = arith.constant 640 : i32
    %mul3A_27 = arith.muli %arg1, %mul3A_26 : i32
    %add3A_28 = arith.constant 400 : i32
    %add3A_29 = arith.addi %mul3A_27, %add3A_28 : i32
    "tpu.region"() ({
      %run_scoped3A = tpu.sem_alloc : memref<!tpu.dma_semaphore, #tpu.memory_space<semaphore_mem>>
      %dma_start3A = arith.constant 0 : i32
      %dma_start3A_55 = tpu.memref_slice %arg6[%add3A_29, %dma_start3A] : memref<10240x128xf32, #tpu.memory_space<vmem_shared>> -> memref<80x128xf32, #tpu.memory_space<vmem_shared>>
      %dma_start3A_56 = arith.constant 0 : i32
      %dma_start3A_57 = tpu.memref_slice %arg6[%add3A_29, %dma_start3A_56] : memref<10240x128xf32, #tpu.memory_space<vmem_shared>> -> memref<80x128xf32, #tpu.memory_space<vmem_shared>>
      tpu.enqueue_dma source(%arg5 : memref<80x128xf32, #tpu.memory_space<vmem>>) target(%dma_start3A_57 : memref<80x128xf32, #tpu.memory_space<vmem_shared>>) target_semaphore(%run_scoped3A : memref<!tpu.dma_semaphore, #tpu.memory_space<semaphore_mem>>)
      %dma_wait3A = arith.constant 0 : i32
      %dma_wait3A_58 = tpu.memref_slice %arg6[%add3A_29, %dma_wait3A] : memref<10240x128xf32, #tpu.memory_space<vmem_shared>> -> memref<80x128xf32, #tpu.memory_space<vmem_shared>>
      %dma_wait3A_59 = arith.constant 0 : i32
      %dma_wait3A_60 = tpu.memref_slice %arg6[%add3A_29, %dma_wait3A_59] : memref<10240x128xf32, #tpu.memory_space<vmem_shared>> -> memref<80x128xf32, #tpu.memory_space<vmem_shared>>
      tpu.wait_dma2 semaphore(%run_scoped3A : memref<!tpu.dma_semaphore, #tpu.memory_space<semaphore_mem>>) src(%arg5 : memref<80x128xf32, #tpu.memory_space<vmem>>) dst(%dma_wait3A_60 : memref<80x128xf32, #tpu.memory_space<vmem_shared>>)
      tpu.yield
    }) : () -> ()
    %mul3A_30 = arith.constant 640 : i32
    %mul3A_31 = arith.muli %arg1, %mul3A_30 : i32
    %add3A_32 = arith.constant 480 : i32
    %add3A_33 = arith.addi %mul3A_31, %add3A_32 : i32
    "tpu.region"() ({
      %run_scoped3A = tpu.sem_alloc : memref<!tpu.dma_semaphore, #tpu.memory_space<semaphore_mem>>
      %dma_start3A = arith.constant 0 : i32
      %dma_start3A_55 = tpu.memref_slice %arg6[%add3A_33, %dma_start3A] : memref<10240x128xf32, #tpu.memory_space<vmem_shared>> -> memref<80x128xf32, #tpu.memory_space<vmem_shared>>
      %dma_start3A_56 = arith.constant 0 : i32
      %dma_start3A_57 = tpu.memref_slice %arg6[%add3A_33, %dma_start3A_56] : memref<10240x128xf32, #tpu.memory_space<vmem_shared>> -> memref<80x128xf32, #tpu.memory_space<vmem_shared>>
      tpu.enqueue_dma source(%arg5 : memref<80x128xf32, #tpu.memory_space<vmem>>) target(%dma_start3A_57 : memref<80x128xf32, #tpu.memory_space<vmem_shared>>) target_semaphore(%run_scoped3A : memref<!tpu.dma_semaphore, #tpu.memory_space<semaphore_mem>>)
      %dma_wait3A = arith.constant 0 : i32
      %dma_wait3A_58 = tpu.memref_slice %arg6[%add3A_33, %dma_wait3A] : memref<10240x128xf32, #tpu.memory_space<vmem_shared>> -> memref<80x128xf32, #tpu.memory_space<vmem_shared>>
      %dma_wait3A_59 = arith.constant 0 : i32
      %dma_wait3A_60 = tpu.memref_slice %arg6[%add3A_33, %dma_wait3A_59] : memref<10240x128xf32, #tpu.memory_space<vmem_shared>> -> memref<80x128xf32, #tpu.memory_space<vmem_shared>>
      tpu.wait_dma2 semaphore(%run_scoped3A : memref<!tpu.dma_semaphore, #tpu.memory_space<semaphore_mem>>) src(%arg5 : memref<80x128xf32, #tpu.memory_space<vmem>>) dst(%dma_wait3A_60 : memref<80x128xf32, #tpu.memory_space<vmem_shared>>)
      tpu.yield
    }) : () -> ()
    %mul3A_34 = arith.constant 640 : i32
    %mul3A_35 = arith.muli %arg1, %mul3A_34 : i32
    %add3A_36 = arith.constant 560 : i32
    %add3A_37 = arith.addi %mul3A_35, %add3A_36 : i32
    "tpu.region"() ({
      %run_scoped3A = tpu.sem_alloc : memref<!tpu.dma_semaphore, #tpu.memory_space<semaphore_mem>>
      %dma_start3A = arith.constant 0 : i32
      %dma_start3A_55 = tpu.memref_slice %arg6[%add3A_37, %dma_start3A] : memref<10240x128xf32, #tpu.memory_space<vmem_shared>> -> memref<80x128xf32, #tpu.memory_space<vmem_shared>>
      %dma_start3A_56 = arith.constant 0 : i32
      %dma_start3A_57 = tpu.memref_slice %arg6[%add3A_37, %dma_start3A_56] : memref<10240x128xf32, #tpu.memory_space<vmem_shared>> -> memref<80x128xf32, #tpu.memory_space<vmem_shared>>
      tpu.enqueue_dma source(%arg5 : memref<80x128xf32, #tpu.memory_space<vmem>>) target(%dma_start3A_57 : memref<80x128xf32, #tpu.memory_space<vmem_shared>>) target_semaphore(%run_scoped3A : memref<!tpu.dma_semaphore, #tpu.memory_space<semaphore_mem>>)
      %dma_wait3A = arith.constant 0 : i32
      %dma_wait3A_58 = tpu.memref_slice %arg6[%add3A_37, %dma_wait3A] : memref<10240x128xf32, #tpu.memory_space<vmem_shared>> -> memref<80x128xf32, #tpu.memory_space<vmem_shared>>
      %dma_wait3A_59 = arith.constant 0 : i32
      %dma_wait3A_60 = tpu.memref_slice %arg6[%add3A_37, %dma_wait3A_59] : memref<10240x128xf32, #tpu.memory_space<vmem_shared>> -> memref<80x128xf32, #tpu.memory_space<vmem_shared>>
      tpu.wait_dma2 semaphore(%run_scoped3A : memref<!tpu.dma_semaphore, #tpu.memory_space<semaphore_mem>>) src(%arg5 : memref<80x128xf32, #tpu.memory_space<vmem>>) dst(%dma_wait3A_60 : memref<80x128xf32, #tpu.memory_space<vmem_shared>>)
      tpu.yield
    }) : () -> ()
    %scan3A_38 = arith.constant 0 : i32
    %scan3A_39 = arith.constant 0 : i32
    %scan3A_40 = arith.constant 80 : i32
    %scan3A_41 = arith.addi %scan3A_39, %scan3A_40 : i32
    %scan3A_42 = arith.constant 1 : i32
    scf.for %scan3A_55 = %scan3A_39 to %scan3A_41 step %scan3A_42  : i32 {
      %broadcast_in_dim3A = arith.constant 1.000000e+00 : f32
      %broadcast_in_dim3A_56 = vector.broadcast %broadcast_in_dim3A : f32 to vector<16xf32>
      %swap3A = arith.index_cast %scan3A_55 : i32 to index
      %swap3A_57 = arith.constant 0 : index
      %swap3A_58 = tpu.vector_load %arg5[%swap3A, %swap3A_57] {strides = array<i32>} : memref<80x128xf32, #tpu.memory_space<vmem>>, vector<1x16xf32>,
      %swap3A_59 = vector.shape_cast %swap3A_58 : vector<1x16xf32> to vector<16xf32>
      %swap3A_60 = vector.shape_cast %broadcast_in_dim3A_56 : vector<16xf32> to vector<1x16xf32>
      tpu.vector_store %arg5[%swap3A, %swap3A_57], %swap3A_60 {strides = array<i32>} : memref<80x128xf32, #tpu.memory_space<vmem>>, vector<1x16xf32>,
      %broadcast_in_dim3A_61 = arith.constant 1.000000e+00 : f32
      %broadcast_in_dim3A_62 = vector.broadcast %broadcast_in_dim3A_61 : f32 to vector<16xf32>
      %swap3A_63 = arith.index_cast %scan3A_55 : i32 to index
      %swap3A_64 = arith.constant 16 : index
      %swap3A_65 = tpu.vector_load %arg5[%swap3A_63, %swap3A_64] {strides = array<i32>} : memref<80x128xf32, #tpu.memory_space<vmem>>, vector<1x16xf32>,
      %swap3A_66 = vector.shape_cast %swap3A_65 : vector<1x16xf32> to vector<16xf32>
      %swap3A_67 = vector.shape_cast %broadcast_in_dim3A_62 : vector<16xf32> to vector<1x16xf32>
      tpu.vector_store %arg5[%swap3A_63, %swap3A_64], %swap3A_67 {strides = array<i32>} : memref<80x128xf32, #tpu.memory_space<vmem>>, vector<1x16xf32>,
      %broadcast_in_dim3A_68 = arith.constant 1.000000e+00 : f32
      %broadcast_in_dim3A_69 = vector.broadcast %broadcast_in_dim3A_68 : f32 to vector<16xf32>
      %swap3A_70 = arith.index_cast %scan3A_55 : i32 to index
      %swap3A_71 = arith.constant 32 : index
      %swap3A_72 = tpu.vector_load %arg5[%swap3A_70, %swap3A_71] {strides = array<i32>} : memref<80x128xf32, #tpu.memory_space<vmem>>, vector<1x16xf32>,
      %swap3A_73 = vector.shape_cast %swap3A_72 : vector<1x16xf32> to vector<16xf32>
      %swap3A_74 = vector.shape_cast %broadcast_in_dim3A_69 : vector<16xf32> to vector<1x16xf32>
      tpu.vector_store %arg5[%swap3A_70, %swap3A_71], %swap3A_74 {strides = array<i32>} : memref<80x128xf32, #tpu.memory_space<vmem>>, vector<1x16xf32>,
      %broadcast_in_dim3A_75 = arith.constant 1.000000e+00 : f32
      %broadcast_in_dim3A_76 = vector.broadcast %broadcast_in_dim3A_75 : f32 to vector<16xf32>
      %swap3A_77 = arith.index_cast %scan3A_55 : i32 to index
      %swap3A_78 = arith.constant 48 : index
      %swap3A_79 = tpu.vector_load %arg5[%swap3A_77, %swap3A_78] {strides = array<i32>} : memref<80x128xf32, #tpu.memory_space<vmem>>, vector<1x16xf32>,
      %swap3A_80 = vector.shape_cast %swap3A_79 : vector<1x16xf32> to vector<16xf32>
      %swap3A_81 = vector.shape_cast %broadcast_in_dim3A_76 : vector<16xf32> to vector<1x16xf32>
      tpu.vector_store %arg5[%swap3A_77, %swap3A_78], %swap3A_81 {strides = array<i32>} : memref<80x128xf32, #tpu.memory_space<vmem>>, vector<1x16xf32>,
      %broadcast_in_dim3A_82 = arith.constant 1.000000e+00 : f32
      %broadcast_in_dim3A_83 = vector.broadcast %broadcast_in_dim3A_82 : f32 to vector<16xf32>
      %swap3A_84 = arith.index_cast %scan3A_55 : i32 to index
      %swap3A_85 = arith.constant 64 : index
      %swap3A_86 = tpu.vector_load %arg5[%swap3A_84, %swap3A_85] {strides = array<i32>} : memref<80x128xf32, #tpu.memory_space<vmem>>, vector<1x16xf32>,
      %swap3A_87 = vector.shape_cast %swap3A_86 : vector<1x16xf32> to vector<16xf32>
      %swap3A_88 = vector.shape_cast %broadcast_in_dim3A_83 : vector<16xf32> to vector<1x16xf32>
      tpu.vector_store %arg5[%swap3A_84, %swap3A_85], %swap3A_88 {strides = array<i32>} : memref<80x128xf32, #tpu.memory_space<vmem>>, vector<1x16xf32>,
      %broadcast_in_dim3A_89 = arith.constant 1.000000e+00 : f32
      %broadcast_in_dim3A_90 = vector.broadcast %broadcast_in_dim3A_89 : f32 to vector<16xf32>
      %swap3A_91 = arith.index_cast %scan3A_55 : i32 to index
      %swap3A_92 = arith.constant 80 : index
      %swap3A_93 = tpu.vector_load %arg5[%swap3A_91, %swap3A_92] {strides = array<i32>} : memref<80x128xf32, #tpu.memory_space<vmem>>, vector<1x16xf32>,
      %swap3A_94 = vector.shape_cast %swap3A_93 : vector<1x16xf32> to vector<16xf32>
      %swap3A_95 = vector.shape_cast %broadcast_in_dim3A_90 : vector<16xf32> to vector<1x16xf32>
      tpu.vector_store %arg5[%swap3A_91, %swap3A_92], %swap3A_95 {strides = array<i32>} : memref<80x128xf32, #tpu.memory_space<vmem>>, vector<1x16xf32>,
      %broadcast_in_dim3A_96 = arith.constant 1.000000e+00 : f32
      %broadcast_in_dim3A_97 = vector.broadcast %broadcast_in_dim3A_96 : f32 to vector<16xf32>
      %swap3A_98 = arith.index_cast %scan3A_55 : i32 to index
      %swap3A_99 = arith.constant 96 : index
      %swap3A_100 = tpu.vector_load %arg5[%swap3A_98, %swap3A_99] {strides = array<i32>} : memref<80x128xf32, #tpu.memory_space<vmem>>, vector<1x16xf32>,
      %swap3A_101 = vector.shape_cast %swap3A_100 : vector<1x16xf32> to vector<16xf32>
      %swap3A_102 = vector.shape_cast %broadcast_in_dim3A_97 : vector<16xf32> to vector<1x16xf32>
      tpu.vector_store %arg5[%swap3A_98, %swap3A_99], %swap3A_102 {strides = array<i32>} : memref<80x128xf32, #tpu.memory_space<vmem>>, vector<1x16xf32>,
      %broadcast_in_dim3A_103 = arith.constant 1.000000e+00 : f32
      %broadcast_in_dim3A_104 = vector.broadcast %broadcast_in_dim3A_103 : f32 to vector<16xf32>
      %swap3A_105 = arith.index_cast %scan3A_55 : i32 to index
      %swap3A_106 = arith.constant 112 : index
      %swap3A_107 = tpu.vector_load %arg5[%swap3A_105, %swap3A_106] {strides = array<i32>} : memref<80x128xf32, #tpu.memory_space<vmem>>, vector<1x16xf32>,
      %swap3A_108 = vector.shape_cast %swap3A_107 : vector<1x16xf32> to vector<16xf32>
      %swap3A_109 = vector.shape_cast %broadcast_in_dim3A_104 : vector<16xf32> to vector<1x16xf32>
      tpu.vector_store %arg5[%swap3A_105, %swap3A_106], %swap3A_109 {strides = array<i32>} : memref<80x128xf32, #tpu.memory_space<vmem>>, vector<1x16xf32>,
    }
    %scan3A_43 = arith.constant 80 : i32
    %barrier3A = arith.constant 0 : index
    tpu.barrier barrier_id(%barrier3A)
    "tpu.region"() ({
      %run_scoped3A = tpu.sem_alloc : memref<!tpu.dma_semaphore, #tpu.memory_space<semaphore_mem>>
      %dma_start3A = arith.constant 0 : i32
      %dma_start3A_55 = arith.constant 0 : i32
      %dma_start3A_56 = tpu.memref_slice %arg2[%add3A, %dma_start3A, %dma_start3A_55] : memref<32x128x80xi32, #tpu.memory_space<hbm>> -> memref<1x128x80xi32, #tpu.memory_space<hbm>>
      %dma_start3A_57 = tpu.memref_squeeze %dma_start3A_56 : memref<1x128x80xi32, #tpu.memory_space<hbm>> -> memref<128x80xi32, #tpu.memory_space<hbm>>
      %dma_start3A_58 = arith.constant 0 : i32
      %dma_start3A_59 = arith.constant 0 : i32
      %dma_start3A_60 = tpu.memref_slice %arg2[%add3A, %dma_start3A_58, %dma_start3A_59] : memref<32x128x80xi32, #tpu.memory_space<hbm>> -> memref<1x128x80xi32, #tpu.memory_space<hbm>>
      %dma_start3A_61 = tpu.memref_squeeze %dma_start3A_60 : memref<1x128x80xi32, #tpu.memory_space<hbm>> -> memref<128x80xi32, #tpu.memory_space<hbm>>
      tpu.enqueue_dma source(%dma_start3A_61 : memref<128x80xi32, #tpu.memory_space<hbm>>) target(%arg4 : memref<128x80xi32, #tpu.memory_space<vmem>>) target_semaphore(%run_scoped3A : memref<!tpu.dma_semaphore, #tpu.memory_space<semaphore_mem>>)
      %dma_wait3A = arith.constant 0 : i32
      %dma_wait3A_62 = arith.constant 0 : i32
      %dma_wait3A_63 = tpu.memref_slice %arg2[%add3A, %dma_wait3A, %dma_wait3A_62] : memref<32x128x80xi32, #tpu.memory_space<hbm>> -> memref<1x128x80xi32, #tpu.memory_space<hbm>>
      %dma_wait3A_64 = tpu.memref_squeeze %dma_wait3A_63 : memref<1x128x80xi32, #tpu.memory_space<hbm>> -> memref<128x80xi32, #tpu.memory_space<hbm>>
      %dma_wait3A_65 = arith.constant 0 : i32
      %dma_wait3A_66 = arith.constant 0 : i32
      %dma_wait3A_67 = tpu.memref_slice %arg2[%add3A, %dma_wait3A_65, %dma_wait3A_66] : memref<32x128x80xi32, #tpu.memory_space<hbm>> -> memref<1x128x80xi32, #tpu.memory_space<hbm>>
      %dma_wait3A_68 = tpu.memref_squeeze %dma_wait3A_67 : memref<1x128x80xi32, #tpu.memory_space<hbm>> -> memref<128x80xi32, #tpu.memory_space<hbm>>
      tpu.wait_dma2 semaphore(%run_scoped3A : memref<!tpu.dma_semaphore, #tpu.memory_space<semaphore_mem>>) src(%dma_wait3A_68 : memref<128x80xi32, #tpu.memory_space<hbm>>) dst(%arg4 : memref<128x80xi32, #tpu.memory_space<vmem>>)
      tpu.yield
    }) : () -> ()
    %scan3A_44 = arith.constant 0 : i32
    %scan3A_45 = arith.constant 0 : i32
    %scan3A_46 = arith.constant 16 : i32
    %scan3A_47 = arith.addi %scan3A_45, %scan3A_46 : i32
    %scan3A_48 = arith.constant 1 : i32
    scf.for %scan3A_55 = %scan3A_45 to %scan3A_47 step %scan3A_48  : i32 {
      %mul3A_56 = arith.constant 8 : i32
      %mul3A_57 = arith.muli %scan3A_55, %mul3A_56 : i32
      %add3A_58 = arith.constant 0 : i32
      %add3A_59 = arith.addi %mul3A_57, %add3A_58 : i32
      %dma_start3A = arith.constant 0 : i32
      %dma_start3A_60 = tpu.memref_slice %arg4[%add3A_59, %dma_start3A] : memref<128x80xi32, #tpu.memory_space<vmem>> -> memref<1x80xi32, #tpu.memory_space<vmem>>
      %dma_start3A_61 = tpu.memref_squeeze %dma_start3A_60 : memref<1x80xi32, #tpu.memory_space<vmem>> -> memref<80xi32, #tpu.memory_space<vmem>>
      %dma_start3A_62 = arith.constant 0 : i32
      %dma_start3A_63 = arith.constant 0 : i32
      %dma_start3A_64 = tpu.memref_slice %arg6[%dma_start3A_62, %dma_start3A_63] : memref<10240x128xf32, #tpu.memory_space<vmem_shared>> -> memref<10240x128xf32, #tpu.memory_space<vmem_shared>>
      tpu.enqueue_indirect_dma source(%arg5 : memref<80x128xf32, #tpu.memory_space<vmem>>) target(%dma_start3A_64 : memref<10240x128xf32, #tpu.memory_space<vmem_shared>>) offsets(%dma_start3A_61 : memref<80xi32, #tpu.memory_space<vmem>>) semaphore(%arg7 : memref<!tpu.dma_semaphore, #tpu.memory_space<semaphore_mem>>) {add = true}
      %mul3A_65 = arith.constant 8 : i32
      %mul3A_66 = arith.muli %scan3A_55, %mul3A_65 : i32
      %add3A_67 = arith.constant 1 : i32
      %add3A_68 = arith.addi %mul3A_66, %add3A_67 : i32
      %dma_start3A_69 = arith.constant 0 : i32
      %dma_start3A_70 = tpu.memref_slice %arg4[%add3A_68, %dma_start3A_69] : memref<128x80xi32, #tpu.memory_space<vmem>> -> memref<1x80xi32, #tpu.memory_space<vmem>>
      %dma_start3A_71 = tpu.memref_squeeze %dma_start3A_70 : memref<1x80xi32, #tpu.memory_space<vmem>> -> memref<80xi32, #tpu.memory_space<vmem>>
      %dma_start3A_72 = arith.constant 0 : i32
      %dma_start3A_73 = arith.constant 0 : i32
      %dma_start3A_74 = tpu.memref_slice %arg6[%dma_start3A_72, %dma_start3A_73] : memref<10240x128xf32, #tpu.memory_space<vmem_shared>> -> memref<10240x128xf32, #tpu.memory_space<vmem_shared>>
      tpu.enqueue_indirect_dma source(%arg5 : memref<80x128xf32, #tpu.memory_space<vmem>>) target(%dma_start3A_74 : memref<10240x128xf32, #tpu.memory_space<vmem_shared>>) offsets(%dma_start3A_71 : memref<80xi32, #tpu.memory_space<vmem>>) semaphore(%arg7 : memref<!tpu.dma_semaphore, #tpu.memory_space<semaphore_mem>>) {add = true}
      %mul3A_75 = arith.constant 8 : i32
      %mul3A_76 = arith.muli %scan3A_55, %mul3A_75 : i32
      %add3A_77 = arith.constant 2 : i32
      %add3A_78 = arith.addi %mul3A_76, %add3A_77 : i32
      %dma_start3A_79 = arith.constant 0 : i32
      %dma_start3A_80 = tpu.memref_slice %arg4[%add3A_78, %dma_start3A_79] : memref<128x80xi32, #tpu.memory_space<vmem>> -> memref<1x80xi32, #tpu.memory_space<vmem>>
      %dma_start3A_81 = tpu.memref_squeeze %dma_start3A_80 : memref<1x80xi32, #tpu.memory_space<vmem>> -> memref<80xi32, #tpu.memory_space<vmem>>
      %dma_start3A_82 = arith.constant 0 : i32
      %dma_start3A_83 = arith.constant 0 : i32
      %dma_start3A_84 = tpu.memref_slice %arg6[%dma_start3A_82, %dma_start3A_83] : memref<10240x128xf32, #tpu.memory_space<vmem_shared>> -> memref<10240x128xf32, #tpu.memory_space<vmem_shared>>
      tpu.enqueue_indirect_dma source(%arg5 : memref<80x128xf32, #tpu.memory_space<vmem>>) target(%dma_start3A_84 : memref<10240x128xf32, #tpu.memory_space<vmem_shared>>) offsets(%dma_start3A_81 : memref<80xi32, #tpu.memory_space<vmem>>) semaphore(%arg7 : memref<!tpu.dma_semaphore, #tpu.memory_space<semaphore_mem>>) {add = true}
      %mul3A_85 = arith.constant 8 : i32
      %mul3A_86 = arith.muli %scan3A_55, %mul3A_85 : i32
      %add3A_87 = arith.constant 3 : i32
      %add3A_88 = arith.addi %mul3A_86, %add3A_87 : i32
      %dma_start3A_89 = arith.constant 0 : i32
      %dma_start3A_90 = tpu.memref_slice %arg4[%add3A_88, %dma_start3A_89] : memref<128x80xi32, #tpu.memory_space<vmem>> -> memref<1x80xi32, #tpu.memory_space<vmem>>
      %dma_start3A_91 = tpu.memref_squeeze %dma_start3A_90 : memref<1x80xi32, #tpu.memory_space<vmem>> -> memref<80xi32, #tpu.memory_space<vmem>>
      %dma_start3A_92 = arith.constant 0 : i32
      %dma_start3A_93 = arith.constant 0 : i32
      %dma_start3A_94 = tpu.memref_slice %arg6[%dma_start3A_92, %dma_start3A_93] : memref<10240x128xf32, #tpu.memory_space<vmem_shared>> -> memref<10240x128xf32, #tpu.memory_space<vmem_shared>>
      tpu.enqueue_indirect_dma source(%arg5 : memref<80x128xf32, #tpu.memory_space<vmem>>) target(%dma_start3A_94 : memref<10240x128xf32, #tpu.memory_space<vmem_shared>>) offsets(%dma_start3A_91 : memref<80xi32, #tpu.memory_space<vmem>>) semaphore(%arg7 : memref<!tpu.dma_semaphore, #tpu.memory_space<semaphore_mem>>) {add = true}
      %mul3A_95 = arith.constant 8 : i32
      %mul3A_96 = arith.muli %scan3A_55, %mul3A_95 : i32
      %add3A_97 = arith.constant 4 : i32
      %add3A_98 = arith.addi %mul3A_96, %add3A_97 : i32
      %dma_start3A_99 = arith.constant 0 : i32
      %dma_start3A_100 = tpu.memref_slice %arg4[%add3A_98, %dma_start3A_99] : memref<128x80xi32, #tpu.memory_space<vmem>> -> memref<1x80xi32, #tpu.memory_space<vmem>>
      %dma_start3A_101 = tpu.memref_squeeze %dma_start3A_100 : memref<1x80xi32, #tpu.memory_space<vmem>> -> memref<80xi32, #tpu.memory_space<vmem>>
      %dma_start3A_102 = arith.constant 0 : i32
      %dma_start3A_103 = arith.constant 0 : i32
      %dma_start3A_104 = tpu.memref_slice %arg6[%dma_start3A_102, %dma_start3A_103] : memref<10240x128xf32, #tpu.memory_space<vmem_shared>> -> memref<10240x128xf32, #tpu.memory_space<vmem_shared>>
      tpu.enqueue_indirect_dma source(%arg5 : memref<80x128xf32, #tpu.memory_space<vmem>>) target(%dma_start3A_104 : memref<10240x128xf32, #tpu.memory_space<vmem_shared>>) offsets(%dma_start3A_101 : memref<80xi32, #tpu.memory_space<vmem>>) semaphore(%arg7 : memref<!tpu.dma_semaphore, #tpu.memory_space<semaphore_mem>>) {add = true}
      %mul3A_105 = arith.constant 8 : i32
      %mul3A_106 = arith.muli %scan3A_55, %mul3A_105 : i32
      %add3A_107 = arith.constant 5 : i32
      %add3A_108 = arith.addi %mul3A_106, %add3A_107 : i32
      %dma_start3A_109 = arith.constant 0 : i32
      %dma_start3A_110 = tpu.memref_slice %arg4[%add3A_108, %dma_start3A_109] : memref<128x80xi32, #tpu.memory_space<vmem>> -> memref<1x80xi32, #tpu.memory_space<vmem>>
      %dma_start3A_111 = tpu.memref_squeeze %dma_start3A_110 : memref<1x80xi32, #tpu.memory_space<vmem>> -> memref<80xi32, #tpu.memory_space<vmem>>
      %dma_start3A_112 = arith.constant 0 : i32
      %dma_start3A_113 = arith.constant 0 : i32
      %dma_start3A_114 = tpu.memref_slice %arg6[%dma_start3A_112, %dma_start3A_113] : memref<10240x128xf32, #tpu.memory_space<vmem_shared>> -> memref<10240x128xf32, #tpu.memory_space<vmem_shared>>
      tpu.enqueue_indirect_dma source(%arg5 : memref<80x128xf32, #tpu.memory_space<vmem>>) target(%dma_start3A_114 : memref<10240x128xf32, #tpu.memory_space<vmem_shared>>) offsets(%dma_start3A_111 : memref<80xi32, #tpu.memory_space<vmem>>) semaphore(%arg7 : memref<!tpu.dma_semaphore, #tpu.memory_space<semaphore_mem>>) {add = true}
      %mul3A_115 = arith.constant 8 : i32
      %mul3A_116 = arith.muli %scan3A_55, %mul3A_115 : i32
      %add3A_117 = arith.constant 6 : i32
      %add3A_118 = arith.addi %mul3A_116, %add3A_117 : i32
      %dma_start3A_119 = arith.constant 0 : i32
      %dma_start3A_120 = tpu.memref_slice %arg4[%add3A_118, %dma_start3A_119] : memref<128x80xi32, #tpu.memory_space<vmem>> -> memref<1x80xi32, #tpu.memory_space<vmem>>
      %dma_start3A_121 = tpu.memref_squeeze %dma_start3A_120 : memref<1x80xi32, #tpu.memory_space<vmem>> -> memref<80xi32, #tpu.memory_space<vmem>>
      %dma_start3A_122 = arith.constant 0 : i32
      %dma_start3A_123 = arith.constant 0 : i32
      %dma_start3A_124 = tpu.memref_slice %arg6[%dma_start3A_122, %dma_start3A_123] : memref<10240x128xf32, #tpu.memory_space<vmem_shared>> -> memref<10240x128xf32, #tpu.memory_space<vmem_shared>>
      tpu.enqueue_indirect_dma source(%arg5 : memref<80x128xf32, #tpu.memory_space<vmem>>) target(%dma_start3A_124 : memref<10240x128xf32, #tpu.memory_space<vmem_shared>>) offsets(%dma_start3A_121 : memref<80xi32, #tpu.memory_space<vmem>>) semaphore(%arg7 : memref<!tpu.dma_semaphore, #tpu.memory_space<semaphore_mem>>) {add = true}
      %mul3A_125 = arith.constant 8 : i32
      %mul3A_126 = arith.muli %scan3A_55, %mul3A_125 : i32
      %add3A_127 = arith.constant 7 : i32
      %add3A_128 = arith.addi %mul3A_126, %add3A_127 : i32
      %dma_start3A_129 = arith.constant 0 : i32
      %dma_start3A_130 = tpu.memref_slice %arg4[%add3A_128, %dma_start3A_129] : memref<128x80xi32, #tpu.memory_space<vmem>> -> memref<1x80xi32, #tpu.memory_space<vmem>>
      %dma_start3A_131 = tpu.memref_squeeze %dma_start3A_130 : memref<1x80xi32, #tpu.memory_space<vmem>> -> memref<80xi32, #tpu.memory_space<vmem>>
      %dma_start3A_132 = arith.constant 0 : i32
      %dma_start3A_133 = arith.constant 0 : i32
      %dma_start3A_134 = tpu.memref_slice %arg6[%dma_start3A_132, %dma_start3A_133] : memref<10240x128xf32, #tpu.memory_space<vmem_shared>> -> memref<10240x128xf32, #tpu.memory_space<vmem_shared>>
      tpu.enqueue_indirect_dma source(%arg5 : memref<80x128xf32, #tpu.memory_space<vmem>>) target(%dma_start3A_134 : memref<10240x128xf32, #tpu.memory_space<vmem_shared>>) offsets(%dma_start3A_131 : memref<80xi32, #tpu.memory_space<vmem>>) semaphore(%arg7 : memref<!tpu.dma_semaphore, #tpu.memory_space<semaphore_mem>>) {add = true}
      %dma_wait3A = arith.constant 0 : i32
      %dma_wait3A_135 = tpu.memref_slice %arg4[%add3A_59, %dma_wait3A] : memref<128x80xi32, #tpu.memory_space<vmem>> -> memref<1x80xi32, #tpu.memory_space<vmem>>
      %dma_wait3A_136 = tpu.memref_squeeze %dma_wait3A_135 : memref<1x80xi32, #tpu.memory_space<vmem>> -> memref<80xi32, #tpu.memory_space<vmem>>
      %dma_wait3A_137 = arith.constant 0 : i32
      %dma_wait3A_138 = arith.constant 0 : i32
      %dma_wait3A_139 = tpu.memref_slice %arg6[%dma_wait3A_137, %dma_wait3A_138] : memref<10240x128xf32, #tpu.memory_space<vmem_shared>> -> memref<10240x128xf32, #tpu.memory_space<vmem_shared>>
      tpu.wait_indirect_dma semaphore(%arg7 : memref<!tpu.dma_semaphore, #tpu.memory_space<semaphore_mem>>) src(%arg5 : memref<80x128xf32, #tpu.memory_space<vmem>>) dst(%dma_wait3A_139 : memref<10240x128xf32, #tpu.memory_space<vmem_shared>>)
      %dma_wait3A_140 = arith.constant 0 : i32
      %dma_wait3A_141 = tpu.memref_slice %arg4[%add3A_68, %dma_wait3A_140] : memref<128x80xi32, #tpu.memory_space<vmem>> -> memref<1x80xi32, #tpu.memory_space<vmem>>
      %dma_wait3A_142 = tpu.memref_squeeze %dma_wait3A_141 : memref<1x80xi32, #tpu.memory_space<vmem>> -> memref<80xi32, #tpu.memory_space<vmem>>
      %dma_wait3A_143 = arith.constant 0 : i32
      %dma_wait3A_144 = arith.constant 0 : i32
      %dma_wait3A_145 = tpu.memref_slice %arg6[%dma_wait3A_143, %dma_wait3A_144] : memref<10240x128xf32, #tpu.memory_space<vmem_shared>> -> memref<10240x128xf32, #tpu.memory_space<vmem_shared>>
      tpu.wait_indirect_dma semaphore(%arg7 : memref<!tpu.dma_semaphore, #tpu.memory_space<semaphore_mem>>) src(%arg5 : memref<80x128xf32, #tpu.memory_space<vmem>>) dst(%dma_wait3A_145 : memref<10240x128xf32, #tpu.memory_space<vmem_shared>>)
      %dma_wait3A_146 = arith.constant 0 : i32
      %dma_wait3A_147 = tpu.memref_slice %arg4[%add3A_78, %dma_wait3A_146] : memref<128x80xi32, #tpu.memory_space<vmem>> -> memref<1x80xi32, #tpu.memory_space<vmem>>
      %dma_wait3A_148 = tpu.memref_squeeze %dma_wait3A_147 : memref<1x80xi32, #tpu.memory_space<vmem>> -> memref<80xi32, #tpu.memory_space<vmem>>
      %dma_wait3A_149 = arith.constant 0 : i32
      %dma_wait3A_150 = arith.constant 0 : i32
      %dma_wait3A_151 = tpu.memref_slice %arg6[%dma_wait3A_149, %dma_wait3A_150] : memref<10240x128xf32, #tpu.memory_space<vmem_shared>> -> memref<10240x128xf32, #tpu.memory_space<vmem_shared>>
      tpu.wait_indirect_dma semaphore(%arg7 : memref<!tpu.dma_semaphore, #tpu.memory_space<semaphore_mem>>) src(%arg5 : memref<80x128xf32, #tpu.memory_space<vmem>>) dst(%dma_wait3A_151 : memref<10240x128xf32, #tpu.memory_space<vmem_shared>>)
      %dma_wait3A_152 = arith.constant 0 : i32
      %dma_wait3A_153 = tpu.memref_slice %arg4[%add3A_88, %dma_wait3A_152] : memref<128x80xi32, #tpu.memory_space<vmem>> -> memref<1x80xi32, #tpu.memory_space<vmem>>
      %dma_wait3A_154 = tpu.memref_squeeze %dma_wait3A_153 : memref<1x80xi32, #tpu.memory_space<vmem>> -> memref<80xi32, #tpu.memory_space<vmem>>
      %dma_wait3A_155 = arith.constant 0 : i32
      %dma_wait3A_156 = arith.constant 0 : i32
      %dma_wait3A_157 = tpu.memref_slice %arg6[%dma_wait3A_155, %dma_wait3A_156] : memref<10240x128xf32, #tpu.memory_space<vmem_shared>> -> memref<10240x128xf32, #tpu.memory_space<vmem_shared>>
      tpu.wait_indirect_dma semaphore(%arg7 : memref<!tpu.dma_semaphore, #tpu.memory_space<semaphore_mem>>) src(%arg5 : memref<80x128xf32, #tpu.memory_space<vmem>>) dst(%dma_wait3A_157 : memref<10240x128xf32, #tpu.memory_space<vmem_shared>>)
      %dma_wait3A_158 = arith.constant 0 : i32
      %dma_wait3A_159 = tpu.memref_slice %arg4[%add3A_98, %dma_wait3A_158] : memref<128x80xi32, #tpu.memory_space<vmem>> -> memref<1x80xi32, #tpu.memory_space<vmem>>
      %dma_wait3A_160 = tpu.memref_squeeze %dma_wait3A_159 : memref<1x80xi32, #tpu.memory_space<vmem>> -> memref<80xi32, #tpu.memory_space<vmem>>
      %dma_wait3A_161 = arith.constant 0 : i32
      %dma_wait3A_162 = arith.constant 0 : i32
      %dma_wait3A_163 = tpu.memref_slice %arg6[%dma_wait3A_161, %dma_wait3A_162] : memref<10240x128xf32, #tpu.memory_space<vmem_shared>> -> memref<10240x128xf32, #tpu.memory_space<vmem_shared>>
      tpu.wait_indirect_dma semaphore(%arg7 : memref<!tpu.dma_semaphore, #tpu.memory_space<semaphore_mem>>) src(%arg5 : memref<80x128xf32, #tpu.memory_space<vmem>>) dst(%dma_wait3A_163 : memref<10240x128xf32, #tpu.memory_space<vmem_shared>>)
      %dma_wait3A_164 = arith.constant 0 : i32
      %dma_wait3A_165 = tpu.memref_slice %arg4[%add3A_108, %dma_wait3A_164] : memref<128x80xi32, #tpu.memory_space<vmem>> -> memref<1x80xi32, #tpu.memory_space<vmem>>
      %dma_wait3A_166 = tpu.memref_squeeze %dma_wait3A_165 : memref<1x80xi32, #tpu.memory_space<vmem>> -> memref<80xi32, #tpu.memory_space<vmem>>
      %dma_wait3A_167 = arith.constant 0 : i32
      %dma_wait3A_168 = arith.constant 0 : i32
      %dma_wait3A_169 = tpu.memref_slice %arg6[%dma_wait3A_167, %dma_wait3A_168] : memref<10240x128xf32, #tpu.memory_space<vmem_shared>> -> memref<10240x128xf32, #tpu.memory_space<vmem_shared>>
      tpu.wait_indirect_dma semaphore(%arg7 : memref<!tpu.dma_semaphore, #tpu.memory_space<semaphore_mem>>) src(%arg5 : memref<80x128xf32, #tpu.memory_space<vmem>>) dst(%dma_wait3A_169 : memref<10240x128xf32, #tpu.memory_space<vmem_shared>>)
      %dma_wait3A_170 = arith.constant 0 : i32
      %dma_wait3A_171 = tpu.memref_slice %arg4[%add3A_118, %dma_wait3A_170] : memref<128x80xi32, #tpu.memory_space<vmem>> -> memref<1x80xi32, #tpu.memory_space<vmem>>
      %dma_wait3A_172 = tpu.memref_squeeze %dma_wait3A_171 : memref<1x80xi32, #tpu.memory_space<vmem>> -> memref<80xi32, #tpu.memory_space<vmem>>
      %dma_wait3A_173 = arith.constant 0 : i32
      %dma_wait3A_174 = arith.constant 0 : i32
      %dma_wait3A_175 = tpu.memref_slice %arg6[%dma_wait3A_173, %dma_wait3A_174] : memref<10240x128xf32, #tpu.memory_space<vmem_shared>> -> memref<10240x128xf32, #tpu.memory_space<vmem_shared>>
      tpu.wait_indirect_dma semaphore(%arg7 : memref<!tpu.dma_semaphore, #tpu.memory_space<semaphore_mem>>) src(%arg5 : memref<80x128xf32, #tpu.memory_space<vmem>>) dst(%dma_wait3A_175 : memref<10240x128xf32, #tpu.memory_space<vmem_shared>>)
      %dma_wait3A_176 = arith.constant 0 : i32
      %dma_wait3A_177 = tpu.memref_slice %arg4[%add3A_128, %dma_wait3A_176] : memref<128x80xi32, #tpu.memory_space<vmem>> -> memref<1x80xi32, #tpu.memory_space<vmem>>
      %dma_wait3A_178 = tpu.memref_squeeze %dma_wait3A_177 : memref<1x80xi32, #tpu.memory_space<vmem>> -> memref<80xi32, #tpu.memory_space<vmem>>
      %dma_wait3A_179 = arith.constant 0 : i32
      %dma_wait3A_180 = arith.constant 0 : i32
      %dma_wait3A_181 = tpu.memref_slice %arg6[%dma_wait3A_179, %dma_wait3A_180] : memref<10240x128xf32, #tpu.memory_space<vmem_shared>> -> memref<10240x128xf32, #tpu.memory_space<vmem_shared>>
      tpu.wait_indirect_dma semaphore(%arg7 : memref<!tpu.dma_semaphore, #tpu.memory_space<semaphore_mem>>) src(%arg5 : memref<80x128xf32, #tpu.memory_space<vmem>>) dst(%dma_wait3A_181 : memref<10240x128xf32, #tpu.memory_space<vmem_shared>>)
    }
    %scan3A_49 = arith.constant 16 : i32
    %barrier3A_50 = arith.constant 0 : index
    tpu.barrier barrier_id(%barrier3A_50)
    %mul3A_51 = arith.constant 640 : i32
    %mul3A_52 = arith.muli %arg1, %mul3A_51 : i32
    %mul3A_53 = arith.constant 640 : i32
    %mul3A_54 = arith.muli %arg1, %mul3A_53 : i32
    "tpu.region"() ({
      %run_scoped3A = tpu.sem_alloc : memref<!tpu.dma_semaphore, #tpu.memory_space<semaphore_mem>>
      %dma_start3A = arith.constant 0 : i32
      %dma_start3A_55 = tpu.memref_slice %arg3[%arg0, %mul3A_54, %dma_start3A] : memref<2x10240x128xf32, #tpu.memory_space<hbm>> -> memref<1x640x128xf32, #tpu.memory_space<hbm>>
      %dma_start3A_56 = tpu.memref_squeeze %dma_start3A_55 : memref<1x640x128xf32, #tpu.memory_space<hbm>> -> memref<640x128xf32, #tpu.memory_space<hbm>>
      %dma_start3A_57 = arith.constant 0 : i32
      %dma_start3A_58 = tpu.memref_slice %arg6[%mul3A_52, %dma_start3A_57] : memref<10240x128xf32, #tpu.memory_space<vmem_shared>> -> memref<640x128xf32, #tpu.memory_space<vmem_shared>>
      tpu.enqueue_dma source(%dma_start3A_58 : memref<640x128xf32, #tpu.memory_space<vmem_shared>>) target(%dma_start3A_56 : memref<640x128xf32, #tpu.memory_space<hbm>>) target_semaphore(%run_scoped3A : memref<!tpu.dma_semaphore, #tpu.memory_space<semaphore_mem>>)
      %dma_wait3A = arith.constant 0 : i32
      %dma_wait3A_59 = tpu.memref_slice %arg3[%arg0, %mul3A_54, %dma_wait3A] : memref<2x10240x128xf32, #tpu.memory_space<hbm>> -> memref<1x640x128xf32, #tpu.memory_space<hbm>>
      %dma_wait3A_60 = tpu.memref_squeeze %dma_wait3A_59 : memref<1x640x128xf32, #tpu.memory_space<hbm>> -> memref<640x128xf32, #tpu.memory_space<hbm>>
      %dma_wait3A_61 = arith.constant 0 : i32
      %dma_wait3A_62 = tpu.memref_slice %arg6[%mul3A_52, %dma_wait3A_61] : memref<10240x128xf32, #tpu.memory_space<vmem_shared>> -> memref<640x128xf32, #tpu.memory_space<vmem_shared>>
      tpu.wait_dma2 semaphore(%run_scoped3A : memref<!tpu.dma_semaphore, #tpu.memory_space<semaphore_mem>>) src(%dma_wait3A_62 : memref<640x128xf32, #tpu.memory_space<vmem_shared>>) dst(%dma_wait3A_60 : memref<640x128xf32, #tpu.memory_space<hbm>>)
      tpu.yield
    }) : () -> ()
    return
  }
}

module attributes {stable_mosaic.version = 14 : i64} {
  func.func @_tc_dense_body(%arg0: i32, %arg1: memref<2x2048x128xf32, #tpu.memory_space<vmem>>, %arg2: memref<2x2048x128xf32, #tpu.memory_space<vmem>>, %arg3: memref<2048x128xf32, #tpu.memory_space<vmem>>, %arg4: memref<128x128xf32, #tpu.memory_space<vmem>>, %arg5: memref<128x128xf32, #tpu.memory_space<vmem>>, %arg6: memref<1x128xf32, #tpu.memory_space<vmem>>, %arg7: memref<2048x128xf32, #tpu.memory_space<vmem>>) attributes {dimension_semantics = [#tpu.dimension_semantics<arbitrary>], iteration_bounds = array<i64: 5>, scalar_prefetch = 0 : i64, scratch_operands = 0 : i64, tpu.core_type = #tpu.core_type<tc>, window_params = [{transform_indices = @transform_0, window_bounds = array<i64: 2, 2048, 128>}, {transform_indices = @transform_1, window_bounds = array<i64: 2, 2048, 128>}, {transform_indices = @transform_2, window_bounds = array<i64: 2048, 128>}, {pipeline_mode = #tpu.pipeline_mode<synchronous>, transform_indices = @transform_3, window_bounds = array<i64: 128, 128>}, {pipeline_mode = #tpu.pipeline_mode<synchronous>, transform_indices = @transform_4, window_bounds = array<i64: 128, 128>}, {pipeline_mode = #tpu.pipeline_mode<synchronous>, transform_indices = @transform_5, window_bounds = array<i64: 1, 128>}, {transform_indices = @transform_6, window_bounds = array<i64: 2048, 128>}]} {
    %get3A = arith.constant 0 : index
    %get3A_0 = arith.constant 0 : index
    %get3A_1 = arith.constant 0 : index
    %get3A_2 = vector.load %arg1[%get3A, %get3A_0, %get3A_1] : memref<2x2048x128xf32, #tpu.memory_space<vmem>>, vector<1x2048x128xf32>
    %get3A_3 = vector.shape_cast %get3A_2 : vector<1x2048x128xf32> to vector<2048x128xf32>
    %get3A_4 = arith.constant 1 : index
    %get3A_5 = arith.constant 0 : index
    %get3A_6 = arith.constant 0 : index
    %get3A_7 = vector.load %arg1[%get3A_4, %get3A_5, %get3A_6] : memref<2x2048x128xf32, #tpu.memory_space<vmem>>, vector<1x2048x128xf32>
    %get3A_8 = vector.shape_cast %get3A_7 : vector<1x2048x128xf32> to vector<2048x128xf32>
    %add3A = arith.addf %get3A_3, %get3A_8 : vector<2048x128xf32>
    %get3A_9 = arith.constant 0 : index
    %get3A_10 = arith.constant 0 : index
    %get3A_11 = arith.constant 0 : index
    %get3A_12 = vector.load %arg2[%get3A_9, %get3A_10, %get3A_11] : memref<2x2048x128xf32, #tpu.memory_space<vmem>>, vector<1x2048x1xf32>
    %get3A_13 = vector.shape_cast %get3A_12 : vector<1x2048x1xf32> to vector<2048x1xf32>
    %get3A_14 = arith.constant 1 : index
    %get3A_15 = arith.constant 0 : index
    %get3A_16 = arith.constant 0 : index
    %get3A_17 = vector.load %arg2[%get3A_14, %get3A_15, %get3A_16] : memref<2x2048x128xf32, #tpu.memory_space<vmem>>, vector<1x2048x1xf32>
    %get3A_18 = vector.shape_cast %get3A_17 : vector<1x2048x1xf32> to vector<2048x1xf32>
    %add3A_19 = arith.addf %get3A_13, %get3A_18 : vector<2048x1xf32>
    %max3A = arith.constant 1.000000e+00 : f32
    %max3A_20 = vector.broadcast %max3A : f32 to vector<2048x1xf32>
    %max3A_21 = arith.maximumf %add3A_19, %max3A_20 : vector<2048x1xf32>
    %div3A = vector.broadcast %max3A_21 : vector<2048x1xf32> to vector<2048x128xf32>
    %div3A_22 = arith.divf %add3A, %div3A : vector<2048x128xf32>
    %get3A_23 = arith.constant 0 : index
    %get3A_24 = arith.constant 0 : index
    %get3A_25 = vector.load %arg4[%get3A_23, %get3A_24] : memref<128x128xf32, #tpu.memory_space<vmem>>, vector<128x128xf32>
    %sign3A = tpu.bitcast %get3A_25 : vector<128x128xf32> -> vector<128x128xi32>
    %sign3A_26 = arith.constant -2147483648 : i32
    %sign3A_27 = vector.broadcast %sign3A_26 : i32 to vector<128x128xi32>
    %sign3A_28 = arith.andi %sign3A, %sign3A_27 : vector<128x128xi32>
    %sign3A_29 = arith.constant 1065353216 : i32
    %sign3A_30 = vector.broadcast %sign3A_29 : i32 to vector<128x128xi32>
    %sign3A_31 = arith.ori %sign3A_30, %sign3A_28 : vector<128x128xi32>
    %sign3A_32 = tpu.bitcast %sign3A_31 : vector<128x128xi32> -> vector<128x128xf32>
    %sign3A_33 = math.absf %get3A_25 : vector<128x128xf32>
    %sign3A_34 = arith.constant 0.000000e+00 : f32
    %sign3A_35 = vector.broadcast %sign3A_34 : f32 to vector<128x128xf32>
    %sign3A_36 = arith.cmpf ogt, %sign3A_33, %sign3A_35 : vector<128x128xf32>
    %sign3A_37 = arith.select %sign3A_36, %sign3A_32, %get3A_25 : vector<128x128xi1>, vector<128x128xf32>
    %get3A_38 = arith.constant 0 : index
    %get3A_39 = arith.constant 0 : index
    %get3A_40 = vector.load %arg5[%get3A_38, %get3A_39] : memref<128x128xf32, #tpu.memory_space<vmem>>, vector<128x128xf32>
    %sign3A_41 = tpu.bitcast %get3A_40 : vector<128x128xf32> -> vector<128x128xi32>
    %sign3A_42 = arith.constant -2147483648 : i32
    %sign3A_43 = vector.broadcast %sign3A_42 : i32 to vector<128x128xi32>
    %sign3A_44 = arith.andi %sign3A_41, %sign3A_43 : vector<128x128xi32>
    %sign3A_45 = arith.constant 1065353216 : i32
    %sign3A_46 = vector.broadcast %sign3A_45 : i32 to vector<128x128xi32>
    %sign3A_47 = arith.ori %sign3A_46, %sign3A_44 : vector<128x128xi32>
    %sign3A_48 = tpu.bitcast %sign3A_47 : vector<128x128xi32> -> vector<128x128xf32>
    %sign3A_49 = math.absf %get3A_40 : vector<128x128xf32>
    %sign3A_50 = arith.constant 0.000000e+00 : f32
    %sign3A_51 = vector.broadcast %sign3A_50 : f32 to vector<128x128xf32>
    %sign3A_52 = arith.cmpf ogt, %sign3A_49, %sign3A_51 : vector<128x128xf32>
    %sign3A_53 = arith.select %sign3A_52, %sign3A_48, %get3A_40 : vector<128x128xi1>, vector<128x128xf32>
    %dot_general3A = arith.constant dense<0.000000e+00> : vector<2048x128xf32>
    %dot_general3A_54 = tpu.matmul %div3A_22, %sign3A_37, %dot_general3A {dimension_numbers = #tpu.dot_dimension_numbers<[1], [1], [0], [0], [0, 0, 1, 0], [], []>, precision = #tpu.contract_precision<fp32>, transpose_lhs_hint = false} : vector<2048x128xf32>, vector<128x128xf32>, vector<2048x128xf32> -> vector<2048x128xf32>
    %get3A_55 = arith.constant 0 : index
    %get3A_56 = arith.constant 0 : index
    %get3A_57 = vector.load %arg3[%get3A_55, %get3A_56] : memref<2048x128xf32, #tpu.memory_space<vmem>>, vector<2048x128xf32>
    %dot_general3A_58 = arith.constant dense<0.000000e+00> : vector<2048x128xf32>
    %dot_general3A_59 = tpu.matmul %get3A_57, %sign3A_53, %dot_general3A_58 {dimension_numbers = #tpu.dot_dimension_numbers<[1], [1], [0], [0], [0, 0, 1, 0], [], []>, precision = #tpu.contract_precision<fp32>, transpose_lhs_hint = false} : vector<2048x128xf32>, vector<128x128xf32>, vector<2048x128xf32> -> vector<2048x128xf32>
    %add3A_60 = arith.addf %dot_general3A_54, %dot_general3A_59 : vector<2048x128xf32>
    %get3A_61 = arith.constant 0 : index
    %get3A_62 = arith.constant 0 : index
    %get3A_63 = vector.load %arg6[%get3A_61, %get3A_62] : memref<1x128xf32, #tpu.memory_space<vmem>>, vector<1x128xf32>
    %add3A_64 = vector.broadcast %get3A_63 : vector<1x128xf32> to vector<2048x128xf32>
    %add3A_65 = arith.addf %add3A_60, %add3A_64 : vector<2048x128xf32>
    %max3A_66 = arith.constant 0.000000e+00 : f32
    %max3A_67 = vector.broadcast %max3A_66 : f32 to vector<2048x128xf32>
    %max3A_68 = arith.maximumf %add3A_65, %max3A_67 : vector<2048x128xf32>
    %swap3A = arith.constant 0 : index
    %swap3A_69 = arith.constant 0 : index
    %swap3A_70 = vector.load %arg7[%swap3A, %swap3A_69] : memref<2048x128xf32, #tpu.memory_space<vmem>>, vector<2048x128xf32>
    tpu.vector_store %arg7[%swap3A, %swap3A_69], %max3A_68 {strides = array<i32>} : memref<2048x128xf32, #tpu.memory_space<vmem>>, vector<2048x128xf32>,
    return
  }
  func.func @transform_0(%arg0: i32) -> (i32, i32, i32) {
    %c0_i32 = arith.constant 0 : i32
    %c0_i32_0 = arith.constant 0 : i32
    %c0_i32_1 = arith.constant 0 : i32
    return %c0_i32, %arg0, %c0_i32_0 : i32, i32, i32
  }
  func.func @transform_1(%arg0: i32) -> (i32, i32, i32) {
    %c0_i32 = arith.constant 0 : i32
    %c0_i32_0 = arith.constant 0 : i32
    %c0_i32_1 = arith.constant 0 : i32
    return %c0_i32, %arg0, %c0_i32_0 : i32, i32, i32
  }
  func.func @transform_2(%arg0: i32) -> (i32, i32) {
    %c0_i32 = arith.constant 0 : i32
    %c0_i32_0 = arith.constant 0 : i32
    return %arg0, %c0_i32 : i32, i32
  }
  func.func @transform_3(%arg0: i32) -> (i32, i32) {
    %c0_i32 = arith.constant 0 : i32
    %c0_i32_0 = arith.constant 0 : i32
    %c0_i32_1 = arith.constant 0 : i32
    return %c0_i32, %c0_i32_0 : i32, i32
  }
  func.func @transform_4(%arg0: i32) -> (i32, i32) {
    %c0_i32 = arith.constant 0 : i32
    %c0_i32_0 = arith.constant 0 : i32
    %c0_i32_1 = arith.constant 0 : i32
    return %c0_i32, %c0_i32_0 : i32, i32
  }
  func.func @transform_5(%arg0: i32) -> (i32, i32) {
    %c0_i32 = arith.constant 0 : i32
    %c0_i32_0 = arith.constant 0 : i32
    %c0_i32_1 = arith.constant 0 : i32
    return %c0_i32, %c0_i32_0 : i32, i32
  }
  func.func @transform_6(%arg0: i32) -> (i32, i32) {
    %c0_i32 = arith.constant 0 : i32
    %c0_i32_0 = arith.constant 0 : i32
    return %arg0, %c0_i32 : i32, i32
  }
}

module attributes {stable_mosaic.version = 14 : i64} {
  func.func @_tc_dense_body(%arg0: i32, %arg1: memref<2x2048x128xf32, #tpu.memory_space<vmem>>, %arg2: memref<2x2048x128xf32, #tpu.memory_space<vmem>>, %arg3: memref<2048x128xf32, #tpu.memory_space<vmem>>, %arg4: memref<128x128xf32, #tpu.memory_space<vmem>>, %arg5: memref<128x128xf32, #tpu.memory_space<vmem>>, %arg6: memref<1x128xf32, #tpu.memory_space<vmem>>, %arg7: memref<2048x128xf32, #tpu.memory_space<vmem>>) attributes {dimension_semantics = [#tpu.dimension_semantics<arbitrary>], iteration_bounds = array<i64: 5>, scalar_prefetch = 0 : i64, scratch_operands = 0 : i64, tpu.core_type = #tpu.core_type<tc>, window_params = [{transform_indices = @transform_0, window_bounds = array<i64: 2, 2048, 128>}, {transform_indices = @transform_1, window_bounds = array<i64: 2, 2048, 128>}, {transform_indices = @transform_2, window_bounds = array<i64: 2048, 128>}, {pipeline_mode = #tpu.pipeline_mode<synchronous>, transform_indices = @transform_3, window_bounds = array<i64: 128, 128>}, {pipeline_mode = #tpu.pipeline_mode<synchronous>, transform_indices = @transform_4, window_bounds = array<i64: 128, 128>}, {pipeline_mode = #tpu.pipeline_mode<synchronous>, transform_indices = @transform_5, window_bounds = array<i64: 1, 128>}, {transform_indices = @transform_6, window_bounds = array<i64: 2048, 128>}]} {
    %get3A = arith.constant 0 : index
    %get3A_0 = arith.constant 0 : index
    %get3A_1 = arith.constant 0 : index
    %get3A_2 = vector.load %arg1[%get3A, %get3A_0, %get3A_1] : memref<2x2048x128xf32, #tpu.memory_space<vmem>>, vector<1x2048x128xf32>
    %get3A_3 = vector.shape_cast %get3A_2 : vector<1x2048x128xf32> to vector<2048x128xf32>
    %get3A_4 = arith.constant 1 : index
    %get3A_5 = arith.constant 0 : index
    %get3A_6 = arith.constant 0 : index
    %get3A_7 = vector.load %arg1[%get3A_4, %get3A_5, %get3A_6] : memref<2x2048x128xf32, #tpu.memory_space<vmem>>, vector<1x2048x128xf32>
    %get3A_8 = vector.shape_cast %get3A_7 : vector<1x2048x128xf32> to vector<2048x128xf32>
    %add3A = arith.addf %get3A_3, %get3A_8 : vector<2048x128xf32>
    %get3A_9 = arith.constant 0 : index
    %get3A_10 = arith.constant 0 : index
    %get3A_11 = arith.constant 0 : index
    %get3A_12 = vector.load %arg2[%get3A_9, %get3A_10, %get3A_11] : memref<2x2048x128xf32, #tpu.memory_space<vmem>>, vector<1x2048x1xf32>
    %get3A_13 = vector.shape_cast %get3A_12 : vector<1x2048x1xf32> to vector<2048x1xf32>
    %get3A_14 = arith.constant 1 : index
    %get3A_15 = arith.constant 0 : index
    %get3A_16 = arith.constant 0 : index
    %get3A_17 = vector.load %arg2[%get3A_14, %get3A_15, %get3A_16] : memref<2x2048x128xf32, #tpu.memory_space<vmem>>, vector<1x2048x1xf32>
    %get3A_18 = vector.shape_cast %get3A_17 : vector<1x2048x1xf32> to vector<2048x1xf32>
    %add3A_19 = arith.addf %get3A_13, %get3A_18 : vector<2048x1xf32>
    %max3A = arith.constant 1.000000e+00 : f32
    %max3A_20 = vector.broadcast %max3A : f32 to vector<2048x1xf32>
    %max3A_21 = arith.maximumf %add3A_19, %max3A_20 : vector<2048x1xf32>
    %div3A = vector.broadcast %max3A_21 : vector<2048x1xf32> to vector<2048x128xf32>
    %div3A_22 = arith.divf %add3A, %div3A : vector<2048x128xf32>
    %get3A_23 = arith.constant 0 : index
    %get3A_24 = arith.constant 0 : index
    %get3A_25 = vector.load %arg4[%get3A_23, %get3A_24] : memref<128x128xf32, #tpu.memory_space<vmem>>, vector<128x128xf32>
    %sign3A = tpu.bitcast %get3A_25 : vector<128x128xf32> -> vector<128x128xi32>
    %sign3A_26 = arith.constant -2147483648 : i32
    %sign3A_27 = vector.broadcast %sign3A_26 : i32 to vector<128x128xi32>
    %sign3A_28 = arith.andi %sign3A, %sign3A_27 : vector<128x128xi32>
    %sign3A_29 = arith.constant 1065353216 : i32
    %sign3A_30 = vector.broadcast %sign3A_29 : i32 to vector<128x128xi32>
    %sign3A_31 = arith.ori %sign3A_30, %sign3A_28 : vector<128x128xi32>
    %sign3A_32 = tpu.bitcast %sign3A_31 : vector<128x128xi32> -> vector<128x128xf32>
    %sign3A_33 = math.absf %get3A_25 : vector<128x128xf32>
    %sign3A_34 = arith.constant 0.000000e+00 : f32
    %sign3A_35 = vector.broadcast %sign3A_34 : f32 to vector<128x128xf32>
    %sign3A_36 = arith.cmpf ogt, %sign3A_33, %sign3A_35 : vector<128x128xf32>
    %sign3A_37 = arith.select %sign3A_36, %sign3A_32, %get3A_25 : vector<128x128xi1>, vector<128x128xf32>
    %get3A_38 = arith.constant 0 : index
    %get3A_39 = arith.constant 0 : index
    %get3A_40 = vector.load %arg5[%get3A_38, %get3A_39] : memref<128x128xf32, #tpu.memory_space<vmem>>, vector<128x128xf32>
    %sign3A_41 = tpu.bitcast %get3A_40 : vector<128x128xf32> -> vector<128x128xi32>
    %sign3A_42 = arith.constant -2147483648 : i32
    %sign3A_43 = vector.broadcast %sign3A_42 : i32 to vector<128x128xi32>
    %sign3A_44 = arith.andi %sign3A_41, %sign3A_43 : vector<128x128xi32>
    %sign3A_45 = arith.constant 1065353216 : i32
    %sign3A_46 = vector.broadcast %sign3A_45 : i32 to vector<128x128xi32>
    %sign3A_47 = arith.ori %sign3A_46, %sign3A_44 : vector<128x128xi32>
    %sign3A_48 = tpu.bitcast %sign3A_47 : vector<128x128xi32> -> vector<128x128xf32>
    %sign3A_49 = math.absf %get3A_40 : vector<128x128xf32>
    %sign3A_50 = arith.constant 0.000000e+00 : f32
    %sign3A_51 = vector.broadcast %sign3A_50 : f32 to vector<128x128xf32>
    %sign3A_52 = arith.cmpf ogt, %sign3A_49, %sign3A_51 : vector<128x128xf32>
    %sign3A_53 = arith.select %sign3A_52, %sign3A_48, %get3A_40 : vector<128x128xi1>, vector<128x128xf32>
    %dot_general3A = arith.constant dense<0.000000e+00> : vector<2048x128xf32>
    %dot_general3A_54 = tpu.matmul %div3A_22, %sign3A_37, %dot_general3A {dimension_numbers = #tpu.dot_dimension_numbers<[1], [1], [0], [0], [0, 0, 1, 0], [], []>, precision = #tpu.contract_precision<fp32>, transpose_lhs_hint = false} : vector<2048x128xf32>, vector<128x128xf32>, vector<2048x128xf32> -> vector<2048x128xf32>
    %get3A_55 = arith.constant 0 : index
    %get3A_56 = arith.constant 0 : index
    %get3A_57 = vector.load %arg3[%get3A_55, %get3A_56] : memref<2048x128xf32, #tpu.memory_space<vmem>>, vector<2048x128xf32>
    %dot_general3A_58 = arith.constant dense<0.000000e+00> : vector<2048x128xf32>
    %dot_general3A_59 = tpu.matmul %get3A_57, %sign3A_53, %dot_general3A_58 {dimension_numbers = #tpu.dot_dimension_numbers<[1], [1], [0], [0], [0, 0, 1, 0], [], []>, precision = #tpu.contract_precision<fp32>, transpose_lhs_hint = false} : vector<2048x128xf32>, vector<128x128xf32>, vector<2048x128xf32> -> vector<2048x128xf32>
    %add3A_60 = arith.addf %dot_general3A_54, %dot_general3A_59 : vector<2048x128xf32>
    %get3A_61 = arith.constant 0 : index
    %get3A_62 = arith.constant 0 : index
    %get3A_63 = vector.load %arg6[%get3A_61, %get3A_62] : memref<1x128xf32, #tpu.memory_space<vmem>>, vector<1x128xf32>
    %add3A_64 = vector.broadcast %get3A_63 : vector<1x128xf32> to vector<2048x128xf32>
    %add3A_65 = arith.addf %add3A_60, %add3A_64 : vector<2048x128xf32>
    %swap3A = arith.constant 0 : index
    %swap3A_66 = arith.constant 0 : index
    %swap3A_67 = vector.load %arg7[%swap3A, %swap3A_66] : memref<2048x128xf32, #tpu.memory_space<vmem>>, vector<2048x128xf32>
    tpu.vector_store %arg7[%swap3A, %swap3A_66], %add3A_65 {strides = array<i32>} : memref<2048x128xf32, #tpu.memory_space<vmem>>, vector<2048x128xf32>,
    return
  }
  func.func @transform_0(%arg0: i32) -> (i32, i32, i32) {
    %c0_i32 = arith.constant 0 : i32
    %c0_i32_0 = arith.constant 0 : i32
    %c0_i32_1 = arith.constant 0 : i32
    return %c0_i32, %arg0, %c0_i32_0 : i32, i32, i32
  }
  func.func @transform_1(%arg0: i32) -> (i32, i32, i32) {
    %c0_i32 = arith.constant 0 : i32
    %c0_i32_0 = arith.constant 0 : i32
    %c0_i32_1 = arith.constant 0 : i32
    return %c0_i32, %arg0, %c0_i32_0 : i32, i32, i32
  }
  func.func @transform_2(%arg0: i32) -> (i32, i32) {
    %c0_i32 = arith.constant 0 : i32
    %c0_i32_0 = arith.constant 0 : i32
    return %arg0, %c0_i32 : i32, i32
  }
  func.func @transform_3(%arg0: i32) -> (i32, i32) {
    %c0_i32 = arith.constant 0 : i32
    %c0_i32_0 = arith.constant 0 : i32
    %c0_i32_1 = arith.constant 0 : i32
    return %c0_i32, %c0_i32_0 : i32, i32
  }
  func.func @transform_4(%arg0: i32) -> (i32, i32) {
    %c0_i32 = arith.constant 0 : i32
    %c0_i32_0 = arith.constant 0 : i32
    %c0_i32_1 = arith.constant 0 : i32
    return %c0_i32, %c0_i32_0 : i32, i32
  }
  func.func @transform_5(%arg0: i32) -> (i32, i32) {
    %c0_i32 = arith.constant 0 : i32
    %c0_i32_0 = arith.constant 0 : i32
    %c0_i32_1 = arith.constant 0 : i32
    return %c0_i32, %c0_i32_0 : i32, i32
  }
  func.func @transform_6(%arg0: i32) -> (i32, i32) {
    %c0_i32 = arith.constant 0 : i32
    %c0_i32_0 = arith.constant 0 : i32
    return %arg0, %c0_i32 : i32, i32
  }
}

</mosaic_0001>

<sc_bundles>
// kernel: kernel.10.cloned.1.call-start
scs
__scs_entry_jumppad:
0x0: {  	(pc) =	sbr.rel $0x88, $3  }
0x1: {  	(tag) =	ssettag $0x0;
	lr =	simm.s32 $0x1  }
0x2: {  	[smem:$0x3F99] =	sst lr;
	_ =	strace $0xD0000000  }
0x3: {  	_ = 	snop  }
0x4: {  	_ = 	snop  }
0x5: {  	_ = 	snop  }
0x6: {  	_ = 	snop  }
0x7: {  	_ = 	snop  }
__scs_overlays_trampoline_lowered:
0x8: {  	[smem:$0x3FA8] =	sst s0  }
0x9: {  	[smem:$0x3FA9] =	sst s1  }
0xa: {  	[smem:$0x3FAA] =	sst s2  }
0xb: {  	[smem:$0x3FAB] =	sst s3  }
0xc: {  	[smem:$0x3FAC] =	sst s4  }
0xd: {  	[smem:$0x3FAD] =	sst s5  }
0xe: {  	[smem:$0x3FAE] =	sst s6  }
0xf: {  	[smem:$0x3FAF] =	sst s7  }
0x10: {  	[smem:$0x3FB0] =	sst s8  }
0x11: {  	[smem:$0x3FB1] =	sst s9;
	s0 =	simm.s32 @!p0 $0x0  }
0x12: {  	s1 =	sld [smem:$0x3F97];
	s0 =	simm.s32 @p0 $0x1  }
0x13: {  	[smem:$0x3FB2] =	sst s0;
	s0 =	simm.s32 @!p1 $0x0  }
0x14: {  	s2 =	sld [smem:$0x3F96];
	s0 =	simm.s32 @p1 $0x1  }
0x15: {  	[smem:$0x3FB3] =	sst s0;
	s0 =	simm.s32 @!p2 $0x0  }
0x16: {  	s3 =	sld [smem:$0x3FDB];
	s0 =	simm.s32 @p2 $0x1  }
0x17: {  	s4 =	simm.s32 $0x1BF5;
	[smem:$0x3FB5] =	sst s0  }
0x18: {  	s0 =	sld [smem:$0x3F98];
	_ =	swait.ge [sflag:s4], $0x0  }
0x19: {  	s7 =	sld [smem:$0x3F99]  }
0x1a: {  	s8 =	sadd.s32 $0xFFFFE003, lr  }
0x1b: {  	s9 =	sadd.s32 $0xFFFFFEF7, lr;
	s5 =	simm.s32 $0xFFFFFFFF;
	p2 =	slt.u32 s8, $0xFFFFF086  }
0x1c: {  	p1 =	slt.u32 s9, $0xF7A;
	s5 =	simm.s32 @!p2 $0x0  }
0x1d: {  	s5 =	simm.s32 @p1 $0x1;
	p0 =	seq.s32 s7, s2  }
0x1e: {  	s7 =	smul.u32 @!p0 $0xF7A, s2;
	p2 =	seq.s32 @!p0 s5, $0x0  }
0x1f: {  	s9 =	smul.u32 $0xF7A, s1;
	s8 =	simm.s32 @!p0 $0x1BF5;
	p2 =	por !p2, p0  }
0x20: {  	[sflag:s8] =	ssyncset.s32 @!p0 $0xFFFFF086;
	s6 =	sadd.s32 @!p0 s3, s7;
	s7 =	simm.s32 @!p0 $0x108  }
0x21: {  	s3 =	sadd.s32 s3, s9;
	s6 =	sadd.s32 @!p0 $0x88, s6;
	s7 =	simm.s32 @p2 $0x1082  }
0x22: {  	[simem:s7], [sflag:s8] =	dma.local @!p0 [hbm:s6], $0xF7A  }
0x23: {  	s9 =	sor.u32 $0xD0000000, s2;
	s6 =	simm.s32 $0x108;
	_ =	swait.ge @!p0 [sflag:s8], $0x0  }
0x24: {  	s3 =	sadd.s32 $0x88, s3;
	s6 =	simm.s32 @!p1 $0x1082;
	[sflag:s4] =	ssyncset.s32 $0xFFFFF086  }
0x25: {  	[simem:s6], [sflag:s4] =	dma.local [hbm:s3], $0xF7A  }
0x26: {  	[smem:$0x3F99] =	sst s1;
	(tag) =	ssettag s2;
	_ =	strace s9  }
0x27: {  	s1 =	sld [smem:$0x3FA9]  }
0x28: {  	s2 =	sld [smem:$0x3FAA]  }
0x29: {  	s4 =	sld [smem:$0x3FAC]  }
0x2a: {  	p0 =	seq.s32 s5, $0x0;
	s5 =	sld [smem:$0x3FAD]  }
0x2b: {  	s6 =	sld [smem:$0x3FAE]  }
0x2c: {  	s7 =	sld [smem:$0x3FAF]  }
0x2d: {  	s3 =	simm.s32 $0x108;
	s8 =	sld [smem:$0x3FB0]  }
0x2e: {  	s3 =	simm.s32 @!p0 $0x1082;
	s9 =	sld [smem:$0x3FB1]  }
0x2f: {  	lr =	sadd.s32 s0, s3;
	s0 =	sld [smem:$0x3FA8]  }
0x30: {  	s3 =	sld [smem:$0x3FAB]  }
0x31: {  	[smem:$0x3FB4] =	sst s10  }
0x32: {  	s10 =	sld [smem:$0x3FB2];
	_ =	sdelay $0x3  }
0x33: {  	p0 =	seq.s32 s10, $0x1;
	s10 =	sld [smem:$0x3FB4];
	_ =	sdelay $0x3  }
0x34: {  	[smem:$0x3FB4] =	sst s10  }
0x35: {  	s10 =	sld [smem:$0x3FB3];
	_ =	sdelay $0x3  }
0x36: {  	p1 =	seq.s32 s10, $0x1;
	s10 =	sld [smem:$0x3FB4];
	_ =	sdelay $0x3  }
0x37: {  	[smem:$0x3FB4] =	sst s10  }
0x38: {  	s10 =	sld [smem:$0x3FB5]  }
0x39: {  	_ = 	snop;
	(pc) =	sbr.ind lr, $3  }
0x3a: {  	_ = 	snop  }
0x3b: {  	_ = 	snop  }
0x3c: {  	p2 =	seq.s32 s10, $0x1;
	s10 =	sld [smem:$0x3FB4]  }
0x3d: {  	_ =	shalt  }
0x3e: {  	_ =	shalt  }
0x3f: {  	_ =	shalt  }
0x40: {  	_ =	shalt  }
0x41: {  	_ =	shalt  }
0x42: {  	_ =	shalt  }
0x43: {  	_ =	shalt  }
0x44: {  	_ =	shalt  }
0x45: {  	_ =	shalt  }
0x46: {  	_ =	shalt  }
0x47: {  	_ =	shalt  }
0x48: {  	_ =	shalt  }
0x49: {  	_ =	shalt  }
0x4a: {  	_ =	shalt  }
0x4b: {  	_ =	shalt  }
0x4c: {  	_ =	shalt  }
0x4d: {  	_ =	shalt  }
0x4e: {  	_ =	shalt  }
0x4f: {  	_ =	shalt  }
0x50: {  	_ =	shalt  }
0x51: {  	_ =	shalt  }
0x52: {  	_ =	shalt  }
0x53: {  	_ =	shalt  }
0x54: {  	_ =	shalt  }
0x55: {  	_ =	shalt  }
0x56: {  	_ =	shalt  }
0x57: {  	_ =	shalt  }
0x58: {  	_ =	shalt  }
0x59: {  	_ =	shalt  }
0x5a: {  	_ =	shalt  }
0x5b: {  	_ =	shalt  }
0x5c: {  	_ =	shalt  }
0x5d: {  	_ =	shalt  }
0x5e: {  	_ =	shalt  }
0x5f: {  	_ =	shalt  }
0x60: {  	_ =	shalt  }
0x61: {  	_ =	shalt  }
0x62: {  	_ =	shalt  }
0x63: {  	_ =	shalt  }
0x64: {  	_ =	shalt  }
0x65: {  	_ =	shalt  }
0x66: {  	_ =	shalt  }
0x67: {  	_ =	shalt  }
0x68: {  	_ =	shalt  }
0x69: {  	_ =	shalt  }
0x6a: {  	_ =	shalt  }
0x6b: {  	_ =	shalt  }
0x6c: {  	_ =	shalt  }
0x6d: {  	_ =	shalt  }
0x6e: {  	_ =	shalt  }
0x6f: {  	_ =	shalt  }
0x70: {  	_ =	shalt  }
0x71: {  	_ =	shalt  }
0x72: {  	_ =	shalt  }
0x73: {  	_ =	shalt  }
0x74: {  	_ =	shalt  }
0x75: {  	_ =	shalt  }
0x76: {  	_ =	shalt  }
0x77: {  	_ =	shalt  }
0x78: {  	_ =	shalt  }
0x79: {  	_ =	shalt  }
0x7a: {  	_ =	shalt  }
0x7b: {  	_ =	shalt  }
0x7c: {  	_ =	shalt  }
0x7d: {  	_ =	shalt  }
0x7e: {  	_ =	shalt  }
0x7f: {  	_ =	shalt  }
0x80: {  	_ =	shalt  }
0x81: {  	_ =	shalt  }
0x82: {  	_ =	shalt  }
0x83: {  	_ =	shalt  }
0x84: {  	_ =	shalt  }
0x85: {  	_ =	shalt  }
0x86: {  	_ =	shalt  }
0x87: {  	_ =	shalt  }
.Lfunc_end0:
.L_simem_size_0:
called_computation.1_lowered:
.L_overlay_start_0:
0x88: {  	s2 =	sld [smem:$0x3FD9]  }
0x89: {  	s3 =	sld [smem:$0x3FFE];
	_ =	sdelay $0x1  }
0x8a: {  	s1 =	srdreg.scid  }
0x8b: {  	s0 =	sand.u32 $0x1, s1  }
0x8c: {  	s17 =	sshll.u32 s0, $0xA;
	s2 =	sadd.s32 s3, s2  }
0x8d: {  	s2 =	sadd.s32 s2, s17  }
0x8e: {  	[smem:$0x3FC0] =	sst s2  }
0x8f: {  	_ = 	snop  }
0x90: {  	s2 =	sld [smem:$0x3FD0];
	(tm) =	ssettm $0x1  }
0x91: {  	s18 =	sld [smem:$0x3FFB];
	_ =	sdelay $0x3  }
0x92: {  	_ =	strace s18  }
0x93: {  	s3 =	sld [smem:$0x3FFC];
	_ =	sdelay $0x3  }
0x94: {  	_ =	strace s3  }
0x95: {  	s3 =	sld [smem:$0x3FFD];
	_ =	sdelay $0x3  }
0x96: {  	_ =	strace s3  }
0x97: {  	_ =	strace $0x8FFFFFFF  }
0x98: {  	s19 =	sld [smem:$0x3FDB];
	_ =	sdelay $0x1  }
0x99: {  	s4 =	simm.s32 $_scs_section_size  }
0x9a: {  	s5 =	simm.s32 $_size__tile_overlayer_lowered;
	s6 =	simm.s32 $_tile_overlayer_lowered  }
0x9b: {  	s22 =	simm.s32 $0x1BFF;
	s21 =	sshll.u32 s6, $0x1;
	s3 =	sadd.s32 s4, s19  }
0x9c: {  	s7 =	simm.s32 $0x0;
	s20 =	sshll.u32 s5, $0x1;
	s5 =	sadd.s32 s21, s3  }
0x9d: {  	[timem:s7], [sflag:s22] =	dma.local [hbm:s5], s20  }
0x9e: {  	_ =	swait.ge [sflag:s22], s20  }
0x9f: {  	s4 =	ssub.s32 $0x0, s20;
	[sflag:s22] =	ssyncset.done $0x0  }
0xa0: {  	[sflag:s22] =	ssyncadd.s32 s4;
	_ =	sdelay $0x1  }
0xa1: {  	s23 =	simm.s32 $0x1B8B  }
0xa2: {  	_ =	swait.ge [sflag:s23], $0x1  }
0xa3: {  	[sflag:s23] =	ssyncset.done $0x0  }
0xa4: {  	s25 =	simm.s32 $0x1B8E;
	s24 =	sld [smem:$0x3FFE];
	[sflag:s23] =	ssyncadd.s32 $0xFFFFFFFF  }
0xa5: {  	s26 =	simm.s32 $execute0_lowered;
	[smem:$0x3FD2] =	sst s25  }
0xa6: {  	s5 =	sshll.u32 s26, $0x1;
	_ =	strace $0x80000049;
	[dreg:$0x1] =	wrdreg $0xFFFFFFFF  }
0xa7: {  	s28 =	simm.s32 $_size_execute0_lowered;
	s3 =	sadd.s32 s3, s5;
	[dreg:$0x0] =	wrdreg $0x0  }
0xa8: {  	s5 =	sshll.u32 s28, $0x1;
	[dreg:$0x2] =	wrdreg s3  }
0xa9: {  	[dreg:$0x3] =	wrdreg s5  }
0xaa: {  	[dreg:$0x4] =	wrdreg $0xC0  }
0xab: {  	_ =	task [dreg:s7], $0x5FFFF  }
0xac: {  	[dreg:$0x1] =	wrdreg $0xFFFFFFFF  }
0xad: {  	[dreg:$0x0] =	wrdreg $0x60  }
0xae: {  	[dreg:$0x2] =	wrdreg s24  }
0xaf: {  	[dreg:$0x3] =	wrdreg s2  }
0xb0: {  	[dreg:$0x4] =	wrdreg $0xB0000  }
0xb1: {  	[dreg:$0x5] =	wrdreg $0x9  }
0xb2: {  	_ =	task.clear_ibuf [dreg:s7], $0x6FFFF;
	_ =	strace $0x90000049  }
0xb3: {  	s29 =	simm.s32 $0x9;
	_ =	strace $0x8000004B  }
0xb4: {  	_ =	swait.ge [sflag:s29], $0x1  }
0xb5: {  	[sflag:s29] =	ssyncadd.s32 $0xFFFFFFFF  }
0xb6: {  	_ =	strace $0x9000004B  }
0xb7: {  	_ =	sfence  }
0xb8: {  	s30 =	sld [smem:$0x0];
	_ =	sdelay $0x2  }
0xb9: {  	s31 =	sshll.u32 s1, $0xD;
	s1 =	sshrl.u32 s1, $0x2  }
0xba: {  	s3 =	sand.u32 $0x4000, s31;
	s1 =	sadd.s32 s1, s30  }
0xbb: {  	s0 =	sor.u32 s3, s0;
	s1 =	sshll.u32 s1, $0x11  }
0xbc: {  	s0 =	sor.u32 s1, s0  }
0xbd: {  	s0 =	sadd.s32 $0x8F2B, s0  }
0xbe: {  	[sflag:s0] =	ssyncadd.remote.s32 $0x1  }
0xbf: {  	_ =	sfence.sel $0xFFFF  }
0xc0: {  	[dreg:$0x0] =	wrdreg $0xFFFFFFFF;
	(pc) =	sbr.abs _section_cstart, $3  }
0xc1: {  	[dreg:$0x1] =	wrdreg $0xFFFFFFFF  }
0xc2: {  	_ =	task.clear_ibuf [dreg:s7], $0x2FFFF;
	_ =	strace $0x9FFFFFFF  }
0xc3: {  	(tm) =	ssettm $0x7FFFFFFF  }
tec
execute0_lowered:
.L_overlay_start_1:
0x0: {  	(tag) =	ssettag $0x1  }
0x1: {  	s0 =	rddreg [dreg:$0x0]  }
0x2: {  	s2 =	rddreg [dreg:$0x1]  }
0x3: {  	s1 =	rddreg [dreg:$0x2]  }
0x4: {  	s3 =	srdreg.scid;
	s11 =	stileid.u32;
	s22 =	simm.s32 $0x80  }
0x5: {  	s24 =	simm.s32 $0x100;
	s26 =	simm.s32 $0x180;
	s13 =	simm.s32 $0x280  }
0x6: {  	s15 =	simm.s32 $0x900;
	s16 =	simm.s32 $0x300;
	s28 =	simm.s32 $0xC00  }
0x7: {  	s29 =	simm.s32 $0x600;
	s5 =	sand.u32 $0x1, s3;
	s3 =	simm.s32 $0x0  }
0x8: {  	s30 =	simm.s32 $0xC80;
	s31 =	simm.s32 $0x680;
	[smem:$0x7FF] =	sst s3  }
0x9: {  	s7 =	smul.u32 $0x14000, s11;
	_ =	strace $0x8000004A;
	[dreg:$0x6] =	wrdreg s22  }
0xa: {  	s8 =	sshll.u32 s11, $0xC;
	s11 =	smul.u32 $0x50000, s11;
	[dreg:$0x7] =	wrdreg s24  }
0xb: {  	s4 =	sadd.s32 $0x62800, s0;
	s6 =	smul.u32 $0x140000, s5;
	[dreg:$0x8] =	wrdreg s26  }
0xc: {  	s17 =	sadd.s32 s8, s0;
	s9 =	ssub.s32 $0x2, s5;
	[dreg:$0xb] =	wrdreg s13  }
0xd: {  	s5 =	sshll.u32 s5, $0xB;
	s2 =	sadd.s32 s8, s2;
	[dreg:$0xc] =	wrdreg s15  }
0xe: {  	s8 =	simm.s32 $0xE00;
	s2 =	sadd.s32 s5, s2;
	[dreg:$0xd] =	wrdreg s16  }
0xf: {  	s19 =	sshrl.u32 s11, $0x2;
	s11 =	simm.s32 $0x880;
	[dreg:$0x5] =	wrdreg s2  }
0x10: {  	s10 =	sshrl.u32 s9, $0x1;
	s22 =	simm.s32 $0xA80;
	[dreg:$0xa] =	wrdreg s11  }
0x11: {  	s15 =	simm.s32 $0x1000;
	s24 =	simm.s32 $0xB00;
	[dreg:$0x12] =	wrdreg s22  }
0x12: {  	s16 =	simm.s32 $0x5;
	s26 =	simm.s32 $0xB80;
	[dreg:$0x14] =	wrdreg s24  }
0x13: {  	s18 =	ssub.s32 s9, s10;
	s9 =	simm.s32 $0x200;
	[dreg:$0x16] =	wrdreg s26  }
0x14: {  	s6 =	sadd.s32 s7, s6;
	s20 =	sadd.s32 s19, s1;
	[dreg:$0x9] =	wrdreg s9  }
0x15: {  	s7 =	sadd.s32 s5, s17;
	s19 =	simm.s32 $0x380;
	[dreg:$0x17] =	wrdreg s20  }
0x16: {  	s22 =	simm.s32 $0x1;
	s7 =	sadd.s32 $0x2800, s7;
	[dreg:$0xf] =	wrdreg s19  }
0x17: {  	s24 =	simm.s32 $0x3;
	s21 =	sadd.s32 $0x2800, s20;
	[dreg:$0x4] =	wrdreg s7  }
0x18: {  	s26 =	simm.s32 $0x580;
	s23 =	sadd.s32 $0x5000, s20;
	[dreg:$0x18] =	wrdreg s21  }
0x19: {  	s2 =	simm.s32 $0x700;
	s25 =	sadd.s32 $0x7800, s20;
	[dreg:$0x19] =	wrdreg s23  }
0x1a: {  	s11 =	simm.s32 $0xF80;
	s10 =	sadd.s32 $0xC800, s20;
	[dreg:$0x1a] =	wrdreg s25  }
0x1b: {  	s6 =	sshrl.u32 s6, $0x3;
	s12 =	sadd.s32 $0xF000, s20;
	[dreg:$0x1c] =	wrdreg s10  }
0x1c: {  	s14 =	sadd.s32 $0x11800, s20;
	s17 =	smax.u32 s18, $0x1;
	[dreg:$0x1d] =	wrdreg s12  }
0x1d: {  	s18 =	simm.s32 $0x980;
	s19 =	simm.s32 $0x3800;
	[dreg:$0x1e] =	wrdreg s14  }
0x1e: {  	s9 =	simm.s32 $0xE80;
	s0 =	sadd.s32 s6, s0;
	[smem:$0x7FD] =	sst s17  }
0x1f: {  	s7 =	sadd.s32 $0xA000, s20;
	[dreg:$0xe] =	wrdreg s18;
	s20 =	simm.s32 $0xA00  }
0x20: {  	s17 =	simm.s32 $0x800;
	s21 =	simm.s32 $0x400;
	s18 =	simm.s32 $0x50  }
0x21: {  	s23 =	simm.s32 $0x480;
	s25 =	simm.s32 $0x500;
	[dreg:$0x1b] =	wrdreg s7  }
0x22: {  	s6 =	simm.s32 $0xD80;
	s10 =	simm.s32 $0xF00;
	[dreg:$0x10] =	wrdreg s20  }
0x23: {  	s12 =	simm.s32 $0x0;
	s0 =	sadd.s32 $0x8A800, s0;
	[dreg:$0x11] =	wrdreg s21  }
0x24: {  	s20 =	simm.s32 $0x6000;
	[dreg:$0x13] =	wrdreg s23;
	s21 =	simm.s32 $0x8800  }
0x25: {  	[dreg:$0x15] =	wrdreg s25;
	s23 =	simm.s32 $0x2;
	s25 =	simm.s32 $0x4  }
0x26: {  	v0 =	vimm.f32 $0.0e+00;
	s7 =	simm.s32 $0x780;
	[dreg:$0x1f] =	wrdreg s0;
	s0 =	simm.s32 $0xD00  }
.LBB2_1:
0x27: {  	s13 =	simm.s32 $0x0;
	s14 =	simm.s32 $0x200  }
.LBB2_2:
0x28: {  	p0 =	sne.s32 s14, $0x9E00;
	[tilespmem:s13+$0x1070] =	vst v0  }
0x29: {  	[tilespmem:s13+$0x1000] =	vst v0  }
0x2a: {  	[tilespmem:s13+$0x1010] =	vst v0  }
.Ltmp0:
0x2b: {  	[tilespmem:s13+$0x1020] =	vst v0;
	(pc) =	sbr.rel @p0 .LBB2_2-.Ltmp0, $4  }
0x2c: {  	[tilespmem:s13+$0x1030] =	vst v0  }
0x2d: {  	[tilespmem:s13+$0x1040] =	vst v0  }
0x2e: {  	[tilespmem:s13+$0x1050] =	vst v0  }
0x2f: {  	[tilespmem:s13+$0x1060] =	vst v0;
	s13 =	sshra.s32 s14, $0x2;
	s14 =	sadd.s32 $0x200, s14  }
0x30: {  	[tilespmem:s13+$0x1070] =	vst v0  }
0x31: {  	[tilespmem:s13+$0x1000] =	vst v0  }
0x32: {  	[tilespmem:s13+$0x1010] =	vst v0  }
0x33: {  	[tilespmem:s13+$0x1020] =	vst v0  }
0x34: {  	[tilespmem:s13+$0x1030] =	vst v0  }
0x35: {  	[tilespmem:s13+$0x1040] =	vst v0  }
0x36: {  	[smem:$0x7FC] =	sst s12;
	[tilespmem:s13+$0x1050] =	vst v0  }
0x37: {  	[tilespmem:s13+$0x1060] =	vst v0;
	s5 =	rddreg [dreg:$0x17]  }
0x38: {  	[spmem:s5] =	stream.linear.scatter [tilespmem:s15], [sflag:$0x5], $0x2800, $0x38;
	[tilespmem:$0x1F000] =	vst v63  }
0x39: {  	_ =	swait.ge [sflag:s16], $0x2800  }
0x3a: {  	[sflag:s16] =	ssyncset.done $0x0  }
0x3b: {  	s13 =	rddreg [dreg:$0x18];
	[sflag:s16] =	ssyncadd.s32 $0xFFFFD800  }
0x3c: {  	[spmem:s13] =	stream.linear.scatter [tilespmem:s15], [sflag:$0x5], $0x2800, $0x38;
	[tilespmem:$0x1F000] =	vst v63  }
0x3d: {  	_ =	swait.ge [sflag:s16], $0x2800  }
0x3e: {  	[sflag:s16] =	ssyncset.done $0x0  }
0x3f: {  	s14 =	rddreg [dreg:$0x19];
	[sflag:s16] =	ssyncadd.s32 $0xFFFFD800  }
0x40: {  	[spmem:s14] =	stream.linear.scatter [tilespmem:s15], [sflag:$0x5], $0x2800, $0x38;
	[tilespmem:$0x1F000] =	vst v63  }
0x41: {  	_ =	swait.ge [sflag:s16], $0x2800  }
0x42: {  	[sflag:s16] =	ssyncset.done $0x0  }
0x43: {  	s12 =	rddreg [dreg:$0x1a];
	[sflag:s16] =	ssyncadd.s32 $0xFFFFD800  }
0x44: {  	[spmem:s12] =	stream.linear.scatter [tilespmem:s15], [sflag:$0x5], $0x2800, $0x38;
	[tilespmem:$0x1F000] =	vst v63  }
0x45: {  	_ =	swait.ge [sflag:s16], $0x2800  }
0x46: {  	[sflag:s16] =	ssyncset.done $0x0  }
0x47: {  	s13 =	rddreg [dreg:$0x1b];
	[sflag:s16] =	ssyncadd.s32 $0xFFFFD800  }
0x48: {  	[spmem:s13] =	stream.linear.scatter [tilespmem:s15], [sflag:$0x5], $0x2800, $0x38;
	[tilespmem:$0x1F000] =	vst v63  }
0x49: {  	_ =	swait.ge [sflag:s16], $0x2800  }
0x4a: {  	[sflag:s16] =	ssyncset.done $0x0  }
0x4b: {  	s14 =	rddreg [dreg:$0x1c];
	[sflag:s16] =	ssyncadd.s32 $0xFFFFD800  }
0x4c: {  	[spmem:s14] =	stream.linear.scatter [tilespmem:s15], [sflag:$0x5], $0x2800, $0x38;
	[tilespmem:$0x1F000] =	vst v63  }
0x4d: {  	_ =	swait.ge [sflag:s16], $0x2800  }
0x4e: {  	[sflag:s16] =	ssyncset.done $0x0  }
0x4f: {  	s12 =	rddreg [dreg:$0x1d];
	[sflag:s16] =	ssyncadd.s32 $0xFFFFD800  }
0x50: {  	[spmem:s12] =	stream.linear.scatter [tilespmem:s15], [sflag:$0x5], $0x2800, $0x38;
	[tilespmem:$0x1F000] =	vst v63  }
0x51: {  	_ =	swait.ge [sflag:s16], $0x2800  }
0x52: {  	[sflag:s16] =	ssyncset.done $0x0  }
0x53: {  	s13 =	rddreg [dreg:$0x1e];
	[sflag:s16] =	ssyncadd.s32 $0xFFFFD800  }
0x54: {  	[spmem:s13] =	stream.linear.scatter [tilespmem:s15], [sflag:$0x5], $0x2800, $0x38;
	[tilespmem:$0x1F000] =	vst v63  }
0x55: {  	_ =	swait.ge [sflag:s16], $0x2800  }
0x56: {  	[sflag:s16] =	ssyncset.done $0x0  }
0x57: {  	[sflag:s16] =	ssyncadd.s32 $0xFFFFD800  }
0x58: {  	[bflag:$0x0] =	sbarrier.arrive $0xFFFF  }
0x59: {  	s14 =	rddreg [dreg:$0x5]  }
0x5a: {  	s5 =	sadd.s32 $0x0, s14  }
0x5b: {  	[tilespmem:s3], [sflag:$0x5] =	stream.linear.gather [hbm4b:s5+s3], $0x800, $0x38;
	[tilespmem:$0x1F000] =	vst v63  }
0x5c: {  	_ =	swait.ge [sflag:s16], $0x800  }
0x5d: {  	s12 =	rddreg [dreg:$0x4];
	[sflag:s16] =	ssyncset.done $0x0  }
0x5e: {  	[sflag:s16] =	ssyncadd.s32 $0xFFFFF800;
	s5 =	sadd.s32 $0x0, s12  }
0x5f: {  	[tilespmem:s17], [sflag:$0x5] =	stream.linear.gather [hbm4b:s5+s3], $0x800, $0x38;
	[tilespmem:$0x1F000] =	vst v63  }
0x60: {  	_ =	swait.ge [sflag:s16], $0x800  }
0x61: {  	[sflag:s16] =	ssyncset.done $0x0  }
0x62: {  	[sflag:s16] =	ssyncadd.s32 $0xFFFFF800  }
0x63: {  	[tilespmem:s15], [sflag:$0x1] =	stream.indirect.gather [hbm4b:s4+s18], $0x80, s3, s18, $0xb8;
	[tilespmem:$0x1F000] =	vst v63  }
0x64: {  	s13 =	rddreg [dreg:$0x6]  }
0x65: {  	[tilespmem:s19], [sflag:$0x2] =	stream.indirect.gather [hbm4b:s4+s18], $0x80, s13, s18, $0xb8;
	[tilespmem:$0x1F000] =	vst v63  }
0x66: {  	s14 =	rddreg [dreg:$0x7]  }
0x67: {  	[tilespmem:s20], [sflag:$0x3] =	stream.indirect.gather [hbm4b:s4+s18], $0x80, s14, s18, $0xb8;
	[tilespmem:$0x1F000] =	vst v63  }
0x68: {  	s12 =	rddreg [dreg:$0x8]  }
0x69: {  	[tilespmem:s21], [sflag:$0x4] =	stream.indirect.gather [hbm4b:s4+s18], $0x80, s12, s18, $0xb8;
	[tilespmem:$0x1F000] =	vst v63  }
0x6a: {  	_ =	swait.ge [sflag:s22], $0x2800  }
0x6b: {  	[sflag:s22] =	ssyncset.done $0x0  }
0x6c: {  	[sflag:s22] =	ssyncadd.s32 $0xFFFFD800  }
0x6d: {  	[spmem:s1] =	stream.indirect.scatter.add.f32 [tilespmem:s15], [sflag:$0x5], $0x80, s17, s18, $0xb8;
	[tilespmem:$0x1F000] =	vst v63  }
0x6e: {  	_ =	swait.ge [sflag:s16], $0x2800  }
0x6f: {  	[sflag:s16] =	ssyncset.done $0x0  }
0x70: {  	s13 =	rddreg [dreg:$0x9];
	[sflag:s16] =	ssyncadd.s32 $0xFFFFD800  }
0x71: {  	[tilespmem:s15], [sflag:$0x1] =	stream.indirect.gather [hbm4b:s4+s18], $0x80, s13, s18, $0xb8;
	[tilespmem:$0x1F000] =	vst v63  }
0x72: {  	_ =	swait.ge [sflag:s23], $0x2800  }
0x73: {  	[sflag:s23] =	ssyncset.done $0x0  }
0x74: {  	s14 =	rddreg [dreg:$0xa];
	[sflag:s23] =	ssyncadd.s32 $0xFFFFD800  }
0x75: {  	[spmem:s1] =	stream.indirect.scatter.add.f32 [tilespmem:s19], [sflag:$0x5], $0x80, s14, s18, $0xb8;
	[tilespmem:$0x1F000] =	vst v63  }
0x76: {  	_ =	swait.ge [sflag:s16], $0x2800  }
0x77: {  	[sflag:s16] =	ssyncset.done $0x0  }
0x78: {  	s12 =	rddreg [dreg:$0xb];
	[sflag:s16] =	ssyncadd.s32 $0xFFFFD800  }
0x79: {  	[tilespmem:s19], [sflag:$0x2] =	stream.indirect.gather [hbm4b:s4+s18], $0x80, s12, s18, $0xb8;
	[tilespmem:$0x1F000] =	vst v63  }
0x7a: {  	_ =	swait.ge [sflag:s24], $0x2800  }
0x7b: {  	[sflag:s24] =	ssyncset.done $0x0  }
0x7c: {  	s13 =	rddreg [dreg:$0xc];
	[sflag:s24] =	ssyncadd.s32 $0xFFFFD800  }
0x7d: {  	[spmem:s1] =	stream.indirect.scatter.add.f32 [tilespmem:s20], [sflag:$0x5], $0x80, s13, s18, $0xb8;
	[tilespmem:$0x1F000] =	vst v63  }
0x7e: {  	_ =	swait.ge [sflag:s16], $0x2800  }
0x7f: {  	[sflag:s16] =	ssyncset.done $0x0  }
0x80: {  	s14 =	rddreg [dreg:$0xd];
	[sflag:s16] =	ssyncadd.s32 $0xFFFFD800  }
0x81: {  	[tilespmem:s20], [sflag:$0x3] =	stream.indirect.gather [hbm4b:s4+s18], $0x80, s14, s18, $0xb8;
	[tilespmem:$0x1F000] =	vst v63  }
0x82: {  	_ =	swait.ge [sflag:s25], $0x2800  }
0x83: {  	[sflag:s25] =	ssyncset.done $0x0  }
0x84: {  	s12 =	rddreg [dreg:$0xe];
	[sflag:s25] =	ssyncadd.s32 $0xFFFFD800  }
0x85: {  	[spmem:s1] =	stream.indirect.scatter.add.f32 [tilespmem:s21], [sflag:$0x5], $0x80, s12, s18, $0xb8;
	[tilespmem:$0x1F000] =	vst v63  }
0x86: {  	_ =	swait.ge [sflag:s16], $0x2800  }
0x87: {  	[sflag:s16] =	ssyncset.done $0x0  }
0x88: {  	s13 =	rddreg [dreg:$0xf];
	[sflag:s16] =	ssyncadd.s32 $0xFFFFD800  }
0x89: {  	[tilespmem:s21], [sflag:$0x4] =	stream.indirect.gather [hbm4b:s4+s18], $0x80, s13, s18, $0xb8;
	[tilespmem:$0x1F000] =	vst v63  }
0x8a: {  	_ =	swait.ge [sflag:s22], $0x2800  }
0x8b: {  	[sflag:s22] =	ssyncset.done $0x0  }
0x8c: {  	s14 =	rddreg [dreg:$0x10];
	[sflag:s22] =	ssyncadd.s32 $0xFFFFD800  }
0x8d: {  	[spmem:s1] =	stream.indirect.scatter.add.f32 [tilespmem:s15], [sflag:$0x5], $0x80, s14, s18, $0xb8;
	[tilespmem:$0x1F000] =	vst v63  }
0x8e: {  	_ =	swait.ge [sflag:s16], $0x2800  }
0x8f: {  	[sflag:s16] =	ssyncset.done $0x0  }
0x90: {  	s12 =	rddreg [dreg:$0x11];
	[sflag:s16] =	ssyncadd.s32 $0xFFFFD800  }
0x91: {  	[tilespmem:s15], [sflag:$0x1] =	stream.indirect.gather [hbm4b:s4+s18], $0x80, s12, s18, $0xb8;
	[tilespmem:$0x1F000] =	vst v63  }
0x92: {  	_ =	swait.ge [sflag:s23], $0x2800  }
0x93: {  	[sflag:s23] =	ssyncset.done $0x0  }
0x94: {  	s13 =	rddreg [dreg:$0x12];
	[sflag:s23] =	ssyncadd.s32 $0xFFFFD800  }
0x95: {  	[spmem:s1] =	stream.indirect.scatter.add.f32 [tilespmem:s19], [sflag:$0x5], $0x80, s13, s18, $0xb8;
	[tilespmem:$0x1F000] =	vst v63  }
0x96: {  	_ =	swait.ge [sflag:s16], $0x2800  }
0x97: {  	[sflag:s16] =	ssyncset.done $0x0  }
0x98: {  	s14 =	rddreg [dreg:$0x13];
	[sflag:s16] =	ssyncadd.s32 $0xFFFFD800  }
0x99: {  	[tilespmem:s19], [sflag:$0x2] =	stream.indirect.gather [hbm4b:s4+s18], $0x80, s14, s18, $0xb8;
	[tilespmem:$0x1F000] =	vst v63  }
0x9a: {  	_ =	swait.ge [sflag:s24], $0x2800  }
0x9b: {  	[sflag:s24] =	ssyncset.done $0x0  }
0x9c: {  	s12 =	rddreg [dreg:$0x14];
	[sflag:s24] =	ssyncadd.s32 $0xFFFFD800  }
0x9d: {  	[spmem:s1] =	stream.indirect.scatter.add.f32 [tilespmem:s20], [sflag:$0x5], $0x80, s12, s18, $0xb8;
	[tilespmem:$0x1F000] =	vst v63  }
0x9e: {  	_ =	swait.ge [sflag:s16], $0x2800  }
0x9f: {  	[sflag:s16] =	ssyncset.done $0x0  }
0xa0: {  	s13 =	rddreg [dreg:$0x15];
	[sflag:s16] =	ssyncadd.s32 $0xFFFFD800  }
0xa1: {  	[tilespmem:s20], [sflag:$0x3] =	stream.indirect.gather [hbm4b:s4+s18], $0x80, s13, s18, $0xb8;
	[tilespmem:$0x1F000] =	vst v63  }
0xa2: {  	_ =	swait.ge [sflag:s25], $0x2800  }
0xa3: {  	[sflag:s25] =	ssyncset.done $0x0  }
0xa4: {  	s14 =	rddreg [dreg:$0x16];
	[sflag:s25] =	ssyncadd.s32 $0xFFFFD800  }
0xa5: {  	[spmem:s1] =	stream.indirect.scatter.add.f32 [tilespmem:s21], [sflag:$0x5], $0x80, s14, s18, $0xb8;
	[tilespmem:$0x1F000] =	vst v63  }
0xa6: {  	_ =	swait.ge [sflag:s16], $0x2800  }
0xa7: {  	[sflag:s16] =	ssyncset.done $0x0  }
0xa8: {  	[sflag:s16] =	ssyncadd.s32 $0xFFFFD800  }
0xa9: {  	[tilespmem:s21], [sflag:$0x4] =	stream.indirect.gather [hbm4b:s4+s18], $0x80, s26, s18, $0xb8;
	[tilespmem:$0x1F000] =	vst v63  }
0xaa: {  	_ =	swait.ge [sflag:s22], $0x2800  }
0xab: {  	[sflag:s22] =	ssyncset.done $0x0  }
0xac: {  	[sflag:s22] =	ssyncadd.s32 $0xFFFFD800  }
0xad: {  	[spmem:s1] =	stream.indirect.scatter.add.f32 [tilespmem:s15], [sflag:$0x5], $0x80, s28, s18, $0xb8;
	[tilespmem:$0x1F000] =	vst v63  }
0xae: {  	_ =	swait.ge [sflag:s16], $0x2800  }
0xaf: {  	[sflag:s16] =	ssyncset.done $0x0  }
0xb0: {  	[sflag:s16] =	ssyncadd.s32 $0xFFFFD800  }
0xb1: {  	[tilespmem:s15], [sflag:$0x1] =	stream.indirect.gather [hbm4b:s4+s18], $0x80, s29, s18, $0xb8;
	[tilespmem:$0x1F000] =	vst v63  }
0xb2: {  	_ =	swait.ge [sflag:s23], $0x2800  }
0xb3: {  	[sflag:s23] =	ssyncset.done $0x0  }
0xb4: {  	[sflag:s23] =	ssyncadd.s32 $0xFFFFD800  }
0xb5: {  	[spmem:s1] =	stream.indirect.scatter.add.f32 [tilespmem:s19], [sflag:$0x5], $0x80, s30, s18, $0xb8;
	[tilespmem:$0x1F000] =	vst v63  }
0xb6: {  	_ =	swait.ge [sflag:s16], $0x2800  }
0xb7: {  	[sflag:s16] =	ssyncset.done $0x0  }
0xb8: {  	[sflag:s16] =	ssyncadd.s32 $0xFFFFD800  }
0xb9: {  	[tilespmem:s19], [sflag:$0x2] =	stream.indirect.gather [hbm4b:s4+s18], $0x80, s31, s18, $0xb8;
	[tilespmem:$0x1F000] =	vst v63  }
0xba: {  	_ =	swait.ge [sflag:s24], $0x2800  }
0xbb: {  	[sflag:s24] =	ssyncset.done $0x0  }
0xbc: {  	[sflag:s24] =	ssyncadd.s32 $0xFFFFD800  }
0xbd: {  	[spmem:s1] =	stream.indirect.scatter.add.f32 [tilespmem:s20], [sflag:$0x5], $0x80, s0, s18, $0xb8;
	[tilespmem:$0x1F000] =	vst v63  }
0xbe: {  	_ =	swait.ge [sflag:s16], $0x2800  }
0xbf: {  	[sflag:s16] =	ssyncset.done $0x0  }
0xc0: {  	[sflag:s16] =	ssyncadd.s32 $0xFFFFD800  }
0xc1: {  	[tilespmem:s20], [sflag:$0x3] =	stream.indirect.gather [hbm4b:s4+s18], $0x80, s2, s18, $0xb8;
	[tilespmem:$0x1F000] =	vst v63  }
0xc2: {  	_ =	swait.ge [sflag:s25], $0x2800  }
0xc3: {  	[sflag:s25] =	ssyncset.done $0x0  }
0xc4: {  	[sflag:s25] =	ssyncadd.s32 $0xFFFFD800  }
0xc5: {  	[spmem:s1] =	stream.indirect.scatter.add.f32 [tilespmem:s21], [sflag:$0x5], $0x80, s6, s18, $0xb8;
	[tilespmem:$0x1F000] =	vst v63  }
0xc6: {  	_ =	swait.ge [sflag:s16], $0x2800  }
0xc7: {  	[sflag:s16] =	ssyncset.done $0x0  }
0xc8: {  	[sflag:s16] =	ssyncadd.s32 $0xFFFFD800  }
0xc9: {  	[tilespmem:s21], [sflag:$0x4] =	stream.indirect.gather [hbm4b:s4+s18], $0x80, s7, s18, $0xb8;
	[tilespmem:$0x1F000] =	vst v63  }
0xca: {  	_ =	swait.ge [sflag:s22], $0x2800  }
0xcb: {  	[sflag:s22] =	ssyncset.done $0x0  }
0xcc: {  	[sflag:s22] =	ssyncadd.s32 $0xFFFFD800  }
0xcd: {  	[spmem:s1] =	stream.indirect.scatter.add.f32 [tilespmem:s15], [sflag:$0x5], $0x80, s8, s18, $0xb8;
	[tilespmem:$0x1F000] =	vst v63  }
0xce: {  	_ =	swait.ge [sflag:s16], $0x2800  }
0xcf: {  	[sflag:s16] =	ssyncset.done $0x0  }
0xd0: {  	[sflag:s16] =	ssyncadd.s32 $0xFFFFD800  }
0xd1: {  	_ =	swait.ge [sflag:s23], $0x2800  }
0xd2: {  	[sflag:s23] =	ssyncset.done $0x0  }
0xd3: {  	[sflag:s23] =	ssyncadd.s32 $0xFFFFD800  }
0xd4: {  	[spmem:s1] =	stream.indirect.scatter.add.f32 [tilespmem:s19], [sflag:$0x5], $0x80, s9, s18, $0xb8;
	[tilespmem:$0x1F000] =	vst v63  }
0xd5: {  	_ =	swait.ge [sflag:s16], $0x2800  }
0xd6: {  	[sflag:s16] =	ssyncset.done $0x0  }
0xd7: {  	[sflag:s16] =	ssyncadd.s32 $0xFFFFD800  }
0xd8: {  	_ =	swait.ge [sflag:s24], $0x2800  }
0xd9: {  	[sflag:s24] =	ssyncset.done $0x0  }
0xda: {  	[sflag:s24] =	ssyncadd.s32 $0xFFFFD800  }
0xdb: {  	[spmem:s1] =	stream.indirect.scatter.add.f32 [tilespmem:s20], [sflag:$0x5], $0x80, s10, s18, $0xb8;
	[tilespmem:$0x1F000] =	vst v63  }
0xdc: {  	_ =	swait.ge [sflag:s16], $0x2800  }
0xdd: {  	[sflag:s16] =	ssyncset.done $0x0  }
0xde: {  	[sflag:s16] =	ssyncadd.s32 $0xFFFFD800  }
0xdf: {  	_ =	swait.ge [sflag:s25], $0x2800  }
0xe0: {  	[sflag:s25] =	ssyncset.done $0x0  }
0xe1: {  	[sflag:s25] =	ssyncadd.s32 $0xFFFFD800  }
0xe2: {  	[spmem:s1] =	stream.indirect.scatter.add.f32 [tilespmem:s21], [sflag:$0x5], $0x80, s11, s18, $0xb8;
	[tilespmem:$0x1F000] =	vst v63  }
0xe3: {  	s13 =	simm.s32 $0x100;
	_ =	swait.ge [sflag:s16], $0x2800  }
0xe4: {  	s14 =	simm.s32 $0x200;
	s5 =	rddreg [dreg:$0x5];
	[sflag:s16] =	ssyncset.done $0x0  }
.LBB2_4:
0xe5: {  	[sflag:s16] =	ssyncadd.s32 $0xFFFFD800;
	s5 =	sadd.s32 s13, s5  }
0xe6: {  	[tilespmem:s3], [sflag:$0x5] =	stream.linear.gather [hbm4b:s5+s3], $0x800, $0x38;
	[tilespmem:$0x1F000] =	vst v63  }
0xe7: {  	_ =	swait.ge [sflag:s16], $0x800  }
0xe8: {  	s5 =	rddreg [dreg:$0x4];
	[sflag:s16] =	ssyncset.done $0x0  }
0xe9: {  	[sflag:s16] =	ssyncadd.s32 $0xFFFFF800;
	s5 =	sadd.s32 s13, s5  }
0xea: {  	[tilespmem:s17], [sflag:$0x5] =	stream.linear.gather [hbm4b:s5+s3], $0x800, $0x38;
	[tilespmem:$0x1F000] =	vst v63  }
0xeb: {  	_ =	swait.ge [sflag:s16], $0x800  }
0xec: {  	[sflag:s16] =	ssyncset.done $0x0  }
0xed: {  	[sflag:s16] =	ssyncadd.s32 $0xFFFFF800  }
0xee: {  	[tilespmem:s15], [sflag:$0x1] =	stream.indirect.gather [hbm4b:s4+s18], $0x80, s3, s18, $0xb8;
	[tilespmem:$0x1F000] =	vst v63  }
0xef: {  	s12 =	smov.u32 s14;
	s5 =	rddreg [dreg:$0x6]  }
0xf0: {  	[tilespmem:s19], [sflag:$0x2] =	stream.indirect.gather [hbm4b:s4+s18], $0x80, s5, s18, $0xb8;
	[tilespmem:$0x1F000] =	vst v63  }
0xf1: {  	s13 =	smov.u32 s12;
	s12 =	rddreg [dreg:$0x7]  }
0xf2: {  	[tilespmem:s20], [sflag:$0x3] =	stream.indirect.gather [hbm4b:s4+s18], $0x80, s12, s18, $0xb8;
	[tilespmem:$0x1F000] =	vst v63  }
0xf3: {  	s5 =	rddreg [dreg:$0x8]  }
0xf4: {  	[tilespmem:s21], [sflag:$0x4] =	stream.indirect.gather [hbm4b:s4+s18], $0x80, s5, s18, $0xb8;
	[tilespmem:$0x1F000] =	vst v63  }
0xf5: {  	_ =	swait.ge [sflag:s22], $0x2800  }
0xf6: {  	[sflag:s22] =	ssyncset.done $0x0  }
0xf7: {  	[sflag:s22] =	ssyncadd.s32 $0xFFFFD800  }
0xf8: {  	[spmem:s1] =	stream.indirect.scatter.add.f32 [tilespmem:s15], [sflag:$0x5], $0x80, s17, s18, $0xb8;
	[tilespmem:$0x1F000] =	vst v63  }
0xf9: {  	_ =	swait.ge [sflag:s16], $0x2800  }
0xfa: {  	[sflag:s16] =	ssyncset.done $0x0  }
0xfb: {  	s12 =	rddreg [dreg:$0x9];
	[sflag:s16] =	ssyncadd.s32 $0xFFFFD800  }
0xfc: {  	[tilespmem:s15], [sflag:$0x1] =	stream.indirect.gather [hbm4b:s4+s18], $0x80, s12, s18, $0xb8;
	[tilespmem:$0x1F000] =	vst v63  }
0xfd: {  	_ =	swait.ge [sflag:s23], $0x2800  }
0xfe: {  	[sflag:s23] =	ssyncset.done $0x0  }
0xff: {  	s12 =	rddreg [dreg:$0xa];
	[sflag:s23] =	ssyncadd.s32 $0xFFFFD800  }
0x100: {  	[spmem:s1] =	stream.indirect.scatter.add.f32 [tilespmem:s19], [sflag:$0x5], $0x80, s12, s18, $0xb8;
	[tilespmem:$0x1F000] =	vst v63  }
0x101: {  	_ =	swait.ge [sflag:s16], $0x2800  }
0x102: {  	[sflag:s16] =	ssyncset.done $0x0  }
0x103: {  	s12 =	rddreg [dreg:$0xb];
	[sflag:s16] =	ssyncadd.s32 $0xFFFFD800  }
0x104: {  	[tilespmem:s19], [sflag:$0x2] =	stream.indirect.gather [hbm4b:s4+s18], $0x80, s12, s18, $0xb8;
	[tilespmem:$0x1F000] =	vst v63  }
0x105: {  	_ =	swait.ge [sflag:s24], $0x2800  }
0x106: {  	[sflag:s24] =	ssyncset.done $0x0  }
0x107: {  	s12 =	rddreg [dreg:$0xc];
	[sflag:s24] =	ssyncadd.s32 $0xFFFFD800  }
0x108: {  	[spmem:s1] =	stream.indirect.scatter.add.f32 [tilespmem:s20], [sflag:$0x5], $0x80, s12, s18, $0xb8;
	[tilespmem:$0x1F000] =	vst v63  }
0x109: {  	_ =	swait.ge [sflag:s16], $0x2800  }
0x10a: {  	[sflag:s16] =	ssyncset.done $0x0  }
0x10b: {  	s12 =	rddreg [dreg:$0xd];
	[sflag:s16] =	ssyncadd.s32 $0xFFFFD800  }
0x10c: {  	[tilespmem:s20], [sflag:$0x3] =	stream.indirect.gather [hbm4b:s4+s18], $0x80, s12, s18, $0xb8;
	[tilespmem:$0x1F000] =	vst v63  }
0x10d: {  	_ =	swait.ge [sflag:s25], $0x2800  }
0x10e: {  	[sflag:s25] =	ssyncset.done $0x0  }
0x10f: {  	s12 =	rddreg [dreg:$0xe];
	[sflag:s25] =	ssyncadd.s32 $0xFFFFD800  }
0x110: {  	[spmem:s1] =	stream.indirect.scatter.add.f32 [tilespmem:s21], [sflag:$0x5], $0x80, s12, s18, $0xb8;
	[tilespmem:$0x1F000] =	vst v63  }
0x111: {  	_ =	swait.ge [sflag:s16], $0x2800  }
0x112: {  	[sflag:s16] =	ssyncset.done $0x0  }
0x113: {  	s12 =	rddreg [dreg:$0xf];
	[sflag:s16] =	ssyncadd.s32 $0xFFFFD800  }
0x114: {  	[tilespmem:s21], [sflag:$0x4] =	stream.indirect.gather [hbm4b:s4+s18], $0x80, s12, s18, $0xb8;
	[tilespmem:$0x1F000] =	vst v63  }
0x115: {  	_ =	swait.ge [sflag:s22], $0x2800  }
0x116: {  	[sflag:s22] =	ssyncset.done $0x0  }
0x117: {  	s12 =	rddreg [dreg:$0x10];
	[sflag:s22] =	ssyncadd.s32 $0xFFFFD800  }
0x118: {  	[spmem:s1] =	stream.indirect.scatter.add.f32 [tilespmem:s15], [sflag:$0x5], $0x80, s12, s18, $0xb8;
	[tilespmem:$0x1F000] =	vst v63  }
0x119: {  	_ =	swait.ge [sflag:s16], $0x2800  }
0x11a: {  	[sflag:s16] =	ssyncset.done $0x0  }
0x11b: {  	s12 =	rddreg [dreg:$0x11];
	[sflag:s16] =	ssyncadd.s32 $0xFFFFD800  }
0x11c: {  	[tilespmem:s15], [sflag:$0x1] =	stream.indirect.gather [hbm4b:s4+s18], $0x80, s12, s18, $0xb8;
	[tilespmem:$0x1F000] =	vst v63  }
0x11d: {  	_ =	swait.ge [sflag:s23], $0x2800  }
0x11e: {  	[sflag:s23] =	ssyncset.done $0x0  }
0x11f: {  	s12 =	rddreg [dreg:$0x12];
	[sflag:s23] =	ssyncadd.s32 $0xFFFFD800  }
0x120: {  	[spmem:s1] =	stream.indirect.scatter.add.f32 [tilespmem:s19], [sflag:$0x5], $0x80, s12, s18, $0xb8;
	[tilespmem:$0x1F000] =	vst v63  }
0x121: {  	_ =	swait.ge [sflag:s16], $0x2800  }
0x122: {  	[sflag:s16] =	ssyncset.done $0x0  }
0x123: {  	s12 =	rddreg [dreg:$0x13];
	[sflag:s16] =	ssyncadd.s32 $0xFFFFD800  }
0x124: {  	[tilespmem:s19], [sflag:$0x2] =	stream.indirect.gather [hbm4b:s4+s18], $0x80, s12, s18, $0xb8;
	[tilespmem:$0x1F000] =	vst v63  }
0x125: {  	_ =	swait.ge [sflag:s24], $0x2800  }
0x126: {  	[sflag:s24] =	ssyncset.done $0x0  }
0x127: {  	s12 =	rddreg [dreg:$0x14];
	[sflag:s24] =	ssyncadd.s32 $0xFFFFD800  }
0x128: {  	[spmem:s1] =	stream.indirect.scatter.add.f32 [tilespmem:s20], [sflag:$0x5], $0x80, s12, s18, $0xb8;
	[tilespmem:$0x1F000] =	vst v63  }
0x129: {  	_ =	swait.ge [sflag:s16], $0x2800  }
0x12a: {  	[sflag:s16] =	ssyncset.done $0x0  }
0x12b: {  	s12 =	rddreg [dreg:$0x15];
	[sflag:s16] =	ssyncadd.s32 $0xFFFFD800  }
0x12c: {  	[tilespmem:s20], [sflag:$0x3] =	stream.indirect.gather [hbm4b:s4+s18], $0x80, s12, s18, $0xb8;
	[tilespmem:$0x1F000] =	vst v63  }
0x12d: {  	_ =	swait.ge [sflag:s25], $0x2800  }
0x12e: {  	[sflag:s25] =	ssyncset.done $0x0  }
0x12f: {  	s12 =	rddreg [dreg:$0x16];
	[sflag:s25] =	ssyncadd.s32 $0xFFFFD800  }
0x130: {  	[spmem:s1] =	stream.indirect.scatter.add.f32 [tilespmem:s21], [sflag:$0x5], $0x80, s12, s18, $0xb8;
	[tilespmem:$0x1F000] =	vst v63  }
0x131: {  	_ =	swait.ge [sflag:s16], $0x2800  }
0x132: {  	[sflag:s16] =	ssyncset.done $0x0  }
0x133: {  	[sflag:s16] =	ssyncadd.s32 $0xFFFFD800  }
0x134: {  	[tilespmem:s21], [sflag:$0x4] =	stream.indirect.gather [hbm4b:s4+s18], $0x80, s26, s18, $0xb8;
	[tilespmem:$0x1F000] =	vst v63  }
0x135: {  	_ =	swait.ge [sflag:s22], $0x2800  }
0x136: {  	[sflag:s22] =	ssyncset.done $0x0  }
0x137: {  	[sflag:s22] =	ssyncadd.s32 $0xFFFFD800  }
0x138: {  	[spmem:s1] =	stream.indirect.scatter.add.f32 [tilespmem:s15], [sflag:$0x5], $0x80, s28, s18, $0xb8;
	[tilespmem:$0x1F000] =	vst v63  }
0x139: {  	_ =	swait.ge [sflag:s16], $0x2800  }
0x13a: {  	[sflag:s16] =	ssyncset.done $0x0  }
0x13b: {  	[sflag:s16] =	ssyncadd.s32 $0xFFFFD800  }
0x13c: {  	[tilespmem:s15], [sflag:$0x1] =	stream.indirect.gather [hbm4b:s4+s18], $0x80, s29, s18, $0xb8;
	[tilespmem:$0x1F000] =	vst v63  }
0x13d: {  	_ =	swait.ge [sflag:s23], $0x2800  }
0x13e: {  	[sflag:s23] =	ssyncset.done $0x0  }
0x13f: {  	[sflag:s23] =	ssyncadd.s32 $0xFFFFD800  }
0x140: {  	[spmem:s1] =	stream.indirect.scatter.add.f32 [tilespmem:s19], [sflag:$0x5], $0x80, s30, s18, $0xb8;
	[tilespmem:$0x1F000] =	vst v63  }
0x141: {  	_ =	swait.ge [sflag:s16], $0x2800  }
0x142: {  	[sflag:s16] =	ssyncset.done $0x0  }
0x143: {  	[sflag:s16] =	ssyncadd.s32 $0xFFFFD800  }
0x144: {  	[tilespmem:s19], [sflag:$0x2] =	stream.indirect.gather [hbm4b:s4+s18], $0x80, s31, s18, $0xb8;
	[tilespmem:$0x1F000] =	vst v63  }
0x145: {  	_ =	swait.ge [sflag:s24], $0x2800  }
0x146: {  	[sflag:s24] =	ssyncset.done $0x0  }
0x147: {  	[sflag:s24] =	ssyncadd.s32 $0xFFFFD800  }
0x148: {  	[spmem:s1] =	stream.indirect.scatter.add.f32 [tilespmem:s20], [sflag:$0x5], $0x80, s0, s18, $0xb8;
	[tilespmem:$0x1F000] =	vst v63  }
0x149: {  	_ =	swait.ge [sflag:s16], $0x2800  }
0x14a: {  	[sflag:s16] =	ssyncset.done $0x0  }
0x14b: {  	[sflag:s16] =	ssyncadd.s32 $0xFFFFD800  }
0x14c: {  	[tilespmem:s20], [sflag:$0x3] =	stream.indirect.gather [hbm4b:s4+s18], $0x80, s2, s18, $0xb8;
	[tilespmem:$0x1F000] =	vst v63  }
0x14d: {  	_ =	swait.ge [sflag:s25], $0x2800  }
0x14e: {  	[sflag:s25] =	ssyncset.done $0x0  }
0x14f: {  	[sflag:s25] =	ssyncadd.s32 $0xFFFFD800  }
0x150: {  	[spmem:s1] =	stream.indirect.scatter.add.f32 [tilespmem:s21], [sflag:$0x5], $0x80, s6, s18, $0xb8;
	[tilespmem:$0x1F000] =	vst v63  }
0x151: {  	_ =	swait.ge [sflag:s16], $0x2800  }
0x152: {  	[sflag:s16] =	ssyncset.done $0x0  }
0x153: {  	[sflag:s16] =	ssyncadd.s32 $0xFFFFD800  }
0x154: {  	[tilespmem:s21], [sflag:$0x4] =	stream.indirect.gather [hbm4b:s4+s18], $0x80, s7, s18, $0xb8;
	[tilespmem:$0x1F000] =	vst v63  }
0x155: {  	_ =	swait.ge [sflag:s22], $0x2800  }
0x156: {  	[sflag:s22] =	ssyncset.done $0x0  }
0x157: {  	[sflag:s22] =	ssyncadd.s32 $0xFFFFD800  }
0x158: {  	[spmem:s1] =	stream.indirect.scatter.add.f32 [tilespmem:s15], [sflag:$0x5], $0x80, s8, s18, $0xb8;
	[tilespmem:$0x1F000] =	vst v63  }
0x159: {  	_ =	swait.ge [sflag:s16], $0x2800  }
0x15a: {  	[sflag:s16] =	ssyncset.done $0x0  }
0x15b: {  	[sflag:s16] =	ssyncadd.s32 $0xFFFFD800  }
0x15c: {  	_ =	swait.ge [sflag:s23], $0x2800  }
0x15d: {  	[sflag:s23] =	ssyncset.done $0x0  }
0x15e: {  	[sflag:s23] =	ssyncadd.s32 $0xFFFFD800  }
0x15f: {  	[spmem:s1] =	stream.indirect.scatter.add.f32 [tilespmem:s19], [sflag:$0x5], $0x80, s9, s18, $0xb8;
	[tilespmem:$0x1F000] =	vst v63  }
0x160: {  	_ =	swait.ge [sflag:s16], $0x2800  }
0x161: {  	[sflag:s16] =	ssyncset.done $0x0  }
0x162: {  	[sflag:s16] =	ssyncadd.s32 $0xFFFFD800  }
0x163: {  	_ =	swait.ge [sflag:s24], $0x2800  }
0x164: {  	[sflag:s24] =	ssyncset.done $0x0  }
0x165: {  	[sflag:s24] =	ssyncadd.s32 $0xFFFFD800  }
0x166: {  	[spmem:s1] =	stream.indirect.scatter.add.f32 [tilespmem:s20], [sflag:$0x5], $0x80, s10, s18, $0xb8;
	[tilespmem:$0x1F000] =	vst v63  }
0x167: {  	_ =	swait.ge [sflag:s16], $0x2800  }
0x168: {  	[sflag:s16] =	ssyncset.done $0x0  }
0x169: {  	[sflag:s16] =	ssyncadd.s32 $0xFFFFD800  }
0x16a: {  	p0 =	sne.s32 s14, $0x700;
	_ =	swait.ge [sflag:s25], $0x2800  }
.Ltmp1:
0x16b: {  	[sflag:s25] =	ssyncset.done $0x0;
	(pc) =	sbr.rel @p0 .LBB2_4-.Ltmp1, $4  }
0x16c: {  	[sflag:s25] =	ssyncadd.s32 $0xFFFFD800  }
0x16d: {  	[spmem:s1] =	stream.indirect.scatter.add.f32 [tilespmem:s21], [sflag:$0x5], $0x80, s11, s18, $0xb8;
	[tilespmem:$0x1F000] =	vst v63  }
0x16e: {  	_ =	swait.ge [sflag:s16], $0x2800  }
0x16f: {  	s14 =	sadd.s32 $0x100, s14;
	s5 =	rddreg [dreg:$0x5];
	[sflag:s16] =	ssyncset.done $0x0  }
0x170: {  	[sflag:s16] =	ssyncadd.s32 $0xFFFFD800;
	s5 =	sadd.s32 s13, s5  }
0x171: {  	[tilespmem:s3], [sflag:$0x5] =	stream.linear.gather [hbm4b:s5+s3], $0x800, $0x38;
	[tilespmem:$0x1F000] =	vst v63  }
0x172: {  	_ =	swait.ge [sflag:s16], $0x800  }
0x173: {  	s12 =	rddreg [dreg:$0x4];
	[sflag:s16] =	ssyncset.done $0x0  }
0x174: {  	[sflag:s16] =	ssyncadd.s32 $0xFFFFF800;
	s5 =	sadd.s32 s13, s12  }
0x175: {  	[tilespmem:s17], [sflag:$0x5] =	stream.linear.gather [hbm4b:s5+s3], $0x800, $0x38;
	[tilespmem:$0x1F000] =	vst v63  }
0x176: {  	_ =	swait.ge [sflag:s16], $0x800  }
0x177: {  	[sflag:s16] =	ssyncset.done $0x0  }
0x178: {  	[sflag:s16] =	ssyncadd.s32 $0xFFFFF800  }
0x179: {  	[tilespmem:s15], [sflag:$0x1] =	stream.indirect.gather [hbm4b:s4+s18], $0x80, s3, s18, $0xb8;
	[tilespmem:$0x1F000] =	vst v63  }
0x17a: {  	s13 =	rddreg [dreg:$0x6]  }
0x17b: {  	[tilespmem:s19], [sflag:$0x2] =	stream.indirect.gather [hbm4b:s4+s18], $0x80, s13, s18, $0xb8;
	[tilespmem:$0x1F000] =	vst v63  }
0x17c: {  	s12 =	rddreg [dreg:$0x7]  }
0x17d: {  	[tilespmem:s20], [sflag:$0x3] =	stream.indirect.gather [hbm4b:s4+s18], $0x80, s12, s18, $0xb8;
	[tilespmem:$0x1F000] =	vst v63  }
0x17e: {  	s14 =	rddreg [dreg:$0x8]  }
0x17f: {  	[tilespmem:s21], [sflag:$0x4] =	stream.indirect.gather [hbm4b:s4+s18], $0x80, s14, s18, $0xb8;
	[tilespmem:$0x1F000] =	vst v63  }
0x180: {  	_ =	swait.ge [sflag:s22], $0x2800  }
0x181: {  	[sflag:s22] =	ssyncset.done $0x0  }
0x182: {  	[sflag:s22] =	ssyncadd.s32 $0xFFFFD800  }
0x183: {  	[spmem:s1] =	stream.indirect.scatter.add.f32 [tilespmem:s15], [sflag:$0x5], $0x80, s17, s18, $0xb8;
	[tilespmem:$0x1F000] =	vst v63  }
0x184: {  	_ =	swait.ge [sflag:s16], $0x2800  }
0x185: {  	[sflag:s16] =	ssyncset.done $0x0  }
0x186: {  	s13 =	rddreg [dreg:$0x9];
	[sflag:s16] =	ssyncadd.s32 $0xFFFFD800  }
0x187: {  	[tilespmem:s15], [sflag:$0x1] =	stream.indirect.gather [hbm4b:s4+s18], $0x80, s13, s18, $0xb8;
	[tilespmem:$0x1F000] =	vst v63  }
0x188: {  	_ =	swait.ge [sflag:s23], $0x2800  }
0x189: {  	[sflag:s23] =	ssyncset.done $0x0  }
0x18a: {  	s14 =	rddreg [dreg:$0xa];
	[sflag:s23] =	ssyncadd.s32 $0xFFFFD800  }
0x18b: {  	[spmem:s1] =	stream.indirect.scatter.add.f32 [tilespmem:s19], [sflag:$0x5], $0x80, s14, s18, $0xb8;
	[tilespmem:$0x1F000] =	vst v63  }
0x18c: {  	_ =	swait.ge [sflag:s16], $0x2800  }
0x18d: {  	[sflag:s16] =	ssyncset.done $0x0  }
0x18e: {  	s12 =	rddreg [dreg:$0xb];
	[sflag:s16] =	ssyncadd.s32 $0xFFFFD800  }
0x18f: {  	[tilespmem:s19], [sflag:$0x2] =	stream.indirect.gather [hbm4b:s4+s18], $0x80, s12, s18, $0xb8;
	[tilespmem:$0x1F000] =	vst v63  }
0x190: {  	_ =	swait.ge [sflag:s24], $0x2800  }
0x191: {  	[sflag:s24] =	ssyncset.done $0x0  }
0x192: {  	s13 =	rddreg [dreg:$0xc];
	[sflag:s24] =	ssyncadd.s32 $0xFFFFD800  }
0x193: {  	[spmem:s1] =	stream.indirect.scatter.add.f32 [tilespmem:s20], [sflag:$0x5], $0x80, s13, s18, $0xb8;
	[tilespmem:$0x1F000] =	vst v63  }
0x194: {  	_ =	swait.ge [sflag:s16], $0x2800  }
0x195: {  	[sflag:s16] =	ssyncset.done $0x0  }
0x196: {  	s14 =	rddreg [dreg:$0xd];
	[sflag:s16] =	ssyncadd.s32 $0xFFFFD800  }
0x197: {  	[tilespmem:s20], [sflag:$0x3] =	stream.indirect.gather [hbm4b:s4+s18], $0x80, s14, s18, $0xb8;
	[tilespmem:$0x1F000] =	vst v63  }
0x198: {  	_ =	swait.ge [sflag:s25], $0x2800  }
0x199: {  	[sflag:s25] =	ssyncset.done $0x0  }
0x19a: {  	s12 =	rddreg [dreg:$0xe];
	[sflag:s25] =	ssyncadd.s32 $0xFFFFD800  }
0x19b: {  	[spmem:s1] =	stream.indirect.scatter.add.f32 [tilespmem:s21], [sflag:$0x5], $0x80, s12, s18, $0xb8;
	[tilespmem:$0x1F000] =	vst v63  }
0x19c: {  	_ =	swait.ge [sflag:s16], $0x2800  }
0x19d: {  	[sflag:s16] =	ssyncset.done $0x0  }
0x19e: {  	s13 =	rddreg [dreg:$0xf];
	[sflag:s16] =	ssyncadd.s32 $0xFFFFD800  }
0x19f: {  	[tilespmem:s21], [sflag:$0x4] =	stream.indirect.gather [hbm4b:s4+s18], $0x80, s13, s18, $0xb8;
	[tilespmem:$0x1F000] =	vst v63  }
0x1a0: {  	_ =	swait.ge [sflag:s22], $0x2800  }
0x1a1: {  	[sflag:s22] =	ssyncset.done $0x0  }
0x1a2: {  	s14 =	rddreg [dreg:$0x10];
	[sflag:s22] =	ssyncadd.s32 $0xFFFFD800  }
0x1a3: {  	[spmem:s1] =	stream.indirect.scatter.add.f32 [tilespmem:s15], [sflag:$0x5], $0x80, s14, s18, $0xb8;
	[tilespmem:$0x1F000] =	vst v63  }
0x1a4: {  	_ =	swait.ge [sflag:s16], $0x2800  }
0x1a5: {  	[sflag:s16] =	ssyncset.done $0x0  }
0x1a6: {  	s12 =	rddreg [dreg:$0x11];
	[sflag:s16] =	ssyncadd.s32 $0xFFFFD800  }
0x1a7: {  	[tilespmem:s15], [sflag:$0x1] =	stream.indirect.gather [hbm4b:s4+s18], $0x80, s12, s18, $0xb8;
	[tilespmem:$0x1F000] =	vst v63  }
0x1a8: {  	_ =	swait.ge [sflag:s23], $0x2800  }
0x1a9: {  	[sflag:s23] =	ssyncset.done $0x0  }
0x1aa: {  	s13 =	rddreg [dreg:$0x12];
	[sflag:s23] =	ssyncadd.s32 $0xFFFFD800  }
0x1ab: {  	[spmem:s1] =	stream.indirect.scatter.add.f32 [tilespmem:s19], [sflag:$0x5], $0x80, s13, s18, $0xb8;
	[tilespmem:$0x1F000] =	vst v63  }
0x1ac: {  	_ =	swait.ge [sflag:s16], $0x2800  }
0x1ad: {  	[sflag:s16] =	ssyncset.done $0x0  }
0x1ae: {  	s14 =	rddreg [dreg:$0x13];
	[sflag:s16] =	ssyncadd.s32 $0xFFFFD800  }
0x1af: {  	[tilespmem:s19], [sflag:$0x2] =	stream.indirect.gather [hbm4b:s4+s18], $0x80, s14, s18, $0xb8;
	[tilespmem:$0x1F000] =	vst v63  }
0x1b0: {  	_ =	swait.ge [sflag:s24], $0x2800  }
0x1b1: {  	[sflag:s24] =	ssyncset.done $0x0  }
0x1b2: {  	s12 =	rddreg [dreg:$0x14];
	[sflag:s24] =	ssyncadd.s32 $0xFFFFD800  }
0x1b3: {  	[spmem:s1] =	stream.indirect.scatter.add.f32 [tilespmem:s20], [sflag:$0x5], $0x80, s12, s18, $0xb8;
	[tilespmem:$0x1F000] =	vst v63  }
0x1b4: {  	_ =	swait.ge [sflag:s16], $0x2800  }
0x1b5: {  	[sflag:s16] =	ssyncset.done $0x0  }
0x1b6: {  	s13 =	rddreg [dreg:$0x15];
	[sflag:s16] =	ssyncadd.s32 $0xFFFFD800  }
0x1b7: {  	[tilespmem:s20], [sflag:$0x3] =	stream.indirect.gather [hbm4b:s4+s18], $0x80, s13, s18, $0xb8;
	[tilespmem:$0x1F000] =	vst v63  }
0x1b8: {  	_ =	swait.ge [sflag:s25], $0x2800  }
0x1b9: {  	[sflag:s25] =	ssyncset.done $0x0  }
0x1ba: {  	s14 =	rddreg [dreg:$0x16];
	[sflag:s25] =	ssyncadd.s32 $0xFFFFD800  }
0x1bb: {  	[spmem:s1] =	stream.indirect.scatter.add.f32 [tilespmem:s21], [sflag:$0x5], $0x80, s14, s18, $0xb8;
	[tilespmem:$0x1F000] =	vst v63  }
0x1bc: {  	_ =	swait.ge [sflag:s16], $0x2800  }
0x1bd: {  	[sflag:s16] =	ssyncset.done $0x0  }
0x1be: {  	[sflag:s16] =	ssyncadd.s32 $0xFFFFD800  }
0x1bf: {  	[tilespmem:s21], [sflag:$0x4] =	stream.indirect.gather [hbm4b:s4+s18], $0x80, s26, s18, $0xb8;
	[tilespmem:$0x1F000] =	vst v63  }
0x1c0: {  	_ =	swait.ge [sflag:s22], $0x2800  }
0x1c1: {  	[sflag:s22] =	ssyncset.done $0x0  }
0x1c2: {  	[sflag:s22] =	ssyncadd.s32 $0xFFFFD800  }
0x1c3: {  	[spmem:s1] =	stream.indirect.scatter.add.f32 [tilespmem:s15], [sflag:$0x5], $0x80, s28, s18, $0xb8;
	[tilespmem:$0x1F000] =	vst v63  }
0x1c4: {  	_ =	swait.ge [sflag:s16], $0x2800  }
0x1c5: {  	[sflag:s16] =	ssyncset.done $0x0  }
0x1c6: {  	[sflag:s16] =	ssyncadd.s32 $0xFFFFD800  }
0x1c7: {  	[tilespmem:s15], [sflag:$0x1] =	stream.indirect.gather [hbm4b:s4+s18], $0x80, s29, s18, $0xb8;
	[tilespmem:$0x1F000] =	vst v63  }
0x1c8: {  	_ =	swait.ge [sflag:s23], $0x2800  }
0x1c9: {  	[sflag:s23] =	ssyncset.done $0x0  }
0x1ca: {  	[sflag:s23] =	ssyncadd.s32 $0xFFFFD800  }
0x1cb: {  	[spmem:s1] =	stream.indirect.scatter.add.f32 [tilespmem:s19], [sflag:$0x5], $0x80, s30, s18, $0xb8;
	[tilespmem:$0x1F000] =	vst v63  }
0x1cc: {  	_ =	swait.ge [sflag:s16], $0x2800  }
0x1cd: {  	[sflag:s16] =	ssyncset.done $0x0  }
0x1ce: {  	[sflag:s16] =	ssyncadd.s32 $0xFFFFD800  }
0x1cf: {  	[tilespmem:s19], [sflag:$0x2] =	stream.indirect.gather [hbm4b:s4+s18], $0x80, s31, s18, $0xb8;
	[tilespmem:$0x1F000] =	vst v63  }
0x1d0: {  	_ =	swait.ge [sflag:s24], $0x2800  }
0x1d1: {  	[sflag:s24] =	ssyncset.done $0x0  }
0x1d2: {  	[sflag:s24] =	ssyncadd.s32 $0xFFFFD800  }
0x1d3: {  	[spmem:s1] =	stream.indirect.scatter.add.f32 [tilespmem:s20], [sflag:$0x5], $0x80, s0, s18, $0xb8;
	[tilespmem:$0x1F000] =	vst v63  }
0x1d4: {  	_ =	swait.ge [sflag:s16], $0x2800  }
0x1d5: {  	[sflag:s16] =	ssyncset.done $0x0  }
0x1d6: {  	[sflag:s16] =	ssyncadd.s32 $0xFFFFD800  }
0x1d7: {  	[tilespmem:s20], [sflag:$0x3] =	stream.indirect.gather [hbm4b:s4+s18], $0x80, s2, s18, $0xb8;
	[tilespmem:$0x1F000] =	vst v63  }
0x1d8: {  	_ =	swait.ge [sflag:s25], $0x2800  }
0x1d9: {  	[sflag:s25] =	ssyncset.done $0x0  }
0x1da: {  	[sflag:s25] =	ssyncadd.s32 $0xFFFFD800  }
0x1db: {  	[spmem:s1] =	stream.indirect.scatter.add.f32 [tilespmem:s21], [sflag:$0x5], $0x80, s6, s18, $0xb8;
	[tilespmem:$0x1F000] =	vst v63  }
0x1dc: {  	_ =	swait.ge [sflag:s16], $0x2800  }
0x1dd: {  	[sflag:s16] =	ssyncset.done $0x0  }
0x1de: {  	[sflag:s16] =	ssyncadd.s32 $0xFFFFD800  }
0x1df: {  	[tilespmem:s21], [sflag:$0x4] =	stream.indirect.gather [hbm4b:s4+s18], $0x80, s7, s18, $0xb8;
	[tilespmem:$0x1F000] =	vst v63  }
0x1e0: {  	_ =	swait.ge [sflag:s22], $0x2800  }
0x1e1: {  	[sflag:s22] =	ssyncset.done $0x0  }
0x1e2: {  	[sflag:s22] =	ssyncadd.s32 $0xFFFFD800  }
0x1e3: {  	[spmem:s1] =	stream.indirect.scatter.add.f32 [tilespmem:s15], [sflag:$0x5], $0x80, s8, s18, $0xb8;
	[tilespmem:$0x1F000] =	vst v63  }
0x1e4: {  	_ =	swait.ge [sflag:s16], $0x2800  }
0x1e5: {  	[sflag:s16] =	ssyncset.done $0x0  }
0x1e6: {  	[sflag:s16] =	ssyncadd.s32 $0xFFFFD800  }
0x1e7: {  	_ =	swait.ge [sflag:s23], $0x2800  }
0x1e8: {  	[sflag:s23] =	ssyncset.done $0x0  }
0x1e9: {  	[sflag:s23] =	ssyncadd.s32 $0xFFFFD800  }
0x1ea: {  	[spmem:s1] =	stream.indirect.scatter.add.f32 [tilespmem:s19], [sflag:$0x5], $0x80, s9, s18, $0xb8;
	[tilespmem:$0x1F000] =	vst v63  }
0x1eb: {  	_ =	swait.ge [sflag:s16], $0x2800  }
0x1ec: {  	[sflag:s16] =	ssyncset.done $0x0  }
0x1ed: {  	[sflag:s16] =	ssyncadd.s32 $0xFFFFD800  }
0x1ee: {  	_ =	swait.ge [sflag:s24], $0x2800  }
0x1ef: {  	[sflag:s24] =	ssyncset.done $0x0  }
0x1f0: {  	[sflag:s24] =	ssyncadd.s32 $0xFFFFD800  }
0x1f1: {  	[spmem:s1] =	stream.indirect.scatter.add.f32 [tilespmem:s20], [sflag:$0x5], $0x80, s10, s18, $0xb8;
	[tilespmem:$0x1F000] =	vst v63  }
0x1f2: {  	_ =	swait.ge [sflag:s16], $0x2800  }
0x1f3: {  	[sflag:s16] =	ssyncset.done $0x0  }
0x1f4: {  	[sflag:s16] =	ssyncadd.s32 $0xFFFFD800  }
0x1f5: {  	_ =	swait.ge [sflag:s25], $0x2800  }
0x1f6: {  	[sflag:s25] =	ssyncset.done $0x0  }
0x1f7: {  	[sflag:s25] =	ssyncadd.s32 $0xFFFFD800  }
0x1f8: {  	[spmem:s1] =	stream.indirect.scatter.add.f32 [tilespmem:s21], [sflag:$0x5], $0x80, s11, s18, $0xb8;
	[tilespmem:$0x1F000] =	vst v63  }
0x1f9: {  	_ =	swait.ge [sflag:s16], $0x2800  }
0x1fa: {  	[sflag:s16] =	ssyncset.done $0x0  }
0x1fb: {  	[sflag:s16] =	ssyncadd.s32 $0xFFFFD800  }
0x1fc: {  	s12 =	stileid.u32;
	[bflag:$0x0] =	sbarrier.arrive $0xFFFF  }
0x1fd: {  	s5 =	sshll.u32 s12, $0x6;
	s13 =	rddreg [dreg:$0x17]  }
0x1fe: {  	s5 =	sor.u32 $0x1C05, s5;
	s14 =	rddreg [dreg:$0x1f];
	s12 =	sshrl.u32 s13, $0x3  }
0x1ff: {  	[hbm:s14], [sflag:s5] =	dma.local [spmem:s12], $0x2800  }
0x200: {  	_ =	swait.ge [sflag:s16], $0x2800  }
0x201: {  	s13 =	sld [smem:$0x7FC]  }
0x202: {  	s14 =	sld [smem:$0x7FD];
	_ =	sdelay $0x1  }
0x203: {  	s12 =	sadd.s32 $0x1, s13  }
0x204: {  	p0 =	sne.s32 s12, s14  }
.Ltmp2:
0x205: {  	_ = 	snop;
	(pc) =	sbr.rel @p0 .LBB2_1-.Ltmp2, $3  }
0x206: {  	_ =	sdelay $0x1  }
0x207: {  	[sflag:s16] =	ssyncset.done $0x0  }
0x208: {  	[sflag:s16] =	ssyncadd.s32 $0xFFFFD800  }
0x209: {  	_ =	sfence.sel $0x180000  }
0x20a: {  	[bflag:$0x0] =	sbarrier.arrive $0xFFFF  }
0x20b: {  	_ =	strace $0x9000004A  }
0x20c: {  	s0 =	stileid.u32;
	[bflag:$0x2] =	sbarrier.arrive $0xFFFF  }
0x20d: {  	p0 =	sne.s32 s0, $0x0;
	s0 =	rddreg [dreg:$0x3]  }
0x20e: {  	s0 =	sadd.s32 @!p0 $0x100000, s0  }
0x20f: {  	[sflag:s0] =	ssyncadd.tile.s32 @!p0 $0x1;
	_ =	shalt  }
.Lfunc_end2:
_tile_overlayer_lowered:
.L_overlay_start_2:
0x210: {  	(tag) =	ssettag $0x2  }
0x211: {  	s0 =	rddreg [dreg:$0x0];
	s2 =	stileid.u32  }
0x212: {  	s1 =	rddreg [dreg:$0x1];
	p0 =	sne.s32 s2, $0x0  }
0x213: {  	s3 =	rddreg [dreg:$0x2];
	[bflag:$0x3] =	sbarrier.arrive $0xFFFF;
	s2 =	simm.s32 @!p0 $0x1C05  }
0x214: {  	[timem:s3], [sflag:s2] =	dma.local @!p0 [hbm:s0], s1  }
0x215: {  	s0 =	simm.s32 @!p0 $0x5  }
0x216: {  	_ =	swait.ge @!p0 [sflag:s0], s1  }
0x217: {  	s1 =	ssub.s32 @!p0 $0x0, s1;
	[sflag:s0] =	ssyncset.done @!p0 $0x0  }
0x218: {  	[sflag:s0] =	ssyncadd.s32 @!p0 s1  }
0x219: {  	[bflag:$0x3] =	sbarrier.arrive $0xFFFF  }
0x21a: {  	_ =	shalt  }

// kernel: kernel.13.cloned.1.call-start
scs
__scs_entry_jumppad:
0x0: {  	(pc) =	sbr.rel $0x88, $3  }
0x1: {  	(tag) =	ssettag $0x0;
	lr =	simm.s32 $0x1  }
0x2: {  	[smem:$0x3F99] =	sst lr;
	_ =	strace $0xD0000000  }
0x3: {  	_ = 	snop  }
0x4: {  	_ = 	snop  }
0x5: {  	_ = 	snop  }
0x6: {  	_ = 	snop  }
0x7: {  	_ = 	snop  }
__scs_overlays_trampoline_lowered:
0x8: {  	[smem:$0x3FA8] =	sst s0  }
0x9: {  	[smem:$0x3FA9] =	sst s1  }
0xa: {  	[smem:$0x3FAA] =	sst s2  }
0xb: {  	[smem:$0x3FAB] =	sst s3  }
0xc: {  	[smem:$0x3FAC] =	sst s4  }
0xd: {  	[smem:$0x3FAD] =	sst s5  }
0xe: {  	[smem:$0x3FAE] =	sst s6  }
0xf: {  	[smem:$0x3FAF] =	sst s7  }
0x10: {  	[smem:$0x3FB0] =	sst s8  }
0x11: {  	[smem:$0x3FB1] =	sst s9;
	s0 =	simm.s32 @!p0 $0x0  }
0x12: {  	s1 =	sld [smem:$0x3F97];
	s0 =	simm.s32 @p0 $0x1  }
0x13: {  	[smem:$0x3FB2] =	sst s0;
	s0 =	simm.s32 @!p1 $0x0  }
0x14: {  	s2 =	sld [smem:$0x3F96];
	s0 =	simm.s32 @p1 $0x1  }
0x15: {  	[smem:$0x3FB3] =	sst s0;
	s0 =	simm.s32 @!p2 $0x0  }
0x16: {  	s3 =	sld [smem:$0x3FDB];
	s0 =	simm.s32 @p2 $0x1  }
0x17: {  	s4 =	simm.s32 $0x1BF5;
	[smem:$0x3FB5] =	sst s0  }
0x18: {  	s0 =	sld [smem:$0x3F98];
	_ =	swait.ge [sflag:s4], $0x0  }
0x19: {  	s7 =	sld [smem:$0x3F99]  }
0x1a: {  	s8 =	sadd.s32 $0xFFFFE003, lr  }
0x1b: {  	s9 =	sadd.s32 $0xFFFFFEF7, lr;
	s5 =	simm.s32 $0xFFFFFFFF;
	p2 =	slt.u32 s8, $0xFFFFF086  }
0x1c: {  	p1 =	slt.u32 s9, $0xF7A;
	s5 =	simm.s32 @!p2 $0x0  }
0x1d: {  	s5 =	simm.s32 @p1 $0x1;
	p0 =	seq.s32 s7, s2  }
0x1e: {  	s7 =	smul.u32 @!p0 $0xF7A, s2;
	p2 =	seq.s32 @!p0 s5, $0x0  }
0x1f: {  	s9 =	smul.u32 $0xF7A, s1;
	s8 =	simm.s32 @!p0 $0x1BF5;
	p2 =	por !p2, p0  }
0x20: {  	[sflag:s8] =	ssyncset.s32 @!p0 $0xFFFFF086;
	s6 =	sadd.s32 @!p0 s3, s7;
	s7 =	simm.s32 @!p0 $0x108  }
0x21: {  	s3 =	sadd.s32 s3, s9;
	s6 =	sadd.s32 @!p0 $0x88, s6;
	s7 =	simm.s32 @p2 $0x1082  }
0x22: {  	[simem:s7], [sflag:s8] =	dma.local @!p0 [hbm:s6], $0xF7A  }
0x23: {  	s9 =	sor.u32 $0xD0000000, s2;
	s6 =	simm.s32 $0x108;
	_ =	swait.ge @!p0 [sflag:s8], $0x0  }
0x24: {  	s3 =	sadd.s32 $0x88, s3;
	s6 =	simm.s32 @!p1 $0x1082;
	[sflag:s4] =	ssyncset.s32 $0xFFFFF086  }
0x25: {  	[simem:s6], [sflag:s4] =	dma.local [hbm:s3], $0xF7A  }
0x26: {  	[smem:$0x3F99] =	sst s1;
	(tag) =	ssettag s2;
	_ =	strace s9  }
0x27: {  	s1 =	sld [smem:$0x3FA9]  }
0x28: {  	s2 =	sld [smem:$0x3FAA]  }
0x29: {  	s4 =	sld [smem:$0x3FAC]  }
0x2a: {  	p0 =	seq.s32 s5, $0x0;
	s5 =	sld [smem:$0x3FAD]  }
0x2b: {  	s6 =	sld [smem:$0x3FAE]  }
0x2c: {  	s7 =	sld [smem:$0x3FAF]  }
0x2d: {  	s3 =	simm.s32 $0x108;
	s8 =	sld [smem:$0x3FB0]  }
0x2e: {  	s3 =	simm.s32 @!p0 $0x1082;
	s9 =	sld [smem:$0x3FB1]  }
0x2f: {  	lr =	sadd.s32 s0, s3;
	s0 =	sld [smem:$0x3FA8]  }
0x30: {  	s3 =	sld [smem:$0x3FAB]  }
0x31: {  	[smem:$0x3FB4] =	sst s10  }
0x32: {  	s10 =	sld [smem:$0x3FB2];
	_ =	sdelay $0x3  }
0x33: {  	p0 =	seq.s32 s10, $0x1;
	s10 =	sld [smem:$0x3FB4];
	_ =	sdelay $0x3  }
0x34: {  	[smem:$0x3FB4] =	sst s10  }
0x35: {  	s10 =	sld [smem:$0x3FB3];
	_ =	sdelay $0x3  }
0x36: {  	p1 =	seq.s32 s10, $0x1;
	s10 =	sld [smem:$0x3FB4];
	_ =	sdelay $0x3  }
0x37: {  	[smem:$0x3FB4] =	sst s10  }
0x38: {  	s10 =	sld [smem:$0x3FB5]  }
0x39: {  	_ = 	snop;
	(pc) =	sbr.ind lr, $3  }
0x3a: {  	_ = 	snop  }
0x3b: {  	_ = 	snop  }
0x3c: {  	p2 =	seq.s32 s10, $0x1;
	s10 =	sld [smem:$0x3FB4]  }
0x3d: {  	_ =	shalt  }
0x3e: {  	_ =	shalt  }
0x3f: {  	_ =	shalt  }
0x40: {  	_ =	shalt  }
0x41: {  	_ =	shalt  }
0x42: {  	_ =	shalt  }
0x43: {  	_ =	shalt  }
0x44: {  	_ =	shalt  }
0x45: {  	_ =	shalt  }
0x46: {  	_ =	shalt  }
0x47: {  	_ =	shalt  }
0x48: {  	_ =	shalt  }
0x49: {  	_ =	shalt  }
0x4a: {  	_ =	shalt  }
0x4b: {  	_ =	shalt  }
0x4c: {  	_ =	shalt  }
0x4d: {  	_ =	shalt  }
0x4e: {  	_ =	shalt  }
0x4f: {  	_ =	shalt  }
0x50: {  	_ =	shalt  }
0x51: {  	_ =	shalt  }
0x52: {  	_ =	shalt  }
0x53: {  	_ =	shalt  }
0x54: {  	_ =	shalt  }
0x55: {  	_ =	shalt  }
0x56: {  	_ =	shalt  }
0x57: {  	_ =	shalt  }
0x58: {  	_ =	shalt  }
0x59: {  	_ =	shalt  }
0x5a: {  	_ =	shalt  }
0x5b: {  	_ =	shalt  }
0x5c: {  	_ =	shalt  }
0x5d: {  	_ =	shalt  }
0x5e: {  	_ =	shalt  }
0x5f: {  	_ =	shalt  }
0x60: {  	_ =	shalt  }
0x61: {  	_ =	shalt  }
0x62: {  	_ =	shalt  }
0x63: {  	_ =	shalt  }
0x64: {  	_ =	shalt  }
0x65: {  	_ =	shalt  }
0x66: {  	_ =	shalt  }
0x67: {  	_ =	shalt  }
0x68: {  	_ =	shalt  }
0x69: {  	_ =	shalt  }
0x6a: {  	_ =	shalt  }
0x6b: {  	_ =	shalt  }
0x6c: {  	_ =	shalt  }
0x6d: {  	_ =	shalt  }
0x6e: {  	_ =	shalt  }
0x6f: {  	_ =	shalt  }
0x70: {  	_ =	shalt  }
0x71: {  	_ =	shalt  }
0x72: {  	_ =	shalt  }
0x73: {  	_ =	shalt  }
0x74: {  	_ =	shalt  }
0x75: {  	_ =	shalt  }
0x76: {  	_ =	shalt  }
0x77: {  	_ =	shalt  }
0x78: {  	_ =	shalt  }
0x79: {  	_ =	shalt  }
0x7a: {  	_ =	shalt  }
0x7b: {  	_ =	shalt  }
0x7c: {  	_ =	shalt  }
0x7d: {  	_ =	shalt  }
0x7e: {  	_ =	shalt  }
0x7f: {  	_ =	shalt  }
0x80: {  	_ =	shalt  }
0x81: {  	_ =	shalt  }
0x82: {  	_ =	shalt  }
0x83: {  	_ =	shalt  }
0x84: {  	_ =	shalt  }
0x85: {  	_ =	shalt  }
0x86: {  	_ =	shalt  }
0x87: {  	_ =	shalt  }
.Lfunc_end0:
.L_simem_size_0:
called_computation.2_lowered:
.L_overlay_start_0:
0x88: {  	s2 =	sld [smem:$0x3FD9]  }
0x89: {  	s3 =	sld [smem:$0x3FFE];
	_ =	sdelay $0x1  }
0x8a: {  	s1 =	srdreg.scid  }
0x8b: {  	s0 =	sand.u32 $0x1, s1  }
0x8c: {  	s17 =	sshll.u32 s0, $0xA;
	s2 =	sadd.s32 s3, s2  }
0x8d: {  	s2 =	sadd.s32 s2, s17  }
0x8e: {  	[smem:$0x3FC0] =	sst s2  }
0x8f: {  	_ = 	snop  }
0x90: {  	s2 =	sld [smem:$0x3FD0];
	(tm) =	ssettm $0x1  }
0x91: {  	s18 =	sld [smem:$0x3FFB];
	_ =	sdelay $0x3  }
0x92: {  	_ =	strace s18  }
0x93: {  	s3 =	sld [smem:$0x3FFC];
	_ =	sdelay $0x3  }
0x94: {  	_ =	strace s3  }
0x95: {  	s3 =	sld [smem:$0x3FFD];
	_ =	sdelay $0x3  }
0x96: {  	_ =	strace s3  }
0x97: {  	_ =	strace $0x8FFFFFFF  }
0x98: {  	s19 =	sld [smem:$0x3FDB];
	_ =	sdelay $0x1  }
0x99: {  	s4 =	simm.s32 $_scs_section_size  }
0x9a: {  	s5 =	simm.s32 $_size__tile_overlayer_lowered;
	s6 =	simm.s32 $_tile_overlayer_lowered  }
0x9b: {  	s22 =	simm.s32 $0x1BFF;
	s21 =	sshll.u32 s6, $0x1;
	s3 =	sadd.s32 s4, s19  }
0x9c: {  	s7 =	simm.s32 $0x0;
	s20 =	sshll.u32 s5, $0x1;
	s5 =	sadd.s32 s21, s3  }
0x9d: {  	[timem:s7], [sflag:s22] =	dma.local [hbm:s5], s20  }
0x9e: {  	_ =	swait.ge [sflag:s22], s20  }
0x9f: {  	s4 =	ssub.s32 $0x0, s20;
	[sflag:s22] =	ssyncset.done $0x0  }
0xa0: {  	[sflag:s22] =	ssyncadd.s32 s4;
	_ =	sdelay $0x1  }
0xa1: {  	s23 =	simm.s32 $0x1B8B  }
0xa2: {  	_ =	swait.ge [sflag:s23], $0x1  }
0xa3: {  	[sflag:s23] =	ssyncset.done $0x0  }
0xa4: {  	s25 =	simm.s32 $0x1B8E;
	s24 =	sld [smem:$0x3FFE];
	[sflag:s23] =	ssyncadd.s32 $0xFFFFFFFF  }
0xa5: {  	s26 =	simm.s32 $execute0_lowered;
	[smem:$0x3FD2] =	sst s25  }
0xa6: {  	s5 =	sshll.u32 s26, $0x1;
	_ =	strace $0x8000004C;
	[dreg:$0x1] =	wrdreg $0xFFFFFFFF  }
0xa7: {  	s28 =	simm.s32 $_size_execute0_lowered;
	s3 =	sadd.s32 s3, s5;
	[dreg:$0x0] =	wrdreg $0x0  }
0xa8: {  	s5 =	sshll.u32 s28, $0x1;
	[dreg:$0x2] =	wrdreg s3  }
0xa9: {  	[dreg:$0x3] =	wrdreg s5  }
0xaa: {  	[dreg:$0x4] =	wrdreg $0xC0  }
0xab: {  	_ =	task [dreg:s7], $0x5FFFF  }
0xac: {  	[dreg:$0x1] =	wrdreg $0xFFFFFFFF  }
0xad: {  	[dreg:$0x0] =	wrdreg $0x60  }
0xae: {  	[dreg:$0x2] =	wrdreg s24  }
0xaf: {  	[dreg:$0x3] =	wrdreg s2  }
0xb0: {  	[dreg:$0x4] =	wrdreg $0xB0000  }
0xb1: {  	[dreg:$0x5] =	wrdreg $0x9  }
0xb2: {  	_ =	task.clear_ibuf [dreg:s7], $0x6FFFF;
	_ =	strace $0x9000004C  }
0xb3: {  	s29 =	simm.s32 $0x9;
	_ =	strace $0x8000004E  }
0xb4: {  	_ =	swait.ge [sflag:s29], $0x1  }
0xb5: {  	[sflag:s29] =	ssyncadd.s32 $0xFFFFFFFF  }
0xb6: {  	_ =	strace $0x9000004E  }
0xb7: {  	_ =	sfence  }
0xb8: {  	s30 =	sld [smem:$0x0];
	_ =	sdelay $0x2  }
0xb9: {  	s31 =	sshll.u32 s1, $0xD;
	s1 =	sshrl.u32 s1, $0x2  }
0xba: {  	s3 =	sand.u32 $0x4000, s31;
	s1 =	sadd.s32 s1, s30  }
0xbb: {  	s0 =	sor.u32 s3, s0;
	s1 =	sshll.u32 s1, $0x11  }
0xbc: {  	s0 =	sor.u32 s1, s0  }
0xbd: {  	s0 =	sadd.s32 $0x8F2B, s0  }
0xbe: {  	[sflag:s0] =	ssyncadd.remote.s32 $0x1  }
0xbf: {  	_ =	sfence.sel $0xFFFF  }
0xc0: {  	[dreg:$0x0] =	wrdreg $0xFFFFFFFF;
	(pc) =	sbr.abs _section_cstart, $3  }
0xc1: {  	[dreg:$0x1] =	wrdreg $0xFFFFFFFF  }
0xc2: {  	_ =	task.clear_ibuf [dreg:s7], $0x2FFFF;
	_ =	strace $0x9FFFFFFF  }
0xc3: {  	(tm) =	ssettm $0x7FFFFFFF  }
tec
execute0_lowered:
.L_overlay_start_1:
0x0: {  	(tag) =	ssettag $0x1  }
0x1: {  	s0 =	rddreg [dreg:$0x0]  }
0x2: {  	s2 =	rddreg [dreg:$0x1]  }
0x3: {  	s1 =	rddreg [dreg:$0x2]  }
0x4: {  	s3 =	srdreg.scid;
	s11 =	stileid.u32;
	s22 =	simm.s32 $0x80  }
0x5: {  	s24 =	simm.s32 $0x100;
	s26 =	simm.s32 $0x180;
	s13 =	simm.s32 $0x280  }
0x6: {  	s15 =	simm.s32 $0x900;
	s16 =	simm.s32 $0x300;
	s28 =	simm.s32 $0xC00  }
0x7: {  	s29 =	simm.s32 $0x600;
	s5 =	sand.u32 $0x1, s3;
	s3 =	simm.s32 $0x0  }
0x8: {  	s30 =	simm.s32 $0xC80;
	s31 =	simm.s32 $0x680;
	[smem:$0x7FF] =	sst s3  }
0x9: {  	s7 =	smul.u32 $0x14000, s11;
	_ =	strace $0x8000004D;
	[dreg:$0x6] =	wrdreg s22  }
0xa: {  	s8 =	sshll.u32 s11, $0xC;
	s11 =	smul.u32 $0x50000, s11;
	[dreg:$0x7] =	wrdreg s24  }
0xb: {  	s4 =	sadd.s32 $0x62800, s0;
	s6 =	smul.u32 $0x140000, s5;
	[dreg:$0x8] =	wrdreg s26  }
0xc: {  	s17 =	sadd.s32 s8, s0;
	s9 =	ssub.s32 $0x2, s5;
	[dreg:$0xb] =	wrdreg s13  }
0xd: {  	s5 =	sshll.u32 s5, $0xB;
	s2 =	sadd.s32 s8, s2;
	[dreg:$0xc] =	wrdreg s15  }
0xe: {  	s8 =	simm.s32 $0xE00;
	s2 =	sadd.s32 s5, s2;
	[dreg:$0xd] =	wrdreg s16  }
0xf: {  	s19 =	sshrl.u32 s11, $0x2;
	s11 =	simm.s32 $0x880;
	[dreg:$0x5] =	wrdreg s2  }
0x10: {  	s10 =	sshrl.u32 s9, $0x1;
	s22 =	simm.s32 $0xA80;
	[dreg:$0xa] =	wrdreg s11  }
0x11: {  	s15 =	simm.s32 $0x1000;
	s24 =	simm.s32 $0xB00;
	[dreg:$0x12] =	wrdreg s22  }
0x12: {  	s16 =	simm.s32 $0x5;
	s26 =	simm.s32 $0xB80;
	[dreg:$0x14] =	wrdreg s24  }
0x13: {  	s18 =	ssub.s32 s9, s10;
	s9 =	simm.s32 $0x200;
	[dreg:$0x16] =	wrdreg s26  }
0x14: {  	s6 =	sadd.s32 s7, s6;
	s20 =	sadd.s32 s19, s1;
	[dreg:$0x9] =	wrdreg s9  }
0x15: {  	s7 =	sadd.s32 s5, s17;
	s19 =	simm.s32 $0x380;
	[dreg:$0x17] =	wrdreg s20  }
0x16: {  	s22 =	simm.s32 $0x1;
	s7 =	sadd.s32 $0x2800, s7;
	[dreg:$0xf] =	wrdreg s19  }
0x17: {  	s24 =	simm.s32 $0x3;
	s21 =	sadd.s32 $0x2800, s20;
	[dreg:$0x4] =	wrdreg s7  }
0x18: {  	s26 =	simm.s32 $0x580;
	s23 =	sadd.s32 $0x5000, s20;
	[dreg:$0x18] =	wrdreg s21  }
0x19: {  	s2 =	simm.s32 $0x700;
	s25 =	sadd.s32 $0x7800, s20;
	[dreg:$0x19] =	wrdreg s23  }
0x1a: {  	s11 =	simm.s32 $0xF80;
	s10 =	sadd.s32 $0xC800, s20;
	[dreg:$0x1a] =	wrdreg s25  }
0x1b: {  	s6 =	sshrl.u32 s6, $0x3;
	s12 =	sadd.s32 $0xF000, s20;
	[dreg:$0x1c] =	wrdreg s10  }
0x1c: {  	s14 =	sadd.s32 $0x11800, s20;
	s17 =	smax.u32 s18, $0x1;
	[dreg:$0x1d] =	wrdreg s12  }
0x1d: {  	s18 =	simm.s32 $0x980;
	s19 =	simm.s32 $0x3800;
	[dreg:$0x1e] =	wrdreg s14  }
0x1e: {  	s9 =	simm.s32 $0xE80;
	s0 =	sadd.s32 s6, s0;
	[smem:$0x7FD] =	sst s17  }
0x1f: {  	s7 =	sadd.s32 $0xA000, s20;
	[dreg:$0xe] =	wrdreg s18;
	s20 =	simm.s32 $0xA00  }
0x20: {  	s17 =	simm.s32 $0x800;
	s21 =	simm.s32 $0x400;
	s18 =	simm.s32 $0x50  }
0x21: {  	s23 =	simm.s32 $0x480;
	s25 =	simm.s32 $0x500;
	[dreg:$0x1b] =	wrdreg s7  }
0x22: {  	s6 =	simm.s32 $0xD80;
	s10 =	simm.s32 $0xF00;
	[dreg:$0x10] =	wrdreg s20  }
0x23: {  	s12 =	simm.s32 $0x0;
	s0 =	sadd.s32 $0x8A800, s0;
	[dreg:$0x11] =	wrdreg s21  }
0x24: {  	s20 =	simm.s32 $0x6000;
	[dreg:$0x13] =	wrdreg s23;
	s21 =	simm.s32 $0x8800  }
0x25: {  	[dreg:$0x15] =	wrdreg s25;
	s23 =	simm.s32 $0x2;
	s25 =	simm.s32 $0x4  }
0x26: {  	v0 =	vimm.f32 $0.0e+00;
	s7 =	simm.s32 $0x780;
	[dreg:$0x1f] =	wrdreg s0;
	s0 =	simm.s32 $0xD00  }
.LBB2_1:
0x27: {  	s13 =	simm.s32 $0x0;
	s14 =	simm.s32 $0x200  }
.LBB2_2:
0x28: {  	p0 =	sne.s32 s14, $0x9E00;
	[tilespmem:s13+$0x1070] =	vst v0  }
0x29: {  	[tilespmem:s13+$0x1000] =	vst v0  }
0x2a: {  	[tilespmem:s13+$0x1010] =	vst v0  }
.Ltmp0:
0x2b: {  	[tilespmem:s13+$0x1020] =	vst v0;
	(pc) =	sbr.rel @p0 .LBB2_2-.Ltmp0, $4  }
0x2c: {  	[tilespmem:s13+$0x1030] =	vst v0  }
0x2d: {  	[tilespmem:s13+$0x1040] =	vst v0  }
0x2e: {  	[tilespmem:s13+$0x1050] =	vst v0  }
0x2f: {  	[tilespmem:s13+$0x1060] =	vst v0;
	s13 =	sshra.s32 s14, $0x2;
	s14 =	sadd.s32 $0x200, s14  }
0x30: {  	[tilespmem:s13+$0x1070] =	vst v0  }
0x31: {  	[tilespmem:s13+$0x1000] =	vst v0  }
0x32: {  	[tilespmem:s13+$0x1010] =	vst v0  }
0x33: {  	[tilespmem:s13+$0x1020] =	vst v0  }
0x34: {  	[tilespmem:s13+$0x1030] =	vst v0  }
0x35: {  	[tilespmem:s13+$0x1040] =	vst v0  }
0x36: {  	[smem:$0x7FC] =	sst s12;
	[tilespmem:s13+$0x1050] =	vst v0  }
0x37: {  	[tilespmem:s13+$0x1060] =	vst v0;
	s5 =	rddreg [dreg:$0x17]  }
0x38: {  	[spmem:s5] =	stream.linear.scatter [tilespmem:s15], [sflag:$0x5], $0x2800, $0x38;
	[tilespmem:$0x1F000] =	vst v63  }
0x39: {  	_ =	swait.ge [sflag:s16], $0x2800  }
0x3a: {  	[sflag:s16] =	ssyncset.done $0x0  }
0x3b: {  	s13 =	rddreg [dreg:$0x18];
	[sflag:s16] =	ssyncadd.s32 $0xFFFFD800  }
0x3c: {  	[spmem:s13] =	stream.linear.scatter [tilespmem:s15], [sflag:$0x5], $0x2800, $0x38;
	[tilespmem:$0x1F000] =	vst v63  }
0x3d: {  	_ =	swait.ge [sflag:s16], $0x2800  }
0x3e: {  	[sflag:s16] =	ssyncset.done $0x0  }
0x3f: {  	s14 =	rddreg [dreg:$0x19];
	[sflag:s16] =	ssyncadd.s32 $0xFFFFD800  }
0x40: {  	[spmem:s14] =	stream.linear.scatter [tilespmem:s15], [sflag:$0x5], $0x2800, $0x38;
	[tilespmem:$0x1F000] =	vst v63  }
0x41: {  	_ =	swait.ge [sflag:s16], $0x2800  }
0x42: {  	[sflag:s16] =	ssyncset.done $0x0  }
0x43: {  	s12 =	rddreg [dreg:$0x1a];
	[sflag:s16] =	ssyncadd.s32 $0xFFFFD800  }
0x44: {  	[spmem:s12] =	stream.linear.scatter [tilespmem:s15], [sflag:$0x5], $0x2800, $0x38;
	[tilespmem:$0x1F000] =	vst v63  }
0x45: {  	_ =	swait.ge [sflag:s16], $0x2800  }
0x46: {  	[sflag:s16] =	ssyncset.done $0x0  }
0x47: {  	s13 =	rddreg [dreg:$0x1b];
	[sflag:s16] =	ssyncadd.s32 $0xFFFFD800  }
0x48: {  	[spmem:s13] =	stream.linear.scatter [tilespmem:s15], [sflag:$0x5], $0x2800, $0x38;
	[tilespmem:$0x1F000] =	vst v63  }
0x49: {  	_ =	swait.ge [sflag:s16], $0x2800  }
0x4a: {  	[sflag:s16] =	ssyncset.done $0x0  }
0x4b: {  	s14 =	rddreg [dreg:$0x1c];
	[sflag:s16] =	ssyncadd.s32 $0xFFFFD800  }
0x4c: {  	[spmem:s14] =	stream.linear.scatter [tilespmem:s15], [sflag:$0x5], $0x2800, $0x38;
	[tilespmem:$0x1F000] =	vst v63  }
0x4d: {  	_ =	swait.ge [sflag:s16], $0x2800  }
0x4e: {  	[sflag:s16] =	ssyncset.done $0x0  }
0x4f: {  	s12 =	rddreg [dreg:$0x1d];
	[sflag:s16] =	ssyncadd.s32 $0xFFFFD800  }
0x50: {  	[spmem:s12] =	stream.linear.scatter [tilespmem:s15], [sflag:$0x5], $0x2800, $0x38;
	[tilespmem:$0x1F000] =	vst v63  }
0x51: {  	_ =	swait.ge [sflag:s16], $0x2800  }
0x52: {  	[sflag:s16] =	ssyncset.done $0x0  }
0x53: {  	s13 =	rddreg [dreg:$0x1e];
	[sflag:s16] =	ssyncadd.s32 $0xFFFFD800  }
0x54: {  	[spmem:s13] =	stream.linear.scatter [tilespmem:s15], [sflag:$0x5], $0x2800, $0x38;
	[tilespmem:$0x1F000] =	vst v63  }
0x55: {  	_ =	swait.ge [sflag:s16], $0x2800  }
0x56: {  	[sflag:s16] =	ssyncset.done $0x0  }
0x57: {  	[sflag:s16] =	ssyncadd.s32 $0xFFFFD800  }
0x58: {  	[bflag:$0x0] =	sbarrier.arrive $0xFFFF  }
0x59: {  	s14 =	rddreg [dreg:$0x5]  }
0x5a: {  	s5 =	sadd.s32 $0x0, s14  }
0x5b: {  	[tilespmem:s3], [sflag:$0x5] =	stream.linear.gather [hbm4b:s5+s3], $0x800, $0x38;
	[tilespmem:$0x1F000] =	vst v63  }
0x5c: {  	_ =	swait.ge [sflag:s16], $0x800  }
0x5d: {  	s12 =	rddreg [dreg:$0x4];
	[sflag:s16] =	ssyncset.done $0x0  }
0x5e: {  	[sflag:s16] =	ssyncadd.s32 $0xFFFFF800;
	s5 =	sadd.s32 $0x0, s12  }
0x5f: {  	[tilespmem:s17], [sflag:$0x5] =	stream.linear.gather [hbm4b:s5+s3], $0x800, $0x38;
	[tilespmem:$0x1F000] =	vst v63  }
0x60: {  	_ =	swait.ge [sflag:s16], $0x800  }
0x61: {  	[sflag:s16] =	ssyncset.done $0x0  }
0x62: {  	[sflag:s16] =	ssyncadd.s32 $0xFFFFF800  }
0x63: {  	[tilespmem:s15], [sflag:$0x1] =	stream.indirect.gather [hbm4b:s4+s18], $0x80, s3, s18, $0xb8;
	[tilespmem:$0x1F000] =	vst v63  }
0x64: {  	s13 =	rddreg [dreg:$0x6]  }
0x65: {  	[tilespmem:s19], [sflag:$0x2] =	stream.indirect.gather [hbm4b:s4+s18], $0x80, s13, s18, $0xb8;
	[tilespmem:$0x1F000] =	vst v63  }
0x66: {  	s14 =	rddreg [dreg:$0x7]  }
0x67: {  	[tilespmem:s20], [sflag:$0x3] =	stream.indirect.gather [hbm4b:s4+s18], $0x80, s14, s18, $0xb8;
	[tilespmem:$0x1F000] =	vst v63  }
0x68: {  	s12 =	rddreg [dreg:$0x8]  }
0x69: {  	[tilespmem:s21], [sflag:$0x4] =	stream.indirect.gather [hbm4b:s4+s18], $0x80, s12, s18, $0xb8;
	[tilespmem:$0x1F000] =	vst v63  }
0x6a: {  	_ =	swait.ge [sflag:s22], $0x2800  }
0x6b: {  	[sflag:s22] =	ssyncset.done $0x0  }
0x6c: {  	[sflag:s22] =	ssyncadd.s32 $0xFFFFD800  }
0x6d: {  	[spmem:s1] =	stream.indirect.scatter.add.f32 [tilespmem:s15], [sflag:$0x5], $0x80, s17, s18, $0xb8;
	[tilespmem:$0x1F000] =	vst v63  }
0x6e: {  	_ =	swait.ge [sflag:s16], $0x2800  }
0x6f: {  	[sflag:s16] =	ssyncset.done $0x0  }
0x70: {  	s13 =	rddreg [dreg:$0x9];
	[sflag:s16] =	ssyncadd.s32 $0xFFFFD800  }
0x71: {  	[tilespmem:s15], [sflag:$0x1] =	stream.indirect.gather [hbm4b:s4+s18], $0x80, s13, s18, $0xb8;
	[tilespmem:$0x1F000] =	vst v63  }
0x72: {  	_ =	swait.ge [sflag:s23], $0x2800  }
0x73: {  	[sflag:s23] =	ssyncset.done $0x0  }
0x74: {  	s14 =	rddreg [dreg:$0xa];
	[sflag:s23] =	ssyncadd.s32 $0xFFFFD800  }
0x75: {  	[spmem:s1] =	stream.indirect.scatter.add.f32 [tilespmem:s19], [sflag:$0x5], $0x80, s14, s18, $0xb8;
	[tilespmem:$0x1F000] =	vst v63  }
0x76: {  	_ =	swait.ge [sflag:s16], $0x2800  }
0x77: {  	[sflag:s16] =	ssyncset.done $0x0  }
0x78: {  	s12 =	rddreg [dreg:$0xb];
	[sflag:s16] =	ssyncadd.s32 $0xFFFFD800  }
0x79: {  	[tilespmem:s19], [sflag:$0x2] =	stream.indirect.gather [hbm4b:s4+s18], $0x80, s12, s18, $0xb8;
	[tilespmem:$0x1F000] =	vst v63  }
0x7a: {  	_ =	swait.ge [sflag:s24], $0x2800  }
0x7b: {  	[sflag:s24] =	ssyncset.done $0x0  }
0x7c: {  	s13 =	rddreg [dreg:$0xc];
	[sflag:s24] =	ssyncadd.s32 $0xFFFFD800  }
0x7d: {  	[spmem:s1] =	stream.indirect.scatter.add.f32 [tilespmem:s20], [sflag:$0x5], $0x80, s13, s18, $0xb8;
	[tilespmem:$0x1F000] =	vst v63  }
0x7e: {  	_ =	swait.ge [sflag:s16], $0x2800  }
0x7f: {  	[sflag:s16] =	ssyncset.done $0x0  }
0x80: {  	s14 =	rddreg [dreg:$0xd];
	[sflag:s16] =	ssyncadd.s32 $0xFFFFD800  }
0x81: {  	[tilespmem:s20], [sflag:$0x3] =	stream.indirect.gather [hbm4b:s4+s18], $0x80, s14, s18, $0xb8;
	[tilespmem:$0x1F000] =	vst v63  }
0x82: {  	_ =	swait.ge [sflag:s25], $0x2800  }
0x83: {  	[sflag:s25] =	ssyncset.done $0x0  }
0x84: {  	s12 =	rddreg [dreg:$0xe];
	[sflag:s25] =	ssyncadd.s32 $0xFFFFD800  }
0x85: {  	[spmem:s1] =	stream.indirect.scatter.add.f32 [tilespmem:s21], [sflag:$0x5], $0x80, s12, s18, $0xb8;
	[tilespmem:$0x1F000] =	vst v63  }
0x86: {  	_ =	swait.ge [sflag:s16], $0x2800  }
0x87: {  	[sflag:s16] =	ssyncset.done $0x0  }
0x88: {  	s13 =	rddreg [dreg:$0xf];
	[sflag:s16] =	ssyncadd.s32 $0xFFFFD800  }
0x89: {  	[tilespmem:s21], [sflag:$0x4] =	stream.indirect.gather [hbm4b:s4+s18], $0x80, s13, s18, $0xb8;
	[tilespmem:$0x1F000] =	vst v63  }
0x8a: {  	_ =	swait.ge [sflag:s22], $0x2800  }
0x8b: {  	[sflag:s22] =	ssyncset.done $0x0  }
0x8c: {  	s14 =	rddreg [dreg:$0x10];
	[sflag:s22] =	ssyncadd.s32 $0xFFFFD800  }
0x8d: {  	[spmem:s1] =	stream.indirect.scatter.add.f32 [tilespmem:s15], [sflag:$0x5], $0x80, s14, s18, $0xb8;
	[tilespmem:$0x1F000] =	vst v63  }
0x8e: {  	_ =	swait.ge [sflag:s16], $0x2800  }
0x8f: {  	[sflag:s16] =	ssyncset.done $0x0  }
0x90: {  	s12 =	rddreg [dreg:$0x11];
	[sflag:s16] =	ssyncadd.s32 $0xFFFFD800  }
0x91: {  	[tilespmem:s15], [sflag:$0x1] =	stream.indirect.gather [hbm4b:s4+s18], $0x80, s12, s18, $0xb8;
	[tilespmem:$0x1F000] =	vst v63  }
0x92: {  	_ =	swait.ge [sflag:s23], $0x2800  }
0x93: {  	[sflag:s23] =	ssyncset.done $0x0  }
0x94: {  	s13 =	rddreg [dreg:$0x12];
	[sflag:s23] =	ssyncadd.s32 $0xFFFFD800  }
0x95: {  	[spmem:s1] =	stream.indirect.scatter.add.f32 [tilespmem:s19], [sflag:$0x5], $0x80, s13, s18, $0xb8;
	[tilespmem:$0x1F000] =	vst v63  }
0x96: {  	_ =	swait.ge [sflag:s16], $0x2800  }
0x97: {  	[sflag:s16] =	ssyncset.done $0x0  }
0x98: {  	s14 =	rddreg [dreg:$0x13];
	[sflag:s16] =	ssyncadd.s32 $0xFFFFD800  }
0x99: {  	[tilespmem:s19], [sflag:$0x2] =	stream.indirect.gather [hbm4b:s4+s18], $0x80, s14, s18, $0xb8;
	[tilespmem:$0x1F000] =	vst v63  }
0x9a: {  	_ =	swait.ge [sflag:s24], $0x2800  }
0x9b: {  	[sflag:s24] =	ssyncset.done $0x0  }
0x9c: {  	s12 =	rddreg [dreg:$0x14];
	[sflag:s24] =	ssyncadd.s32 $0xFFFFD800  }
0x9d: {  	[spmem:s1] =	stream.indirect.scatter.add.f32 [tilespmem:s20], [sflag:$0x5], $0x80, s12, s18, $0xb8;
	[tilespmem:$0x1F000] =	vst v63  }
0x9e: {  	_ =	swait.ge [sflag:s16], $0x2800  }
0x9f: {  	[sflag:s16] =	ssyncset.done $0x0  }
0xa0: {  	s13 =	rddreg [dreg:$0x15];
	[sflag:s16] =	ssyncadd.s32 $0xFFFFD800  }
0xa1: {  	[tilespmem:s20], [sflag:$0x3] =	stream.indirect.gather [hbm4b:s4+s18], $0x80, s13, s18, $0xb8;
	[tilespmem:$0x1F000] =	vst v63  }
0xa2: {  	_ =	swait.ge [sflag:s25], $0x2800  }
0xa3: {  	[sflag:s25] =	ssyncset.done $0x0  }
0xa4: {  	s14 =	rddreg [dreg:$0x16];
	[sflag:s25] =	ssyncadd.s32 $0xFFFFD800  }
0xa5: {  	[spmem:s1] =	stream.indirect.scatter.add.f32 [tilespmem:s21], [sflag:$0x5], $0x80, s14, s18, $0xb8;
	[tilespmem:$0x1F000] =	vst v63  }
0xa6: {  	_ =	swait.ge [sflag:s16], $0x2800  }
0xa7: {  	[sflag:s16] =	ssyncset.done $0x0  }
0xa8: {  	[sflag:s16] =	ssyncadd.s32 $0xFFFFD800  }
0xa9: {  	[tilespmem:s21], [sflag:$0x4] =	stream.indirect.gather [hbm4b:s4+s18], $0x80, s26, s18, $0xb8;
	[tilespmem:$0x1F000] =	vst v63  }
0xaa: {  	_ =	swait.ge [sflag:s22], $0x2800  }
0xab: {  	[sflag:s22] =	ssyncset.done $0x0  }
0xac: {  	[sflag:s22] =	ssyncadd.s32 $0xFFFFD800  }
0xad: {  	[spmem:s1] =	stream.indirect.scatter.add.f32 [tilespmem:s15], [sflag:$0x5], $0x80, s28, s18, $0xb8;
	[tilespmem:$0x1F000] =	vst v63  }
0xae: {  	_ =	swait.ge [sflag:s16], $0x2800  }
0xaf: {  	[sflag:s16] =	ssyncset.done $0x0  }
0xb0: {  	[sflag:s16] =	ssyncadd.s32 $0xFFFFD800  }
0xb1: {  	[tilespmem:s15], [sflag:$0x1] =	stream.indirect.gather [hbm4b:s4+s18], $0x80, s29, s18, $0xb8;
	[tilespmem:$0x1F000] =	vst v63  }
0xb2: {  	_ =	swait.ge [sflag:s23], $0x2800  }
0xb3: {  	[sflag:s23] =	ssyncset.done $0x0  }
0xb4: {  	[sflag:s23] =	ssyncadd.s32 $0xFFFFD800  }
0xb5: {  	[spmem:s1] =	stream.indirect.scatter.add.f32 [tilespmem:s19], [sflag:$0x5], $0x80, s30, s18, $0xb8;
	[tilespmem:$0x1F000] =	vst v63  }
0xb6: {  	_ =	swait.ge [sflag:s16], $0x2800  }
0xb7: {  	[sflag:s16] =	ssyncset.done $0x0  }
0xb8: {  	[sflag:s16] =	ssyncadd.s32 $0xFFFFD800  }
0xb9: {  	[tilespmem:s19], [sflag:$0x2] =	stream.indirect.gather [hbm4b:s4+s18], $0x80, s31, s18, $0xb8;
	[tilespmem:$0x1F000] =	vst v63  }
0xba: {  	_ =	swait.ge [sflag:s24], $0x2800  }
0xbb: {  	[sflag:s24] =	ssyncset.done $0x0  }
0xbc: {  	[sflag:s24] =	ssyncadd.s32 $0xFFFFD800  }
0xbd: {  	[spmem:s1] =	stream.indirect.scatter.add.f32 [tilespmem:s20], [sflag:$0x5], $0x80, s0, s18, $0xb8;
	[tilespmem:$0x1F000] =	vst v63  }
0xbe: {  	_ =	swait.ge [sflag:s16], $0x2800  }
0xbf: {  	[sflag:s16] =	ssyncset.done $0x0  }
0xc0: {  	[sflag:s16] =	ssyncadd.s32 $0xFFFFD800  }
0xc1: {  	[tilespmem:s20], [sflag:$0x3] =	stream.indirect.gather [hbm4b:s4+s18], $0x80, s2, s18, $0xb8;
	[tilespmem:$0x1F000] =	vst v63  }
0xc2: {  	_ =	swait.ge [sflag:s25], $0x2800  }
0xc3: {  	[sflag:s25] =	ssyncset.done $0x0  }
0xc4: {  	[sflag:s25] =	ssyncadd.s32 $0xFFFFD800  }
0xc5: {  	[spmem:s1] =	stream.indirect.scatter.add.f32 [tilespmem:s21], [sflag:$0x5], $0x80, s6, s18, $0xb8;
	[tilespmem:$0x1F000] =	vst v63  }
0xc6: {  	_ =	swait.ge [sflag:s16], $0x2800  }
0xc7: {  	[sflag:s16] =	ssyncset.done $0x0  }
0xc8: {  	[sflag:s16] =	ssyncadd.s32 $0xFFFFD800  }
0xc9: {  	[tilespmem:s21], [sflag:$0x4] =	stream.indirect.gather [hbm4b:s4+s18], $0x80, s7, s18, $0xb8;
	[tilespmem:$0x1F000] =	vst v63  }
0xca: {  	_ =	swait.ge [sflag:s22], $0x2800  }
0xcb: {  	[sflag:s22] =	ssyncset.done $0x0  }
0xcc: {  	[sflag:s22] =	ssyncadd.s32 $0xFFFFD800  }
0xcd: {  	[spmem:s1] =	stream.indirect.scatter.add.f32 [tilespmem:s15], [sflag:$0x5], $0x80, s8, s18, $0xb8;
	[tilespmem:$0x1F000] =	vst v63  }
0xce: {  	_ =	swait.ge [sflag:s16], $0x2800  }
0xcf: {  	[sflag:s16] =	ssyncset.done $0x0  }
0xd0: {  	[sflag:s16] =	ssyncadd.s32 $0xFFFFD800  }
0xd1: {  	_ =	swait.ge [sflag:s23], $0x2800  }
0xd2: {  	[sflag:s23] =	ssyncset.done $0x0  }
0xd3: {  	[sflag:s23] =	ssyncadd.s32 $0xFFFFD800  }
0xd4: {  	[spmem:s1] =	stream.indirect.scatter.add.f32 [tilespmem:s19], [sflag:$0x5], $0x80, s9, s18, $0xb8;
	[tilespmem:$0x1F000] =	vst v63  }
0xd5: {  	_ =	swait.ge [sflag:s16], $0x2800  }
0xd6: {  	[sflag:s16] =	ssyncset.done $0x0  }
0xd7: {  	[sflag:s16] =	ssyncadd.s32 $0xFFFFD800  }
0xd8: {  	_ =	swait.ge [sflag:s24], $0x2800  }
0xd9: {  	[sflag:s24] =	ssyncset.done $0x0  }
0xda: {  	[sflag:s24] =	ssyncadd.s32 $0xFFFFD800  }
0xdb: {  	[spmem:s1] =	stream.indirect.scatter.add.f32 [tilespmem:s20], [sflag:$0x5], $0x80, s10, s18, $0xb8;
	[tilespmem:$0x1F000] =	vst v63  }
0xdc: {  	_ =	swait.ge [sflag:s16], $0x2800  }
0xdd: {  	[sflag:s16] =	ssyncset.done $0x0  }
0xde: {  	[sflag:s16] =	ssyncadd.s32 $0xFFFFD800  }
0xdf: {  	_ =	swait.ge [sflag:s25], $0x2800  }
0xe0: {  	[sflag:s25] =	ssyncset.done $0x0  }
0xe1: {  	[sflag:s25] =	ssyncadd.s32 $0xFFFFD800  }
0xe2: {  	[spmem:s1] =	stream.indirect.scatter.add.f32 [tilespmem:s21], [sflag:$0x5], $0x80, s11, s18, $0xb8;
	[tilespmem:$0x1F000] =	vst v63  }
0xe3: {  	s13 =	simm.s32 $0x100;
	_ =	swait.ge [sflag:s16], $0x2800  }
0xe4: {  	s14 =	simm.s32 $0x200;
	s5 =	rddreg [dreg:$0x5];
	[sflag:s16] =	ssyncset.done $0x0  }
.LBB2_4:
0xe5: {  	[sflag:s16] =	ssyncadd.s32 $0xFFFFD800;
	s5 =	sadd.s32 s13, s5  }
0xe6: {  	[tilespmem:s3], [sflag:$0x5] =	stream.linear.gather [hbm4b:s5+s3], $0x800, $0x38;
	[tilespmem:$0x1F000] =	vst v63  }
0xe7: {  	_ =	swait.ge [sflag:s16], $0x800  }
0xe8: {  	s5 =	rddreg [dreg:$0x4];
	[sflag:s16] =	ssyncset.done $0x0  }
0xe9: {  	[sflag:s16] =	ssyncadd.s32 $0xFFFFF800;
	s5 =	sadd.s32 s13, s5  }
0xea: {  	[tilespmem:s17], [sflag:$0x5] =	stream.linear.gather [hbm4b:s5+s3], $0x800, $0x38;
	[tilespmem:$0x1F000] =	vst v63  }
0xeb: {  	_ =	swait.ge [sflag:s16], $0x800  }
0xec: {  	[sflag:s16] =	ssyncset.done $0x0  }
0xed: {  	[sflag:s16] =	ssyncadd.s32 $0xFFFFF800  }
0xee: {  	[tilespmem:s15], [sflag:$0x1] =	stream.indirect.gather [hbm4b:s4+s18], $0x80, s3, s18, $0xb8;
	[tilespmem:$0x1F000] =	vst v63  }
0xef: {  	s12 =	smov.u32 s14;
	s5 =	rddreg [dreg:$0x6]  }
0xf0: {  	[tilespmem:s19], [sflag:$0x2] =	stream.indirect.gather [hbm4b:s4+s18], $0x80, s5, s18, $0xb8;
	[tilespmem:$0x1F000] =	vst v63  }
0xf1: {  	s13 =	smov.u32 s12;
	s12 =	rddreg [dreg:$0x7]  }
0xf2: {  	[tilespmem:s20], [sflag:$0x3] =	stream.indirect.gather [hbm4b:s4+s18], $0x80, s12, s18, $0xb8;
	[tilespmem:$0x1F000] =	vst v63  }
0xf3: {  	s5 =	rddreg [dreg:$0x8]  }
0xf4: {  	[tilespmem:s21], [sflag:$0x4] =	stream.indirect.gather [hbm4b:s4+s18], $0x80, s5, s18, $0xb8;
	[tilespmem:$0x1F000] =	vst v63  }
0xf5: {  	_ =	swait.ge [sflag:s22], $0x2800  }
0xf6: {  	[sflag:s22] =	ssyncset.done $0x0  }
0xf7: {  	[sflag:s22] =	ssyncadd.s32 $0xFFFFD800  }
0xf8: {  	[spmem:s1] =	stream.indirect.scatter.add.f32 [tilespmem:s15], [sflag:$0x5], $0x80, s17, s18, $0xb8;
	[tilespmem:$0x1F000] =	vst v63  }
0xf9: {  	_ =	swait.ge [sflag:s16], $0x2800  }
0xfa: {  	[sflag:s16] =	ssyncset.done $0x0  }
0xfb: {  	s12 =	rddreg [dreg:$0x9];
	[sflag:s16] =	ssyncadd.s32 $0xFFFFD800  }
0xfc: {  	[tilespmem:s15], [sflag:$0x1] =	stream.indirect.gather [hbm4b:s4+s18], $0x80, s12, s18, $0xb8;
	[tilespmem:$0x1F000] =	vst v63  }
0xfd: {  	_ =	swait.ge [sflag:s23], $0x2800  }
0xfe: {  	[sflag:s23] =	ssyncset.done $0x0  }
0xff: {  	s12 =	rddreg [dreg:$0xa];
	[sflag:s23] =	ssyncadd.s32 $0xFFFFD800  }
0x100: {  	[spmem:s1] =	stream.indirect.scatter.add.f32 [tilespmem:s19], [sflag:$0x5], $0x80, s12, s18, $0xb8;
	[tilespmem:$0x1F000] =	vst v63  }
0x101: {  	_ =	swait.ge [sflag:s16], $0x2800  }
0x102: {  	[sflag:s16] =	ssyncset.done $0x0  }
0x103: {  	s12 =	rddreg [dreg:$0xb];
	[sflag:s16] =	ssyncadd.s32 $0xFFFFD800  }
0x104: {  	[tilespmem:s19], [sflag:$0x2] =	stream.indirect.gather [hbm4b:s4+s18], $0x80, s12, s18, $0xb8;
	[tilespmem:$0x1F000] =	vst v63  }
0x105: {  	_ =	swait.ge [sflag:s24], $0x2800  }
0x106: {  	[sflag:s24] =	ssyncset.done $0x0  }
0x107: {  	s12 =	rddreg [dreg:$0xc];
	[sflag:s24] =	ssyncadd.s32 $0xFFFFD800  }
0x108: {  	[spmem:s1] =	stream.indirect.scatter.add.f32 [tilespmem:s20], [sflag:$0x5], $0x80, s12, s18, $0xb8;
	[tilespmem:$0x1F000] =	vst v63  }
0x109: {  	_ =	swait.ge [sflag:s16], $0x2800  }
0x10a: {  	[sflag:s16] =	ssyncset.done $0x0  }
0x10b: {  	s12 =	rddreg [dreg:$0xd];
	[sflag:s16] =	ssyncadd.s32 $0xFFFFD800  }
0x10c: {  	[tilespmem:s20], [sflag:$0x3] =	stream.indirect.gather [hbm4b:s4+s18], $0x80, s12, s18, $0xb8;
	[tilespmem:$0x1F000] =	vst v63  }
0x10d: {  	_ =	swait.ge [sflag:s25], $0x2800  }
0x10e: {  	[sflag:s25] =	ssyncset.done $0x0  }
0x10f: {  	s12 =	rddreg [dreg:$0xe];
	[sflag:s25] =	ssyncadd.s32 $0xFFFFD800  }
0x110: {  	[spmem:s1] =	stream.indirect.scatter.add.f32 [tilespmem:s21], [sflag:$0x5], $0x80, s12, s18, $0xb8;
	[tilespmem:$0x1F000] =	vst v63  }
0x111: {  	_ =	swait.ge [sflag:s16], $0x2800  }
0x112: {  	[sflag:s16] =	ssyncset.done $0x0  }
0x113: {  	s12 =	rddreg [dreg:$0xf];
	[sflag:s16] =	ssyncadd.s32 $0xFFFFD800  }
0x114: {  	[tilespmem:s21], [sflag:$0x4] =	stream.indirect.gather [hbm4b:s4+s18], $0x80, s12, s18, $0xb8;
	[tilespmem:$0x1F000] =	vst v63  }
0x115: {  	_ =	swait.ge [sflag:s22], $0x2800  }
0x116: {  	[sflag:s22] =	ssyncset.done $0x0  }
0x117: {  	s12 =	rddreg [dreg:$0x10];
	[sflag:s22] =	ssyncadd.s32 $0xFFFFD800  }
0x118: {  	[spmem:s1] =	stream.indirect.scatter.add.f32 [tilespmem:s15], [sflag:$0x5], $0x80, s12, s18, $0xb8;
	[tilespmem:$0x1F000] =	vst v63  }
0x119: {  	_ =	swait.ge [sflag:s16], $0x2800  }
0x11a: {  	[sflag:s16] =	ssyncset.done $0x0  }
0x11b: {  	s12 =	rddreg [dreg:$0x11];
	[sflag:s16] =	ssyncadd.s32 $0xFFFFD800  }
0x11c: {  	[tilespmem:s15], [sflag:$0x1] =	stream.indirect.gather [hbm4b:s4+s18], $0x80, s12, s18, $0xb8;
	[tilespmem:$0x1F000] =	vst v63  }
0x11d: {  	_ =	swait.ge [sflag:s23], $0x2800  }
0x11e: {  	[sflag:s23] =	ssyncset.done $0x0  }
0x11f: {  	s12 =	rddreg [dreg:$0x12];
	[sflag:s23] =	ssyncadd.s32 $0xFFFFD800  }
0x120: {  	[spmem:s1] =	stream.indirect.scatter.add.f32 [tilespmem:s19], [sflag:$0x5], $0x80, s12, s18, $0xb8;
	[tilespmem:$0x1F000] =	vst v63  }
0x121: {  	_ =	swait.ge [sflag:s16], $0x2800  }
0x122: {  	[sflag:s16] =	ssyncset.done $0x0  }
0x123: {  	s12 =	rddreg [dreg:$0x13];
	[sflag:s16] =	ssyncadd.s32 $0xFFFFD800  }
0x124: {  	[tilespmem:s19], [sflag:$0x2] =	stream.indirect.gather [hbm4b:s4+s18], $0x80, s12, s18, $0xb8;
	[tilespmem:$0x1F000] =	vst v63  }
0x125: {  	_ =	swait.ge [sflag:s24], $0x2800  }
0x126: {  	[sflag:s24] =	ssyncset.done $0x0  }
0x127: {  	s12 =	rddreg [dreg:$0x14];
	[sflag:s24] =	ssyncadd.s32 $0xFFFFD800  }
0x128: {  	[spmem:s1] =	stream.indirect.scatter.add.f32 [tilespmem:s20], [sflag:$0x5], $0x80, s12, s18, $0xb8;
	[tilespmem:$0x1F000] =	vst v63  }
0x129: {  	_ =	swait.ge [sflag:s16], $0x2800  }
0x12a: {  	[sflag:s16] =	ssyncset.done $0x0  }
0x12b: {  	s12 =	rddreg [dreg:$0x15];
	[sflag:s16] =	ssyncadd.s32 $0xFFFFD800  }
0x12c: {  	[tilespmem:s20], [sflag:$0x3] =	stream.indirect.gather [hbm4b:s4+s18], $0x80, s12, s18, $0xb8;
	[tilespmem:$0x1F000] =	vst v63  }
0x12d: {  	_ =	swait.ge [sflag:s25], $0x2800  }
0x12e: {  	[sflag:s25] =	ssyncset.done $0x0  }
0x12f: {  	s12 =	rddreg [dreg:$0x16];
	[sflag:s25] =	ssyncadd.s32 $0xFFFFD800  }
0x130: {  	[spmem:s1] =	stream.indirect.scatter.add.f32 [tilespmem:s21], [sflag:$0x5], $0x80, s12, s18, $0xb8;
	[tilespmem:$0x1F000] =	vst v63  }
0x131: {  	_ =	swait.ge [sflag:s16], $0x2800  }
0x132: {  	[sflag:s16] =	ssyncset.done $0x0  }
0x133: {  	[sflag:s16] =	ssyncadd.s32 $0xFFFFD800  }
0x134: {  	[tilespmem:s21], [sflag:$0x4] =	stream.indirect.gather [hbm4b:s4+s18], $0x80, s26, s18, $0xb8;
	[tilespmem:$0x1F000] =	vst v63  }
0x135: {  	_ =	swait.ge [sflag:s22], $0x2800  }
0x136: {  	[sflag:s22] =	ssyncset.done $0x0  }
0x137: {  	[sflag:s22] =	ssyncadd.s32 $0xFFFFD800  }
0x138: {  	[spmem:s1] =	stream.indirect.scatter.add.f32 [tilespmem:s15], [sflag:$0x5], $0x80, s28, s18, $0xb8;
	[tilespmem:$0x1F000] =	vst v63  }
0x139: {  	_ =	swait.ge [sflag:s16], $0x2800  }
0x13a: {  	[sflag:s16] =	ssyncset.done $0x0  }
0x13b: {  	[sflag:s16] =	ssyncadd.s32 $0xFFFFD800  }
0x13c: {  	[tilespmem:s15], [sflag:$0x1] =	stream.indirect.gather [hbm4b:s4+s18], $0x80, s29, s18, $0xb8;
	[tilespmem:$0x1F000] =	vst v63  }
0x13d: {  	_ =	swait.ge [sflag:s23], $0x2800  }
0x13e: {  	[sflag:s23] =	ssyncset.done $0x0  }
0x13f: {  	[sflag:s23] =	ssyncadd.s32 $0xFFFFD800  }
0x140: {  	[spmem:s1] =	stream.indirect.scatter.add.f32 [tilespmem:s19], [sflag:$0x5], $0x80, s30, s18, $0xb8;
	[tilespmem:$0x1F000] =	vst v63  }
0x141: {  	_ =	swait.ge [sflag:s16], $0x2800  }
0x142: {  	[sflag:s16] =	ssyncset.done $0x0  }
0x143: {  	[sflag:s16] =	ssyncadd.s32 $0xFFFFD800  }
0x144: {  	[tilespmem:s19], [sflag:$0x2] =	stream.indirect.gather [hbm4b:s4+s18], $0x80, s31, s18, $0xb8;
	[tilespmem:$0x1F000] =	vst v63  }
0x145: {  	_ =	swait.ge [sflag:s24], $0x2800  }
0x146: {  	[sflag:s24] =	ssyncset.done $0x0  }
0x147: {  	[sflag:s24] =	ssyncadd.s32 $0xFFFFD800  }
0x148: {  	[spmem:s1] =	stream.indirect.scatter.add.f32 [tilespmem:s20], [sflag:$0x5], $0x80, s0, s18, $0xb8;
	[tilespmem:$0x1F000] =	vst v63  }
0x149: {  	_ =	swait.ge [sflag:s16], $0x2800  }
0x14a: {  	[sflag:s16] =	ssyncset.done $0x0  }
0x14b: {  	[sflag:s16] =	ssyncadd.s32 $0xFFFFD800  }
0x14c: {  	[tilespmem:s20], [sflag:$0x3] =	stream.indirect.gather [hbm4b:s4+s18], $0x80, s2, s18, $0xb8;
	[tilespmem:$0x1F000] =	vst v63  }
0x14d: {  	_ =	swait.ge [sflag:s25], $0x2800  }
0x14e: {  	[sflag:s25] =	ssyncset.done $0x0  }
0x14f: {  	[sflag:s25] =	ssyncadd.s32 $0xFFFFD800  }
0x150: {  	[spmem:s1] =	stream.indirect.scatter.add.f32 [tilespmem:s21], [sflag:$0x5], $0x80, s6, s18, $0xb8;
	[tilespmem:$0x1F000] =	vst v63  }
0x151: {  	_ =	swait.ge [sflag:s16], $0x2800  }
0x152: {  	[sflag:s16] =	ssyncset.done $0x0  }
0x153: {  	[sflag:s16] =	ssyncadd.s32 $0xFFFFD800  }
0x154: {  	[tilespmem:s21], [sflag:$0x4] =	stream.indirect.gather [hbm4b:s4+s18], $0x80, s7, s18, $0xb8;
	[tilespmem:$0x1F000] =	vst v63  }
0x155: {  	_ =	swait.ge [sflag:s22], $0x2800  }
0x156: {  	[sflag:s22] =	ssyncset.done $0x0  }
0x157: {  	[sflag:s22] =	ssyncadd.s32 $0xFFFFD800  }
0x158: {  	[spmem:s1] =	stream.indirect.scatter.add.f32 [tilespmem:s15], [sflag:$0x5], $0x80, s8, s18, $0xb8;
	[tilespmem:$0x1F000] =	vst v63  }
0x159: {  	_ =	swait.ge [sflag:s16], $0x2800  }
0x15a: {  	[sflag:s16] =	ssyncset.done $0x0  }
0x15b: {  	[sflag:s16] =	ssyncadd.s32 $0xFFFFD800  }
0x15c: {  	_ =	swait.ge [sflag:s23], $0x2800  }
0x15d: {  	[sflag:s23] =	ssyncset.done $0x0  }
0x15e: {  	[sflag:s23] =	ssyncadd.s32 $0xFFFFD800  }
0x15f: {  	[spmem:s1] =	stream.indirect.scatter.add.f32 [tilespmem:s19], [sflag:$0x5], $0x80, s9, s18, $0xb8;
	[tilespmem:$0x1F000] =	vst v63  }
0x160: {  	_ =	swait.ge [sflag:s16], $0x2800  }
0x161: {  	[sflag:s16] =	ssyncset.done $0x0  }
0x162: {  	[sflag:s16] =	ssyncadd.s32 $0xFFFFD800  }
0x163: {  	_ =	swait.ge [sflag:s24], $0x2800  }
0x164: {  	[sflag:s24] =	ssyncset.done $0x0  }
0x165: {  	[sflag:s24] =	ssyncadd.s32 $0xFFFFD800  }
0x166: {  	[spmem:s1] =	stream.indirect.scatter.add.f32 [tilespmem:s20], [sflag:$0x5], $0x80, s10, s18, $0xb8;
	[tilespmem:$0x1F000] =	vst v63  }
0x167: {  	_ =	swait.ge [sflag:s16], $0x2800  }
0x168: {  	[sflag:s16] =	ssyncset.done $0x0  }
0x169: {  	[sflag:s16] =	ssyncadd.s32 $0xFFFFD800  }
0x16a: {  	p0 =	sne.s32 s14, $0x700;
	_ =	swait.ge [sflag:s25], $0x2800  }
.Ltmp1:
0x16b: {  	[sflag:s25] =	ssyncset.done $0x0;
	(pc) =	sbr.rel @p0 .LBB2_4-.Ltmp1, $4  }
0x16c: {  	[sflag:s25] =	ssyncadd.s32 $0xFFFFD800  }
0x16d: {  	[spmem:s1] =	stream.indirect.scatter.add.f32 [tilespmem:s21], [sflag:$0x5], $0x80, s11, s18, $0xb8;
	[tilespmem:$0x1F000] =	vst v63  }
0x16e: {  	_ =	swait.ge [sflag:s16], $0x2800  }
0x16f: {  	s14 =	sadd.s32 $0x100, s14;
	s5 =	rddreg [dreg:$0x5];
	[sflag:s16] =	ssyncset.done $0x0  }
0x170: {  	[sflag:s16] =	ssyncadd.s32 $0xFFFFD800;
	s5 =	sadd.s32 s13, s5  }
0x171: {  	[tilespmem:s3], [sflag:$0x5] =	stream.linear.gather [hbm4b:s5+s3], $0x800, $0x38;
	[tilespmem:$0x1F000] =	vst v63  }
0x172: {  	_ =	swait.ge [sflag:s16], $0x800  }
0x173: {  	s12 =	rddreg [dreg:$0x4];
	[sflag:s16] =	ssyncset.done $0x0  }
0x174: {  	[sflag:s16] =	ssyncadd.s32 $0xFFFFF800;
	s5 =	sadd.s32 s13, s12  }
0x175: {  	[tilespmem:s17], [sflag:$0x5] =	stream.linear.gather [hbm4b:s5+s3], $0x800, $0x38;
	[tilespmem:$0x1F000] =	vst v63  }
0x176: {  	_ =	swait.ge [sflag:s16], $0x800  }
0x177: {  	[sflag:s16] =	ssyncset.done $0x0  }
0x178: {  	[sflag:s16] =	ssyncadd.s32 $0xFFFFF800  }
0x179: {  	[tilespmem:s15], [sflag:$0x1] =	stream.indirect.gather [hbm4b:s4+s18], $0x80, s3, s18, $0xb8;
	[tilespmem:$0x1F000] =	vst v63  }
0x17a: {  	s13 =	rddreg [dreg:$0x6]  }
0x17b: {  	[tilespmem:s19], [sflag:$0x2] =	stream.indirect.gather [hbm4b:s4+s18], $0x80, s13, s18, $0xb8;
	[tilespmem:$0x1F000] =	vst v63  }
0x17c: {  	s12 =	rddreg [dreg:$0x7]  }
0x17d: {  	[tilespmem:s20], [sflag:$0x3] =	stream.indirect.gather [hbm4b:s4+s18], $0x80, s12, s18, $0xb8;
	[tilespmem:$0x1F000] =	vst v63  }
0x17e: {  	s14 =	rddreg [dreg:$0x8]  }
0x17f: {  	[tilespmem:s21], [sflag:$0x4] =	stream.indirect.gather [hbm4b:s4+s18], $0x80, s14, s18, $0xb8;
	[tilespmem:$0x1F000] =	vst v63  }
0x180: {  	_ =	swait.ge [sflag:s22], $0x2800  }
0x181: {  	[sflag:s22] =	ssyncset.done $0x0  }
0x182: {  	[sflag:s22] =	ssyncadd.s32 $0xFFFFD800  }
0x183: {  	[spmem:s1] =	stream.indirect.scatter.add.f32 [tilespmem:s15], [sflag:$0x5], $0x80, s17, s18, $0xb8;
	[tilespmem:$0x1F000] =	vst v63  }
0x184: {  	_ =	swait.ge [sflag:s16], $0x2800  }
0x185: {  	[sflag:s16] =	ssyncset.done $0x0  }
0x186: {  	s13 =	rddreg [dreg:$0x9];
	[sflag:s16] =	ssyncadd.s32 $0xFFFFD800  }
0x187: {  	[tilespmem:s15], [sflag:$0x1] =	stream.indirect.gather [hbm4b:s4+s18], $0x80, s13, s18, $0xb8;
	[tilespmem:$0x1F000] =	vst v63  }
0x188: {  	_ =	swait.ge [sflag:s23], $0x2800  }
0x189: {  	[sflag:s23] =	ssyncset.done $0x0  }
0x18a: {  	s14 =	rddreg [dreg:$0xa];
	[sflag:s23] =	ssyncadd.s32 $0xFFFFD800  }
0x18b: {  	[spmem:s1] =	stream.indirect.scatter.add.f32 [tilespmem:s19], [sflag:$0x5], $0x80, s14, s18, $0xb8;
	[tilespmem:$0x1F000] =	vst v63  }
0x18c: {  	_ =	swait.ge [sflag:s16], $0x2800  }
0x18d: {  	[sflag:s16] =	ssyncset.done $0x0  }
0x18e: {  	s12 =	rddreg [dreg:$0xb];
	[sflag:s16] =	ssyncadd.s32 $0xFFFFD800  }
0x18f: {  	[tilespmem:s19], [sflag:$0x2] =	stream.indirect.gather [hbm4b:s4+s18], $0x80, s12, s18, $0xb8;
	[tilespmem:$0x1F000] =	vst v63  }
0x190: {  	_ =	swait.ge [sflag:s24], $0x2800  }
0x191: {  	[sflag:s24] =	ssyncset.done $0x0  }
0x192: {  	s13 =	rddreg [dreg:$0xc];
	[sflag:s24] =	ssyncadd.s32 $0xFFFFD800  }
0x193: {  	[spmem:s1] =	stream.indirect.scatter.add.f32 [tilespmem:s20], [sflag:$0x5], $0x80, s13, s18, $0xb8;
	[tilespmem:$0x1F000] =	vst v63  }
0x194: {  	_ =	swait.ge [sflag:s16], $0x2800  }
0x195: {  	[sflag:s16] =	ssyncset.done $0x0  }
0x196: {  	s14 =	rddreg [dreg:$0xd];
	[sflag:s16] =	ssyncadd.s32 $0xFFFFD800  }
0x197: {  	[tilespmem:s20], [sflag:$0x3] =	stream.indirect.gather [hbm4b:s4+s18], $0x80, s14, s18, $0xb8;
	[tilespmem:$0x1F000] =	vst v63  }
0x198: {  	_ =	swait.ge [sflag:s25], $0x2800  }
0x199: {  	[sflag:s25] =	ssyncset.done $0x0  }
0x19a: {  	s12 =	rddreg [dreg:$0xe];
	[sflag:s25] =	ssyncadd.s32 $0xFFFFD800  }
0x19b: {  	[spmem:s1] =	stream.indirect.scatter.add.f32 [tilespmem:s21], [sflag:$0x5], $0x80, s12, s18, $0xb8;
	[tilespmem:$0x1F000] =	vst v63  }
0x19c: {  	_ =	swait.ge [sflag:s16], $0x2800  }
0x19d: {  	[sflag:s16] =	ssyncset.done $0x0  }
0x19e: {  	s13 =	rddreg [dreg:$0xf];
	[sflag:s16] =	ssyncadd.s32 $0xFFFFD800  }
0x19f: {  	[tilespmem:s21], [sflag:$0x4] =	stream.indirect.gather [hbm4b:s4+s18], $0x80, s13, s18, $0xb8;
	[tilespmem:$0x1F000] =	vst v63  }
0x1a0: {  	_ =	swait.ge [sflag:s22], $0x2800  }
0x1a1: {  	[sflag:s22] =	ssyncset.done $0x0  }
0x1a2: {  	s14 =	rddreg [dreg:$0x10];
	[sflag:s22] =	ssyncadd.s32 $0xFFFFD800  }
0x1a3: {  	[spmem:s1] =	stream.indirect.scatter.add.f32 [tilespmem:s15], [sflag:$0x5], $0x80, s14, s18, $0xb8;
	[tilespmem:$0x1F000] =	vst v63  }
0x1a4: {  	_ =	swait.ge [sflag:s16], $0x2800  }
0x1a5: {  	[sflag:s16] =	ssyncset.done $0x0  }
0x1a6: {  	s12 =	rddreg [dreg:$0x11];
	[sflag:s16] =	ssyncadd.s32 $0xFFFFD800  }
0x1a7: {  	[tilespmem:s15], [sflag:$0x1] =	stream.indirect.gather [hbm4b:s4+s18], $0x80, s12, s18, $0xb8;
	[tilespmem:$0x1F000] =	vst v63  }
0x1a8: {  	_ =	swait.ge [sflag:s23], $0x2800  }
0x1a9: {  	[sflag:s23] =	ssyncset.done $0x0  }
0x1aa: {  	s13 =	rddreg [dreg:$0x12];
	[sflag:s23] =	ssyncadd.s32 $0xFFFFD800  }
0x1ab: {  	[spmem:s1] =	stream.indirect.scatter.add.f32 [tilespmem:s19], [sflag:$0x5], $0x80, s13, s18, $0xb8;
	[tilespmem:$0x1F000] =	vst v63  }
0x1ac: {  	_ =	swait.ge [sflag:s16], $0x2800  }
0x1ad: {  	[sflag:s16] =	ssyncset.done $0x0  }
0x1ae: {  	s14 =	rddreg [dreg:$0x13];
	[sflag:s16] =	ssyncadd.s32 $0xFFFFD800  }
0x1af: {  	[tilespmem:s19], [sflag:$0x2] =	stream.indirect.gather [hbm4b:s4+s18], $0x80, s14, s18, $0xb8;
	[tilespmem:$0x1F000] =	vst v63  }
0x1b0: {  	_ =	swait.ge [sflag:s24], $0x2800  }
0x1b1: {  	[sflag:s24] =	ssyncset.done $0x0  }
0x1b2: {  	s12 =	rddreg [dreg:$0x14];
	[sflag:s24] =	ssyncadd.s32 $0xFFFFD800  }
0x1b3: {  	[spmem:s1] =	stream.indirect.scatter.add.f32 [tilespmem:s20], [sflag:$0x5], $0x80, s12, s18, $0xb8;
	[tilespmem:$0x1F000] =	vst v63  }
0x1b4: {  	_ =	swait.ge [sflag:s16], $0x2800  }
0x1b5: {  	[sflag:s16] =	ssyncset.done $0x0  }
0x1b6: {  	s13 =	rddreg [dreg:$0x15];
	[sflag:s16] =	ssyncadd.s32 $0xFFFFD800  }
0x1b7: {  	[tilespmem:s20], [sflag:$0x3] =	stream.indirect.gather [hbm4b:s4+s18], $0x80, s13, s18, $0xb8;
	[tilespmem:$0x1F000] =	vst v63  }
0x1b8: {  	_ =	swait.ge [sflag:s25], $0x2800  }
0x1b9: {  	[sflag:s25] =	ssyncset.done $0x0  }
0x1ba: {  	s14 =	rddreg [dreg:$0x16];
	[sflag:s25] =	ssyncadd.s32 $0xFFFFD800  }
0x1bb: {  	[spmem:s1] =	stream.indirect.scatter.add.f32 [tilespmem:s21], [sflag:$0x5], $0x80, s14, s18, $0xb8;
	[tilespmem:$0x1F000] =	vst v63  }
0x1bc: {  	_ =	swait.ge [sflag:s16], $0x2800  }
0x1bd: {  	[sflag:s16] =	ssyncset.done $0x0  }
0x1be: {  	[sflag:s16] =	ssyncadd.s32 $0xFFFFD800  }
0x1bf: {  	[tilespmem:s21], [sflag:$0x4] =	stream.indirect.gather [hbm4b:s4+s18], $0x80, s26, s18, $0xb8;
	[tilespmem:$0x1F000] =	vst v63  }
0x1c0: {  	_ =	swait.ge [sflag:s22], $0x2800  }
0x1c1: {  	[sflag:s22] =	ssyncset.done $0x0  }
0x1c2: {  	[sflag:s22] =	ssyncadd.s32 $0xFFFFD800  }
0x1c3: {  	[spmem:s1] =	stream.indirect.scatter.add.f32 [tilespmem:s15], [sflag:$0x5], $0x80, s28, s18, $0xb8;
	[tilespmem:$0x1F000] =	vst v63  }
0x1c4: {  	_ =	swait.ge [sflag:s16], $0x2800  }
0x1c5: {  	[sflag:s16] =	ssyncset.done $0x0  }
0x1c6: {  	[sflag:s16] =	ssyncadd.s32 $0xFFFFD800  }
0x1c7: {  	[tilespmem:s15], [sflag:$0x1] =	stream.indirect.gather [hbm4b:s4+s18], $0x80, s29, s18, $0xb8;
	[tilespmem:$0x1F000] =	vst v63  }
0x1c8: {  	_ =	swait.ge [sflag:s23], $0x2800  }
0x1c9: {  	[sflag:s23] =	ssyncset.done $0x0  }
0x1ca: {  	[sflag:s23] =	ssyncadd.s32 $0xFFFFD800  }
0x1cb: {  	[spmem:s1] =	stream.indirect.scatter.add.f32 [tilespmem:s19], [sflag:$0x5], $0x80, s30, s18, $0xb8;
	[tilespmem:$0x1F000] =	vst v63  }
0x1cc: {  	_ =	swait.ge [sflag:s16], $0x2800  }
0x1cd: {  	[sflag:s16] =	ssyncset.done $0x0  }
0x1ce: {  	[sflag:s16] =	ssyncadd.s32 $0xFFFFD800  }
0x1cf: {  	[tilespmem:s19], [sflag:$0x2] =	stream.indirect.gather [hbm4b:s4+s18], $0x80, s31, s18, $0xb8;
	[tilespmem:$0x1F000] =	vst v63  }
0x1d0: {  	_ =	swait.ge [sflag:s24], $0x2800  }
0x1d1: {  	[sflag:s24] =	ssyncset.done $0x0  }
0x1d2: {  	[sflag:s24] =	ssyncadd.s32 $0xFFFFD800  }
0x1d3: {  	[spmem:s1] =	stream.indirect.scatter.add.f32 [tilespmem:s20], [sflag:$0x5], $0x80, s0, s18, $0xb8;
	[tilespmem:$0x1F000] =	vst v63  }
0x1d4: {  	_ =	swait.ge [sflag:s16], $0x2800  }
0x1d5: {  	[sflag:s16] =	ssyncset.done $0x0  }
0x1d6: {  	[sflag:s16] =	ssyncadd.s32 $0xFFFFD800  }
0x1d7: {  	[tilespmem:s20], [sflag:$0x3] =	stream.indirect.gather [hbm4b:s4+s18], $0x80, s2, s18, $0xb8;
	[tilespmem:$0x1F000] =	vst v63  }
0x1d8: {  	_ =	swait.ge [sflag:s25], $0x2800  }
0x1d9: {  	[sflag:s25] =	ssyncset.done $0x0  }
0x1da: {  	[sflag:s25] =	ssyncadd.s32 $0xFFFFD800  }
0x1db: {  	[spmem:s1] =	stream.indirect.scatter.add.f32 [tilespmem:s21], [sflag:$0x5], $0x80, s6, s18, $0xb8;
	[tilespmem:$0x1F000] =	vst v63  }
0x1dc: {  	_ =	swait.ge [sflag:s16], $0x2800  }
0x1dd: {  	[sflag:s16] =	ssyncset.done $0x0  }
0x1de: {  	[sflag:s16] =	ssyncadd.s32 $0xFFFFD800  }
0x1df: {  	[tilespmem:s21], [sflag:$0x4] =	stream.indirect.gather [hbm4b:s4+s18], $0x80, s7, s18, $0xb8;
	[tilespmem:$0x1F000] =	vst v63  }
0x1e0: {  	_ =	swait.ge [sflag:s22], $0x2800  }
0x1e1: {  	[sflag:s22] =	ssyncset.done $0x0  }
0x1e2: {  	[sflag:s22] =	ssyncadd.s32 $0xFFFFD800  }
0x1e3: {  	[spmem:s1] =	stream.indirect.scatter.add.f32 [tilespmem:s15], [sflag:$0x5], $0x80, s8, s18, $0xb8;
	[tilespmem:$0x1F000] =	vst v63  }
0x1e4: {  	_ =	swait.ge [sflag:s16], $0x2800  }
0x1e5: {  	[sflag:s16] =	ssyncset.done $0x0  }
0x1e6: {  	[sflag:s16] =	ssyncadd.s32 $0xFFFFD800  }
0x1e7: {  	_ =	swait.ge [sflag:s23], $0x2800  }
0x1e8: {  	[sflag:s23] =	ssyncset.done $0x0  }
0x1e9: {  	[sflag:s23] =	ssyncadd.s32 $0xFFFFD800  }
0x1ea: {  	[spmem:s1] =	stream.indirect.scatter.add.f32 [tilespmem:s19], [sflag:$0x5], $0x80, s9, s18, $0xb8;
	[tilespmem:$0x1F000] =	vst v63  }
0x1eb: {  	_ =	swait.ge [sflag:s16], $0x2800  }
0x1ec: {  	[sflag:s16] =	ssyncset.done $0x0  }
0x1ed: {  	[sflag:s16] =	ssyncadd.s32 $0xFFFFD800  }
0x1ee: {  	_ =	swait.ge [sflag:s24], $0x2800  }
0x1ef: {  	[sflag:s24] =	ssyncset.done $0x0  }
0x1f0: {  	[sflag:s24] =	ssyncadd.s32 $0xFFFFD800  }
0x1f1: {  	[spmem:s1] =	stream.indirect.scatter.add.f32 [tilespmem:s20], [sflag:$0x5], $0x80, s10, s18, $0xb8;
	[tilespmem:$0x1F000] =	vst v63  }
0x1f2: {  	_ =	swait.ge [sflag:s16], $0x2800  }
0x1f3: {  	[sflag:s16] =	ssyncset.done $0x0  }
0x1f4: {  	[sflag:s16] =	ssyncadd.s32 $0xFFFFD800  }
0x1f5: {  	_ =	swait.ge [sflag:s25], $0x2800  }
0x1f6: {  	[sflag:s25] =	ssyncset.done $0x0  }
0x1f7: {  	[sflag:s25] =	ssyncadd.s32 $0xFFFFD800  }
0x1f8: {  	[spmem:s1] =	stream.indirect.scatter.add.f32 [tilespmem:s21], [sflag:$0x5], $0x80, s11, s18, $0xb8;
	[tilespmem:$0x1F000] =	vst v63  }
0x1f9: {  	_ =	swait.ge [sflag:s16], $0x2800  }
0x1fa: {  	[sflag:s16] =	ssyncset.done $0x0  }
0x1fb: {  	[sflag:s16] =	ssyncadd.s32 $0xFFFFD800  }
0x1fc: {  	s12 =	stileid.u32;
	[bflag:$0x0] =	sbarrier.arrive $0xFFFF  }
0x1fd: {  	s5 =	sshll.u32 s12, $0x6;
	s13 =	rddreg [dreg:$0x17]  }
0x1fe: {  	s5 =	sor.u32 $0x1C05, s5;
	s14 =	rddreg [dreg:$0x1f];
	s12 =	sshrl.u32 s13, $0x3  }
0x1ff: {  	[hbm:s14], [sflag:s5] =	dma.local [spmem:s12], $0x2800  }
0x200: {  	_ =	swait.ge [sflag:s16], $0x2800  }
0x201: {  	s13 =	sld [smem:$0x7FC]  }
0x202: {  	s14 =	sld [smem:$0x7FD];
	_ =	sdelay $0x1  }
0x203: {  	s12 =	sadd.s32 $0x1, s13  }
0x204: {  	p0 =	sne.s32 s12, s14  }
.Ltmp2:
0x205: {  	_ = 	snop;
	(pc) =	sbr.rel @p0 .LBB2_1-.Ltmp2, $3  }
0x206: {  	_ =	sdelay $0x1  }
0x207: {  	[sflag:s16] =	ssyncset.done $0x0  }
0x208: {  	[sflag:s16] =	ssyncadd.s32 $0xFFFFD800  }
0x209: {  	_ =	sfence.sel $0x180000  }
0x20a: {  	[bflag:$0x0] =	sbarrier.arrive $0xFFFF  }
0x20b: {  	_ =	strace $0x9000004D  }
0x20c: {  	s0 =	stileid.u32;
	[bflag:$0x2] =	sbarrier.arrive $0xFFFF  }
0x20d: {  	p0 =	sne.s32 s0, $0x0;
	s0 =	rddreg [dreg:$0x3]  }
0x20e: {  	s0 =	sadd.s32 @!p0 $0x100000, s0  }
0x20f: {  	[sflag:s0] =	ssyncadd.tile.s32 @!p0 $0x1;
	_ =	shalt  }
.Lfunc_end2:
_tile_overlayer_lowered:
.L_overlay_start_2:
0x210: {  	(tag) =	ssettag $0x2  }
0x211: {  	s0 =	rddreg [dreg:$0x0];
	s2 =	stileid.u32  }
0x212: {  	s1 =	rddreg [dreg:$0x1];
	p0 =	sne.s32 s2, $0x0  }
0x213: {  	s3 =	rddreg [dreg:$0x2];
	[bflag:$0x3] =	sbarrier.arrive $0xFFFF;
	s2 =	simm.s32 @!p0 $0x1C05  }
0x214: {  	[timem:s3], [sflag:s2] =	dma.local @!p0 [hbm:s0], s1  }
0x215: {  	s0 =	simm.s32 @!p0 $0x5  }
0x216: {  	_ =	swait.ge @!p0 [sflag:s0], s1  }
0x217: {  	s1 =	ssub.s32 @!p0 $0x0, s1;
	[sflag:s0] =	ssyncset.done @!p0 $0x0  }
0x218: {  	[sflag:s0] =	ssyncadd.s32 @!p0 s1  }
0x219: {  	[bflag:$0x3] =	sbarrier.arrive $0xFFFF  }
0x21a: {  	_ =	shalt  }

// kernel: kernel.7.cloned.1.call-start
scs
__scs_entry_jumppad:
0x0: {  	(pc) =	sbr.rel $0x88, $3  }
0x1: {  	(tag) =	ssettag $0x0;
	lr =	simm.s32 $0x1  }
0x2: {  	[smem:$0x3F99] =	sst lr;
	_ =	strace $0xD0000000  }
0x3: {  	_ = 	snop  }
0x4: {  	_ = 	snop  }
0x5: {  	_ = 	snop  }
0x6: {  	_ = 	snop  }
0x7: {  	_ = 	snop  }
__scs_overlays_trampoline_lowered:
0x8: {  	[smem:$0x3FA8] =	sst s0  }
0x9: {  	[smem:$0x3FA9] =	sst s1  }
0xa: {  	[smem:$0x3FAA] =	sst s2  }
0xb: {  	[smem:$0x3FAB] =	sst s3  }
0xc: {  	[smem:$0x3FAC] =	sst s4  }
0xd: {  	[smem:$0x3FAD] =	sst s5  }
0xe: {  	[smem:$0x3FAE] =	sst s6  }
0xf: {  	[smem:$0x3FAF] =	sst s7  }
0x10: {  	[smem:$0x3FB0] =	sst s8  }
0x11: {  	[smem:$0x3FB1] =	sst s9;
	s0 =	simm.s32 @!p0 $0x0  }
0x12: {  	s1 =	sld [smem:$0x3F97];
	s0 =	simm.s32 @p0 $0x1  }
0x13: {  	[smem:$0x3FB2] =	sst s0;
	s0 =	simm.s32 @!p1 $0x0  }
0x14: {  	s2 =	sld [smem:$0x3F96];
	s0 =	simm.s32 @p1 $0x1  }
0x15: {  	[smem:$0x3FB3] =	sst s0;
	s0 =	simm.s32 @!p2 $0x0  }
0x16: {  	s3 =	sld [smem:$0x3FDB];
	s0 =	simm.s32 @p2 $0x1  }
0x17: {  	s4 =	simm.s32 $0x1BF5;
	[smem:$0x3FB5] =	sst s0  }
0x18: {  	s0 =	sld [smem:$0x3F98];
	_ =	swait.ge [sflag:s4], $0x0  }
0x19: {  	s7 =	sld [smem:$0x3F99]  }
0x1a: {  	s8 =	sadd.s32 $0xFFFFE003, lr  }
0x1b: {  	s9 =	sadd.s32 $0xFFFFFEF7, lr;
	s5 =	simm.s32 $0xFFFFFFFF;
	p2 =	slt.u32 s8, $0xFFFFF086  }
0x1c: {  	p1 =	slt.u32 s9, $0xF7A;
	s5 =	simm.s32 @!p2 $0x0  }
0x1d: {  	s5 =	simm.s32 @p1 $0x1;
	p0 =	seq.s32 s7, s2  }
0x1e: {  	s7 =	smul.u32 @!p0 $0xF7A, s2;
	p2 =	seq.s32 @!p0 s5, $0x0  }
0x1f: {  	s9 =	smul.u32 $0xF7A, s1;
	s8 =	simm.s32 @!p0 $0x1BF5;
	p2 =	por !p2, p0  }
0x20: {  	[sflag:s8] =	ssyncset.s32 @!p0 $0xFFFFF086;
	s6 =	sadd.s32 @!p0 s3, s7;
	s7 =	simm.s32 @!p0 $0x108  }
0x21: {  	s3 =	sadd.s32 s3, s9;
	s6 =	sadd.s32 @!p0 $0x88, s6;
	s7 =	simm.s32 @p2 $0x1082  }
0x22: {  	[simem:s7], [sflag:s8] =	dma.local @!p0 [hbm:s6], $0xF7A  }
0x23: {  	s9 =	sor.u32 $0xD0000000, s2;
	s6 =	simm.s32 $0x108;
	_ =	swait.ge @!p0 [sflag:s8], $0x0  }
0x24: {  	s3 =	sadd.s32 $0x88, s3;
	s6 =	simm.s32 @!p1 $0x1082;
	[sflag:s4] =	ssyncset.s32 $0xFFFFF086  }
0x25: {  	[simem:s6], [sflag:s4] =	dma.local [hbm:s3], $0xF7A  }
0x26: {  	[smem:$0x3F99] =	sst s1;
	(tag) =	ssettag s2;
	_ =	strace s9  }
0x27: {  	s1 =	sld [smem:$0x3FA9]  }
0x28: {  	s2 =	sld [smem:$0x3FAA]  }
0x29: {  	s4 =	sld [smem:$0x3FAC]  }
0x2a: {  	p0 =	seq.s32 s5, $0x0;
	s5 =	sld [smem:$0x3FAD]  }
0x2b: {  	s6 =	sld [smem:$0x3FAE]  }
0x2c: {  	s7 =	sld [smem:$0x3FAF]  }
0x2d: {  	s3 =	simm.s32 $0x108;
	s8 =	sld [smem:$0x3FB0]  }
0x2e: {  	s3 =	simm.s32 @!p0 $0x1082;
	s9 =	sld [smem:$0x3FB1]  }
0x2f: {  	lr =	sadd.s32 s0, s3;
	s0 =	sld [smem:$0x3FA8]  }
0x30: {  	s3 =	sld [smem:$0x3FAB]  }
0x31: {  	[smem:$0x3FB4] =	sst s10  }
0x32: {  	s10 =	sld [smem:$0x3FB2];
	_ =	sdelay $0x3  }
0x33: {  	p0 =	seq.s32 s10, $0x1;
	s10 =	sld [smem:$0x3FB4];
	_ =	sdelay $0x3  }
0x34: {  	[smem:$0x3FB4] =	sst s10  }
0x35: {  	s10 =	sld [smem:$0x3FB3];
	_ =	sdelay $0x3  }
0x36: {  	p1 =	seq.s32 s10, $0x1;
	s10 =	sld [smem:$0x3FB4];
	_ =	sdelay $0x3  }
0x37: {  	[smem:$0x3FB4] =	sst s10  }
0x38: {  	s10 =	sld [smem:$0x3FB5]  }
0x39: {  	_ = 	snop;
	(pc) =	sbr.ind lr, $3  }
0x3a: {  	_ = 	snop  }
0x3b: {  	_ = 	snop  }
0x3c: {  	p2 =	seq.s32 s10, $0x1;
	s10 =	sld [smem:$0x3FB4]  }
0x3d: {  	_ =	shalt  }
0x3e: {  	_ =	shalt  }
0x3f: {  	_ =	shalt  }
0x40: {  	_ =	shalt  }
0x41: {  	_ =	shalt  }
0x42: {  	_ =	shalt  }
0x43: {  	_ =	shalt  }
0x44: {  	_ =	shalt  }
0x45: {  	_ =	shalt  }
0x46: {  	_ =	shalt  }
0x47: {  	_ =	shalt  }
0x48: {  	_ =	shalt  }
0x49: {  	_ =	shalt  }
0x4a: {  	_ =	shalt  }
0x4b: {  	_ =	shalt  }
0x4c: {  	_ =	shalt  }
0x4d: {  	_ =	shalt  }
0x4e: {  	_ =	shalt  }
0x4f: {  	_ =	shalt  }
0x50: {  	_ =	shalt  }
0x51: {  	_ =	shalt  }
0x52: {  	_ =	shalt  }
0x53: {  	_ =	shalt  }
0x54: {  	_ =	shalt  }
0x55: {  	_ =	shalt  }
0x56: {  	_ =	shalt  }
0x57: {  	_ =	shalt  }
0x58: {  	_ =	shalt  }
0x59: {  	_ =	shalt  }
0x5a: {  	_ =	shalt  }
0x5b: {  	_ =	shalt  }
0x5c: {  	_ =	shalt  }
0x5d: {  	_ =	shalt  }
0x5e: {  	_ =	shalt  }
0x5f: {  	_ =	shalt  }
0x60: {  	_ =	shalt  }
0x61: {  	_ =	shalt  }
0x62: {  	_ =	shalt  }
0x63: {  	_ =	shalt  }
0x64: {  	_ =	shalt  }
0x65: {  	_ =	shalt  }
0x66: {  	_ =	shalt  }
0x67: {  	_ =	shalt  }
0x68: {  	_ =	shalt  }
0x69: {  	_ =	shalt  }
0x6a: {  	_ =	shalt  }
0x6b: {  	_ =	shalt  }
0x6c: {  	_ =	shalt  }
0x6d: {  	_ =	shalt  }
0x6e: {  	_ =	shalt  }
0x6f: {  	_ =	shalt  }
0x70: {  	_ =	shalt  }
0x71: {  	_ =	shalt  }
0x72: {  	_ =	shalt  }
0x73: {  	_ =	shalt  }
0x74: {  	_ =	shalt  }
0x75: {  	_ =	shalt  }
0x76: {  	_ =	shalt  }
0x77: {  	_ =	shalt  }
0x78: {  	_ =	shalt  }
0x79: {  	_ =	shalt  }
0x7a: {  	_ =	shalt  }
0x7b: {  	_ =	shalt  }
0x7c: {  	_ =	shalt  }
0x7d: {  	_ =	shalt  }
0x7e: {  	_ =	shalt  }
0x7f: {  	_ =	shalt  }
0x80: {  	_ =	shalt  }
0x81: {  	_ =	shalt  }
0x82: {  	_ =	shalt  }
0x83: {  	_ =	shalt  }
0x84: {  	_ =	shalt  }
0x85: {  	_ =	shalt  }
0x86: {  	_ =	shalt  }
0x87: {  	_ =	shalt  }
.Lfunc_end0:
.L_simem_size_0:
called_computation_lowered:
.L_overlay_start_0:
0x88: {  	s2 =	sld [smem:$0x3FD9]  }
0x89: {  	s3 =	sld [smem:$0x3FFE];
	_ =	sdelay $0x1  }
0x8a: {  	s1 =	srdreg.scid  }
0x8b: {  	s0 =	sand.u32 $0x1, s1  }
0x8c: {  	s16 =	sshll.u32 s0, $0xA;
	s2 =	sadd.s32 s3, s2  }
0x8d: {  	s2 =	sadd.s32 s2, s16  }
0x8e: {  	[smem:$0x3FC0] =	sst s2  }
0x8f: {  	_ = 	snop  }
0x90: {  	(tm) =	ssettm $0x1  }
0x91: {  	s17 =	sld [smem:$0x3FFB];
	_ =	sdelay $0x3  }
0x92: {  	_ =	strace s17  }
0x93: {  	s2 =	sld [smem:$0x3FFC];
	_ =	sdelay $0x3  }
0x94: {  	_ =	strace s2  }
0x95: {  	s2 =	sld [smem:$0x3FFD];
	_ =	sdelay $0x3  }
0x96: {  	_ =	strace s2  }
0x97: {  	_ =	strace $0x8FFFFFFF  }
0x98: {  	s18 =	sld [smem:$0x3FDB];
	_ =	sdelay $0x1  }
0x99: {  	s19 =	simm.s32 $_scs_section_size  }
0x9a: {  	s4 =	simm.s32 $_size__tile_overlayer_lowered;
	s5 =	simm.s32 $_tile_overlayer_lowered  }
0x9b: {  	s22 =	simm.s32 $0x1BFF;
	s21 =	sshll.u32 s5, $0x1;
	s2 =	sadd.s32 s19, s18  }
0x9c: {  	s6 =	simm.s32 $0x0;
	s20 =	sshll.u32 s4, $0x1;
	s4 =	sadd.s32 s21, s2  }
0x9d: {  	[timem:s6], [sflag:s22] =	dma.local [hbm:s4], s20  }
0x9e: {  	_ =	swait.ge [sflag:s22], s20  }
0x9f: {  	s3 =	ssub.s32 $0x0, s20;
	[sflag:s22] =	ssyncset.done $0x0  }
0xa0: {  	[sflag:s22] =	ssyncadd.s32 s3;
	_ =	sdelay $0x1  }
0xa1: {  	s23 =	simm.s32 $0x1B8B  }
0xa2: {  	_ =	swait.ge [sflag:s23], $0x1  }
0xa3: {  	[sflag:s23] =	ssyncset.done $0x0  }
0xa4: {  	s25 =	simm.s32 $0x1B8E;
	s24 =	sld [smem:$0x3FFE];
	[sflag:s23] =	ssyncadd.s32 $0xFFFFFFFF  }
0xa5: {  	s26 =	simm.s32 $execute0_lowered;
	[smem:$0x3FD2] =	sst s25  }
0xa6: {  	s4 =	sshll.u32 s26, $0x1;
	_ =	strace $0x80000046;
	[dreg:$0x1] =	wrdreg $0xFFFFFFFF  }
0xa7: {  	s28 =	simm.s32 $_size_execute0_lowered;
	s2 =	sadd.s32 s2, s4;
	[dreg:$0x0] =	wrdreg $0x0  }
0xa8: {  	s4 =	sshll.u32 s28, $0x1;
	[dreg:$0x2] =	wrdreg s2  }
0xa9: {  	[dreg:$0x3] =	wrdreg s4  }
0xaa: {  	[dreg:$0x4] =	wrdreg $0xC0  }
0xab: {  	_ =	task [dreg:s6], $0x5FFFF  }
0xac: {  	[dreg:$0x1] =	wrdreg $0xFFFFFFFF  }
0xad: {  	[dreg:$0x0] =	wrdreg $0x60  }
0xae: {  	[dreg:$0x2] =	wrdreg s24  }
0xaf: {  	[dreg:$0x3] =	wrdreg $0x68000  }
0xb0: {  	[dreg:$0x4] =	wrdreg $0x9  }
0xb1: {  	_ =	task.clear_ibuf [dreg:s6], $0x5FFFF;
	_ =	strace $0x90000046  }
0xb2: {  	s29 =	simm.s32 $0x9;
	_ =	strace $0x80000048  }
0xb3: {  	_ =	swait.ge [sflag:s29], $0x1  }
0xb4: {  	[sflag:s29] =	ssyncadd.s32 $0xFFFFFFFF  }
0xb5: {  	_ =	strace $0x90000048  }
0xb6: {  	_ =	sfence  }
0xb7: {  	s30 =	sld [smem:$0x0];
	_ =	sdelay $0x2  }
0xb8: {  	s31 =	sshll.u32 s1, $0xD;
	s1 =	sshrl.u32 s1, $0x2  }
0xb9: {  	s3 =	sand.u32 $0x4000, s31;
	s1 =	sadd.s32 s1, s30  }
0xba: {  	s0 =	sor.u32 s3, s0;
	s1 =	sshll.u32 s1, $0x11  }
0xbb: {  	s0 =	sor.u32 s1, s0  }
0xbc: {  	s0 =	sadd.s32 $0x8F2B, s0  }
0xbd: {  	[sflag:s0] =	ssyncadd.remote.s32 $0x1  }
0xbe: {  	_ =	sfence.sel $0xFFFF  }
0xbf: {  	[dreg:$0x0] =	wrdreg $0xFFFFFFFF;
	(pc) =	sbr.abs _section_cstart, $3  }
0xc0: {  	[dreg:$0x1] =	wrdreg $0xFFFFFFFF  }
0xc1: {  	_ =	task.clear_ibuf [dreg:s6], $0x2FFFF;
	_ =	strace $0x9FFFFFFF  }
0xc2: {  	(tm) =	ssettm $0x7FFFFFFF  }
0xc3: {  	_ =	shalt  }
tec
execute0_lowered:
.L_overlay_start_1:
0x0: {  	(tag) =	ssettag $0x1  }
0x1: {  	s5 =	rddreg [dreg:$0x0];
	s0 =	srdreg.scid  }
0x2: {  	s2 =	rddreg [dreg:$0x1];
	s1 =	stileid.u32;
	s3 =	simm.s32 $0x0  }
0x3: {  	s15 =	simm.s32 $0x4000;
	s16 =	simm.s32 $0x2;
	s17 =	simm.s32 $0x50  }
0x4: {  	s4 =	sand.u32 $0x1, s0;
	s0 =	rddreg [dreg:$0x2];
	s7 =	smul.u32 $0x14000, s1  }
0x5: {  	s18 =	simm.s32 $0x1;
	[smem:$0x7FF] =	sst s3;
	s9 =	smul.u32 $0x50000, s1  }
0x6: {  	s11 =	sshll.u32 s1, $0xC;
	s19 =	sshll.u32 s1, $0x6;
	s6 =	smul.u32 $0x140000, s4  }
0x7: {  	s8 =	sshll.u32 s4, $0xB;
	_ =	strace $0x80000047;
	s29 =	ssub.s32 $0x2, s4  }
0x8: {  	s19 =	sor.u32 $0x1C02, s19;
	s10 =	sadd.s32 s8, s5;
	s30 =	sshrl.u32 s9, $0x2  }
0x9: {  	s31 =	sshrl.u32 s29, $0x1;
	s6 =	sadd.s32 s7, s6;
	s4 =	sadd.s32 s30, s2  }
0xa: {  	s14 =	ssub.s32 s29, s31;
	s12 =	sadd.s32 s11, s10;
	s6 =	sshrl.u32 s6, $0x3  }
0xb: {  	s7 =	sadd.s32 $0x7800, s4;
	s8 =	sadd.s32 $0xA000, s4;
	s9 =	sadd.s32 $0xC800, s4  }
0xc: {  	s10 =	sadd.s32 $0xF000, s4;
	s11 =	sadd.s32 $0x11800, s4;
	s12 =	sadd.s32 $0x2800, s12  }
0xd: {  	s14 =	smax.u32 s14, $0x1;
	s20 =	sshrl.u32 s4, $0x3;
	s13 =	sadd.s32 s6, s5  }
0xe: {  	v0 =	vimm.f32 $0.0e+00;
	v1 =	vimm.f32 $1.000000000e+00;
	s5 =	sadd.s32 $0x2800, s4;
	s6 =	sadd.s32 $0x5000, s4;
	s13 =	sadd.s32 $0x12800, s13  }
.LBB2_1:
0xf: {  	s21 =	simm.s32 $0x0;
	s22 =	simm.s32 $0x200  }
.LBB2_2:
0x10: {  	p0 =	sne.s32 s22, $0x9E00;
	[tilespmem:s21+$0x4070] =	vst v0  }
0x11: {  	[tilespmem:s21+$0x4000] =	vst v0  }
0x12: {  	[tilespmem:s21+$0x4010] =	vst v0  }
.Ltmp0:
0x13: {  	[tilespmem:s21+$0x4020] =	vst v0;
	(pc) =	sbr.rel @p0 .LBB2_2-.Ltmp0, $4  }
0x14: {  	[tilespmem:s21+$0x4030] =	vst v0  }
0x15: {  	[tilespmem:s21+$0x4040] =	vst v0  }
0x16: {  	[tilespmem:s21+$0x4050] =	vst v0  }
0x17: {  	[tilespmem:s21+$0x4060] =	vst v0;
	s21 =	sshra.s32 s22, $0x2;
	s22 =	sadd.s32 $0x200, s22  }
0x18: {  	[tilespmem:s21+$0x4070] =	vst v0  }
0x19: {  	[tilespmem:s21+$0x4000] =	vst v0  }
0x1a: {  	[tilespmem:s21+$0x4010] =	vst v0  }
0x1b: {  	[tilespmem:s21+$0x4020] =	vst v0  }
0x1c: {  	[tilespmem:s21+$0x4030] =	vst v0  }
0x1d: {  	[tilespmem:s21+$0x4040] =	vst v0  }
0x1e: {  	[tilespmem:s21+$0x4050] =	vst v0  }
0x1f: {  	[tilespmem:s21+$0x4060] =	vst v0  }
0x20: {  	[spmem:s4] =	stream.linear.scatter [tilespmem:s15], [sflag:$0x2], $0x2800, $0x38;
	[tilespmem:$0x1A800] =	vst v63  }
0x21: {  	_ =	swait.ge [sflag:s16], $0x2800  }
0x22: {  	[sflag:s16] =	ssyncset.done $0x0  }
0x23: {  	[sflag:s16] =	ssyncadd.s32 $0xFFFFD800  }
0x24: {  	[spmem:s5] =	stream.linear.scatter [tilespmem:s15], [sflag:$0x2], $0x2800, $0x38;
	[tilespmem:$0x1A800] =	vst v63  }
0x25: {  	_ =	swait.ge [sflag:s16], $0x2800  }
0x26: {  	[sflag:s16] =	ssyncset.done $0x0  }
0x27: {  	[sflag:s16] =	ssyncadd.s32 $0xFFFFD800  }
0x28: {  	[spmem:s6] =	stream.linear.scatter [tilespmem:s15], [sflag:$0x2], $0x2800, $0x38;
	[tilespmem:$0x1A800] =	vst v63  }
0x29: {  	_ =	swait.ge [sflag:s16], $0x2800  }
0x2a: {  	[sflag:s16] =	ssyncset.done $0x0  }
0x2b: {  	[sflag:s16] =	ssyncadd.s32 $0xFFFFD800  }
0x2c: {  	[spmem:s7] =	stream.linear.scatter [tilespmem:s15], [sflag:$0x2], $0x2800, $0x38;
	[tilespmem:$0x1A800] =	vst v63  }
0x2d: {  	_ =	swait.ge [sflag:s16], $0x2800  }
0x2e: {  	[sflag:s16] =	ssyncset.done $0x0  }
0x2f: {  	[sflag:s16] =	ssyncadd.s32 $0xFFFFD800  }
0x30: {  	[spmem:s8] =	stream.linear.scatter [tilespmem:s15], [sflag:$0x2], $0x2800, $0x38;
	[tilespmem:$0x1A800] =	vst v63  }
0x31: {  	_ =	swait.ge [sflag:s16], $0x2800  }
0x32: {  	[sflag:s16] =	ssyncset.done $0x0  }
0x33: {  	[sflag:s16] =	ssyncadd.s32 $0xFFFFD800  }
0x34: {  	[spmem:s9] =	stream.linear.scatter [tilespmem:s15], [sflag:$0x2], $0x2800, $0x38;
	[tilespmem:$0x1A800] =	vst v63  }
0x35: {  	_ =	swait.ge [sflag:s16], $0x2800  }
0x36: {  	[sflag:s16] =	ssyncset.done $0x0  }
0x37: {  	[sflag:s16] =	ssyncadd.s32 $0xFFFFD800  }
0x38: {  	[spmem:s10] =	stream.linear.scatter [tilespmem:s15], [sflag:$0x2], $0x2800, $0x38;
	[tilespmem:$0x1A800] =	vst v63  }
0x39: {  	_ =	swait.ge [sflag:s16], $0x2800  }
0x3a: {  	[sflag:s16] =	ssyncset.done $0x0  }
0x3b: {  	[sflag:s16] =	ssyncadd.s32 $0xFFFFD800  }
0x3c: {  	[spmem:s11] =	stream.linear.scatter [tilespmem:s15], [sflag:$0x2], $0x2800, $0x38;
	[tilespmem:$0x1A800] =	vst v63  }
0x3d: {  	_ =	swait.ge [sflag:s16], $0x2800  }
0x3e: {  	[sflag:s16] =	ssyncset.done $0x0  }
0x3f: {  	s21 =	simm.s32 $0x0;
	s22 =	simm.s32 $0x200;
	[sflag:s16] =	ssyncadd.s32 $0xFFFFD800  }
.LBB2_4:
0x40: {  	p0 =	sne.s32 s22, $0x9E00;
	[tilespmem:s21+$0x4070] =	vst v1  }
0x41: {  	[tilespmem:s21+$0x4000] =	vst v1  }
0x42: {  	[tilespmem:s21+$0x4010] =	vst v1  }
.Ltmp1:
0x43: {  	[tilespmem:s21+$0x4020] =	vst v1;
	(pc) =	sbr.rel @p0 .LBB2_4-.Ltmp1, $4  }
0x44: {  	[tilespmem:s21+$0x4030] =	vst v1  }
0x45: {  	[tilespmem:s21+$0x4040] =	vst v1  }
0x46: {  	[tilespmem:s21+$0x4050] =	vst v1  }
0x47: {  	[tilespmem:s21+$0x4060] =	vst v1;
	s21 =	sshra.s32 s22, $0x2;
	s22 =	sadd.s32 $0x200, s22  }
0x48: {  	[tilespmem:s21+$0x4070] =	vst v1  }
0x49: {  	[tilespmem:s21+$0x4000] =	vst v1  }
0x4a: {  	[tilespmem:s21+$0x4010] =	vst v1  }
0x4b: {  	[tilespmem:s21+$0x4020] =	vst v1  }
0x4c: {  	[tilespmem:s21+$0x4030] =	vst v1  }
0x4d: {  	[tilespmem:s21+$0x4040] =	vst v1  }
0x4e: {  	[tilespmem:s21+$0x4050] =	vst v1  }
0x4f: {  	[tilespmem:s21+$0x4060] =	vst v1  }
0x50: {  	s22 =	simm.s32 $0x0;
	[bflag:$0x0] =	sbarrier.arrive $0xFFFF  }
0x51: {  	[tilespmem:s22], [sflag:$0x2] =	stream.linear.gather [hbm4b:s12+s22], $0x4000, $0x38;
	[tilespmem:$0x1A800] =	vst v63  }
0x52: {  	_ =	swait.ge [sflag:s16], $0x4000  }
0x53: {  	[sflag:s16] =	ssyncset.done $0x0  }
0x54: {  	s23 =	simm.s32 $0x0;
	[sflag:s16] =	ssyncadd.s32 $0xFFFFC000  }
0x55: {  	[spmem:s2] =	stream.indirect.scatter.add.f32 [tilespmem:s15], [sflag:$0x1], $0x80, s23, s17, $0xb8;
	[tilespmem:$0x1A800] =	vst v63  }
0x56: {  	s24 =	simm.s32 $0x80  }
0x57: {  	[spmem:s2] =	stream.indirect.scatter.add.f32 [tilespmem:s15], [sflag:$0x1], $0x80, s24, s17, $0xb8;
	[tilespmem:$0x1A800] =	vst v63  }
0x58: {  	s25 =	simm.s32 $0x100  }
0x59: {  	[spmem:s2] =	stream.indirect.scatter.add.f32 [tilespmem:s15], [sflag:$0x1], $0x80, s25, s17, $0xb8;
	[tilespmem:$0x1A800] =	vst v63  }
0x5a: {  	s26 =	simm.s32 $0x180  }
0x5b: {  	[spmem:s2] =	stream.indirect.scatter.add.f32 [tilespmem:s15], [sflag:$0x1], $0x80, s26, s17, $0xb8;
	[tilespmem:$0x1A800] =	vst v63  }
0x5c: {  	s28 =	simm.s32 $0x200  }
0x5d: {  	[spmem:s2] =	stream.indirect.scatter.add.f32 [tilespmem:s15], [sflag:$0x1], $0x80, s28, s17, $0xb8;
	[tilespmem:$0x1A800] =	vst v63  }
0x5e: {  	s29 =	simm.s32 $0x280  }
0x5f: {  	[spmem:s2] =	stream.indirect.scatter.add.f32 [tilespmem:s15], [sflag:$0x1], $0x80, s29, s17, $0xb8;
	[tilespmem:$0x1A800] =	vst v63  }
0x60: {  	s30 =	simm.s32 $0x300  }
0x61: {  	[spmem:s2] =	stream.indirect.scatter.add.f32 [tilespmem:s15], [sflag:$0x1], $0x80, s30, s17, $0xb8;
	[tilespmem:$0x1A800] =	vst v63  }
0x62: {  	s31 =	simm.s32 $0x380  }
0x63: {  	[spmem:s2] =	stream.indirect.scatter.add.f32 [tilespmem:s15], [sflag:$0x1], $0x80, s31, s17, $0xb8;
	[tilespmem:$0x1A800] =	vst v63  }
0x64: {  	_ =	swait.ge [sflag:s18], $0x2800  }
0x65: {  	[sflag:s18] =	ssyncset.done $0x0  }
0x66: {  	[sflag:s18] =	ssyncadd.s32 $0xFFFFD800  }
0x67: {  	_ =	swait.ge [sflag:s18], $0x2800  }
0x68: {  	[sflag:s18] =	ssyncset.done $0x0  }
0x69: {  	[sflag:s18] =	ssyncadd.s32 $0xFFFFD800  }
0x6a: {  	_ =	swait.ge [sflag:s18], $0x2800  }
0x6b: {  	[sflag:s18] =	ssyncset.done $0x0  }
0x6c: {  	[sflag:s18] =	ssyncadd.s32 $0xFFFFD800  }
0x6d: {  	_ =	swait.ge [sflag:s18], $0x2800  }
0x6e: {  	[sflag:s18] =	ssyncset.done $0x0  }
0x6f: {  	[sflag:s18] =	ssyncadd.s32 $0xFFFFD800  }
0x70: {  	_ =	swait.ge [sflag:s18], $0x2800  }
0x71: {  	[sflag:s18] =	ssyncset.done $0x0  }
0x72: {  	[sflag:s18] =	ssyncadd.s32 $0xFFFFD800  }
0x73: {  	_ =	swait.ge [sflag:s18], $0x2800  }
0x74: {  	[sflag:s18] =	ssyncset.done $0x0  }
0x75: {  	[sflag:s18] =	ssyncadd.s32 $0xFFFFD800  }
0x76: {  	_ =	swait.ge [sflag:s18], $0x2800  }
0x77: {  	[sflag:s18] =	ssyncset.done $0x0  }
0x78: {  	[sflag:s18] =	ssyncadd.s32 $0xFFFFD800  }
0x79: {  	_ =	swait.ge [sflag:s18], $0x2800  }
0x7a: {  	s21 =	simm.s32 $0x1000;
	s23 =	simm.s32 $0x2000;
	[sflag:s18] =	ssyncset.done $0x0  }
.LBB2_6:
0x7b: {  	s24 =	sshra.s32 s21, $0x2  }
0x7c: {  	[sflag:s18] =	ssyncadd.s32 $0xFFFFD800;
	s21 =	smov.u32 s23;
	s22 =	sadd.s32 $0x1000, s23  }
0x7d: {  	[spmem:s2] =	stream.indirect.scatter.add.f32 [tilespmem:s15], [sflag:$0x1], $0x80, s24, s17, $0xb8;
	[tilespmem:$0x1A800] =	vst v63  }
0x7e: {  	p0 =	sne.s32 s23, $0xF000;
	s23 =	sadd.s32 $0x80, s24  }
0x7f: {  	[spmem:s2] =	stream.indirect.scatter.add.f32 [tilespmem:s15], [sflag:$0x1], $0x80, s23, s17, $0xb8;
	[tilespmem:$0x1A800] =	vst v63  }
0x80: {  	s23 =	sadd.s32 $0x100, s24  }
0x81: {  	[spmem:s2] =	stream.indirect.scatter.add.f32 [tilespmem:s15], [sflag:$0x1], $0x80, s23, s17, $0xb8;
	[tilespmem:$0x1A800] =	vst v63  }
0x82: {  	s23 =	sadd.s32 $0x180, s24  }
0x83: {  	[spmem:s2] =	stream.indirect.scatter.add.f32 [tilespmem:s15], [sflag:$0x1], $0x80, s23, s17, $0xb8;
	[tilespmem:$0x1A800] =	vst v63  }
0x84: {  	s23 =	sadd.s32 $0x200, s24  }
0x85: {  	[spmem:s2] =	stream.indirect.scatter.add.f32 [tilespmem:s15], [sflag:$0x1], $0x80, s23, s17, $0xb8;
	[tilespmem:$0x1A800] =	vst v63  }
0x86: {  	s23 =	sadd.s32 $0x280, s24  }
0x87: {  	[spmem:s2] =	stream.indirect.scatter.add.f32 [tilespmem:s15], [sflag:$0x1], $0x80, s23, s17, $0xb8;
	[tilespmem:$0x1A800] =	vst v63  }
0x88: {  	s23 =	sadd.s32 $0x300, s24  }
0x89: {  	[spmem:s2] =	stream.indirect.scatter.add.f32 [tilespmem:s15], [sflag:$0x1], $0x80, s23, s17, $0xb8;
	[tilespmem:$0x1A800] =	vst v63  }
0x8a: {  	s23 =	sadd.s32 $0x380, s24  }
0x8b: {  	[spmem:s2] =	stream.indirect.scatter.add.f32 [tilespmem:s15], [sflag:$0x1], $0x80, s23, s17, $0xb8;
	[tilespmem:$0x1A800] =	vst v63  }
0x8c: {  	_ =	swait.ge [sflag:s18], $0x2800  }
0x8d: {  	[sflag:s18] =	ssyncset.done $0x0  }
0x8e: {  	[sflag:s18] =	ssyncadd.s32 $0xFFFFD800  }
0x8f: {  	_ =	swait.ge [sflag:s18], $0x2800  }
0x90: {  	[sflag:s18] =	ssyncset.done $0x0  }
0x91: {  	[sflag:s18] =	ssyncadd.s32 $0xFFFFD800  }
0x92: {  	_ =	swait.ge [sflag:s18], $0x2800  }
0x93: {  	[sflag:s18] =	ssyncset.done $0x0  }
0x94: {  	[sflag:s18] =	ssyncadd.s32 $0xFFFFD800  }
0x95: {  	_ =	swait.ge [sflag:s18], $0x2800  }
0x96: {  	[sflag:s18] =	ssyncset.done $0x0  }
0x97: {  	[sflag:s18] =	ssyncadd.s32 $0xFFFFD800  }
0x98: {  	_ =	swait.ge [sflag:s18], $0x2800  }
0x99: {  	[sflag:s18] =	ssyncset.done $0x0  }
0x9a: {  	[sflag:s18] =	ssyncadd.s32 $0xFFFFD800  }
0x9b: {  	_ =	swait.ge [sflag:s18], $0x2800  }
0x9c: {  	[sflag:s18] =	ssyncset.done $0x0  }
0x9d: {  	[sflag:s18] =	ssyncadd.s32 $0xFFFFD800  }
.Ltmp2:
0x9e: {  	_ =	swait.ge [sflag:s18], $0x2800;
	(pc) =	sbr.rel @p0 .LBB2_6-.Ltmp2, $4  }
0x9f: {  	[sflag:s18] =	ssyncset.done $0x0  }
0xa0: {  	[sflag:s18] =	ssyncadd.s32 $0xFFFFD800  }
0xa1: {  	_ =	swait.ge [sflag:s18], $0x2800  }
0xa2: {  	s23 =	smov.u32 s22;
	[sflag:s18] =	ssyncset.done $0x0  }
0xa3: {  	s21 =	sshra.s32 s21, $0x2;
	[sflag:s18] =	ssyncadd.s32 $0xFFFFD800  }
0xa4: {  	[spmem:s2] =	stream.indirect.scatter.add.f32 [tilespmem:s15], [sflag:$0x1], $0x80, s21, s17, $0xb8;
	[tilespmem:$0x1A800] =	vst v63  }
0xa5: {  	s22 =	sadd.s32 $0x80, s21  }
0xa6: {  	[spmem:s2] =	stream.indirect.scatter.add.f32 [tilespmem:s15], [sflag:$0x1], $0x80, s22, s17, $0xb8;
	[tilespmem:$0x1A800] =	vst v63  }
0xa7: {  	s26 =	sadd.s32 $0x100, s21  }
0xa8: {  	[spmem:s2] =	stream.indirect.scatter.add.f32 [tilespmem:s15], [sflag:$0x1], $0x80, s26, s17, $0xb8;
	[tilespmem:$0x1A800] =	vst v63  }
0xa9: {  	s28 =	sadd.s32 $0x180, s21  }
0xaa: {  	[spmem:s2] =	stream.indirect.scatter.add.f32 [tilespmem:s15], [sflag:$0x1], $0x80, s28, s17, $0xb8;
	[tilespmem:$0x1A800] =	vst v63  }
0xab: {  	s29 =	sadd.s32 $0x200, s21  }
0xac: {  	[spmem:s2] =	stream.indirect.scatter.add.f32 [tilespmem:s15], [sflag:$0x1], $0x80, s29, s17, $0xb8;
	[tilespmem:$0x1A800] =	vst v63  }
0xad: {  	s30 =	sadd.s32 $0x280, s21  }
0xae: {  	[spmem:s2] =	stream.indirect.scatter.add.f32 [tilespmem:s15], [sflag:$0x1], $0x80, s30, s17, $0xb8;
	[tilespmem:$0x1A800] =	vst v63  }
0xaf: {  	s31 =	sadd.s32 $0x300, s21  }
0xb0: {  	[spmem:s2] =	stream.indirect.scatter.add.f32 [tilespmem:s15], [sflag:$0x1], $0x80, s31, s17, $0xb8;
	[tilespmem:$0x1A800] =	vst v63  }
0xb1: {  	s21 =	sadd.s32 $0x380, s21  }
0xb2: {  	[spmem:s2] =	stream.indirect.scatter.add.f32 [tilespmem:s15], [sflag:$0x1], $0x80, s21, s17, $0xb8;
	[tilespmem:$0x1A800] =	vst v63  }
0xb3: {  	_ =	swait.ge [sflag:s18], $0x2800  }
0xb4: {  	[sflag:s18] =	ssyncset.done $0x0  }
0xb5: {  	[sflag:s18] =	ssyncadd.s32 $0xFFFFD800  }
0xb6: {  	_ =	swait.ge [sflag:s18], $0x2800  }
0xb7: {  	[sflag:s18] =	ssyncset.done $0x0  }
0xb8: {  	[sflag:s18] =	ssyncadd.s32 $0xFFFFD800  }
0xb9: {  	_ =	swait.ge [sflag:s18], $0x2800  }
0xba: {  	[sflag:s18] =	ssyncset.done $0x0  }
0xbb: {  	[sflag:s18] =	ssyncadd.s32 $0xFFFFD800  }
0xbc: {  	_ =	swait.ge [sflag:s18], $0x2800  }
0xbd: {  	[sflag:s18] =	ssyncset.done $0x0  }
0xbe: {  	[sflag:s18] =	ssyncadd.s32 $0xFFFFD800  }
0xbf: {  	_ =	swait.ge [sflag:s18], $0x2800  }
0xc0: {  	[sflag:s18] =	ssyncset.done $0x0  }
0xc1: {  	[sflag:s18] =	ssyncadd.s32 $0xFFFFD800  }
0xc2: {  	_ =	swait.ge [sflag:s18], $0x2800  }
0xc3: {  	[sflag:s18] =	ssyncset.done $0x0  }
0xc4: {  	[sflag:s18] =	ssyncadd.s32 $0xFFFFD800  }
0xc5: {  	_ =	swait.ge [sflag:s18], $0x2800  }
0xc6: {  	[sflag:s18] =	ssyncset.done $0x0  }
0xc7: {  	[sflag:s18] =	ssyncadd.s32 $0xFFFFD800  }
0xc8: {  	_ =	swait.ge [sflag:s18], $0x2800  }
0xc9: {  	s3 =	sadd.s32 $0x1, s3;
	[sflag:s18] =	ssyncset.done $0x0  }
0xca: {  	p0 =	sne.s32 s3, s14;
	[sflag:s18] =	ssyncadd.s32 $0xFFFFD800  }
.Ltmp3:
0xcb: {  	[bflag:$0x0] =	sbarrier.arrive $0xFFFF;
	(pc) =	sbr.rel @p0 .LBB2_1-.Ltmp3, $4  }
0xcc: {  	[hbm:s13], [sflag:s19] =	dma.local [spmem:s20], $0x2800  }
0xcd: {  	_ =	swait.ge [sflag:s16], $0x2800  }
0xce: {  	[sflag:s16] =	ssyncset.done $0x0  }
0xcf: {  	[sflag:s16] =	ssyncadd.s32 $0xFFFFD800  }
0xd0: {  	_ =	sfence.sel $0x180000  }
0xd1: {  	[bflag:$0x0] =	sbarrier.arrive $0xFFFF  }
0xd2: {  	p0 =	sne.s32 s1, $0x0;
	_ =	strace $0x90000047  }
0xd3: {  	s0 =	sadd.s32 @!p0 $0x100000, s0;
	[bflag:$0x2] =	sbarrier.arrive $0xFFFF  }
0xd4: {  	[sflag:s0] =	ssyncadd.tile.s32 @!p0 $0x1;
	_ =	shalt  }
.Lfunc_end2:
_tile_overlayer_lowered:
.L_overlay_start_2:
0xd5: {  	(tag) =	ssettag $0x2  }
0xd6: {  	s0 =	rddreg [dreg:$0x0];
	s2 =	stileid.u32  }
0xd7: {  	s1 =	rddreg [dreg:$0x1];
	p0 =	sne.s32 s2, $0x0  }
0xd8: {  	s3 =	rddreg [dreg:$0x2];
	[bflag:$0x3] =	sbarrier.arrive $0xFFFF;
	s2 =	simm.s32 @!p0 $0x1C02  }
0xd9: {  	[timem:s3], [sflag:s2] =	dma.local @!p0 [hbm:s0], s1  }
0xda: {  	s0 =	simm.s32 @!p0 $0x2  }
0xdb: {  	_ =	swait.ge @!p0 [sflag:s0], s1  }
0xdc: {  	s1 =	ssub.s32 @!p0 $0x0, s1;
	[sflag:s0] =	ssyncset.done @!p0 $0x0  }
0xdd: {  	[sflag:s0] =	ssyncadd.s32 @!p0 s1  }
0xde: {  	[bflag:$0x3] =	sbarrier.arrive $0xFFFF  }
0xdf: {  	_ =	shalt  }

</sc_bundles>
